<compile_context>
chip_gen: v7x
topology: tpu7x:2x2x1
jax: 0.10.2.dev20260603
libtpu: 0.0.44.dev20260713+nightly
codegen_flags: <defaults>
</compile_context>

<pallas_src>
import jax
import jax.numpy as jnp
from jax import lax
from jax.experimental import pallas as pl
from jax.experimental.pallas import tpu as pltpu
from jax.experimental.pallas import tpu_sc as plsc

N, L, T, D = 8, 512, 4096, 256
NC, NS = 2, 16
NW = NC * NS
FPW = (N * T) // NW
F = 256
TPW = FPW // F
SENT = L


def _sc_body(tgt_h, mm_h, idx_h, bands_h,
             dur_v, cum_v, prev_v, win_v, out_v, mm_v, bands_v):
    cid = lax.axis_index("c")
    sid = lax.axis_index("s")
    wid = cid * NS + sid
    n = wid // (T // FPW)
    t0 = (wid % (T // FPW)) * FPW
    lanes = lax.iota(jnp.int32, 16)

    pltpu.sync_copy(tgt_h.at[n], dur_v)
    pltpu.sync_copy(mm_h, mm_v)
    mm = mm_v[...]

    def cs_body(i, carry):
        d = dur_v[pl.ds(i * 16, 16)]
        s = plsc.cumsum(d) + carry
        cum_v[pl.ds(i * 16, 16)] = s
        prev_v[pl.ds(i * 16, 16)] = s - d
        return jnp.max(s)

    mel_n = lax.fori_loop(0, L // 16, cs_body, jnp.int32(0))

    def z_body(i, carry):
        win_v[pl.ds(i * 16, 16)] = jnp.zeros((16,), jnp.int32)
        return carry

    lax.fori_loop(0, FPW // 16, z_body, 0)

    def mark_body(i, carry):
        c = cum_v[pl.ds(i * 16, 16)]
        p = prev_v[pl.ds(i * 16, 16)]
        j = i * 16 + lanes
        msk = (c > t0) & (p < t0 + FPW) & (c > p)
        pp = jnp.maximum(p - t0, 0)
        plsc.store_scatter(win_v, [pp], j, mask=msk)
        return carry

    lax.fori_loop(0, L // 16, mark_body, 0)

    bands_reg = jnp.where(lanes == 2 * TPW, mel_n, jnp.zeros((16,), jnp.int32))
    carry0 = jnp.int32(0)
    for tt in range(TPW):
        def scan_body(i, carry, _tt=tt):
            cmax, mn, mx = carry
            c = _tt * (F // 16) + i
            s = jnp.maximum(plsc.cummax(win_v[pl.ds(c * 16, 16)]), cmax)
            t = t0 + c * 16 + lanes
            valid = (t < mel_n) & (t < mm)
            out_v[pl.ds(c * 16, 16)] = jnp.where(valid, s, SENT)
            mn = jnp.minimum(mn, jnp.min(jnp.where(valid, s, L)))
            mx = jnp.maximum(mx, jnp.max(jnp.where(valid, s, -1)))
            return jnp.max(s), mn, mx

        carry0, mn, mx = lax.fori_loop(
            0, F // 16, scan_body, (carry0, jnp.int32(L), jnp.int32(-1)))
        bands_reg = jnp.where(lanes == tt, mn >> 7, bands_reg)
        bands_reg = jnp.where(lanes == TPW + tt, mx >> 7, bands_reg)

    bands_v[...] = bands_reg
    pltpu.sync_copy(out_v, idx_h.at[pl.ds(wid * FPW, FPW)])
    pltpu.sync_copy(bands_v, bands_h.at[wid])


_sc_meta = pl.kernel(
    _sc_body,
    out_type=(jax.ShapeDtypeStruct((N * T,), jnp.int32),
              jax.ShapeDtypeStruct((NW, 16), jnp.int32)),
    mesh=plsc.VectorSubcoreMesh(core_axis_name="c", subcore_axis_name="s"),
    compiler_params=pltpu.CompilerParams(needs_layout_passes=False),
    scratch_types=[
        pltpu.VMEM((L,), jnp.int32),
        pltpu.VMEM((L,), jnp.int32),
        pltpu.VMEM((L,), jnp.int32),
        pltpu.VMEM((FPW,), jnp.int32),
        pltpu.VMEM((FPW,), jnp.int32),
        pltpu.VMEM((16,), jnp.int32),
        pltpu.VMEM((16,), jnp.int32),
    ],
)


W = 2 * 128


def _tc_body(bands_s, idx_r, x_r, alpha_s, out_r, xb_r):
    n = pl.program_id(0)
    xb_r[...] = (x_r[0] * alpha_s[0]).astype(jnp.bfloat16)
    for ss in range(T // F):
        row = n * (T // FPW) + ss // TPW
        lo = bands_s[row, ss % TPW]
        hi = bands_s[row, TPW + (ss % TPW)]
        idxrow = idx_r[ss // TPW, :, pl.ds((ss % TPW) * F, F)]
        base = jnp.minimum(jnp.maximum(lo, 0), (L - W) // 128) * 128
        jj = base + lax.broadcasted_iota(jnp.int32, (W, 1), 0)
        ohT = (jj == idxrow).astype(jnp.bfloat16)
        acc = lax.dot_general(ohT, xb_r[pl.ds(base, W), :],
                              (((0,), (0,)), ((), ())),
                              preferred_element_type=jnp.float32)
        out_r[0, pl.ds(ss * F, F), :] = acc

        @pl.when((lo * 128 < base) | (hi * 128 >= base + W))
        def _(ss=ss, lo=lo, hi=hi, idxrow=idxrow, base=base):
            for b in range(L // 128):
                @pl.when((lo <= b) & (b <= hi)
                         & ((b * 128 < base) | (b * 128 >= base + W)))
                def _(ss=ss, b=b, idxrow=idxrow):
                    jjb = b * 128 + lax.broadcasted_iota(jnp.int32, (128, 1), 0)
                    ohTb = (jjb == idxrow).astype(jnp.bfloat16)
                    accb = lax.dot_general(ohTb, xb_r[pl.ds(b * 128, 128), :],
                                           (((0,), (0,)), ((), ())),
                                           preferred_element_type=jnp.float32)
                    out_r[0, pl.ds(ss * F, F), :] = (
                        out_r[0, pl.ds(ss * F, F), :] + accb)


_tc_expand = pl.pallas_call(
    _tc_body,
    grid_spec=pltpu.PrefetchScalarGridSpec(
        num_scalar_prefetch=1,
        grid=(N,),
        in_specs=[
            pl.BlockSpec((4, 1, FPW), lambda n, bands: (n, 0, 0)),
            pl.BlockSpec((1, L, D), lambda n, bands: (n, 0, 0)),
            pl.BlockSpec(memory_space=pltpu.SMEM),
        ],
        out_specs=pl.BlockSpec((1, T, D), lambda n, bands: (n, 0, 0)),
        scratch_shapes=[pltpu.VMEM((L, D), jnp.bfloat16)],
    ),
    out_shape=jax.ShapeDtypeStruct((N, T, D), jnp.float32),
)


def kernel(x, target, mel_max_length, alpha):
    mm = jnp.full((16,), mel_max_length, dtype=jnp.int32)
    idx, bands = _sc_meta(target.astype(jnp.int32), mm)
    alpha_arr = jnp.full((1,), alpha, dtype=jnp.float32)
    out = _tc_expand(bands, idx.reshape(NW, 1, FPW), x, alpha_arr)
    out = out.reshape(N, T, D)
    mel = bands[:: T // FPW, 2 * TPW]
    return out, mel

# --- scband reference (transcript-rebuilt; emitter-appended) ---
"""Pipeline reference for scband-length-regulator-57732950392963 (READ-ONLY COPY).

The authoritative reference and input builder live on the scoring server;
editing this copy changes nothing except your own understanding.
"""

import jax, jax.numpy as jnp
import numpy as np


def setup_inputs(seed: int = 0) -> dict:
    key = jax.random.key(seed)
    k1, k2 = jax.random.split(key)
    x = jax.random.normal(k1, (8, 512, 256), dtype=jnp.float32)
    target = jax.random.randint(k2, (8, 512), 0, 8, dtype=jnp.int32)
    return {"x": x, "target": target, "mel_max_length": 4096, "alpha": 1.0}


def reference(x, target, mel_max_length, alpha=1.0):
    # LengthRegulator.forward: output, mel_len = LR(alpha * x, target, mel_max_length)
    dur = target.astype(jnp.int32)
    mel_len = jnp.sum(dur, axis=-1)                      # [N]
    # create_alignment: alignment[i, t, j] = 1 iff frame t belongs to phoneme j
    cum = jnp.cumsum(dur, axis=1)                        # [N, L] end offsets
    prev = cum - dur                                     # [N, L] start offsets
    t = jnp.arange(4096)[None, :, None]                  # [1, T, 1]
    alignment = ((t >= prev[:, None, :]) & (t < cum[:, None, :]) & (t < mel_max_length)).astype(jnp.float32)  # [N, T, L]
    xs = alpha * x
    output = alignment @ xs                              # [N, T, d]
    return (output, mel_len)

if __name__ == "__main__":
    import jax
    _d = setup_inputs()
    print(jax.jit(kernel)(*tuple(_d.values())))

</pallas_src>

<mosaic_0001>
#map = affine_map<(d0, d1) -> (0, 0)>
#map1 = affine_map<(d0, d1) -> (0)>
module attributes {stable_mosaic.version = 14 : i64} {
  func.func @_sc_body(%arg0: i32, %arg1: i32, %arg2: memref<8x512xi32, #tpu.memory_space<hbm>>, %arg3: memref<16xi32, #tpu.memory_space<hbm>>, %arg4: memref<32768xi32, #tpu.memory_space<hbm>>, %arg5: memref<32x16xi32, #tpu.memory_space<hbm>>, %arg6: memref<512xi32, #tpu.memory_space<vmem>>, %arg7: memref<512xi32, #tpu.memory_space<vmem>>, %arg8: memref<512xi32, #tpu.memory_space<vmem>>, %arg9: memref<1024xi32, #tpu.memory_space<vmem>>, %arg10: memref<1024xi32, #tpu.memory_space<vmem>>, %arg11: memref<16xi32, #tpu.memory_space<vmem>>, %arg12: memref<16xi32, #tpu.memory_space<vmem>>) attributes {dimension_semantics = [#tpu.dimension_semantics<core_parallel>, #tpu.dimension_semantics<subcore_parallel>], iteration_bounds = array<i64: 2, 16>, scalar_prefetch = 0 : i64, scratch_operands = 7 : i64, tpu.core_type = #tpu.core_type<sc_vector_subcore>, window_params = [{transform_indices = #map}, {transform_indices = #map1}, {transform_indices = #map1}, {transform_indices = #map}]} {
    %mul3A = arith.constant 16 : i32
    %mul3A_0 = arith.muli %arg0, %mul3A : i32
    %add3A = arith.addi %mul3A_0, %arg1 : i32
    %jit3A = arith.constant 4 : i32
    %div3A = arith.divsi %add3A, %jit3A : i32
    %sign3A = arith.constant 0 : i32
    %sign3A_1 = arith.cmpi sgt, %add3A, %sign3A : i32
    %sign3A_2 = arith.extui %sign3A_1 : i1 to i32
    %sign3A_3 = arith.constant 0 : i32
    %sign3A_4 = arith.cmpi slt, %add3A, %sign3A_3 : i32
    %sign3A_5 = arith.extui %sign3A_4 : i1 to i32
    %sign3A_6 = arith.subi %sign3A_2, %sign3A_5 : i32
    %sign3A_7 = arith.constant 0 : i32
    %sign3A_8 = arith.cmpi sgt, %jit3A, %sign3A_7 : i32
    %sign3A_9 = arith.extui %sign3A_8 : i1 to i32
    %sign3A_10 = arith.constant 0 : i32
    %sign3A_11 = arith.cmpi slt, %jit3A, %sign3A_10 : i32
    %sign3A_12 = arith.extui %sign3A_11 : i1 to i32
    %sign3A_13 = arith.subi %sign3A_9, %sign3A_12 : i32
    %ne3A = arith.cmpi ne, %sign3A_6, %sign3A_13 : i32
    %rem3A = arith.remsi %add3A, %jit3A : i32
    %ne3A_14 = arith.constant 0 : i32
    %ne3A_15 = arith.cmpi ne, %rem3A, %ne3A_14 : i32
    %and3A = arith.andi %ne3A, %ne3A_15 : i1
    %sub3A = arith.constant 1 : i32
    %sub3A_16 = arith.subi %div3A, %sub3A : i32
    %select_n3A = arith.select %and3A, %sub3A_16, %div3A : i32
    %jit3A_17 = arith.constant 4 : i32
    %eq3A = arith.constant 0 : i32
    %eq3A_18 = arith.cmpi eq, %jit3A_17, %eq3A : i32
    %jit3A_19 = arith.constant 1 : i32
    %select_n3A_20 = arith.select %eq3A_18, %jit3A_19, %jit3A_17 : i32
    %rem3A_21 = arith.remsi %add3A, %select_n3A_20 : i32
    %ne3A_22 = arith.constant 0 : i32
    %ne3A_23 = arith.cmpi ne, %rem3A_21, %ne3A_22 : i32
    %lt3A = arith.constant 0 : i32
    %lt3A_24 = arith.cmpi slt, %rem3A_21, %lt3A : i32
    %lt3A_25 = arith.constant 0 : i32
    %lt3A_26 = arith.cmpi slt, %select_n3A_20, %lt3A_25 : i32
    %ne3A_27 = arith.xori %lt3A_24, %lt3A_26 : i1
    %and3A_28 = arith.andi %ne3A_27, %ne3A_23 : i1
    %add3A_29 = arith.addi %rem3A_21, %select_n3A_20 : i32
    %select_n3A_30 = arith.select %and3A_28, %add3A_29, %rem3A_21 : i32
    %mul3A_31 = arith.constant 1024 : i32
    %mul3A_32 = arith.muli %select_n3A_30, %mul3A_31 : i32
    %iota3A = tpu.iota {dimensions = array<i32: 0>} : vector<16xi32>
    "tpu.region"() ({
      %run_scoped3A = tpu.sem_alloc : memref<!tpu.dma_semaphore, #tpu.memory_space<semaphore_mem>>
      %dma_start3A = arith.constant 0 : i32
      %dma_start3A_149 = tpu.memref_slice %arg2[%select_n3A, %dma_start3A] : memref<8x512xi32, #tpu.memory_space<hbm>> -> memref<1x512xi32, #tpu.memory_space<hbm>>
      %dma_start3A_150 = tpu.memref_squeeze %dma_start3A_149 : memref<1x512xi32, #tpu.memory_space<hbm>> -> memref<512xi32, #tpu.memory_space<hbm>>
      %dma_start3A_151 = arith.constant 0 : i32
      %dma_start3A_152 = tpu.memref_slice %arg2[%select_n3A, %dma_start3A_151] : memref<8x512xi32, #tpu.memory_space<hbm>> -> memref<1x512xi32, #tpu.memory_space<hbm>>
      %dma_start3A_153 = tpu.memref_squeeze %dma_start3A_152 : memref<1x512xi32, #tpu.memory_space<hbm>> -> memref<512xi32, #tpu.memory_space<hbm>>
      tpu.enqueue_dma source(%dma_start3A_153 : memref<512xi32, #tpu.memory_space<hbm>>) target(%arg6 : memref<512xi32, #tpu.memory_space<vmem>>) target_semaphore(%run_scoped3A : memref<!tpu.dma_semaphore, #tpu.memory_space<semaphore_mem>>)
      %dma_wait3A = arith.constant 0 : i32
      %dma_wait3A_154 = tpu.memref_slice %arg2[%select_n3A, %dma_wait3A] : memref<8x512xi32, #tpu.memory_space<hbm>> -> memref<1x512xi32, #tpu.memory_space<hbm>>
      %dma_wait3A_155 = tpu.memref_squeeze %dma_wait3A_154 : memref<1x512xi32, #tpu.memory_space<hbm>> -> memref<512xi32, #tpu.memory_space<hbm>>
      %dma_wait3A_156 = arith.constant 0 : i32
      %dma_wait3A_157 = tpu.memref_slice %arg2[%select_n3A, %dma_wait3A_156] : memref<8x512xi32, #tpu.memory_space<hbm>> -> memref<1x512xi32, #tpu.memory_space<hbm>>
      %dma_wait3A_158 = tpu.memref_squeeze %dma_wait3A_157 : memref<1x512xi32, #tpu.memory_space<hbm>> -> memref<512xi32, #tpu.memory_space<hbm>>
      tpu.wait_dma2 semaphore(%run_scoped3A : memref<!tpu.dma_semaphore, #tpu.memory_space<semaphore_mem>>) src(%dma_wait3A_158 : memref<512xi32, #tpu.memory_space<hbm>>) dst(%arg6 : memref<512xi32, #tpu.memory_space<vmem>>)
      tpu.yield
    }) : () -> ()
    "tpu.region"() ({
      %run_scoped3A = tpu.sem_alloc : memref<!tpu.dma_semaphore, #tpu.memory_space<semaphore_mem>>
      tpu.enqueue_dma source(%arg3 : memref<16xi32, #tpu.memory_space<hbm>>) target(%arg11 : memref<16xi32, #tpu.memory_space<vmem>>) target_semaphore(%run_scoped3A : memref<!tpu.dma_semaphore, #tpu.memory_space<semaphore_mem>>)
      tpu.wait_dma2 semaphore(%run_scoped3A : memref<!tpu.dma_semaphore, #tpu.memory_space<semaphore_mem>>) src(%arg3 : memref<16xi32, #tpu.memory_space<hbm>>) dst(%arg11 : memref<16xi32, #tpu.memory_space<vmem>>)
      tpu.yield
    }) : () -> ()
    %get3A = arith.constant 0 : index
    %get3A_33 = tpu.vector_load %arg11[%get3A] {strides = array<i32>} : memref<16xi32, #tpu.memory_space<vmem>>, vector<16xi32>,
    %scan3A = arith.constant 0 : i32
    %scan3A_34 = arith.constant 0 : i32
    %scan3A_35 = arith.constant 32 : i32
    %scan3A_36 = arith.addi %scan3A_34, %scan3A_35 : i32
    %scan3A_37 = arith.constant 1 : i32
    %scan3A_38 = scf.for %scan3A_149 = %scan3A_34 to %scan3A_36 step %scan3A_37 iter_args(%scan3A_150 = %scan3A) -> (i32)  : i32 {
      %mul3A_151 = arith.constant 16 : i32
      %mul3A_152 = arith.muli %scan3A_149, %mul3A_151 : i32
      %get3A_153 = arith.index_cast %mul3A_152 : i32 to index
      %get3A_154 = tpu.vector_load %arg6[%get3A_153] {strides = array<i32>} : memref<512xi32, #tpu.memory_space<vmem>>, vector<16xi32>,
      %broadcast_in_dim3A_155 = arith.constant true
      %broadcast_in_dim3A_156 = vector.broadcast %broadcast_in_dim3A_155 : i1 to vector<16xi1>
      %masked_cumsum3A = tpu.scan <sum>, %get3A_154 masked %broadcast_in_dim3A_156 : vector<16xi32>, vector<16xi1> -> vector<16xi32>
      %add3A_157 = vector.broadcast %scan3A_150 : i32 to vector<16xi32>
      %add3A_158 = arith.addi %masked_cumsum3A, %add3A_157 : vector<16xi32>
      %mul3A_159 = arith.constant 16 : i32
      %mul3A_160 = arith.muli %scan3A_149, %mul3A_159 : i32
      %swap3A_161 = arith.index_cast %mul3A_160 : i32 to index
      %swap3A_162 = tpu.vector_load %arg7[%swap3A_161] {strides = array<i32>} : memref<512xi32, #tpu.memory_space<vmem>>, vector<16xi32>,
      tpu.vector_store %arg7[%swap3A_161], %add3A_158 {strides = array<i32>} : memref<512xi32, #tpu.memory_space<vmem>>, vector<16xi32>,
      %sub3A_163 = arith.subi %add3A_158, %get3A_154 : vector<16xi32>
      %mul3A_164 = arith.constant 16 : i32
      %mul3A_165 = arith.muli %scan3A_149, %mul3A_164 : i32
      %swap3A_166 = arith.index_cast %mul3A_165 : i32 to index
      %swap3A_167 = tpu.vector_load %arg8[%swap3A_166] {strides = array<i32>} : memref<512xi32, #tpu.memory_space<vmem>>, vector<16xi32>,
      tpu.vector_store %arg8[%swap3A_166], %sub3A_163 {strides = array<i32>} : memref<512xi32, #tpu.memory_space<vmem>>, vector<16xi32>,
      %reduce_max3A = arith.constant true
      %reduce_max3A_168 = vector.broadcast %reduce_max3A : i1 to vector<16xi1>
      %reduce_max3A_169 = arith.constant -2147483648 : i32
      %reduce_max3A_170 = vector.broadcast %reduce_max3A_169 : i32 to vector<16xi32>
      %reduce_max3A_171 = arith.xori %add3A_158, %reduce_max3A_170 : vector<16xi32>
      %reduce_max3A_172 = tpu.scan <max>, %reduce_max3A_171 masked %reduce_max3A_168 : vector<16xi32>, vector<16xi1> -> vector<16xi32>
      %reduce_max3A_173 = arith.xori %reduce_max3A_172, %reduce_max3A_170 : vector<16xi32>
      %reduce_max3A_174 = vector.extract %reduce_max3A_173[15] : i32 from vector<16xi32>
      scf.yield %reduce_max3A_174 : i32
    }
    %scan3A_39 = arith.constant 32 : i32
    %scan3A_40 = arith.constant 0 : i32
    %scan3A_41 = arith.constant 0 : i32
    %scan3A_42 = arith.constant 64 : i32
    %scan3A_43 = arith.addi %scan3A_41, %scan3A_42 : i32
    %scan3A_44 = arith.constant 1 : i32
    scf.for %scan3A_149 = %scan3A_41 to %scan3A_43 step %scan3A_44  : i32 {
      %broadcast_in_dim3A_150 = arith.constant 0 : i32
      %broadcast_in_dim3A_151 = vector.broadcast %broadcast_in_dim3A_150 : i32 to vector<16xi32>
      %mul3A_152 = arith.constant 16 : i32
      %mul3A_153 = arith.muli %scan3A_149, %mul3A_152 : i32
      %swap3A_154 = arith.index_cast %mul3A_153 : i32 to index
      %swap3A_155 = tpu.vector_load %arg9[%swap3A_154] {strides = array<i32>} : memref<1024xi32, #tpu.memory_space<vmem>>, vector<16xi32>,
      tpu.vector_store %arg9[%swap3A_154], %broadcast_in_dim3A_151 {strides = array<i32>} : memref<1024xi32, #tpu.memory_space<vmem>>, vector<16xi32>,
    }
    %scan3A_45 = arith.constant 64 : i32
    %scan3A_46 = arith.constant 0 : i32
    %scan3A_47 = arith.constant 0 : i32
    %scan3A_48 = arith.constant 32 : i32
    %scan3A_49 = arith.addi %scan3A_47, %scan3A_48 : i32
    %scan3A_50 = arith.constant 1 : i32
    scf.for %scan3A_149 = %scan3A_47 to %scan3A_49 step %scan3A_50  : i32 {
      %mul3A_150 = arith.constant 16 : i32
      %mul3A_151 = arith.muli %scan3A_149, %mul3A_150 : i32
      %get3A_152 = arith.index_cast %mul3A_151 : i32 to index
      %get3A_153 = tpu.vector_load %arg7[%get3A_152] {strides = array<i32>} : memref<512xi32, #tpu.memory_space<vmem>>, vector<16xi32>,
      %mul3A_154 = arith.constant 16 : i32
      %mul3A_155 = arith.muli %scan3A_149, %mul3A_154 : i32
      %get3A_156 = arith.index_cast %mul3A_155 : i32 to index
      %get3A_157 = tpu.vector_load %arg8[%get3A_156] {strides = array<i32>} : memref<512xi32, #tpu.memory_space<vmem>>, vector<16xi32>,
      %mul3A_158 = arith.constant 16 : i32
      %mul3A_159 = arith.muli %scan3A_149, %mul3A_158 : i32
      %add3A_160 = vector.broadcast %mul3A_159 : i32 to vector<16xi32>
      %add3A_161 = arith.addi %add3A_160, %iota3A : vector<16xi32>
      %gt3A = vector.broadcast %mul3A_32 : i32 to vector<16xi32>
      %gt3A_162 = arith.cmpi sgt, %get3A_153, %gt3A : vector<16xi32>
      %add3A_163 = arith.constant 1024 : i32
      %add3A_164 = arith.addi %mul3A_32, %add3A_163 : i32
      %lt3A_165 = vector.broadcast %add3A_164 : i32 to vector<16xi32>
      %lt3A_166 = arith.cmpi slt, %get3A_157, %lt3A_165 : vector<16xi32>
      %and3A_167 = arith.andi %gt3A_162, %lt3A_166 : vector<16xi1>
      %gt3A_168 = arith.cmpi sgt, %get3A_153, %get3A_157 : vector<16xi32>
      %and3A_169 = arith.andi %and3A_167, %gt3A_168 : vector<16xi1>
      %sub3A_170 = vector.broadcast %mul3A_32 : i32 to vector<16xi32>
      %sub3A_171 = arith.subi %get3A_157, %sub3A_170 : vector<16xi32>
      %max3A = arith.constant 0 : i32
      %max3A_172 = vector.broadcast %max3A : i32 to vector<16xi32>
      %max3A_173 = arith.maxsi %sub3A_171, %max3A_172 : vector<16xi32>
      tpu.vector_store_idx %arg9[%max3A_173], %add3A_161 masked %and3A_169 : memref<1024xi32, #tpu.memory_space<vmem>>[vector<16xi32>], vector<16xi32>, vector<16xi1>
    }
    %scan3A_51 = arith.constant 32 : i32
    %eq3A_52 = arith.constant 8 : i32
    %eq3A_53 = vector.broadcast %eq3A_52 : i32 to vector<16xi32>
    %eq3A_54 = arith.cmpi eq, %iota3A, %eq3A_53 : vector<16xi32>
    %broadcast_in_dim3A = arith.constant 0 : i32
    %broadcast_in_dim3A_55 = vector.broadcast %broadcast_in_dim3A : i32 to vector<16xi32>
    %broadcast_in_dim3A_56 = vector.broadcast %scan3A_38 : i32 to vector<16xi32>
    %select_n3A_57 = arith.select %eq3A_54, %broadcast_in_dim3A_56, %broadcast_in_dim3A_55 : vector<16xi1>, vector<16xi32>
    %scan3A_58 = arith.constant 0 : i32
    %scan3A_59 = arith.constant 512 : i32
    %scan3A_60 = arith.constant -1 : i32
    %scan3A_61 = arith.constant 0 : i32
    %scan3A_62 = arith.constant 16 : i32
    %scan3A_63 = arith.addi %scan3A_61, %scan3A_62 : i32
    %scan3A_64 = arith.constant 1 : i32
    %scan3A_65:3 = scf.for %scan3A_149 = %scan3A_61 to %scan3A_63 step %scan3A_64 iter_args(%scan3A_150 = %scan3A_58, %scan3A_151 = %scan3A_59, %scan3A_152 = %scan3A_60) -> (i32, i32, i32)  : i32 {
      %add3A_153 = arith.constant 0 : i32
      %add3A_154 = arith.addi %add3A_153, %scan3A_149 : i32
      %mul3A_155 = arith.constant 16 : i32
      %mul3A_156 = arith.muli %add3A_154, %mul3A_155 : i32
      %get3A_157 = arith.index_cast %mul3A_156 : i32 to index
      %get3A_158 = tpu.vector_load %arg9[%get3A_157] {strides = array<i32>} : memref<1024xi32, #tpu.memory_space<vmem>>, vector<16xi32>,
      %broadcast_in_dim3A_159 = arith.constant true
      %broadcast_in_dim3A_160 = vector.broadcast %broadcast_in_dim3A_159 : i1 to vector<16xi1>
      %masked_cummax3A = arith.constant -2147483648 : i32
      %masked_cummax3A_161 = vector.broadcast %masked_cummax3A : i32 to vector<16xi32>
      %masked_cummax3A_162 = arith.xori %get3A_158, %masked_cummax3A_161 : vector<16xi32>
      %masked_cummax3A_163 = tpu.scan <max>, %masked_cummax3A_162 masked %broadcast_in_dim3A_160 : vector<16xi32>, vector<16xi1> -> vector<16xi32>
      %masked_cummax3A_164 = arith.xori %masked_cummax3A_163, %masked_cummax3A_161 : vector<16xi32>
      %max3A = vector.broadcast %scan3A_150 : i32 to vector<16xi32>
      %max3A_165 = arith.maxsi %masked_cummax3A_164, %max3A : vector<16xi32>
      %mul3A_166 = arith.constant 16 : i32
      %mul3A_167 = arith.muli %add3A_154, %mul3A_166 : i32
      %add3A_168 = arith.addi %mul3A_32, %mul3A_167 : i32
      %add3A_169 = vector.broadcast %add3A_168 : i32 to vector<16xi32>
      %add3A_170 = arith.addi %add3A_169, %iota3A : vector<16xi32>
      %lt3A_171 = vector.broadcast %scan3A_38 : i32 to vector<16xi32>
      %lt3A_172 = arith.cmpi slt, %add3A_170, %lt3A_171 : vector<16xi32>
      %lt3A_173 = arith.cmpi slt, %add3A_170, %get3A_33 : vector<16xi32>
      %and3A_174 = arith.andi %lt3A_172, %lt3A_173 : vector<16xi1>
      %jit3A_175 = arith.constant 512 : i32
      %broadcast_in_dim3A_176 = vector.broadcast %jit3A_175 : i32 to vector<16xi32>
      %select_n3A_177 = arith.select %and3A_174, %max3A_165, %broadcast_in_dim3A_176 : vector<16xi1>, vector<16xi32>
      %mul3A_178 = arith.constant 16 : i32
      %mul3A_179 = arith.muli %add3A_154, %mul3A_178 : i32
      %swap3A_180 = arith.index_cast %mul3A_179 : i32 to index
      %swap3A_181 = tpu.vector_load %arg10[%swap3A_180] {strides = array<i32>} : memref<1024xi32, #tpu.memory_space<vmem>>, vector<16xi32>,
      tpu.vector_store %arg10[%swap3A_180], %select_n3A_177 {strides = array<i32>} : memref<1024xi32, #tpu.memory_space<vmem>>, vector<16xi32>,
      %jit3A_182 = arith.constant 512 : i32
      %broadcast_in_dim3A_183 = vector.broadcast %jit3A_182 : i32 to vector<16xi32>
      %select_n3A_184 = arith.select %and3A_174, %max3A_165, %broadcast_in_dim3A_183 : vector<16xi1>, vector<16xi32>
      %reduce_min3A = arith.constant true
      %reduce_min3A_185 = vector.broadcast %reduce_min3A : i1 to vector<16xi1>
      %reduce_min3A_186 = arith.constant -2147483648 : i32
      %reduce_min3A_187 = vector.broadcast %reduce_min3A_186 : i32 to vector<16xi32>
      %reduce_min3A_188 = arith.xori %select_n3A_184, %reduce_min3A_187 : vector<16xi32>
      %reduce_min3A_189 = tpu.scan <min>, %reduce_min3A_188 masked %reduce_min3A_185 : vector<16xi32>, vector<16xi1> -> vector<16xi32>
      %reduce_min3A_190 = arith.xori %reduce_min3A_189, %reduce_min3A_187 : vector<16xi32>
      %reduce_min3A_191 = vector.extract %reduce_min3A_190[15] : i32 from vector<16xi32>
      %min3A = arith.minsi %scan3A_151, %reduce_min3A_191 : i32
      %jit3A_192 = arith.constant -1 : i32
      %broadcast_in_dim3A_193 = vector.broadcast %jit3A_192 : i32 to vector<16xi32>
      %select_n3A_194 = arith.select %and3A_174, %max3A_165, %broadcast_in_dim3A_193 : vector<16xi1>, vector<16xi32>
      %reduce_max3A = arith.constant true
      %reduce_max3A_195 = vector.broadcast %reduce_max3A : i1 to vector<16xi1>
      %reduce_max3A_196 = arith.constant -2147483648 : i32
      %reduce_max3A_197 = vector.broadcast %reduce_max3A_196 : i32 to vector<16xi32>
      %reduce_max3A_198 = arith.xori %select_n3A_194, %reduce_max3A_197 : vector<16xi32>
      %reduce_max3A_199 = tpu.scan <max>, %reduce_max3A_198 masked %reduce_max3A_195 : vector<16xi32>, vector<16xi1> -> vector<16xi32>
      %reduce_max3A_200 = arith.xori %reduce_max3A_199, %reduce_max3A_197 : vector<16xi32>
      %reduce_max3A_201 = vector.extract %reduce_max3A_200[15] : i32 from vector<16xi32>
      %max3A_202 = arith.maxsi %scan3A_152, %reduce_max3A_201 : i32
      %reduce_max3A_203 = arith.constant true
      %reduce_max3A_204 = vector.broadcast %reduce_max3A_203 : i1 to vector<16xi1>
      %reduce_max3A_205 = arith.constant -2147483648 : i32
      %reduce_max3A_206 = vector.broadcast %reduce_max3A_205 : i32 to vector<16xi32>
      %reduce_max3A_207 = arith.xori %max3A_165, %reduce_max3A_206 : vector<16xi32>
      %reduce_max3A_208 = tpu.scan <max>, %reduce_max3A_207 masked %reduce_max3A_204 : vector<16xi32>, vector<16xi1> -> vector<16xi32>
      %reduce_max3A_209 = arith.xori %reduce_max3A_208, %reduce_max3A_206 : vector<16xi32>
      %reduce_max3A_210 = vector.extract %reduce_max3A_209[15] : i32 from vector<16xi32>
      scf.yield %reduce_max3A_210, %min3A, %max3A_202 : i32, i32, i32
    }
    %scan3A_66 = arith.constant 16 : i32
    %eq3A_67 = arith.constant 0 : i32
    %eq3A_68 = vector.broadcast %eq3A_67 : i32 to vector<16xi32>
    %eq3A_69 = arith.cmpi eq, %iota3A, %eq3A_68 : vector<16xi32>
    %shift_right_arithmetic3A = arith.constant 7 : i32
    %shift_right_arithmetic3A_70 = arith.shrsi %scan3A_65#1, %shift_right_arithmetic3A : i32
    %broadcast_in_dim3A_71 = vector.broadcast %shift_right_arithmetic3A_70 : i32 to vector<16xi32>
    %select_n3A_72 = arith.select %eq3A_69, %broadcast_in_dim3A_71, %select_n3A_57 : vector<16xi1>, vector<16xi32>
    %eq3A_73 = arith.constant 4 : i32
    %eq3A_74 = vector.broadcast %eq3A_73 : i32 to vector<16xi32>
    %eq3A_75 = arith.cmpi eq, %iota3A, %eq3A_74 : vector<16xi32>
    %shift_right_arithmetic3A_76 = arith.constant 7 : i32
    %shift_right_arithmetic3A_77 = arith.shrsi %scan3A_65#2, %shift_right_arithmetic3A_76 : i32
    %broadcast_in_dim3A_78 = vector.broadcast %shift_right_arithmetic3A_77 : i32 to vector<16xi32>
    %select_n3A_79 = arith.select %eq3A_75, %broadcast_in_dim3A_78, %select_n3A_72 : vector<16xi1>, vector<16xi32>
    %scan3A_80 = arith.constant 512 : i32
    %scan3A_81 = arith.constant -1 : i32
    %scan3A_82 = arith.constant 0 : i32
    %scan3A_83 = arith.constant 16 : i32
    %scan3A_84 = arith.addi %scan3A_82, %scan3A_83 : i32
    %scan3A_85 = arith.constant 1 : i32
    %scan3A_86:3 = scf.for %scan3A_149 = %scan3A_82 to %scan3A_84 step %scan3A_85 iter_args(%scan3A_150 = %scan3A_65#0, %scan3A_151 = %scan3A_80, %scan3A_152 = %scan3A_81) -> (i32, i32, i32)  : i32 {
      %add3A_153 = arith.constant 16 : i32
      %add3A_154 = arith.addi %add3A_153, %scan3A_149 : i32
      %mul3A_155 = arith.constant 16 : i32
      %mul3A_156 = arith.muli %add3A_154, %mul3A_155 : i32
      %get3A_157 = arith.index_cast %mul3A_156 : i32 to index
      %get3A_158 = tpu.vector_load %arg9[%get3A_157] {strides = array<i32>} : memref<1024xi32, #tpu.memory_space<vmem>>, vector<16xi32>,
      %broadcast_in_dim3A_159 = arith.constant true
      %broadcast_in_dim3A_160 = vector.broadcast %broadcast_in_dim3A_159 : i1 to vector<16xi1>
      %masked_cummax3A = arith.constant -2147483648 : i32
      %masked_cummax3A_161 = vector.broadcast %masked_cummax3A : i32 to vector<16xi32>
      %masked_cummax3A_162 = arith.xori %get3A_158, %masked_cummax3A_161 : vector<16xi32>
      %masked_cummax3A_163 = tpu.scan <max>, %masked_cummax3A_162 masked %broadcast_in_dim3A_160 : vector<16xi32>, vector<16xi1> -> vector<16xi32>
      %masked_cummax3A_164 = arith.xori %masked_cummax3A_163, %masked_cummax3A_161 : vector<16xi32>
      %max3A = vector.broadcast %scan3A_150 : i32 to vector<16xi32>
      %max3A_165 = arith.maxsi %masked_cummax3A_164, %max3A : vector<16xi32>
      %mul3A_166 = arith.constant 16 : i32
      %mul3A_167 = arith.muli %add3A_154, %mul3A_166 : i32
      %add3A_168 = arith.addi %mul3A_32, %mul3A_167 : i32
      %add3A_169 = vector.broadcast %add3A_168 : i32 to vector<16xi32>
      %add3A_170 = arith.addi %add3A_169, %iota3A : vector<16xi32>
      %lt3A_171 = vector.broadcast %scan3A_38 : i32 to vector<16xi32>
      %lt3A_172 = arith.cmpi slt, %add3A_170, %lt3A_171 : vector<16xi32>
      %lt3A_173 = arith.cmpi slt, %add3A_170, %get3A_33 : vector<16xi32>
      %and3A_174 = arith.andi %lt3A_172, %lt3A_173 : vector<16xi1>
      %jit3A_175 = arith.constant 512 : i32
      %broadcast_in_dim3A_176 = vector.broadcast %jit3A_175 : i32 to vector<16xi32>
      %select_n3A_177 = arith.select %and3A_174, %max3A_165, %broadcast_in_dim3A_176 : vector<16xi1>, vector<16xi32>
      %mul3A_178 = arith.constant 16 : i32
      %mul3A_179 = arith.muli %add3A_154, %mul3A_178 : i32
      %swap3A_180 = arith.index_cast %mul3A_179 : i32 to index
      %swap3A_181 = tpu.vector_load %arg10[%swap3A_180] {strides = array<i32>} : memref<1024xi32, #tpu.memory_space<vmem>>, vector<16xi32>,
      tpu.vector_store %arg10[%swap3A_180], %select_n3A_177 {strides = array<i32>} : memref<1024xi32, #tpu.memory_space<vmem>>, vector<16xi32>,
      %jit3A_182 = arith.constant 512 : i32
      %broadcast_in_dim3A_183 = vector.broadcast %jit3A_182 : i32 to vector<16xi32>
      %select_n3A_184 = arith.select %and3A_174, %max3A_165, %broadcast_in_dim3A_183 : vector<16xi1>, vector<16xi32>
      %reduce_min3A = arith.constant true
      %reduce_min3A_185 = vector.broadcast %reduce_min3A : i1 to vector<16xi1>
      %reduce_min3A_186 = arith.constant -2147483648 : i32
      %reduce_min3A_187 = vector.broadcast %reduce_min3A_186 : i32 to vector<16xi32>
      %reduce_min3A_188 = arith.xori %select_n3A_184, %reduce_min3A_187 : vector<16xi32>
      %reduce_min3A_189 = tpu.scan <min>, %reduce_min3A_188 masked %reduce_min3A_185 : vector<16xi32>, vector<16xi1> -> vector<16xi32>
      %reduce_min3A_190 = arith.xori %reduce_min3A_189, %reduce_min3A_187 : vector<16xi32>
      %reduce_min3A_191 = vector.extract %reduce_min3A_190[15] : i32 from vector<16xi32>
      %min3A = arith.minsi %scan3A_151, %reduce_min3A_191 : i32
      %jit3A_192 = arith.constant -1 : i32
      %broadcast_in_dim3A_193 = vector.broadcast %jit3A_192 : i32 to vector<16xi32>
      %select_n3A_194 = arith.select %and3A_174, %max3A_165, %broadcast_in_dim3A_193 : vector<16xi1>, vector<16xi32>
      %reduce_max3A = arith.constant true
      %reduce_max3A_195 = vector.broadcast %reduce_max3A : i1 to vector<16xi1>
      %reduce_max3A_196 = arith.constant -2147483648 : i32
      %reduce_max3A_197 = vector.broadcast %reduce_max3A_196 : i32 to vector<16xi32>
      %reduce_max3A_198 = arith.xori %select_n3A_194, %reduce_max3A_197 : vector<16xi32>
      %reduce_max3A_199 = tpu.scan <max>, %reduce_max3A_198 masked %reduce_max3A_195 : vector<16xi32>, vector<16xi1> -> vector<16xi32>
      %reduce_max3A_200 = arith.xori %reduce_max3A_199, %reduce_max3A_197 : vector<16xi32>
      %reduce_max3A_201 = vector.extract %reduce_max3A_200[15] : i32 from vector<16xi32>
      %max3A_202 = arith.maxsi %scan3A_152, %reduce_max3A_201 : i32
      %reduce_max3A_203 = arith.constant true
      %reduce_max3A_204 = vector.broadcast %reduce_max3A_203 : i1 to vector<16xi1>
      %reduce_max3A_205 = arith.constant -2147483648 : i32
      %reduce_max3A_206 = vector.broadcast %reduce_max3A_205 : i32 to vector<16xi32>
      %reduce_max3A_207 = arith.xori %max3A_165, %reduce_max3A_206 : vector<16xi32>
      %reduce_max3A_208 = tpu.scan <max>, %reduce_max3A_207 masked %reduce_max3A_204 : vector<16xi32>, vector<16xi1> -> vector<16xi32>
      %reduce_max3A_209 = arith.xori %reduce_max3A_208, %reduce_max3A_206 : vector<16xi32>
      %reduce_max3A_210 = vector.extract %reduce_max3A_209[15] : i32 from vector<16xi32>
      scf.yield %reduce_max3A_210, %min3A, %max3A_202 : i32, i32, i32
    }
    %scan3A_87 = arith.constant 16 : i32
    %eq3A_88 = arith.constant 1 : i32
    %eq3A_89 = vector.broadcast %eq3A_88 : i32 to vector<16xi32>
    %eq3A_90 = arith.cmpi eq, %iota3A, %eq3A_89 : vector<16xi32>
    %shift_right_arithmetic3A_91 = arith.constant 7 : i32
    %shift_right_arithmetic3A_92 = arith.shrsi %scan3A_86#1, %shift_right_arithmetic3A_91 : i32
    %broadcast_in_dim3A_93 = vector.broadcast %shift_right_arithmetic3A_92 : i32 to vector<16xi32>
    %select_n3A_94 = arith.select %eq3A_90, %broadcast_in_dim3A_93, %select_n3A_79 : vector<16xi1>, vector<16xi32>
    %eq3A_95 = arith.constant 5 : i32
    %eq3A_96 = vector.broadcast %eq3A_95 : i32 to vector<16xi32>
    %eq3A_97 = arith.cmpi eq, %iota3A, %eq3A_96 : vector<16xi32>
    %shift_right_arithmetic3A_98 = arith.constant 7 : i32
    %shift_right_arithmetic3A_99 = arith.shrsi %scan3A_86#2, %shift_right_arithmetic3A_98 : i32
    %broadcast_in_dim3A_100 = vector.broadcast %shift_right_arithmetic3A_99 : i32 to vector<16xi32>
    %select_n3A_101 = arith.select %eq3A_97, %broadcast_in_dim3A_100, %select_n3A_94 : vector<16xi1>, vector<16xi32>
    %scan3A_102 = arith.constant 512 : i32
    %scan3A_103 = arith.constant -1 : i32
    %scan3A_104 = arith.constant 0 : i32
    %scan3A_105 = arith.constant 16 : i32
    %scan3A_106 = arith.addi %scan3A_104, %scan3A_105 : i32
    %scan3A_107 = arith.constant 1 : i32
    %scan3A_108:3 = scf.for %scan3A_149 = %scan3A_104 to %scan3A_106 step %scan3A_107 iter_args(%scan3A_150 = %scan3A_86#0, %scan3A_151 = %scan3A_102, %scan3A_152 = %scan3A_103) -> (i32, i32, i32)  : i32 {
      %add3A_153 = arith.constant 32 : i32
      %add3A_154 = arith.addi %add3A_153, %scan3A_149 : i32
      %mul3A_155 = arith.constant 16 : i32
      %mul3A_156 = arith.muli %add3A_154, %mul3A_155 : i32
      %get3A_157 = arith.index_cast %mul3A_156 : i32 to index
      %get3A_158 = tpu.vector_load %arg9[%get3A_157] {strides = array<i32>} : memref<1024xi32, #tpu.memory_space<vmem>>, vector<16xi32>,
      %broadcast_in_dim3A_159 = arith.constant true
      %broadcast_in_dim3A_160 = vector.broadcast %broadcast_in_dim3A_159 : i1 to vector<16xi1>
      %masked_cummax3A = arith.constant -2147483648 : i32
      %masked_cummax3A_161 = vector.broadcast %masked_cummax3A : i32 to vector<16xi32>
      %masked_cummax3A_162 = arith.xori %get3A_158, %masked_cummax3A_161 : vector<16xi32>
      %masked_cummax3A_163 = tpu.scan <max>, %masked_cummax3A_162 masked %broadcast_in_dim3A_160 : vector<16xi32>, vector<16xi1> -> vector<16xi32>
      %masked_cummax3A_164 = arith.xori %masked_cummax3A_163, %masked_cummax3A_161 : vector<16xi32>
      %max3A = vector.broadcast %scan3A_150 : i32 to vector<16xi32>
      %max3A_165 = arith.maxsi %masked_cummax3A_164, %max3A : vector<16xi32>
      %mul3A_166 = arith.constant 16 : i32
      %mul3A_167 = arith.muli %add3A_154, %mul3A_166 : i32
      %add3A_168 = arith.addi %mul3A_32, %mul3A_167 : i32
      %add3A_169 = vector.broadcast %add3A_168 : i32 to vector<16xi32>
      %add3A_170 = arith.addi %add3A_169, %iota3A : vector<16xi32>
      %lt3A_171 = vector.broadcast %scan3A_38 : i32 to vector<16xi32>
      %lt3A_172 = arith.cmpi slt, %add3A_170, %lt3A_171 : vector<16xi32>
      %lt3A_173 = arith.cmpi slt, %add3A_170, %get3A_33 : vector<16xi32>
      %and3A_174 = arith.andi %lt3A_172, %lt3A_173 : vector<16xi1>
      %jit3A_175 = arith.constant 512 : i32
      %broadcast_in_dim3A_176 = vector.broadcast %jit3A_175 : i32 to vector<16xi32>
      %select_n3A_177 = arith.select %and3A_174, %max3A_165, %broadcast_in_dim3A_176 : vector<16xi1>, vector<16xi32>
      %mul3A_178 = arith.constant 16 : i32
      %mul3A_179 = arith.muli %add3A_154, %mul3A_178 : i32
      %swap3A_180 = arith.index_cast %mul3A_179 : i32 to index
      %swap3A_181 = tpu.vector_load %arg10[%swap3A_180] {strides = array<i32>} : memref<1024xi32, #tpu.memory_space<vmem>>, vector<16xi32>,
      tpu.vector_store %arg10[%swap3A_180], %select_n3A_177 {strides = array<i32>} : memref<1024xi32, #tpu.memory_space<vmem>>, vector<16xi32>,
      %jit3A_182 = arith.constant 512 : i32
      %broadcast_in_dim3A_183 = vector.broadcast %jit3A_182 : i32 to vector<16xi32>
      %select_n3A_184 = arith.select %and3A_174, %max3A_165, %broadcast_in_dim3A_183 : vector<16xi1>, vector<16xi32>
      %reduce_min3A = arith.constant true
      %reduce_min3A_185 = vector.broadcast %reduce_min3A : i1 to vector<16xi1>
      %reduce_min3A_186 = arith.constant -2147483648 : i32
      %reduce_min3A_187 = vector.broadcast %reduce_min3A_186 : i32 to vector<16xi32>
      %reduce_min3A_188 = arith.xori %select_n3A_184, %reduce_min3A_187 : vector<16xi32>
      %reduce_min3A_189 = tpu.scan <min>, %reduce_min3A_188 masked %reduce_min3A_185 : vector<16xi32>, vector<16xi1> -> vector<16xi32>
      %reduce_min3A_190 = arith.xori %reduce_min3A_189, %reduce_min3A_187 : vector<16xi32>
      %reduce_min3A_191 = vector.extract %reduce_min3A_190[15] : i32 from vector<16xi32>
      %min3A = arith.minsi %scan3A_151, %reduce_min3A_191 : i32
      %jit3A_192 = arith.constant -1 : i32
      %broadcast_in_dim3A_193 = vector.broadcast %jit3A_192 : i32 to vector<16xi32>
      %select_n3A_194 = arith.select %and3A_174, %max3A_165, %broadcast_in_dim3A_193 : vector<16xi1>, vector<16xi32>
      %reduce_max3A = arith.constant true
      %reduce_max3A_195 = vector.broadcast %reduce_max3A : i1 to vector<16xi1>
      %reduce_max3A_196 = arith.constant -2147483648 : i32
      %reduce_max3A_197 = vector.broadcast %reduce_max3A_196 : i32 to vector<16xi32>
      %reduce_max3A_198 = arith.xori %select_n3A_194, %reduce_max3A_197 : vector<16xi32>
      %reduce_max3A_199 = tpu.scan <max>, %reduce_max3A_198 masked %reduce_max3A_195 : vector<16xi32>, vector<16xi1> -> vector<16xi32>
      %reduce_max3A_200 = arith.xori %reduce_max3A_199, %reduce_max3A_197 : vector<16xi32>
      %reduce_max3A_201 = vector.extract %reduce_max3A_200[15] : i32 from vector<16xi32>
      %max3A_202 = arith.maxsi %scan3A_152, %reduce_max3A_201 : i32
      %reduce_max3A_203 = arith.constant true
      %reduce_max3A_204 = vector.broadcast %reduce_max3A_203 : i1 to vector<16xi1>
      %reduce_max3A_205 = arith.constant -2147483648 : i32
      %reduce_max3A_206 = vector.broadcast %reduce_max3A_205 : i32 to vector<16xi32>
      %reduce_max3A_207 = arith.xori %max3A_165, %reduce_max3A_206 : vector<16xi32>
      %reduce_max3A_208 = tpu.scan <max>, %reduce_max3A_207 masked %reduce_max3A_204 : vector<16xi32>, vector<16xi1> -> vector<16xi32>
      %reduce_max3A_209 = arith.xori %reduce_max3A_208, %reduce_max3A_206 : vector<16xi32>
      %reduce_max3A_210 = vector.extract %reduce_max3A_209[15] : i32 from vector<16xi32>
      scf.yield %reduce_max3A_210, %min3A, %max3A_202 : i32, i32, i32
    }
    %scan3A_109 = arith.constant 16 : i32
    %eq3A_110 = arith.constant 2 : i32
    %eq3A_111 = vector.broadcast %eq3A_110 : i32 to vector<16xi32>
    %eq3A_112 = arith.cmpi eq, %iota3A, %eq3A_111 : vector<16xi32>
    %shift_right_arithmetic3A_113 = arith.constant 7 : i32
    %shift_right_arithmetic3A_114 = arith.shrsi %scan3A_108#1, %shift_right_arithmetic3A_113 : i32
    %broadcast_in_dim3A_115 = vector.broadcast %shift_right_arithmetic3A_114 : i32 to vector<16xi32>
    %select_n3A_116 = arith.select %eq3A_112, %broadcast_in_dim3A_115, %select_n3A_101 : vector<16xi1>, vector<16xi32>
    %eq3A_117 = arith.constant 6 : i32
    %eq3A_118 = vector.broadcast %eq3A_117 : i32 to vector<16xi32>
    %eq3A_119 = arith.cmpi eq, %iota3A, %eq3A_118 : vector<16xi32>
    %shift_right_arithmetic3A_120 = arith.constant 7 : i32
    %shift_right_arithmetic3A_121 = arith.shrsi %scan3A_108#2, %shift_right_arithmetic3A_120 : i32
    %broadcast_in_dim3A_122 = vector.broadcast %shift_right_arithmetic3A_121 : i32 to vector<16xi32>
    %select_n3A_123 = arith.select %eq3A_119, %broadcast_in_dim3A_122, %select_n3A_116 : vector<16xi1>, vector<16xi32>
    %scan3A_124 = arith.constant 512 : i32
    %scan3A_125 = arith.constant -1 : i32
    %scan3A_126 = arith.constant 0 : i32
    %scan3A_127 = arith.constant 16 : i32
    %scan3A_128 = arith.addi %scan3A_126, %scan3A_127 : i32
    %scan3A_129 = arith.constant 1 : i32
    %scan3A_130:3 = scf.for %scan3A_149 = %scan3A_126 to %scan3A_128 step %scan3A_129 iter_args(%scan3A_150 = %scan3A_108#0, %scan3A_151 = %scan3A_124, %scan3A_152 = %scan3A_125) -> (i32, i32, i32)  : i32 {
      %add3A_153 = arith.constant 48 : i32
      %add3A_154 = arith.addi %add3A_153, %scan3A_149 : i32
      %mul3A_155 = arith.constant 16 : i32
      %mul3A_156 = arith.muli %add3A_154, %mul3A_155 : i32
      %get3A_157 = arith.index_cast %mul3A_156 : i32 to index
      %get3A_158 = tpu.vector_load %arg9[%get3A_157] {strides = array<i32>} : memref<1024xi32, #tpu.memory_space<vmem>>, vector<16xi32>,
      %broadcast_in_dim3A_159 = arith.constant true
      %broadcast_in_dim3A_160 = vector.broadcast %broadcast_in_dim3A_159 : i1 to vector<16xi1>
      %masked_cummax3A = arith.constant -2147483648 : i32
      %masked_cummax3A_161 = vector.broadcast %masked_cummax3A : i32 to vector<16xi32>
      %masked_cummax3A_162 = arith.xori %get3A_158, %masked_cummax3A_161 : vector<16xi32>
      %masked_cummax3A_163 = tpu.scan <max>, %masked_cummax3A_162 masked %broadcast_in_dim3A_160 : vector<16xi32>, vector<16xi1> -> vector<16xi32>
      %masked_cummax3A_164 = arith.xori %masked_cummax3A_163, %masked_cummax3A_161 : vector<16xi32>
      %max3A = vector.broadcast %scan3A_150 : i32 to vector<16xi32>
      %max3A_165 = arith.maxsi %masked_cummax3A_164, %max3A : vector<16xi32>
      %mul3A_166 = arith.constant 16 : i32
      %mul3A_167 = arith.muli %add3A_154, %mul3A_166 : i32
      %add3A_168 = arith.addi %mul3A_32, %mul3A_167 : i32
      %add3A_169 = vector.broadcast %add3A_168 : i32 to vector<16xi32>
      %add3A_170 = arith.addi %add3A_169, %iota3A : vector<16xi32>
      %lt3A_171 = vector.broadcast %scan3A_38 : i32 to vector<16xi32>
      %lt3A_172 = arith.cmpi slt, %add3A_170, %lt3A_171 : vector<16xi32>
      %lt3A_173 = arith.cmpi slt, %add3A_170, %get3A_33 : vector<16xi32>
      %and3A_174 = arith.andi %lt3A_172, %lt3A_173 : vector<16xi1>
      %jit3A_175 = arith.constant 512 : i32
      %broadcast_in_dim3A_176 = vector.broadcast %jit3A_175 : i32 to vector<16xi32>
      %select_n3A_177 = arith.select %and3A_174, %max3A_165, %broadcast_in_dim3A_176 : vector<16xi1>, vector<16xi32>
      %mul3A_178 = arith.constant 16 : i32
      %mul3A_179 = arith.muli %add3A_154, %mul3A_178 : i32
      %swap3A_180 = arith.index_cast %mul3A_179 : i32 to index
      %swap3A_181 = tpu.vector_load %arg10[%swap3A_180] {strides = array<i32>} : memref<1024xi32, #tpu.memory_space<vmem>>, vector<16xi32>,
      tpu.vector_store %arg10[%swap3A_180], %select_n3A_177 {strides = array<i32>} : memref<1024xi32, #tpu.memory_space<vmem>>, vector<16xi32>,
      %jit3A_182 = arith.constant 512 : i32
      %broadcast_in_dim3A_183 = vector.broadcast %jit3A_182 : i32 to vector<16xi32>
      %select_n3A_184 = arith.select %and3A_174, %max3A_165, %broadcast_in_dim3A_183 : vector<16xi1>, vector<16xi32>
      %reduce_min3A = arith.constant true
      %reduce_min3A_185 = vector.broadcast %reduce_min3A : i1 to vector<16xi1>
      %reduce_min3A_186 = arith.constant -2147483648 : i32
      %reduce_min3A_187 = vector.broadcast %reduce_min3A_186 : i32 to vector<16xi32>
      %reduce_min3A_188 = arith.xori %select_n3A_184, %reduce_min3A_187 : vector<16xi32>
      %reduce_min3A_189 = tpu.scan <min>, %reduce_min3A_188 masked %reduce_min3A_185 : vector<16xi32>, vector<16xi1> -> vector<16xi32>
      %reduce_min3A_190 = arith.xori %reduce_min3A_189, %reduce_min3A_187 : vector<16xi32>
      %reduce_min3A_191 = vector.extract %reduce_min3A_190[15] : i32 from vector<16xi32>
      %min3A = arith.minsi %scan3A_151, %reduce_min3A_191 : i32
      %jit3A_192 = arith.constant -1 : i32
      %broadcast_in_dim3A_193 = vector.broadcast %jit3A_192 : i32 to vector<16xi32>
      %select_n3A_194 = arith.select %and3A_174, %max3A_165, %broadcast_in_dim3A_193 : vector<16xi1>, vector<16xi32>
      %reduce_max3A = arith.constant true
      %reduce_max3A_195 = vector.broadcast %reduce_max3A : i1 to vector<16xi1>
      %reduce_max3A_196 = arith.constant -2147483648 : i32
      %reduce_max3A_197 = vector.broadcast %reduce_max3A_196 : i32 to vector<16xi32>
      %reduce_max3A_198 = arith.xori %select_n3A_194, %reduce_max3A_197 : vector<16xi32>
      %reduce_max3A_199 = tpu.scan <max>, %reduce_max3A_198 masked %reduce_max3A_195 : vector<16xi32>, vector<16xi1> -> vector<16xi32>
      %reduce_max3A_200 = arith.xori %reduce_max3A_199, %reduce_max3A_197 : vector<16xi32>
      %reduce_max3A_201 = vector.extract %reduce_max3A_200[15] : i32 from vector<16xi32>
      %max3A_202 = arith.maxsi %scan3A_152, %reduce_max3A_201 : i32
      %reduce_max3A_203 = arith.constant true
      %reduce_max3A_204 = vector.broadcast %reduce_max3A_203 : i1 to vector<16xi1>
      %reduce_max3A_205 = arith.constant -2147483648 : i32
      %reduce_max3A_206 = vector.broadcast %reduce_max3A_205 : i32 to vector<16xi32>
      %reduce_max3A_207 = arith.xori %max3A_165, %reduce_max3A_206 : vector<16xi32>
      %reduce_max3A_208 = tpu.scan <max>, %reduce_max3A_207 masked %reduce_max3A_204 : vector<16xi32>, vector<16xi1> -> vector<16xi32>
      %reduce_max3A_209 = arith.xori %reduce_max3A_208, %reduce_max3A_206 : vector<16xi32>
      %reduce_max3A_210 = vector.extract %reduce_max3A_209[15] : i32 from vector<16xi32>
      scf.yield %reduce_max3A_210, %min3A, %max3A_202 : i32, i32, i32
    }
    %scan3A_131 = arith.constant 16 : i32
    %eq3A_132 = arith.constant 3 : i32
    %eq3A_133 = vector.broadcast %eq3A_132 : i32 to vector<16xi32>
    %eq3A_134 = arith.cmpi eq, %iota3A, %eq3A_133 : vector<16xi32>
    %shift_right_arithmetic3A_135 = arith.constant 7 : i32
    %shift_right_arithmetic3A_136 = arith.shrsi %scan3A_130#1, %shift_right_arithmetic3A_135 : i32
    %broadcast_in_dim3A_137 = vector.broadcast %shift_right_arithmetic3A_136 : i32 to vector<16xi32>
    %select_n3A_138 = arith.select %eq3A_134, %broadcast_in_dim3A_137, %select_n3A_123 : vector<16xi1>, vector<16xi32>
    %eq3A_139 = arith.constant 7 : i32
    %eq3A_140 = vector.broadcast %eq3A_139 : i32 to vector<16xi32>
    %eq3A_141 = arith.cmpi eq, %iota3A, %eq3A_140 : vector<16xi32>
    %shift_right_arithmetic3A_142 = arith.constant 7 : i32
    %shift_right_arithmetic3A_143 = arith.shrsi %scan3A_130#2, %shift_right_arithmetic3A_142 : i32
    %broadcast_in_dim3A_144 = vector.broadcast %shift_right_arithmetic3A_143 : i32 to vector<16xi32>
    %select_n3A_145 = arith.select %eq3A_141, %broadcast_in_dim3A_144, %select_n3A_138 : vector<16xi1>, vector<16xi32>
    %swap3A = arith.constant 0 : index
    %swap3A_146 = tpu.vector_load %arg12[%swap3A] {strides = array<i32>} : memref<16xi32, #tpu.memory_space<vmem>>, vector<16xi32>,
    tpu.vector_store %arg12[%swap3A], %select_n3A_145 {strides = array<i32>} : memref<16xi32, #tpu.memory_space<vmem>>, vector<16xi32>,
    %mul3A_147 = arith.constant 1024 : i32
    %mul3A_148 = arith.muli %add3A, %mul3A_147 : i32
    "tpu.region"() ({
      %run_scoped3A = tpu.sem_alloc : memref<!tpu.dma_semaphore, #tpu.memory_space<semaphore_mem>>
      %dma_start3A = tpu.memref_slice %arg4[%mul3A_148] : memref<32768xi32, #tpu.memory_space<hbm>> -> memref<1024xi32, #tpu.memory_space<hbm>>
      %dma_start3A_149 = tpu.memref_slice %arg4[%mul3A_148] : memref<32768xi32, #tpu.memory_space<hbm>> -> memref<1024xi32, #tpu.memory_space<hbm>>
      tpu.enqueue_dma source(%arg10 : memref<1024xi32, #tpu.memory_space<vmem>>) target(%dma_start3A_149 : memref<1024xi32, #tpu.memory_space<hbm>>) target_semaphore(%run_scoped3A : memref<!tpu.dma_semaphore, #tpu.memory_space<semaphore_mem>>)
      %dma_wait3A = tpu.memref_slice %arg4[%mul3A_148] : memref<32768xi32, #tpu.memory_space<hbm>> -> memref<1024xi32, #tpu.memory_space<hbm>>
      %dma_wait3A_150 = tpu.memref_slice %arg4[%mul3A_148] : memref<32768xi32, #tpu.memory_space<hbm>> -> memref<1024xi32, #tpu.memory_space<hbm>>
      tpu.wait_dma2 semaphore(%run_scoped3A : memref<!tpu.dma_semaphore, #tpu.memory_space<semaphore_mem>>) src(%arg10 : memref<1024xi32, #tpu.memory_space<vmem>>) dst(%dma_wait3A_150 : memref<1024xi32, #tpu.memory_space<hbm>>)
      tpu.yield
    }) : () -> ()
    "tpu.region"() ({
      %run_scoped3A = tpu.sem_alloc : memref<!tpu.dma_semaphore, #tpu.memory_space<semaphore_mem>>
      %dma_start3A = arith.constant 0 : i32
      %dma_start3A_149 = tpu.memref_slice %arg5[%add3A, %dma_start3A] : memref<32x16xi32, #tpu.memory_space<hbm>> -> memref<1x16xi32, #tpu.memory_space<hbm>>
      %dma_start3A_150 = tpu.memref_squeeze %dma_start3A_149 : memref<1x16xi32, #tpu.memory_space<hbm>> -> memref<16xi32, #tpu.memory_space<hbm>>
      %dma_start3A_151 = arith.constant 0 : i32
      %dma_start3A_152 = tpu.memref_slice %arg5[%add3A, %dma_start3A_151] : memref<32x16xi32, #tpu.memory_space<hbm>> -> memref<1x16xi32, #tpu.memory_space<hbm>>
      %dma_start3A_153 = tpu.memref_squeeze %dma_start3A_152 : memref<1x16xi32, #tpu.memory_space<hbm>> -> memref<16xi32, #tpu.memory_space<hbm>>
      tpu.enqueue_dma source(%arg12 : memref<16xi32, #tpu.memory_space<vmem>>) target(%dma_start3A_153 : memref<16xi32, #tpu.memory_space<hbm>>) target_semaphore(%run_scoped3A : memref<!tpu.dma_semaphore, #tpu.memory_space<semaphore_mem>>)
      %dma_wait3A = arith.constant 0 : i32
      %dma_wait3A_154 = tpu.memref_slice %arg5[%add3A, %dma_wait3A] : memref<32x16xi32, #tpu.memory_space<hbm>> -> memref<1x16xi32, #tpu.memory_space<hbm>>
      %dma_wait3A_155 = tpu.memref_squeeze %dma_wait3A_154 : memref<1x16xi32, #tpu.memory_space<hbm>> -> memref<16xi32, #tpu.memory_space<hbm>>
      %dma_wait3A_156 = arith.constant 0 : i32
      %dma_wait3A_157 = tpu.memref_slice %arg5[%add3A, %dma_wait3A_156] : memref<32x16xi32, #tpu.memory_space<hbm>> -> memref<1x16xi32, #tpu.memory_space<hbm>>
      %dma_wait3A_158 = tpu.memref_squeeze %dma_wait3A_157 : memref<1x16xi32, #tpu.memory_space<hbm>> -> memref<16xi32, #tpu.memory_space<hbm>>
      tpu.wait_dma2 semaphore(%run_scoped3A : memref<!tpu.dma_semaphore, #tpu.memory_space<semaphore_mem>>) src(%arg12 : memref<16xi32, #tpu.memory_space<vmem>>) dst(%dma_wait3A_158 : memref<16xi32, #tpu.memory_space<hbm>>)
      tpu.yield
    }) : () -> ()
    return
  }
}

module attributes {stable_mosaic.version = 14 : i64} {
  func.func @_tc_body(%arg0: i32, %arg1: memref<32x16xi32, #tpu.memory_space<smem>>, %arg2: memref<4x1x1024xi32, #tpu.memory_space<vmem>>, %arg3: memref<1x512x256xf32, #tpu.memory_space<vmem>>, %arg4: memref<1xf32, #tpu.memory_space<smem>>, %arg5: memref<1x4096x256xf32, #tpu.memory_space<vmem>>, %arg6: memref<512x256xbf16, #tpu.memory_space<vmem>>) attributes {dimension_semantics = [#tpu.dimension_semantics<arbitrary>], iteration_bounds = array<i64: 8>, scalar_prefetch = 1 : i64, scratch_operands = 1 : i64, tpu.core_type = #tpu.core_type<tc>, window_params = [{transform_indices = @transform_0, window_bounds = array<i64: 4, 1, 1024>}, {transform_indices = @transform_1, window_bounds = array<i64: 1, 512, 256>}, {transform_indices = @transform_2, window_bounds = array<i64: 1>}, {transform_indices = @transform_3, window_bounds = array<i64: 1, 4096, 256>}]} {
    %get3A = arith.constant 0 : index
    %get3A_0 = arith.constant 0 : index
    %get3A_1 = arith.constant 0 : index
    %get3A_2 = vector.load %arg3[%get3A, %get3A_0, %get3A_1] : memref<1x512x256xf32, #tpu.memory_space<vmem>>, vector<1x512x256xf32>
    %get3A_3 = vector.shape_cast %get3A_2 : vector<1x512x256xf32> to vector<512x256xf32>
    %get3A_4 = arith.constant 0 : index
    %get3A_5 = memref.load %arg4[%get3A_4] : memref<1xf32, #tpu.memory_space<smem>>
    %mul3A = vector.broadcast %get3A_5 : f32 to vector<512x256xf32>
    %mul3A_6 = arith.mulf %get3A_3, %mul3A : vector<512x256xf32>
    %convert_element_type3A = arith.truncf %mul3A_6 : vector<512x256xf32> to vector<512x256xbf16>
    %swap3A = arith.constant 0 : index
    %swap3A_7 = arith.constant 0 : index
    %swap3A_8 = vector.load %arg6[%swap3A, %swap3A_7] : memref<512x256xbf16, #tpu.memory_space<vmem>>, vector<512x256xbf16>
    tpu.vector_store %arg6[%swap3A, %swap3A_7], %convert_element_type3A {strides = array<i32>} : memref<512x256xbf16, #tpu.memory_space<vmem>>, vector<512x256xbf16>,
    %mul3A_9 = arith.constant 4 : i32
    %mul3A_10 = arith.muli %arg0, %mul3A_9 : i32
    %add3A = arith.constant 0 : i32
    %add3A_11 = arith.addi %mul3A_10, %add3A : i32
    %get3A_12 = arith.index_cast %add3A_11 : i32 to index
    %get3A_13 = arith.constant 0 : index
    %get3A_14 = memref.load %arg1[%get3A_12, %get3A_13] : memref<32x16xi32, #tpu.memory_space<smem>>
    %get3A_15 = arith.index_cast %add3A_11 : i32 to index
    %get3A_16 = arith.constant 4 : index
    %get3A_17 = memref.load %arg1[%get3A_15, %get3A_16] : memref<32x16xi32, #tpu.memory_space<smem>>
    %get3A_18 = arith.constant 0 : index
    %get3A_19 = arith.constant 0 : index
    %get3A_20 = arith.constant 0 : index
    %get3A_21 = vector.load %arg2[%get3A_18, %get3A_19, %get3A_20] : memref<4x1x1024xi32, #tpu.memory_space<vmem>>, vector<1x1x256xi32>
    %get3A_22 = vector.shape_cast %get3A_21 : vector<1x1x256xi32> to vector<1x256xi32>
    %max3A = arith.constant 0 : i32
    %max3A_23 = arith.maxsi %get3A_14, %max3A : i32
    %min3A = arith.constant 2 : i32
    %min3A_24 = arith.minsi %max3A_23, %min3A : i32
    %mul3A_25 = arith.constant 128 : i32
    %mul3A_26 = arith.muli %min3A_24, %mul3A_25 : i32
    %iota3A = tpu.iota {dimensions = array<i32: 0>} : vector<256x1xi32>
    %add3A_27 = vector.broadcast %mul3A_26 : i32 to vector<256x1xi32>
    %add3A_28 = arith.addi %add3A_27, %iota3A : vector<256x1xi32>
    %eq3A = vector.broadcast %add3A_28 : vector<256x1xi32> to vector<256x256xi32>
    %eq3A_29 = vector.broadcast %get3A_22 : vector<1x256xi32> to vector<256x256xi32>
    %eq3A_30 = arith.cmpi eq, %eq3A, %eq3A_29 : vector<256x256xi32>
    %convert_element_type3A_31 = arith.extui %eq3A_30 : vector<256x256xi1> to vector<256x256xi32>
    %convert_element_type3A_32 = arith.sitofp %convert_element_type3A_31 : vector<256x256xi32> to vector<256x256xf32>
    %convert_element_type3A_33 = arith.truncf %convert_element_type3A_32 : vector<256x256xf32> to vector<256x256xbf16>
    %get3A_34 = arith.index_cast %mul3A_26 : i32 to index
    %get3A_35 = arith.constant 0 : index
    %get3A_36 = vector.load %arg6[%get3A_34, %get3A_35] : memref<512x256xbf16, #tpu.memory_space<vmem>>, vector<256x256xbf16>
    %dot_general3A = arith.constant dense<0.000000e+00> : vector<256x256xf32>
    %dot_general3A_37 = tpu.matmul %convert_element_type3A_33, %get3A_36, %dot_general3A {dimension_numbers = #tpu.dot_dimension_numbers<[0], [0], [1], [1], [0, 1, 1, 1], [], []>, transpose_lhs_hint = false} : vector<256x256xbf16>, vector<256x256xbf16>, vector<256x256xf32> -> vector<256x256xf32>
    %swap3A_38 = arith.constant 0 : index
    %swap3A_39 = arith.constant 0 : index
    %swap3A_40 = arith.constant 0 : index
    %swap3A_41 = vector.load %arg5[%swap3A_38, %swap3A_39, %swap3A_40] : memref<1x4096x256xf32, #tpu.memory_space<vmem>>, vector<1x256x256xf32>
    %swap3A_42 = vector.shape_cast %swap3A_41 : vector<1x256x256xf32> to vector<256x256xf32>
    %swap3A_43 = vector.shape_cast %dot_general3A_37 : vector<256x256xf32> to vector<1x256x256xf32>
    tpu.vector_store %arg5[%swap3A_38, %swap3A_39, %swap3A_40], %swap3A_43 {strides = array<i32>} : memref<1x4096x256xf32, #tpu.memory_space<vmem>>, vector<1x256x256xf32>,
    %mul3A_44 = arith.constant 128 : i32
    %mul3A_45 = arith.muli %get3A_14, %mul3A_44 : i32
    %lt3A = arith.cmpi slt, %mul3A_45, %mul3A_26 : i32
    %mul3A_46 = arith.constant 128 : i32
    %mul3A_47 = arith.muli %get3A_17, %mul3A_46 : i32
    %add3A_48 = arith.constant 256 : i32
    %add3A_49 = arith.addi %mul3A_26, %add3A_48 : i32
    %ge3A = arith.cmpi sge, %mul3A_47, %add3A_49 : i32
    %or3A = arith.ori %lt3A, %ge3A : i1
    %convert_element_type3A_50 = arith.extui %or3A : i1 to i32
    %cond3A = arith.constant 0 : i32
    %cond3A_51 = arith.cmpi ne, %convert_element_type3A_50, %cond3A : i32
    scf.if %cond3A_51 {
      %le3A = arith.constant 0 : i32
      %le3A_847 = arith.cmpi sle, %get3A_14, %le3A : i32
      %ge3A_848 = arith.constant 0 : i32
      %ge3A_849 = arith.cmpi sge, %get3A_17, %ge3A_848 : i32
      %and3A = arith.andi %le3A_847, %ge3A_849 : i1
      %gt3A = arith.constant 0 : i32
      %gt3A_850 = arith.cmpi sgt, %mul3A_26, %gt3A : i32
      %add3A_851 = arith.constant 256 : i32
      %add3A_852 = arith.addi %mul3A_26, %add3A_851 : i32
      %le3A_853 = arith.constant 0 : i32
      %le3A_854 = arith.cmpi sle, %add3A_852, %le3A_853 : i32
      %or3A_855 = arith.ori %gt3A_850, %le3A_854 : i1
      %and3A_856 = arith.andi %and3A, %or3A_855 : i1
      %convert_element_type3A_857 = arith.extui %and3A_856 : i1 to i32
      %cond3A_858 = arith.constant 0 : i32
      %cond3A_859 = arith.cmpi ne, %convert_element_type3A_857, %cond3A_858 : i32
      scf.if %cond3A_859 {
        %iota3A_908 = tpu.iota {dimensions = array<i32: 0>} : vector<128x1xi32>
        %add3A_909 = arith.constant 0 : i32
        %add3A_910 = vector.broadcast %add3A_909 : i32 to vector<128x1xi32>
        %add3A_911 = arith.addi %add3A_910, %iota3A_908 : vector<128x1xi32>
        %eq3A_912 = vector.broadcast %add3A_911 : vector<128x1xi32> to vector<128x256xi32>
        %eq3A_913 = vector.broadcast %get3A_22 : vector<1x256xi32> to vector<128x256xi32>
        %eq3A_914 = arith.cmpi eq, %eq3A_912, %eq3A_913 : vector<128x256xi32>
        %convert_element_type3A_915 = arith.extui %eq3A_914 : vector<128x256xi1> to vector<128x256xi32>
        %convert_element_type3A_916 = arith.sitofp %convert_element_type3A_915 : vector<128x256xi32> to vector<128x256xf32>
        %convert_element_type3A_917 = arith.truncf %convert_element_type3A_916 : vector<128x256xf32> to vector<128x256xbf16>
        %get3A_918 = arith.constant 0 : index
        %get3A_919 = arith.constant 0 : index
        %get3A_920 = vector.load %arg6[%get3A_918, %get3A_919] : memref<512x256xbf16, #tpu.memory_space<vmem>>, vector<128x256xbf16>
        %dot_general3A_921 = arith.constant dense<0.000000e+00> : vector<256x256xf32>
        %dot_general3A_922 = tpu.matmul %convert_element_type3A_917, %get3A_920, %dot_general3A_921 {dimension_numbers = #tpu.dot_dimension_numbers<[0], [0], [1], [1], [0, 1, 1, 1], [], []>, transpose_lhs_hint = false} : vector<128x256xbf16>, vector<128x256xbf16>, vector<256x256xf32> -> vector<256x256xf32>
        %get3A_923 = arith.constant 0 : index
        %get3A_924 = arith.constant 0 : index
        %get3A_925 = arith.constant 0 : index
        %get3A_926 = vector.load %arg5[%get3A_923, %get3A_924, %get3A_925] : memref<1x4096x256xf32, #tpu.memory_space<vmem>>, vector<1x256x256xf32>
        %get3A_927 = vector.shape_cast %get3A_926 : vector<1x256x256xf32> to vector<256x256xf32>
        %add3A_928 = arith.addf %get3A_927, %dot_general3A_922 : vector<256x256xf32>
        %swap3A_929 = arith.constant 0 : index
        %swap3A_930 = arith.constant 0 : index
        %swap3A_931 = arith.constant 0 : index
        %swap3A_932 = vector.load %arg5[%swap3A_929, %swap3A_930, %swap3A_931] : memref<1x4096x256xf32, #tpu.memory_space<vmem>>, vector<1x256x256xf32>
        %swap3A_933 = vector.shape_cast %swap3A_932 : vector<1x256x256xf32> to vector<256x256xf32>
        %swap3A_934 = vector.shape_cast %add3A_928 : vector<256x256xf32> to vector<1x256x256xf32>
        tpu.vector_store %arg5[%swap3A_929, %swap3A_930, %swap3A_931], %swap3A_934 {strides = array<i32>} : memref<1x4096x256xf32, #tpu.memory_space<vmem>>, vector<1x256x256xf32>,
      } else {
      }
      %le3A_860 = arith.constant 1 : i32
      %le3A_861 = arith.cmpi sle, %get3A_14, %le3A_860 : i32
      %ge3A_862 = arith.constant 1 : i32
      %ge3A_863 = arith.cmpi sge, %get3A_17, %ge3A_862 : i32
      %and3A_864 = arith.andi %le3A_861, %ge3A_863 : i1
      %gt3A_865 = arith.constant 128 : i32
      %gt3A_866 = arith.cmpi sgt, %mul3A_26, %gt3A_865 : i32
      %add3A_867 = arith.constant 256 : i32
      %add3A_868 = arith.addi %mul3A_26, %add3A_867 : i32
      %le3A_869 = arith.constant 128 : i32
      %le3A_870 = arith.cmpi sle, %add3A_868, %le3A_869 : i32
      %or3A_871 = arith.ori %gt3A_866, %le3A_870 : i1
      %and3A_872 = arith.andi %and3A_864, %or3A_871 : i1
      %convert_element_type3A_873 = arith.extui %and3A_872 : i1 to i32
      %cond3A_874 = arith.constant 0 : i32
      %cond3A_875 = arith.cmpi ne, %convert_element_type3A_873, %cond3A_874 : i32
      scf.if %cond3A_875 {
        %iota3A_908 = tpu.iota {dimensions = array<i32: 0>} : vector<128x1xi32>
        %add3A_909 = arith.constant 128 : i32
        %add3A_910 = vector.broadcast %add3A_909 : i32 to vector<128x1xi32>
        %add3A_911 = arith.addi %add3A_910, %iota3A_908 : vector<128x1xi32>
        %eq3A_912 = vector.broadcast %add3A_911 : vector<128x1xi32> to vector<128x256xi32>
        %eq3A_913 = vector.broadcast %get3A_22 : vector<1x256xi32> to vector<128x256xi32>
        %eq3A_914 = arith.cmpi eq, %eq3A_912, %eq3A_913 : vector<128x256xi32>
        %convert_element_type3A_915 = arith.extui %eq3A_914 : vector<128x256xi1> to vector<128x256xi32>
        %convert_element_type3A_916 = arith.sitofp %convert_element_type3A_915 : vector<128x256xi32> to vector<128x256xf32>
        %convert_element_type3A_917 = arith.truncf %convert_element_type3A_916 : vector<128x256xf32> to vector<128x256xbf16>
        %get3A_918 = arith.constant 128 : index
        %get3A_919 = arith.constant 0 : index
        %get3A_920 = vector.load %arg6[%get3A_918, %get3A_919] : memref<512x256xbf16, #tpu.memory_space<vmem>>, vector<128x256xbf16>
        %dot_general3A_921 = arith.constant dense<0.000000e+00> : vector<256x256xf32>
        %dot_general3A_922 = tpu.matmul %convert_element_type3A_917, %get3A_920, %dot_general3A_921 {dimension_numbers = #tpu.dot_dimension_numbers<[0], [0], [1], [1], [0, 1, 1, 1], [], []>, transpose_lhs_hint = false} : vector<128x256xbf16>, vector<128x256xbf16>, vector<256x256xf32> -> vector<256x256xf32>
        %get3A_923 = arith.constant 0 : index
        %get3A_924 = arith.constant 0 : index
        %get3A_925 = arith.constant 0 : index
        %get3A_926 = vector.load %arg5[%get3A_923, %get3A_924, %get3A_925] : memref<1x4096x256xf32, #tpu.memory_space<vmem>>, vector<1x256x256xf32>
        %get3A_927 = vector.shape_cast %get3A_926 : vector<1x256x256xf32> to vector<256x256xf32>
        %add3A_928 = arith.addf %get3A_927, %dot_general3A_922 : vector<256x256xf32>
        %swap3A_929 = arith.constant 0 : index
        %swap3A_930 = arith.constant 0 : index
        %swap3A_931 = arith.constant 0 : index
        %swap3A_932 = vector.load %arg5[%swap3A_929, %swap3A_930, %swap3A_931] : memref<1x4096x256xf32, #tpu.memory_space<vmem>>, vector<1x256x256xf32>
        %swap3A_933 = vector.shape_cast %swap3A_932 : vector<1x256x256xf32> to vector<256x256xf32>
        %swap3A_934 = vector.shape_cast %add3A_928 : vector<256x256xf32> to vector<1x256x256xf32>
        tpu.vector_store %arg5[%swap3A_929, %swap3A_930, %swap3A_931], %swap3A_934 {strides = array<i32>} : memref<1x4096x256xf32, #tpu.memory_space<vmem>>, vector<1x256x256xf32>,
      } else {
      }
      %le3A_876 = arith.constant 2 : i32
      %le3A_877 = arith.cmpi sle, %get3A_14, %le3A_876 : i32
      %ge3A_878 = arith.constant 2 : i32
      %ge3A_879 = arith.cmpi sge, %get3A_17, %ge3A_878 : i32
      %and3A_880 = arith.andi %le3A_877, %ge3A_879 : i1
      %gt3A_881 = arith.constant 256 : i32
      %gt3A_882 = arith.cmpi sgt, %mul3A_26, %gt3A_881 : i32
      %add3A_883 = arith.constant 256 : i32
      %add3A_884 = arith.addi %mul3A_26, %add3A_883 : i32
      %le3A_885 = arith.constant 256 : i32
      %le3A_886 = arith.cmpi sle, %add3A_884, %le3A_885 : i32
      %or3A_887 = arith.ori %gt3A_882, %le3A_886 : i1
      %and3A_888 = arith.andi %and3A_880, %or3A_887 : i1
      %convert_element_type3A_889 = arith.extui %and3A_888 : i1 to i32
      %cond3A_890 = arith.constant 0 : i32
      %cond3A_891 = arith.cmpi ne, %convert_element_type3A_889, %cond3A_890 : i32
      scf.if %cond3A_891 {
        %iota3A_908 = tpu.iota {dimensions = array<i32: 0>} : vector<128x1xi32>
        %add3A_909 = arith.constant 256 : i32
        %add3A_910 = vector.broadcast %add3A_909 : i32 to vector<128x1xi32>
        %add3A_911 = arith.addi %add3A_910, %iota3A_908 : vector<128x1xi32>
        %eq3A_912 = vector.broadcast %add3A_911 : vector<128x1xi32> to vector<128x256xi32>
        %eq3A_913 = vector.broadcast %get3A_22 : vector<1x256xi32> to vector<128x256xi32>
        %eq3A_914 = arith.cmpi eq, %eq3A_912, %eq3A_913 : vector<128x256xi32>
        %convert_element_type3A_915 = arith.extui %eq3A_914 : vector<128x256xi1> to vector<128x256xi32>
        %convert_element_type3A_916 = arith.sitofp %convert_element_type3A_915 : vector<128x256xi32> to vector<128x256xf32>
        %convert_element_type3A_917 = arith.truncf %convert_element_type3A_916 : vector<128x256xf32> to vector<128x256xbf16>
        %get3A_918 = arith.constant 256 : index
        %get3A_919 = arith.constant 0 : index
        %get3A_920 = vector.load %arg6[%get3A_918, %get3A_919] : memref<512x256xbf16, #tpu.memory_space<vmem>>, vector<128x256xbf16>
        %dot_general3A_921 = arith.constant dense<0.000000e+00> : vector<256x256xf32>
        %dot_general3A_922 = tpu.matmul %convert_element_type3A_917, %get3A_920, %dot_general3A_921 {dimension_numbers = #tpu.dot_dimension_numbers<[0], [0], [1], [1], [0, 1, 1, 1], [], []>, transpose_lhs_hint = false} : vector<128x256xbf16>, vector<128x256xbf16>, vector<256x256xf32> -> vector<256x256xf32>
        %get3A_923 = arith.constant 0 : index
        %get3A_924 = arith.constant 0 : index
        %get3A_925 = arith.constant 0 : index
        %get3A_926 = vector.load %arg5[%get3A_923, %get3A_924, %get3A_925] : memref<1x4096x256xf32, #tpu.memory_space<vmem>>, vector<1x256x256xf32>
        %get3A_927 = vector.shape_cast %get3A_926 : vector<1x256x256xf32> to vector<256x256xf32>
        %add3A_928 = arith.addf %get3A_927, %dot_general3A_922 : vector<256x256xf32>
        %swap3A_929 = arith.constant 0 : index
        %swap3A_930 = arith.constant 0 : index
        %swap3A_931 = arith.constant 0 : index
        %swap3A_932 = vector.load %arg5[%swap3A_929, %swap3A_930, %swap3A_931] : memref<1x4096x256xf32, #tpu.memory_space<vmem>>, vector<1x256x256xf32>
        %swap3A_933 = vector.shape_cast %swap3A_932 : vector<1x256x256xf32> to vector<256x256xf32>
        %swap3A_934 = vector.shape_cast %add3A_928 : vector<256x256xf32> to vector<1x256x256xf32>
        tpu.vector_store %arg5[%swap3A_929, %swap3A_930, %swap3A_931], %swap3A_934 {strides = array<i32>} : memref<1x4096x256xf32, #tpu.memory_space<vmem>>, vector<1x256x256xf32>,
      } else {
      }
      %le3A_892 = arith.constant 3 : i32
      %le3A_893 = arith.cmpi sle, %get3A_14, %le3A_892 : i32
      %ge3A_894 = arith.constant 3 : i32
      %ge3A_895 = arith.cmpi sge, %get3A_17, %ge3A_894 : i32
      %and3A_896 = arith.andi %le3A_893, %ge3A_895 : i1
      %gt3A_897 = arith.constant 384 : i32
      %gt3A_898 = arith.cmpi sgt, %mul3A_26, %gt3A_897 : i32
      %add3A_899 = arith.constant 256 : i32
      %add3A_900 = arith.addi %mul3A_26, %add3A_899 : i32
      %le3A_901 = arith.constant 384 : i32
      %le3A_902 = arith.cmpi sle, %add3A_900, %le3A_901 : i32
      %or3A_903 = arith.ori %gt3A_898, %le3A_902 : i1
      %and3A_904 = arith.andi %and3A_896, %or3A_903 : i1
      %convert_element_type3A_905 = arith.extui %and3A_904 : i1 to i32
      %cond3A_906 = arith.constant 0 : i32
      %cond3A_907 = arith.cmpi ne, %convert_element_type3A_905, %cond3A_906 : i32
      scf.if %cond3A_907 {
        %iota3A_908 = tpu.iota {dimensions = array<i32: 0>} : vector<128x1xi32>
        %add3A_909 = arith.constant 384 : i32
        %add3A_910 = vector.broadcast %add3A_909 : i32 to vector<128x1xi32>
        %add3A_911 = arith.addi %add3A_910, %iota3A_908 : vector<128x1xi32>
        %eq3A_912 = vector.broadcast %add3A_911 : vector<128x1xi32> to vector<128x256xi32>
        %eq3A_913 = vector.broadcast %get3A_22 : vector<1x256xi32> to vector<128x256xi32>
        %eq3A_914 = arith.cmpi eq, %eq3A_912, %eq3A_913 : vector<128x256xi32>
        %convert_element_type3A_915 = arith.extui %eq3A_914 : vector<128x256xi1> to vector<128x256xi32>
        %convert_element_type3A_916 = arith.sitofp %convert_element_type3A_915 : vector<128x256xi32> to vector<128x256xf32>
        %convert_element_type3A_917 = arith.truncf %convert_element_type3A_916 : vector<128x256xf32> to vector<128x256xbf16>
        %get3A_918 = arith.constant 384 : index
        %get3A_919 = arith.constant 0 : index
        %get3A_920 = vector.load %arg6[%get3A_918, %get3A_919] : memref<512x256xbf16, #tpu.memory_space<vmem>>, vector<128x256xbf16>
        %dot_general3A_921 = arith.constant dense<0.000000e+00> : vector<256x256xf32>
        %dot_general3A_922 = tpu.matmul %convert_element_type3A_917, %get3A_920, %dot_general3A_921 {dimension_numbers = #tpu.dot_dimension_numbers<[0], [0], [1], [1], [0, 1, 1, 1], [], []>, transpose_lhs_hint = false} : vector<128x256xbf16>, vector<128x256xbf16>, vector<256x256xf32> -> vector<256x256xf32>
        %get3A_923 = arith.constant 0 : index
        %get3A_924 = arith.constant 0 : index
        %get3A_925 = arith.constant 0 : index
        %get3A_926 = vector.load %arg5[%get3A_923, %get3A_924, %get3A_925] : memref<1x4096x256xf32, #tpu.memory_space<vmem>>, vector<1x256x256xf32>
        %get3A_927 = vector.shape_cast %get3A_926 : vector<1x256x256xf32> to vector<256x256xf32>
        %add3A_928 = arith.addf %get3A_927, %dot_general3A_922 : vector<256x256xf32>
        %swap3A_929 = arith.constant 0 : index
        %swap3A_930 = arith.constant 0 : index
        %swap3A_931 = arith.constant 0 : index
        %swap3A_932 = vector.load %arg5[%swap3A_929, %swap3A_930, %swap3A_931] : memref<1x4096x256xf32, #tpu.memory_space<vmem>>, vector<1x256x256xf32>
        %swap3A_933 = vector.shape_cast %swap3A_932 : vector<1x256x256xf32> to vector<256x256xf32>
        %swap3A_934 = vector.shape_cast %add3A_928 : vector<256x256xf32> to vector<1x256x256xf32>
        tpu.vector_store %arg5[%swap3A_929, %swap3A_930, %swap3A_931], %swap3A_934 {strides = array<i32>} : memref<1x4096x256xf32, #tpu.memory_space<vmem>>, vector<1x256x256xf32>,
      } else {
      }
    } else {
    }
    %mul3A_52 = arith.constant 4 : i32
    %mul3A_53 = arith.muli %arg0, %mul3A_52 : i32
    %add3A_54 = arith.constant 0 : i32
    %add3A_55 = arith.addi %mul3A_53, %add3A_54 : i32
    %get3A_56 = arith.index_cast %add3A_55 : i32 to index
    %get3A_57 = arith.constant 1 : index
    %get3A_58 = memref.load %arg1[%get3A_56, %get3A_57] : memref<32x16xi32, #tpu.memory_space<smem>>
    %get3A_59 = arith.index_cast %add3A_55 : i32 to index
    %get3A_60 = arith.constant 5 : index
    %get3A_61 = memref.load %arg1[%get3A_59, %get3A_60] : memref<32x16xi32, #tpu.memory_space<smem>>
    %get3A_62 = arith.constant 0 : index
    %get3A_63 = arith.constant 0 : index
    %get3A_64 = arith.constant 256 : index
    %get3A_65 = vector.load %arg2[%get3A_62, %get3A_63, %get3A_64] : memref<4x1x1024xi32, #tpu.memory_space<vmem>>, vector<1x1x256xi32>
    %get3A_66 = vector.shape_cast %get3A_65 : vector<1x1x256xi32> to vector<1x256xi32>
    %max3A_67 = arith.constant 0 : i32
    %max3A_68 = arith.maxsi %get3A_58, %max3A_67 : i32
    %min3A_69 = arith.constant 2 : i32
    %min3A_70 = arith.minsi %max3A_68, %min3A_69 : i32
    %mul3A_71 = arith.constant 128 : i32
    %mul3A_72 = arith.muli %min3A_70, %mul3A_71 : i32
    %iota3A_73 = tpu.iota {dimensions = array<i32: 0>} : vector<256x1xi32>
    %add3A_74 = vector.broadcast %mul3A_72 : i32 to vector<256x1xi32>
    %add3A_75 = arith.addi %add3A_74, %iota3A_73 : vector<256x1xi32>
    %eq3A_76 = vector.broadcast %add3A_75 : vector<256x1xi32> to vector<256x256xi32>
    %eq3A_77 = vector.broadcast %get3A_66 : vector<1x256xi32> to vector<256x256xi32>
    %eq3A_78 = arith.cmpi eq, %eq3A_76, %eq3A_77 : vector<256x256xi32>
    %convert_element_type3A_79 = arith.extui %eq3A_78 : vector<256x256xi1> to vector<256x256xi32>
    %convert_element_type3A_80 = arith.sitofp %convert_element_type3A_79 : vector<256x256xi32> to vector<256x256xf32>
    %convert_element_type3A_81 = arith.truncf %convert_element_type3A_80 : vector<256x256xf32> to vector<256x256xbf16>
    %get3A_82 = arith.index_cast %mul3A_72 : i32 to index
    %get3A_83 = arith.constant 0 : index
    %get3A_84 = vector.load %arg6[%get3A_82, %get3A_83] : memref<512x256xbf16, #tpu.memory_space<vmem>>, vector<256x256xbf16>
    %dot_general3A_85 = arith.constant dense<0.000000e+00> : vector<256x256xf32>
    %dot_general3A_86 = tpu.matmul %convert_element_type3A_81, %get3A_84, %dot_general3A_85 {dimension_numbers = #tpu.dot_dimension_numbers<[0], [0], [1], [1], [0, 1, 1, 1], [], []>, transpose_lhs_hint = false} : vector<256x256xbf16>, vector<256x256xbf16>, vector<256x256xf32> -> vector<256x256xf32>
    %swap3A_87 = arith.constant 0 : index
    %swap3A_88 = arith.constant 256 : index
    %swap3A_89 = arith.constant 0 : index
    %swap3A_90 = vector.load %arg5[%swap3A_87, %swap3A_88, %swap3A_89] : memref<1x4096x256xf32, #tpu.memory_space<vmem>>, vector<1x256x256xf32>
    %swap3A_91 = vector.shape_cast %swap3A_90 : vector<1x256x256xf32> to vector<256x256xf32>
    %swap3A_92 = vector.shape_cast %dot_general3A_86 : vector<256x256xf32> to vector<1x256x256xf32>
    tpu.vector_store %arg5[%swap3A_87, %swap3A_88, %swap3A_89], %swap3A_92 {strides = array<i32>} : memref<1x4096x256xf32, #tpu.memory_space<vmem>>, vector<1x256x256xf32>,
    %mul3A_93 = arith.constant 128 : i32
    %mul3A_94 = arith.muli %get3A_58, %mul3A_93 : i32
    %lt3A_95 = arith.cmpi slt, %mul3A_94, %mul3A_72 : i32
    %mul3A_96 = arith.constant 128 : i32
    %mul3A_97 = arith.muli %get3A_61, %mul3A_96 : i32
    %add3A_98 = arith.constant 256 : i32
    %add3A_99 = arith.addi %mul3A_72, %add3A_98 : i32
    %ge3A_100 = arith.cmpi sge, %mul3A_97, %add3A_99 : i32
    %or3A_101 = arith.ori %lt3A_95, %ge3A_100 : i1
    %convert_element_type3A_102 = arith.extui %or3A_101 : i1 to i32
    %cond3A_103 = arith.constant 0 : i32
    %cond3A_104 = arith.cmpi ne, %convert_element_type3A_102, %cond3A_103 : i32
    scf.if %cond3A_104 {
      %le3A = arith.constant 0 : i32
      %le3A_847 = arith.cmpi sle, %get3A_58, %le3A : i32
      %ge3A_848 = arith.constant 0 : i32
      %ge3A_849 = arith.cmpi sge, %get3A_61, %ge3A_848 : i32
      %and3A = arith.andi %le3A_847, %ge3A_849 : i1
      %gt3A = arith.constant 0 : i32
      %gt3A_850 = arith.cmpi sgt, %mul3A_72, %gt3A : i32
      %add3A_851 = arith.constant 256 : i32
      %add3A_852 = arith.addi %mul3A_72, %add3A_851 : i32
      %le3A_853 = arith.constant 0 : i32
      %le3A_854 = arith.cmpi sle, %add3A_852, %le3A_853 : i32
      %or3A_855 = arith.ori %gt3A_850, %le3A_854 : i1
      %and3A_856 = arith.andi %and3A, %or3A_855 : i1
      %convert_element_type3A_857 = arith.extui %and3A_856 : i1 to i32
      %cond3A_858 = arith.constant 0 : i32
      %cond3A_859 = arith.cmpi ne, %convert_element_type3A_857, %cond3A_858 : i32
      scf.if %cond3A_859 {
        %iota3A_908 = tpu.iota {dimensions = array<i32: 0>} : vector<128x1xi32>
        %add3A_909 = arith.constant 0 : i32
        %add3A_910 = vector.broadcast %add3A_909 : i32 to vector<128x1xi32>
        %add3A_911 = arith.addi %add3A_910, %iota3A_908 : vector<128x1xi32>
        %eq3A_912 = vector.broadcast %add3A_911 : vector<128x1xi32> to vector<128x256xi32>
        %eq3A_913 = vector.broadcast %get3A_66 : vector<1x256xi32> to vector<128x256xi32>
        %eq3A_914 = arith.cmpi eq, %eq3A_912, %eq3A_913 : vector<128x256xi32>
        %convert_element_type3A_915 = arith.extui %eq3A_914 : vector<128x256xi1> to vector<128x256xi32>
        %convert_element_type3A_916 = arith.sitofp %convert_element_type3A_915 : vector<128x256xi32> to vector<128x256xf32>
        %convert_element_type3A_917 = arith.truncf %convert_element_type3A_916 : vector<128x256xf32> to vector<128x256xbf16>
        %get3A_918 = arith.constant 0 : index
        %get3A_919 = arith.constant 0 : index
        %get3A_920 = vector.load %arg6[%get3A_918, %get3A_919] : memref<512x256xbf16, #tpu.memory_space<vmem>>, vector<128x256xbf16>
        %dot_general3A_921 = arith.constant dense<0.000000e+00> : vector<256x256xf32>
        %dot_general3A_922 = tpu.matmul %convert_element_type3A_917, %get3A_920, %dot_general3A_921 {dimension_numbers = #tpu.dot_dimension_numbers<[0], [0], [1], [1], [0, 1, 1, 1], [], []>, transpose_lhs_hint = false} : vector<128x256xbf16>, vector<128x256xbf16>, vector<256x256xf32> -> vector<256x256xf32>
        %get3A_923 = arith.constant 0 : index
        %get3A_924 = arith.constant 256 : index
        %get3A_925 = arith.constant 0 : index
        %get3A_926 = vector.load %arg5[%get3A_923, %get3A_924, %get3A_925] : memref<1x4096x256xf32, #tpu.memory_space<vmem>>, vector<1x256x256xf32>
        %get3A_927 = vector.shape_cast %get3A_926 : vector<1x256x256xf32> to vector<256x256xf32>
        %add3A_928 = arith.addf %get3A_927, %dot_general3A_922 : vector<256x256xf32>
        %swap3A_929 = arith.constant 0 : index
        %swap3A_930 = arith.constant 256 : index
        %swap3A_931 = arith.constant 0 : index
        %swap3A_932 = vector.load %arg5[%swap3A_929, %swap3A_930, %swap3A_931] : memref<1x4096x256xf32, #tpu.memory_space<vmem>>, vector<1x256x256xf32>
        %swap3A_933 = vector.shape_cast %swap3A_932 : vector<1x256x256xf32> to vector<256x256xf32>
        %swap3A_934 = vector.shape_cast %add3A_928 : vector<256x256xf32> to vector<1x256x256xf32>
        tpu.vector_store %arg5[%swap3A_929, %swap3A_930, %swap3A_931], %swap3A_934 {strides = array<i32>} : memref<1x4096x256xf32, #tpu.memory_space<vmem>>, vector<1x256x256xf32>,
      } else {
      }
      %le3A_860 = arith.constant 1 : i32
      %le3A_861 = arith.cmpi sle, %get3A_58, %le3A_860 : i32
      %ge3A_862 = arith.constant 1 : i32
      %ge3A_863 = arith.cmpi sge, %get3A_61, %ge3A_862 : i32
      %and3A_864 = arith.andi %le3A_861, %ge3A_863 : i1
      %gt3A_865 = arith.constant 128 : i32
      %gt3A_866 = arith.cmpi sgt, %mul3A_72, %gt3A_865 : i32
      %add3A_867 = arith.constant 256 : i32
      %add3A_868 = arith.addi %mul3A_72, %add3A_867 : i32
      %le3A_869 = arith.constant 128 : i32
      %le3A_870 = arith.cmpi sle, %add3A_868, %le3A_869 : i32
      %or3A_871 = arith.ori %gt3A_866, %le3A_870 : i1
      %and3A_872 = arith.andi %and3A_864, %or3A_871 : i1
      %convert_element_type3A_873 = arith.extui %and3A_872 : i1 to i32
      %cond3A_874 = arith.constant 0 : i32
      %cond3A_875 = arith.cmpi ne, %convert_element_type3A_873, %cond3A_874 : i32
      scf.if %cond3A_875 {
        %iota3A_908 = tpu.iota {dimensions = array<i32: 0>} : vector<128x1xi32>
        %add3A_909 = arith.constant 128 : i32
        %add3A_910 = vector.broadcast %add3A_909 : i32 to vector<128x1xi32>
        %add3A_911 = arith.addi %add3A_910, %iota3A_908 : vector<128x1xi32>
        %eq3A_912 = vector.broadcast %add3A_911 : vector<128x1xi32> to vector<128x256xi32>
        %eq3A_913 = vector.broadcast %get3A_66 : vector<1x256xi32> to vector<128x256xi32>
        %eq3A_914 = arith.cmpi eq, %eq3A_912, %eq3A_913 : vector<128x256xi32>
        %convert_element_type3A_915 = arith.extui %eq3A_914 : vector<128x256xi1> to vector<128x256xi32>
        %convert_element_type3A_916 = arith.sitofp %convert_element_type3A_915 : vector<128x256xi32> to vector<128x256xf32>
        %convert_element_type3A_917 = arith.truncf %convert_element_type3A_916 : vector<128x256xf32> to vector<128x256xbf16>
        %get3A_918 = arith.constant 128 : index
        %get3A_919 = arith.constant 0 : index
        %get3A_920 = vector.load %arg6[%get3A_918, %get3A_919] : memref<512x256xbf16, #tpu.memory_space<vmem>>, vector<128x256xbf16>
        %dot_general3A_921 = arith.constant dense<0.000000e+00> : vector<256x256xf32>
        %dot_general3A_922 = tpu.matmul %convert_element_type3A_917, %get3A_920, %dot_general3A_921 {dimension_numbers = #tpu.dot_dimension_numbers<[0], [0], [1], [1], [0, 1, 1, 1], [], []>, transpose_lhs_hint = false} : vector<128x256xbf16>, vector<128x256xbf16>, vector<256x256xf32> -> vector<256x256xf32>
        %get3A_923 = arith.constant 0 : index
        %get3A_924 = arith.constant 256 : index
        %get3A_925 = arith.constant 0 : index
        %get3A_926 = vector.load %arg5[%get3A_923, %get3A_924, %get3A_925] : memref<1x4096x256xf32, #tpu.memory_space<vmem>>, vector<1x256x256xf32>
        %get3A_927 = vector.shape_cast %get3A_926 : vector<1x256x256xf32> to vector<256x256xf32>
        %add3A_928 = arith.addf %get3A_927, %dot_general3A_922 : vector<256x256xf32>
        %swap3A_929 = arith.constant 0 : index
        %swap3A_930 = arith.constant 256 : index
        %swap3A_931 = arith.constant 0 : index
        %swap3A_932 = vector.load %arg5[%swap3A_929, %swap3A_930, %swap3A_931] : memref<1x4096x256xf32, #tpu.memory_space<vmem>>, vector<1x256x256xf32>
        %swap3A_933 = vector.shape_cast %swap3A_932 : vector<1x256x256xf32> to vector<256x256xf32>
        %swap3A_934 = vector.shape_cast %add3A_928 : vector<256x256xf32> to vector<1x256x256xf32>
        tpu.vector_store %arg5[%swap3A_929, %swap3A_930, %swap3A_931], %swap3A_934 {strides = array<i32>} : memref<1x4096x256xf32, #tpu.memory_space<vmem>>, vector<1x256x256xf32>,
      } else {
      }
      %le3A_876 = arith.constant 2 : i32
      %le3A_877 = arith.cmpi sle, %get3A_58, %le3A_876 : i32
      %ge3A_878 = arith.constant 2 : i32
      %ge3A_879 = arith.cmpi sge, %get3A_61, %ge3A_878 : i32
      %and3A_880 = arith.andi %le3A_877, %ge3A_879 : i1
      %gt3A_881 = arith.constant 256 : i32
      %gt3A_882 = arith.cmpi sgt, %mul3A_72, %gt3A_881 : i32
      %add3A_883 = arith.constant 256 : i32
      %add3A_884 = arith.addi %mul3A_72, %add3A_883 : i32
      %le3A_885 = arith.constant 256 : i32
      %le3A_886 = arith.cmpi sle, %add3A_884, %le3A_885 : i32
      %or3A_887 = arith.ori %gt3A_882, %le3A_886 : i1
      %and3A_888 = arith.andi %and3A_880, %or3A_887 : i1
      %convert_element_type3A_889 = arith.extui %and3A_888 : i1 to i32
      %cond3A_890 = arith.constant 0 : i32
      %cond3A_891 = arith.cmpi ne, %convert_element_type3A_889, %cond3A_890 : i32
      scf.if %cond3A_891 {
        %iota3A_908 = tpu.iota {dimensions = array<i32: 0>} : vector<128x1xi32>
        %add3A_909 = arith.constant 256 : i32
        %add3A_910 = vector.broadcast %add3A_909 : i32 to vector<128x1xi32>
        %add3A_911 = arith.addi %add3A_910, %iota3A_908 : vector<128x1xi32>
        %eq3A_912 = vector.broadcast %add3A_911 : vector<128x1xi32> to vector<128x256xi32>
        %eq3A_913 = vector.broadcast %get3A_66 : vector<1x256xi32> to vector<128x256xi32>
        %eq3A_914 = arith.cmpi eq, %eq3A_912, %eq3A_913 : vector<128x256xi32>
        %convert_element_type3A_915 = arith.extui %eq3A_914 : vector<128x256xi1> to vector<128x256xi32>
        %convert_element_type3A_916 = arith.sitofp %convert_element_type3A_915 : vector<128x256xi32> to vector<128x256xf32>
        %convert_element_type3A_917 = arith.truncf %convert_element_type3A_916 : vector<128x256xf32> to vector<128x256xbf16>
        %get3A_918 = arith.constant 256 : index
        %get3A_919 = arith.constant 0 : index
        %get3A_920 = vector.load %arg6[%get3A_918, %get3A_919] : memref<512x256xbf16, #tpu.memory_space<vmem>>, vector<128x256xbf16>
        %dot_general3A_921 = arith.constant dense<0.000000e+00> : vector<256x256xf32>
        %dot_general3A_922 = tpu.matmul %convert_element_type3A_917, %get3A_920, %dot_general3A_921 {dimension_numbers = #tpu.dot_dimension_numbers<[0], [0], [1], [1], [0, 1, 1, 1], [], []>, transpose_lhs_hint = false} : vector<128x256xbf16>, vector<128x256xbf16>, vector<256x256xf32> -> vector<256x256xf32>
        %get3A_923 = arith.constant 0 : index
        %get3A_924 = arith.constant 256 : index
        %get3A_925 = arith.constant 0 : index
        %get3A_926 = vector.load %arg5[%get3A_923, %get3A_924, %get3A_925] : memref<1x4096x256xf32, #tpu.memory_space<vmem>>, vector<1x256x256xf32>
        %get3A_927 = vector.shape_cast %get3A_926 : vector<1x256x256xf32> to vector<256x256xf32>
        %add3A_928 = arith.addf %get3A_927, %dot_general3A_922 : vector<256x256xf32>
        %swap3A_929 = arith.constant 0 : index
        %swap3A_930 = arith.constant 256 : index
        %swap3A_931 = arith.constant 0 : index
        %swap3A_932 = vector.load %arg5[%swap3A_929, %swap3A_930, %swap3A_931] : memref<1x4096x256xf32, #tpu.memory_space<vmem>>, vector<1x256x256xf32>
        %swap3A_933 = vector.shape_cast %swap3A_932 : vector<1x256x256xf32> to vector<256x256xf32>
        %swap3A_934 = vector.shape_cast %add3A_928 : vector<256x256xf32> to vector<1x256x256xf32>
        tpu.vector_store %arg5[%swap3A_929, %swap3A_930, %swap3A_931], %swap3A_934 {strides = array<i32>} : memref<1x4096x256xf32, #tpu.memory_space<vmem>>, vector<1x256x256xf32>,
      } else {
      }
      %le3A_892 = arith.constant 3 : i32
      %le3A_893 = arith.cmpi sle, %get3A_58, %le3A_892 : i32
      %ge3A_894 = arith.constant 3 : i32
      %ge3A_895 = arith.cmpi sge, %get3A_61, %ge3A_894 : i32
      %and3A_896 = arith.andi %le3A_893, %ge3A_895 : i1
      %gt3A_897 = arith.constant 384 : i32
      %gt3A_898 = arith.cmpi sgt, %mul3A_72, %gt3A_897 : i32
      %add3A_899 = arith.constant 256 : i32
      %add3A_900 = arith.addi %mul3A_72, %add3A_899 : i32
      %le3A_901 = arith.constant 384 : i32
      %le3A_902 = arith.cmpi sle, %add3A_900, %le3A_901 : i32
      %or3A_903 = arith.ori %gt3A_898, %le3A_902 : i1
      %and3A_904 = arith.andi %and3A_896, %or3A_903 : i1
      %convert_element_type3A_905 = arith.extui %and3A_904 : i1 to i32
      %cond3A_906 = arith.constant 0 : i32
      %cond3A_907 = arith.cmpi ne, %convert_element_type3A_905, %cond3A_906 : i32
      scf.if %cond3A_907 {
        %iota3A_908 = tpu.iota {dimensions = array<i32: 0>} : vector<128x1xi32>
        %add3A_909 = arith.constant 384 : i32
        %add3A_910 = vector.broadcast %add3A_909 : i32 to vector<128x1xi32>
        %add3A_911 = arith.addi %add3A_910, %iota3A_908 : vector<128x1xi32>
        %eq3A_912 = vector.broadcast %add3A_911 : vector<128x1xi32> to vector<128x256xi32>
        %eq3A_913 = vector.broadcast %get3A_66 : vector<1x256xi32> to vector<128x256xi32>
        %eq3A_914 = arith.cmpi eq, %eq3A_912, %eq3A_913 : vector<128x256xi32>
        %convert_element_type3A_915 = arith.extui %eq3A_914 : vector<128x256xi1> to vector<128x256xi32>
        %convert_element_type3A_916 = arith.sitofp %convert_element_type3A_915 : vector<128x256xi32> to vector<128x256xf32>
        %convert_element_type3A_917 = arith.truncf %convert_element_type3A_916 : vector<128x256xf32> to vector<128x256xbf16>
        %get3A_918 = arith.constant 384 : index
        %get3A_919 = arith.constant 0 : index
        %get3A_920 = vector.load %arg6[%get3A_918, %get3A_919] : memref<512x256xbf16, #tpu.memory_space<vmem>>, vector<128x256xbf16>
        %dot_general3A_921 = arith.constant dense<0.000000e+00> : vector<256x256xf32>
        %dot_general3A_922 = tpu.matmul %convert_element_type3A_917, %get3A_920, %dot_general3A_921 {dimension_numbers = #tpu.dot_dimension_numbers<[0], [0], [1], [1], [0, 1, 1, 1], [], []>, transpose_lhs_hint = false} : vector<128x256xbf16>, vector<128x256xbf16>, vector<256x256xf32> -> vector<256x256xf32>
        %get3A_923 = arith.constant 0 : index
        %get3A_924 = arith.constant 256 : index
        %get3A_925 = arith.constant 0 : index
        %get3A_926 = vector.load %arg5[%get3A_923, %get3A_924, %get3A_925] : memref<1x4096x256xf32, #tpu.memory_space<vmem>>, vector<1x256x256xf32>
        %get3A_927 = vector.shape_cast %get3A_926 : vector<1x256x256xf32> to vector<256x256xf32>
        %add3A_928 = arith.addf %get3A_927, %dot_general3A_922 : vector<256x256xf32>
        %swap3A_929 = arith.constant 0 : index
        %swap3A_930 = arith.constant 256 : index
        %swap3A_931 = arith.constant 0 : index
        %swap3A_932 = vector.load %arg5[%swap3A_929, %swap3A_930, %swap3A_931] : memref<1x4096x256xf32, #tpu.memory_space<vmem>>, vector<1x256x256xf32>
        %swap3A_933 = vector.shape_cast %swap3A_932 : vector<1x256x256xf32> to vector<256x256xf32>
        %swap3A_934 = vector.shape_cast %add3A_928 : vector<256x256xf32> to vector<1x256x256xf32>
        tpu.vector_store %arg5[%swap3A_929, %swap3A_930, %swap3A_931], %swap3A_934 {strides = array<i32>} : memref<1x4096x256xf32, #tpu.memory_space<vmem>>, vector<1x256x256xf32>,
      } else {
      }
    } else {
    }
    %mul3A_105 = arith.constant 4 : i32
    %mul3A_106 = arith.muli %arg0, %mul3A_105 : i32
    %add3A_107 = arith.constant 0 : i32
    %add3A_108 = arith.addi %mul3A_106, %add3A_107 : i32
    %get3A_109 = arith.index_cast %add3A_108 : i32 to index
    %get3A_110 = arith.constant 2 : index
    %get3A_111 = memref.load %arg1[%get3A_109, %get3A_110] : memref<32x16xi32, #tpu.memory_space<smem>>
    %get3A_112 = arith.index_cast %add3A_108 : i32 to index
    %get3A_113 = arith.constant 6 : index
    %get3A_114 = memref.load %arg1[%get3A_112, %get3A_113] : memref<32x16xi32, #tpu.memory_space<smem>>
    %get3A_115 = arith.constant 0 : index
    %get3A_116 = arith.constant 0 : index
    %get3A_117 = arith.constant 512 : index
    %get3A_118 = vector.load %arg2[%get3A_115, %get3A_116, %get3A_117] : memref<4x1x1024xi32, #tpu.memory_space<vmem>>, vector<1x1x256xi32>
    %get3A_119 = vector.shape_cast %get3A_118 : vector<1x1x256xi32> to vector<1x256xi32>
    %max3A_120 = arith.constant 0 : i32
    %max3A_121 = arith.maxsi %get3A_111, %max3A_120 : i32
    %min3A_122 = arith.constant 2 : i32
    %min3A_123 = arith.minsi %max3A_121, %min3A_122 : i32
    %mul3A_124 = arith.constant 128 : i32
    %mul3A_125 = arith.muli %min3A_123, %mul3A_124 : i32
    %iota3A_126 = tpu.iota {dimensions = array<i32: 0>} : vector<256x1xi32>
    %add3A_127 = vector.broadcast %mul3A_125 : i32 to vector<256x1xi32>
    %add3A_128 = arith.addi %add3A_127, %iota3A_126 : vector<256x1xi32>
    %eq3A_129 = vector.broadcast %add3A_128 : vector<256x1xi32> to vector<256x256xi32>
    %eq3A_130 = vector.broadcast %get3A_119 : vector<1x256xi32> to vector<256x256xi32>
    %eq3A_131 = arith.cmpi eq, %eq3A_129, %eq3A_130 : vector<256x256xi32>
    %convert_element_type3A_132 = arith.extui %eq3A_131 : vector<256x256xi1> to vector<256x256xi32>
    %convert_element_type3A_133 = arith.sitofp %convert_element_type3A_132 : vector<256x256xi32> to vector<256x256xf32>
    %convert_element_type3A_134 = arith.truncf %convert_element_type3A_133 : vector<256x256xf32> to vector<256x256xbf16>
    %get3A_135 = arith.index_cast %mul3A_125 : i32 to index
    %get3A_136 = arith.constant 0 : index
    %get3A_137 = vector.load %arg6[%get3A_135, %get3A_136] : memref<512x256xbf16, #tpu.memory_space<vmem>>, vector<256x256xbf16>
    %dot_general3A_138 = arith.constant dense<0.000000e+00> : vector<256x256xf32>
    %dot_general3A_139 = tpu.matmul %convert_element_type3A_134, %get3A_137, %dot_general3A_138 {dimension_numbers = #tpu.dot_dimension_numbers<[0], [0], [1], [1], [0, 1, 1, 1], [], []>, transpose_lhs_hint = false} : vector<256x256xbf16>, vector<256x256xbf16>, vector<256x256xf32> -> vector<256x256xf32>
    %swap3A_140 = arith.constant 0 : index
    %swap3A_141 = arith.constant 512 : index
    %swap3A_142 = arith.constant 0 : index
    %swap3A_143 = vector.load %arg5[%swap3A_140, %swap3A_141, %swap3A_142] : memref<1x4096x256xf32, #tpu.memory_space<vmem>>, vector<1x256x256xf32>
    %swap3A_144 = vector.shape_cast %swap3A_143 : vector<1x256x256xf32> to vector<256x256xf32>
    %swap3A_145 = vector.shape_cast %dot_general3A_139 : vector<256x256xf32> to vector<1x256x256xf32>
    tpu.vector_store %arg5[%swap3A_140, %swap3A_141, %swap3A_142], %swap3A_145 {strides = array<i32>} : memref<1x4096x256xf32, #tpu.memory_space<vmem>>, vector<1x256x256xf32>,
    %mul3A_146 = arith.constant 128 : i32
    %mul3A_147 = arith.muli %get3A_111, %mul3A_146 : i32
    %lt3A_148 = arith.cmpi slt, %mul3A_147, %mul3A_125 : i32
    %mul3A_149 = arith.constant 128 : i32
    %mul3A_150 = arith.muli %get3A_114, %mul3A_149 : i32
    %add3A_151 = arith.constant 256 : i32
    %add3A_152 = arith.addi %mul3A_125, %add3A_151 : i32
    %ge3A_153 = arith.cmpi sge, %mul3A_150, %add3A_152 : i32
    %or3A_154 = arith.ori %lt3A_148, %ge3A_153 : i1
    %convert_element_type3A_155 = arith.extui %or3A_154 : i1 to i32
    %cond3A_156 = arith.constant 0 : i32
    %cond3A_157 = arith.cmpi ne, %convert_element_type3A_155, %cond3A_156 : i32
    scf.if %cond3A_157 {
      %le3A = arith.constant 0 : i32
      %le3A_847 = arith.cmpi sle, %get3A_111, %le3A : i32
      %ge3A_848 = arith.constant 0 : i32
      %ge3A_849 = arith.cmpi sge, %get3A_114, %ge3A_848 : i32
      %and3A = arith.andi %le3A_847, %ge3A_849 : i1
      %gt3A = arith.constant 0 : i32
      %gt3A_850 = arith.cmpi sgt, %mul3A_125, %gt3A : i32
      %add3A_851 = arith.constant 256 : i32
      %add3A_852 = arith.addi %mul3A_125, %add3A_851 : i32
      %le3A_853 = arith.constant 0 : i32
      %le3A_854 = arith.cmpi sle, %add3A_852, %le3A_853 : i32
      %or3A_855 = arith.ori %gt3A_850, %le3A_854 : i1
      %and3A_856 = arith.andi %and3A, %or3A_855 : i1
      %convert_element_type3A_857 = arith.extui %and3A_856 : i1 to i32
      %cond3A_858 = arith.constant 0 : i32
      %cond3A_859 = arith.cmpi ne, %convert_element_type3A_857, %cond3A_858 : i32
      scf.if %cond3A_859 {
        %iota3A_908 = tpu.iota {dimensions = array<i32: 0>} : vector<128x1xi32>
        %add3A_909 = arith.constant 0 : i32
        %add3A_910 = vector.broadcast %add3A_909 : i32 to vector<128x1xi32>
        %add3A_911 = arith.addi %add3A_910, %iota3A_908 : vector<128x1xi32>
        %eq3A_912 = vector.broadcast %add3A_911 : vector<128x1xi32> to vector<128x256xi32>
        %eq3A_913 = vector.broadcast %get3A_119 : vector<1x256xi32> to vector<128x256xi32>
        %eq3A_914 = arith.cmpi eq, %eq3A_912, %eq3A_913 : vector<128x256xi32>
        %convert_element_type3A_915 = arith.extui %eq3A_914 : vector<128x256xi1> to vector<128x256xi32>
        %convert_element_type3A_916 = arith.sitofp %convert_element_type3A_915 : vector<128x256xi32> to vector<128x256xf32>
        %convert_element_type3A_917 = arith.truncf %convert_element_type3A_916 : vector<128x256xf32> to vector<128x256xbf16>
        %get3A_918 = arith.constant 0 : index
        %get3A_919 = arith.constant 0 : index
        %get3A_920 = vector.load %arg6[%get3A_918, %get3A_919] : memref<512x256xbf16, #tpu.memory_space<vmem>>, vector<128x256xbf16>
        %dot_general3A_921 = arith.constant dense<0.000000e+00> : vector<256x256xf32>
        %dot_general3A_922 = tpu.matmul %convert_element_type3A_917, %get3A_920, %dot_general3A_921 {dimension_numbers = #tpu.dot_dimension_numbers<[0], [0], [1], [1], [0, 1, 1, 1], [], []>, transpose_lhs_hint = false} : vector<128x256xbf16>, vector<128x256xbf16>, vector<256x256xf32> -> vector<256x256xf32>
        %get3A_923 = arith.constant 0 : index
        %get3A_924 = arith.constant 512 : index
        %get3A_925 = arith.constant 0 : index
        %get3A_926 = vector.load %arg5[%get3A_923, %get3A_924, %get3A_925] : memref<1x4096x256xf32, #tpu.memory_space<vmem>>, vector<1x256x256xf32>
        %get3A_927 = vector.shape_cast %get3A_926 : vector<1x256x256xf32> to vector<256x256xf32>
        %add3A_928 = arith.addf %get3A_927, %dot_general3A_922 : vector<256x256xf32>
        %swap3A_929 = arith.constant 0 : index
        %swap3A_930 = arith.constant 512 : index
        %swap3A_931 = arith.constant 0 : index
        %swap3A_932 = vector.load %arg5[%swap3A_929, %swap3A_930, %swap3A_931] : memref<1x4096x256xf32, #tpu.memory_space<vmem>>, vector<1x256x256xf32>
        %swap3A_933 = vector.shape_cast %swap3A_932 : vector<1x256x256xf32> to vector<256x256xf32>
        %swap3A_934 = vector.shape_cast %add3A_928 : vector<256x256xf32> to vector<1x256x256xf32>
        tpu.vector_store %arg5[%swap3A_929, %swap3A_930, %swap3A_931], %swap3A_934 {strides = array<i32>} : memref<1x4096x256xf32, #tpu.memory_space<vmem>>, vector<1x256x256xf32>,
      } else {
      }
      %le3A_860 = arith.constant 1 : i32
      %le3A_861 = arith.cmpi sle, %get3A_111, %le3A_860 : i32
      %ge3A_862 = arith.constant 1 : i32
      %ge3A_863 = arith.cmpi sge, %get3A_114, %ge3A_862 : i32
      %and3A_864 = arith.andi %le3A_861, %ge3A_863 : i1
      %gt3A_865 = arith.constant 128 : i32
      %gt3A_866 = arith.cmpi sgt, %mul3A_125, %gt3A_865 : i32
      %add3A_867 = arith.constant 256 : i32
      %add3A_868 = arith.addi %mul3A_125, %add3A_867 : i32
      %le3A_869 = arith.constant 128 : i32
      %le3A_870 = arith.cmpi sle, %add3A_868, %le3A_869 : i32
      %or3A_871 = arith.ori %gt3A_866, %le3A_870 : i1
      %and3A_872 = arith.andi %and3A_864, %or3A_871 : i1
      %convert_element_type3A_873 = arith.extui %and3A_872 : i1 to i32
      %cond3A_874 = arith.constant 0 : i32
      %cond3A_875 = arith.cmpi ne, %convert_element_type3A_873, %cond3A_874 : i32
      scf.if %cond3A_875 {
        %iota3A_908 = tpu.iota {dimensions = array<i32: 0>} : vector<128x1xi32>
        %add3A_909 = arith.constant 128 : i32
        %add3A_910 = vector.broadcast %add3A_909 : i32 to vector<128x1xi32>
        %add3A_911 = arith.addi %add3A_910, %iota3A_908 : vector<128x1xi32>
        %eq3A_912 = vector.broadcast %add3A_911 : vector<128x1xi32> to vector<128x256xi32>
        %eq3A_913 = vector.broadcast %get3A_119 : vector<1x256xi32> to vector<128x256xi32>
        %eq3A_914 = arith.cmpi eq, %eq3A_912, %eq3A_913 : vector<128x256xi32>
        %convert_element_type3A_915 = arith.extui %eq3A_914 : vector<128x256xi1> to vector<128x256xi32>
        %convert_element_type3A_916 = arith.sitofp %convert_element_type3A_915 : vector<128x256xi32> to vector<128x256xf32>
        %convert_element_type3A_917 = arith.truncf %convert_element_type3A_916 : vector<128x256xf32> to vector<128x256xbf16>
        %get3A_918 = arith.constant 128 : index
        %get3A_919 = arith.constant 0 : index
        %get3A_920 = vector.load %arg6[%get3A_918, %get3A_919] : memref<512x256xbf16, #tpu.memory_space<vmem>>, vector<128x256xbf16>
        %dot_general3A_921 = arith.constant dense<0.000000e+00> : vector<256x256xf32>
        %dot_general3A_922 = tpu.matmul %convert_element_type3A_917, %get3A_920, %dot_general3A_921 {dimension_numbers = #tpu.dot_dimension_numbers<[0], [0], [1], [1], [0, 1, 1, 1], [], []>, transpose_lhs_hint = false} : vector<128x256xbf16>, vector<128x256xbf16>, vector<256x256xf32> -> vector<256x256xf32>
        %get3A_923 = arith.constant 0 : index
        %get3A_924 = arith.constant 512 : index
        %get3A_925 = arith.constant 0 : index
        %get3A_926 = vector.load %arg5[%get3A_923, %get3A_924, %get3A_925] : memref<1x4096x256xf32, #tpu.memory_space<vmem>>, vector<1x256x256xf32>
        %get3A_927 = vector.shape_cast %get3A_926 : vector<1x256x256xf32> to vector<256x256xf32>
        %add3A_928 = arith.addf %get3A_927, %dot_general3A_922 : vector<256x256xf32>
        %swap3A_929 = arith.constant 0 : index
        %swap3A_930 = arith.constant 512 : index
        %swap3A_931 = arith.constant 0 : index
        %swap3A_932 = vector.load %arg5[%swap3A_929, %swap3A_930, %swap3A_931] : memref<1x4096x256xf32, #tpu.memory_space<vmem>>, vector<1x256x256xf32>
        %swap3A_933 = vector.shape_cast %swap3A_932 : vector<1x256x256xf32> to vector<256x256xf32>
        %swap3A_934 = vector.shape_cast %add3A_928 : vector<256x256xf32> to vector<1x256x256xf32>
        tpu.vector_store %arg5[%swap3A_929, %swap3A_930, %swap3A_931], %swap3A_934 {strides = array<i32>} : memref<1x4096x256xf32, #tpu.memory_space<vmem>>, vector<1x256x256xf32>,
      } else {
      }
      %le3A_876 = arith.constant 2 : i32
      %le3A_877 = arith.cmpi sle, %get3A_111, %le3A_876 : i32
      %ge3A_878 = arith.constant 2 : i32
      %ge3A_879 = arith.cmpi sge, %get3A_114, %ge3A_878 : i32
      %and3A_880 = arith.andi %le3A_877, %ge3A_879 : i1
      %gt3A_881 = arith.constant 256 : i32
      %gt3A_882 = arith.cmpi sgt, %mul3A_125, %gt3A_881 : i32
      %add3A_883 = arith.constant 256 : i32
      %add3A_884 = arith.addi %mul3A_125, %add3A_883 : i32
      %le3A_885 = arith.constant 256 : i32
      %le3A_886 = arith.cmpi sle, %add3A_884, %le3A_885 : i32
      %or3A_887 = arith.ori %gt3A_882, %le3A_886 : i1
      %and3A_888 = arith.andi %and3A_880, %or3A_887 : i1
      %convert_element_type3A_889 = arith.extui %and3A_888 : i1 to i32
      %cond3A_890 = arith.constant 0 : i32
      %cond3A_891 = arith.cmpi ne, %convert_element_type3A_889, %cond3A_890 : i32
      scf.if %cond3A_891 {
        %iota3A_908 = tpu.iota {dimensions = array<i32: 0>} : vector<128x1xi32>
        %add3A_909 = arith.constant 256 : i32
        %add3A_910 = vector.broadcast %add3A_909 : i32 to vector<128x1xi32>
        %add3A_911 = arith.addi %add3A_910, %iota3A_908 : vector<128x1xi32>
        %eq3A_912 = vector.broadcast %add3A_911 : vector<128x1xi32> to vector<128x256xi32>
        %eq3A_913 = vector.broadcast %get3A_119 : vector<1x256xi32> to vector<128x256xi32>
        %eq3A_914 = arith.cmpi eq, %eq3A_912, %eq3A_913 : vector<128x256xi32>
        %convert_element_type3A_915 = arith.extui %eq3A_914 : vector<128x256xi1> to vector<128x256xi32>
        %convert_element_type3A_916 = arith.sitofp %convert_element_type3A_915 : vector<128x256xi32> to vector<128x256xf32>
        %convert_element_type3A_917 = arith.truncf %convert_element_type3A_916 : vector<128x256xf32> to vector<128x256xbf16>
        %get3A_918 = arith.constant 256 : index
        %get3A_919 = arith.constant 0 : index
        %get3A_920 = vector.load %arg6[%get3A_918, %get3A_919] : memref<512x256xbf16, #tpu.memory_space<vmem>>, vector<128x256xbf16>
        %dot_general3A_921 = arith.constant dense<0.000000e+00> : vector<256x256xf32>
        %dot_general3A_922 = tpu.matmul %convert_element_type3A_917, %get3A_920, %dot_general3A_921 {dimension_numbers = #tpu.dot_dimension_numbers<[0], [0], [1], [1], [0, 1, 1, 1], [], []>, transpose_lhs_hint = false} : vector<128x256xbf16>, vector<128x256xbf16>, vector<256x256xf32> -> vector<256x256xf32>
        %get3A_923 = arith.constant 0 : index
        %get3A_924 = arith.constant 512 : index
        %get3A_925 = arith.constant 0 : index
        %get3A_926 = vector.load %arg5[%get3A_923, %get3A_924, %get3A_925] : memref<1x4096x256xf32, #tpu.memory_space<vmem>>, vector<1x256x256xf32>
        %get3A_927 = vector.shape_cast %get3A_926 : vector<1x256x256xf32> to vector<256x256xf32>
        %add3A_928 = arith.addf %get3A_927, %dot_general3A_922 : vector<256x256xf32>
        %swap3A_929 = arith.constant 0 : index
        %swap3A_930 = arith.constant 512 : index
        %swap3A_931 = arith.constant 0 : index
        %swap3A_932 = vector.load %arg5[%swap3A_929, %swap3A_930, %swap3A_931] : memref<1x4096x256xf32, #tpu.memory_space<vmem>>, vector<1x256x256xf32>
        %swap3A_933 = vector.shape_cast %swap3A_932 : vector<1x256x256xf32> to vector<256x256xf32>
        %swap3A_934 = vector.shape_cast %add3A_928 : vector<256x256xf32> to vector<1x256x256xf32>
        tpu.vector_store %arg5[%swap3A_929, %swap3A_930, %swap3A_931], %swap3A_934 {strides = array<i32>} : memref<1x4096x256xf32, #tpu.memory_space<vmem>>, vector<1x256x256xf32>,
      } else {
      }
      %le3A_892 = arith.constant 3 : i32
      %le3A_893 = arith.cmpi sle, %get3A_111, %le3A_892 : i32
      %ge3A_894 = arith.constant 3 : i32
      %ge3A_895 = arith.cmpi sge, %get3A_114, %ge3A_894 : i32
      %and3A_896 = arith.andi %le3A_893, %ge3A_895 : i1
      %gt3A_897 = arith.constant 384 : i32
      %gt3A_898 = arith.cmpi sgt, %mul3A_125, %gt3A_897 : i32
      %add3A_899 = arith.constant 256 : i32
      %add3A_900 = arith.addi %mul3A_125, %add3A_899 : i32
      %le3A_901 = arith.constant 384 : i32
      %le3A_902 = arith.cmpi sle, %add3A_900, %le3A_901 : i32
      %or3A_903 = arith.ori %gt3A_898, %le3A_902 : i1
      %and3A_904 = arith.andi %and3A_896, %or3A_903 : i1
      %convert_element_type3A_905 = arith.extui %and3A_904 : i1 to i32
      %cond3A_906 = arith.constant 0 : i32
      %cond3A_907 = arith.cmpi ne, %convert_element_type3A_905, %cond3A_906 : i32
      scf.if %cond3A_907 {
        %iota3A_908 = tpu.iota {dimensions = array<i32: 0>} : vector<128x1xi32>
        %add3A_909 = arith.constant 384 : i32
        %add3A_910 = vector.broadcast %add3A_909 : i32 to vector<128x1xi32>
        %add3A_911 = arith.addi %add3A_910, %iota3A_908 : vector<128x1xi32>
        %eq3A_912 = vector.broadcast %add3A_911 : vector<128x1xi32> to vector<128x256xi32>
        %eq3A_913 = vector.broadcast %get3A_119 : vector<1x256xi32> to vector<128x256xi32>
        %eq3A_914 = arith.cmpi eq, %eq3A_912, %eq3A_913 : vector<128x256xi32>
        %convert_element_type3A_915 = arith.extui %eq3A_914 : vector<128x256xi1> to vector<128x256xi32>
        %convert_element_type3A_916 = arith.sitofp %convert_element_type3A_915 : vector<128x256xi32> to vector<128x256xf32>
        %convert_element_type3A_917 = arith.truncf %convert_element_type3A_916 : vector<128x256xf32> to vector<128x256xbf16>
        %get3A_918 = arith.constant 384 : index
        %get3A_919 = arith.constant 0 : index
        %get3A_920 = vector.load %arg6[%get3A_918, %get3A_919] : memref<512x256xbf16, #tpu.memory_space<vmem>>, vector<128x256xbf16>
        %dot_general3A_921 = arith.constant dense<0.000000e+00> : vector<256x256xf32>
        %dot_general3A_922 = tpu.matmul %convert_element_type3A_917, %get3A_920, %dot_general3A_921 {dimension_numbers = #tpu.dot_dimension_numbers<[0], [0], [1], [1], [0, 1, 1, 1], [], []>, transpose_lhs_hint = false} : vector<128x256xbf16>, vector<128x256xbf16>, vector<256x256xf32> -> vector<256x256xf32>
        %get3A_923 = arith.constant 0 : index
        %get3A_924 = arith.constant 512 : index
        %get3A_925 = arith.constant 0 : index
        %get3A_926 = vector.load %arg5[%get3A_923, %get3A_924, %get3A_925] : memref<1x4096x256xf32, #tpu.memory_space<vmem>>, vector<1x256x256xf32>
        %get3A_927 = vector.shape_cast %get3A_926 : vector<1x256x256xf32> to vector<256x256xf32>
        %add3A_928 = arith.addf %get3A_927, %dot_general3A_922 : vector<256x256xf32>
        %swap3A_929 = arith.constant 0 : index
        %swap3A_930 = arith.constant 512 : index
        %swap3A_931 = arith.constant 0 : index
        %swap3A_932 = vector.load %arg5[%swap3A_929, %swap3A_930, %swap3A_931] : memref<1x4096x256xf32, #tpu.memory_space<vmem>>, vector<1x256x256xf32>
        %swap3A_933 = vector.shape_cast %swap3A_932 : vector<1x256x256xf32> to vector<256x256xf32>
        %swap3A_934 = vector.shape_cast %add3A_928 : vector<256x256xf32> to vector<1x256x256xf32>
        tpu.vector_store %arg5[%swap3A_929, %swap3A_930, %swap3A_931], %swap3A_934 {strides = array<i32>} : memref<1x4096x256xf32, #tpu.memory_space<vmem>>, vector<1x256x256xf32>,
      } else {
      }
    } else {
    }
    %mul3A_158 = arith.constant 4 : i32
    %mul3A_159 = arith.muli %arg0, %mul3A_158 : i32
    %add3A_160 = arith.constant 0 : i32
    %add3A_161 = arith.addi %mul3A_159, %add3A_160 : i32
    %get3A_162 = arith.index_cast %add3A_161 : i32 to index
    %get3A_163 = arith.constant 3 : index
    %get3A_164 = memref.load %arg1[%get3A_162, %get3A_163] : memref<32x16xi32, #tpu.memory_space<smem>>
    %get3A_165 = arith.index_cast %add3A_161 : i32 to index
    %get3A_166 = arith.constant 7 : index
    %get3A_167 = memref.load %arg1[%get3A_165, %get3A_166] : memref<32x16xi32, #tpu.memory_space<smem>>
    %get3A_168 = arith.constant 0 : index
    %get3A_169 = arith.constant 0 : index
    %get3A_170 = arith.constant 768 : index
    %get3A_171 = vector.load %arg2[%get3A_168, %get3A_169, %get3A_170] : memref<4x1x1024xi32, #tpu.memory_space<vmem>>, vector<1x1x256xi32>
    %get3A_172 = vector.shape_cast %get3A_171 : vector<1x1x256xi32> to vector<1x256xi32>
    %max3A_173 = arith.constant 0 : i32
    %max3A_174 = arith.maxsi %get3A_164, %max3A_173 : i32
    %min3A_175 = arith.constant 2 : i32
    %min3A_176 = arith.minsi %max3A_174, %min3A_175 : i32
    %mul3A_177 = arith.constant 128 : i32
    %mul3A_178 = arith.muli %min3A_176, %mul3A_177 : i32
    %iota3A_179 = tpu.iota {dimensions = array<i32: 0>} : vector<256x1xi32>
    %add3A_180 = vector.broadcast %mul3A_178 : i32 to vector<256x1xi32>
    %add3A_181 = arith.addi %add3A_180, %iota3A_179 : vector<256x1xi32>
    %eq3A_182 = vector.broadcast %add3A_181 : vector<256x1xi32> to vector<256x256xi32>
    %eq3A_183 = vector.broadcast %get3A_172 : vector<1x256xi32> to vector<256x256xi32>
    %eq3A_184 = arith.cmpi eq, %eq3A_182, %eq3A_183 : vector<256x256xi32>
    %convert_element_type3A_185 = arith.extui %eq3A_184 : vector<256x256xi1> to vector<256x256xi32>
    %convert_element_type3A_186 = arith.sitofp %convert_element_type3A_185 : vector<256x256xi32> to vector<256x256xf32>
    %convert_element_type3A_187 = arith.truncf %convert_element_type3A_186 : vector<256x256xf32> to vector<256x256xbf16>
    %get3A_188 = arith.index_cast %mul3A_178 : i32 to index
    %get3A_189 = arith.constant 0 : index
    %get3A_190 = vector.load %arg6[%get3A_188, %get3A_189] : memref<512x256xbf16, #tpu.memory_space<vmem>>, vector<256x256xbf16>
    %dot_general3A_191 = arith.constant dense<0.000000e+00> : vector<256x256xf32>
    %dot_general3A_192 = tpu.matmul %convert_element_type3A_187, %get3A_190, %dot_general3A_191 {dimension_numbers = #tpu.dot_dimension_numbers<[0], [0], [1], [1], [0, 1, 1, 1], [], []>, transpose_lhs_hint = false} : vector<256x256xbf16>, vector<256x256xbf16>, vector<256x256xf32> -> vector<256x256xf32>
    %swap3A_193 = arith.constant 0 : index
    %swap3A_194 = arith.constant 768 : index
    %swap3A_195 = arith.constant 0 : index
    %swap3A_196 = vector.load %arg5[%swap3A_193, %swap3A_194, %swap3A_195] : memref<1x4096x256xf32, #tpu.memory_space<vmem>>, vector<1x256x256xf32>
    %swap3A_197 = vector.shape_cast %swap3A_196 : vector<1x256x256xf32> to vector<256x256xf32>
    %swap3A_198 = vector.shape_cast %dot_general3A_192 : vector<256x256xf32> to vector<1x256x256xf32>
    tpu.vector_store %arg5[%swap3A_193, %swap3A_194, %swap3A_195], %swap3A_198 {strides = array<i32>} : memref<1x4096x256xf32, #tpu.memory_space<vmem>>, vector<1x256x256xf32>,
    %mul3A_199 = arith.constant 128 : i32
    %mul3A_200 = arith.muli %get3A_164, %mul3A_199 : i32
    %lt3A_201 = arith.cmpi slt, %mul3A_200, %mul3A_178 : i32
    %mul3A_202 = arith.constant 128 : i32
    %mul3A_203 = arith.muli %get3A_167, %mul3A_202 : i32
    %add3A_204 = arith.constant 256 : i32
    %add3A_205 = arith.addi %mul3A_178, %add3A_204 : i32
    %ge3A_206 = arith.cmpi sge, %mul3A_203, %add3A_205 : i32
    %or3A_207 = arith.ori %lt3A_201, %ge3A_206 : i1
    %convert_element_type3A_208 = arith.extui %or3A_207 : i1 to i32
    %cond3A_209 = arith.constant 0 : i32
    %cond3A_210 = arith.cmpi ne, %convert_element_type3A_208, %cond3A_209 : i32
    scf.if %cond3A_210 {
      %le3A = arith.constant 0 : i32
      %le3A_847 = arith.cmpi sle, %get3A_164, %le3A : i32
      %ge3A_848 = arith.constant 0 : i32
      %ge3A_849 = arith.cmpi sge, %get3A_167, %ge3A_848 : i32
      %and3A = arith.andi %le3A_847, %ge3A_849 : i1
      %gt3A = arith.constant 0 : i32
      %gt3A_850 = arith.cmpi sgt, %mul3A_178, %gt3A : i32
      %add3A_851 = arith.constant 256 : i32
      %add3A_852 = arith.addi %mul3A_178, %add3A_851 : i32
      %le3A_853 = arith.constant 0 : i32
      %le3A_854 = arith.cmpi sle, %add3A_852, %le3A_853 : i32
      %or3A_855 = arith.ori %gt3A_850, %le3A_854 : i1
      %and3A_856 = arith.andi %and3A, %or3A_855 : i1
      %convert_element_type3A_857 = arith.extui %and3A_856 : i1 to i32
      %cond3A_858 = arith.constant 0 : i32
      %cond3A_859 = arith.cmpi ne, %convert_element_type3A_857, %cond3A_858 : i32
      scf.if %cond3A_859 {
        %iota3A_908 = tpu.iota {dimensions = array<i32: 0>} : vector<128x1xi32>
        %add3A_909 = arith.constant 0 : i32
        %add3A_910 = vector.broadcast %add3A_909 : i32 to vector<128x1xi32>
        %add3A_911 = arith.addi %add3A_910, %iota3A_908 : vector<128x1xi32>
        %eq3A_912 = vector.broadcast %add3A_911 : vector<128x1xi32> to vector<128x256xi32>
        %eq3A_913 = vector.broadcast %get3A_172 : vector<1x256xi32> to vector<128x256xi32>
        %eq3A_914 = arith.cmpi eq, %eq3A_912, %eq3A_913 : vector<128x256xi32>
        %convert_element_type3A_915 = arith.extui %eq3A_914 : vector<128x256xi1> to vector<128x256xi32>
        %convert_element_type3A_916 = arith.sitofp %convert_element_type3A_915 : vector<128x256xi32> to vector<128x256xf32>
        %convert_element_type3A_917 = arith.truncf %convert_element_type3A_916 : vector<128x256xf32> to vector<128x256xbf16>
        %get3A_918 = arith.constant 0 : index
        %get3A_919 = arith.constant 0 : index
        %get3A_920 = vector.load %arg6[%get3A_918, %get3A_919] : memref<512x256xbf16, #tpu.memory_space<vmem>>, vector<128x256xbf16>
        %dot_general3A_921 = arith.constant dense<0.000000e+00> : vector<256x256xf32>
        %dot_general3A_922 = tpu.matmul %convert_element_type3A_917, %get3A_920, %dot_general3A_921 {dimension_numbers = #tpu.dot_dimension_numbers<[0], [0], [1], [1], [0, 1, 1, 1], [], []>, transpose_lhs_hint = false} : vector<128x256xbf16>, vector<128x256xbf16>, vector<256x256xf32> -> vector<256x256xf32>
        %get3A_923 = arith.constant 0 : index
        %get3A_924 = arith.constant 768 : index
        %get3A_925 = arith.constant 0 : index
        %get3A_926 = vector.load %arg5[%get3A_923, %get3A_924, %get3A_925] : memref<1x4096x256xf32, #tpu.memory_space<vmem>>, vector<1x256x256xf32>
        %get3A_927 = vector.shape_cast %get3A_926 : vector<1x256x256xf32> to vector<256x256xf32>
        %add3A_928 = arith.addf %get3A_927, %dot_general3A_922 : vector<256x256xf32>
        %swap3A_929 = arith.constant 0 : index
        %swap3A_930 = arith.constant 768 : index
        %swap3A_931 = arith.constant 0 : index
        %swap3A_932 = vector.load %arg5[%swap3A_929, %swap3A_930, %swap3A_931] : memref<1x4096x256xf32, #tpu.memory_space<vmem>>, vector<1x256x256xf32>
        %swap3A_933 = vector.shape_cast %swap3A_932 : vector<1x256x256xf32> to vector<256x256xf32>
        %swap3A_934 = vector.shape_cast %add3A_928 : vector<256x256xf32> to vector<1x256x256xf32>
        tpu.vector_store %arg5[%swap3A_929, %swap3A_930, %swap3A_931], %swap3A_934 {strides = array<i32>} : memref<1x4096x256xf32, #tpu.memory_space<vmem>>, vector<1x256x256xf32>,
      } else {
      }
      %le3A_860 = arith.constant 1 : i32
      %le3A_861 = arith.cmpi sle, %get3A_164, %le3A_860 : i32
      %ge3A_862 = arith.constant 1 : i32
      %ge3A_863 = arith.cmpi sge, %get3A_167, %ge3A_862 : i32
      %and3A_864 = arith.andi %le3A_861, %ge3A_863 : i1
      %gt3A_865 = arith.constant 128 : i32
      %gt3A_866 = arith.cmpi sgt, %mul3A_178, %gt3A_865 : i32
      %add3A_867 = arith.constant 256 : i32
      %add3A_868 = arith.addi %mul3A_178, %add3A_867 : i32
      %le3A_869 = arith.constant 128 : i32
      %le3A_870 = arith.cmpi sle, %add3A_868, %le3A_869 : i32
      %or3A_871 = arith.ori %gt3A_866, %le3A_870 : i1
      %and3A_872 = arith.andi %and3A_864, %or3A_871 : i1
      %convert_element_type3A_873 = arith.extui %and3A_872 : i1 to i32
      %cond3A_874 = arith.constant 0 : i32
      %cond3A_875 = arith.cmpi ne, %convert_element_type3A_873, %cond3A_874 : i32
      scf.if %cond3A_875 {
        %iota3A_908 = tpu.iota {dimensions = array<i32: 0>} : vector<128x1xi32>
        %add3A_909 = arith.constant 128 : i32
        %add3A_910 = vector.broadcast %add3A_909 : i32 to vector<128x1xi32>
        %add3A_911 = arith.addi %add3A_910, %iota3A_908 : vector<128x1xi32>
        %eq3A_912 = vector.broadcast %add3A_911 : vector<128x1xi32> to vector<128x256xi32>
        %eq3A_913 = vector.broadcast %get3A_172 : vector<1x256xi32> to vector<128x256xi32>
        %eq3A_914 = arith.cmpi eq, %eq3A_912, %eq3A_913 : vector<128x256xi32>
        %convert_element_type3A_915 = arith.extui %eq3A_914 : vector<128x256xi1> to vector<128x256xi32>
        %convert_element_type3A_916 = arith.sitofp %convert_element_type3A_915 : vector<128x256xi32> to vector<128x256xf32>
        %convert_element_type3A_917 = arith.truncf %convert_element_type3A_916 : vector<128x256xf32> to vector<128x256xbf16>
        %get3A_918 = arith.constant 128 : index
        %get3A_919 = arith.constant 0 : index
        %get3A_920 = vector.load %arg6[%get3A_918, %get3A_919] : memref<512x256xbf16, #tpu.memory_space<vmem>>, vector<128x256xbf16>
        %dot_general3A_921 = arith.constant dense<0.000000e+00> : vector<256x256xf32>
        %dot_general3A_922 = tpu.matmul %convert_element_type3A_917, %get3A_920, %dot_general3A_921 {dimension_numbers = #tpu.dot_dimension_numbers<[0], [0], [1], [1], [0, 1, 1, 1], [], []>, transpose_lhs_hint = false} : vector<128x256xbf16>, vector<128x256xbf16>, vector<256x256xf32> -> vector<256x256xf32>
        %get3A_923 = arith.constant 0 : index
        %get3A_924 = arith.constant 768 : index
        %get3A_925 = arith.constant 0 : index
        %get3A_926 = vector.load %arg5[%get3A_923, %get3A_924, %get3A_925] : memref<1x4096x256xf32, #tpu.memory_space<vmem>>, vector<1x256x256xf32>
        %get3A_927 = vector.shape_cast %get3A_926 : vector<1x256x256xf32> to vector<256x256xf32>
        %add3A_928 = arith.addf %get3A_927, %dot_general3A_922 : vector<256x256xf32>
        %swap3A_929 = arith.constant 0 : index
        %swap3A_930 = arith.constant 768 : index
        %swap3A_931 = arith.constant 0 : index
        %swap3A_932 = vector.load %arg5[%swap3A_929, %swap3A_930, %swap3A_931] : memref<1x4096x256xf32, #tpu.memory_space<vmem>>, vector<1x256x256xf32>
        %swap3A_933 = vector.shape_cast %swap3A_932 : vector<1x256x256xf32> to vector<256x256xf32>
        %swap3A_934 = vector.shape_cast %add3A_928 : vector<256x256xf32> to vector<1x256x256xf32>
        tpu.vector_store %arg5[%swap3A_929, %swap3A_930, %swap3A_931], %swap3A_934 {strides = array<i32>} : memref<1x4096x256xf32, #tpu.memory_space<vmem>>, vector<1x256x256xf32>,
      } else {
      }
      %le3A_876 = arith.constant 2 : i32
      %le3A_877 = arith.cmpi sle, %get3A_164, %le3A_876 : i32
      %ge3A_878 = arith.constant 2 : i32
      %ge3A_879 = arith.cmpi sge, %get3A_167, %ge3A_878 : i32
      %and3A_880 = arith.andi %le3A_877, %ge3A_879 : i1
      %gt3A_881 = arith.constant 256 : i32
      %gt3A_882 = arith.cmpi sgt, %mul3A_178, %gt3A_881 : i32
      %add3A_883 = arith.constant 256 : i32
      %add3A_884 = arith.addi %mul3A_178, %add3A_883 : i32
      %le3A_885 = arith.constant 256 : i32
      %le3A_886 = arith.cmpi sle, %add3A_884, %le3A_885 : i32
      %or3A_887 = arith.ori %gt3A_882, %le3A_886 : i1
      %and3A_888 = arith.andi %and3A_880, %or3A_887 : i1
      %convert_element_type3A_889 = arith.extui %and3A_888 : i1 to i32
      %cond3A_890 = arith.constant 0 : i32
      %cond3A_891 = arith.cmpi ne, %convert_element_type3A_889, %cond3A_890 : i32
      scf.if %cond3A_891 {
        %iota3A_908 = tpu.iota {dimensions = array<i32: 0>} : vector<128x1xi32>
        %add3A_909 = arith.constant 256 : i32
        %add3A_910 = vector.broadcast %add3A_909 : i32 to vector<128x1xi32>
        %add3A_911 = arith.addi %add3A_910, %iota3A_908 : vector<128x1xi32>
        %eq3A_912 = vector.broadcast %add3A_911 : vector<128x1xi32> to vector<128x256xi32>
        %eq3A_913 = vector.broadcast %get3A_172 : vector<1x256xi32> to vector<128x256xi32>
        %eq3A_914 = arith.cmpi eq, %eq3A_912, %eq3A_913 : vector<128x256xi32>
        %convert_element_type3A_915 = arith.extui %eq3A_914 : vector<128x256xi1> to vector<128x256xi32>
        %convert_element_type3A_916 = arith.sitofp %convert_element_type3A_915 : vector<128x256xi32> to vector<128x256xf32>
        %convert_element_type3A_917 = arith.truncf %convert_element_type3A_916 : vector<128x256xf32> to vector<128x256xbf16>
        %get3A_918 = arith.constant 256 : index
        %get3A_919 = arith.constant 0 : index
        %get3A_920 = vector.load %arg6[%get3A_918, %get3A_919] : memref<512x256xbf16, #tpu.memory_space<vmem>>, vector<128x256xbf16>
        %dot_general3A_921 = arith.constant dense<0.000000e+00> : vector<256x256xf32>
        %dot_general3A_922 = tpu.matmul %convert_element_type3A_917, %get3A_920, %dot_general3A_921 {dimension_numbers = #tpu.dot_dimension_numbers<[0], [0], [1], [1], [0, 1, 1, 1], [], []>, transpose_lhs_hint = false} : vector<128x256xbf16>, vector<128x256xbf16>, vector<256x256xf32> -> vector<256x256xf32>
        %get3A_923 = arith.constant 0 : index
        %get3A_924 = arith.constant 768 : index
        %get3A_925 = arith.constant 0 : index
        %get3A_926 = vector.load %arg5[%get3A_923, %get3A_924, %get3A_925] : memref<1x4096x256xf32, #tpu.memory_space<vmem>>, vector<1x256x256xf32>
        %get3A_927 = vector.shape_cast %get3A_926 : vector<1x256x256xf32> to vector<256x256xf32>
        %add3A_928 = arith.addf %get3A_927, %dot_general3A_922 : vector<256x256xf32>
        %swap3A_929 = arith.constant 0 : index
        %swap3A_930 = arith.constant 768 : index
        %swap3A_931 = arith.constant 0 : index
        %swap3A_932 = vector.load %arg5[%swap3A_929, %swap3A_930, %swap3A_931] : memref<1x4096x256xf32, #tpu.memory_space<vmem>>, vector<1x256x256xf32>
        %swap3A_933 = vector.shape_cast %swap3A_932 : vector<1x256x256xf32> to vector<256x256xf32>
        %swap3A_934 = vector.shape_cast %add3A_928 : vector<256x256xf32> to vector<1x256x256xf32>
        tpu.vector_store %arg5[%swap3A_929, %swap3A_930, %swap3A_931], %swap3A_934 {strides = array<i32>} : memref<1x4096x256xf32, #tpu.memory_space<vmem>>, vector<1x256x256xf32>,
      } else {
      }
      %le3A_892 = arith.constant 3 : i32
      %le3A_893 = arith.cmpi sle, %get3A_164, %le3A_892 : i32
      %ge3A_894 = arith.constant 3 : i32
      %ge3A_895 = arith.cmpi sge, %get3A_167, %ge3A_894 : i32
      %and3A_896 = arith.andi %le3A_893, %ge3A_895 : i1
      %gt3A_897 = arith.constant 384 : i32
      %gt3A_898 = arith.cmpi sgt, %mul3A_178, %gt3A_897 : i32
      %add3A_899 = arith.constant 256 : i32
      %add3A_900 = arith.addi %mul3A_178, %add3A_899 : i32
      %le3A_901 = arith.constant 384 : i32
      %le3A_902 = arith.cmpi sle, %add3A_900, %le3A_901 : i32
      %or3A_903 = arith.ori %gt3A_898, %le3A_902 : i1
      %and3A_904 = arith.andi %and3A_896, %or3A_903 : i1
      %convert_element_type3A_905 = arith.extui %and3A_904 : i1 to i32
      %cond3A_906 = arith.constant 0 : i32
      %cond3A_907 = arith.cmpi ne, %convert_element_type3A_905, %cond3A_906 : i32
      scf.if %cond3A_907 {
        %iota3A_908 = tpu.iota {dimensions = array<i32: 0>} : vector<128x1xi32>
        %add3A_909 = arith.constant 384 : i32
        %add3A_910 = vector.broadcast %add3A_909 : i32 to vector<128x1xi32>
        %add3A_911 = arith.addi %add3A_910, %iota3A_908 : vector<128x1xi32>
        %eq3A_912 = vector.broadcast %add3A_911 : vector<128x1xi32> to vector<128x256xi32>
        %eq3A_913 = vector.broadcast %get3A_172 : vector<1x256xi32> to vector<128x256xi32>
        %eq3A_914 = arith.cmpi eq, %eq3A_912, %eq3A_913 : vector<128x256xi32>
        %convert_element_type3A_915 = arith.extui %eq3A_914 : vector<128x256xi1> to vector<128x256xi32>
        %convert_element_type3A_916 = arith.sitofp %convert_element_type3A_915 : vector<128x256xi32> to vector<128x256xf32>
        %convert_element_type3A_917 = arith.truncf %convert_element_type3A_916 : vector<128x256xf32> to vector<128x256xbf16>
        %get3A_918 = arith.constant 384 : index
        %get3A_919 = arith.constant 0 : index
        %get3A_920 = vector.load %arg6[%get3A_918, %get3A_919] : memref<512x256xbf16, #tpu.memory_space<vmem>>, vector<128x256xbf16>
        %dot_general3A_921 = arith.constant dense<0.000000e+00> : vector<256x256xf32>
        %dot_general3A_922 = tpu.matmul %convert_element_type3A_917, %get3A_920, %dot_general3A_921 {dimension_numbers = #tpu.dot_dimension_numbers<[0], [0], [1], [1], [0, 1, 1, 1], [], []>, transpose_lhs_hint = false} : vector<128x256xbf16>, vector<128x256xbf16>, vector<256x256xf32> -> vector<256x256xf32>
        %get3A_923 = arith.constant 0 : index
        %get3A_924 = arith.constant 768 : index
        %get3A_925 = arith.constant 0 : index
        %get3A_926 = vector.load %arg5[%get3A_923, %get3A_924, %get3A_925] : memref<1x4096x256xf32, #tpu.memory_space<vmem>>, vector<1x256x256xf32>
        %get3A_927 = vector.shape_cast %get3A_926 : vector<1x256x256xf32> to vector<256x256xf32>
        %add3A_928 = arith.addf %get3A_927, %dot_general3A_922 : vector<256x256xf32>
        %swap3A_929 = arith.constant 0 : index
        %swap3A_930 = arith.constant 768 : index
        %swap3A_931 = arith.constant 0 : index
        %swap3A_932 = vector.load %arg5[%swap3A_929, %swap3A_930, %swap3A_931] : memref<1x4096x256xf32, #tpu.memory_space<vmem>>, vector<1x256x256xf32>
        %swap3A_933 = vector.shape_cast %swap3A_932 : vector<1x256x256xf32> to vector<256x256xf32>
        %swap3A_934 = vector.shape_cast %add3A_928 : vector<256x256xf32> to vector<1x256x256xf32>
        tpu.vector_store %arg5[%swap3A_929, %swap3A_930, %swap3A_931], %swap3A_934 {strides = array<i32>} : memref<1x4096x256xf32, #tpu.memory_space<vmem>>, vector<1x256x256xf32>,
      } else {
      }
    } else {
    }
    %mul3A_211 = arith.constant 4 : i32
    %mul3A_212 = arith.muli %arg0, %mul3A_211 : i32
    %add3A_213 = arith.constant 1 : i32
    %add3A_214 = arith.addi %mul3A_212, %add3A_213 : i32
    %get3A_215 = arith.index_cast %add3A_214 : i32 to index
    %get3A_216 = arith.constant 0 : index
    %get3A_217 = memref.load %arg1[%get3A_215, %get3A_216] : memref<32x16xi32, #tpu.memory_space<smem>>
    %get3A_218 = arith.index_cast %add3A_214 : i32 to index
    %get3A_219 = arith.constant 4 : index
    %get3A_220 = memref.load %arg1[%get3A_218, %get3A_219] : memref<32x16xi32, #tpu.memory_space<smem>>
    %get3A_221 = arith.constant 1 : index
    %get3A_222 = arith.constant 0 : index
    %get3A_223 = arith.constant 0 : index
    %get3A_224 = vector.load %arg2[%get3A_221, %get3A_222, %get3A_223] : memref<4x1x1024xi32, #tpu.memory_space<vmem>>, vector<1x1x256xi32>
    %get3A_225 = vector.shape_cast %get3A_224 : vector<1x1x256xi32> to vector<1x256xi32>
    %max3A_226 = arith.constant 0 : i32
    %max3A_227 = arith.maxsi %get3A_217, %max3A_226 : i32
    %min3A_228 = arith.constant 2 : i32
    %min3A_229 = arith.minsi %max3A_227, %min3A_228 : i32
    %mul3A_230 = arith.constant 128 : i32
    %mul3A_231 = arith.muli %min3A_229, %mul3A_230 : i32
    %iota3A_232 = tpu.iota {dimensions = array<i32: 0>} : vector<256x1xi32>
    %add3A_233 = vector.broadcast %mul3A_231 : i32 to vector<256x1xi32>
    %add3A_234 = arith.addi %add3A_233, %iota3A_232 : vector<256x1xi32>
    %eq3A_235 = vector.broadcast %add3A_234 : vector<256x1xi32> to vector<256x256xi32>
    %eq3A_236 = vector.broadcast %get3A_225 : vector<1x256xi32> to vector<256x256xi32>
    %eq3A_237 = arith.cmpi eq, %eq3A_235, %eq3A_236 : vector<256x256xi32>
    %convert_element_type3A_238 = arith.extui %eq3A_237 : vector<256x256xi1> to vector<256x256xi32>
    %convert_element_type3A_239 = arith.sitofp %convert_element_type3A_238 : vector<256x256xi32> to vector<256x256xf32>
    %convert_element_type3A_240 = arith.truncf %convert_element_type3A_239 : vector<256x256xf32> to vector<256x256xbf16>
    %get3A_241 = arith.index_cast %mul3A_231 : i32 to index
    %get3A_242 = arith.constant 0 : index
    %get3A_243 = vector.load %arg6[%get3A_241, %get3A_242] : memref<512x256xbf16, #tpu.memory_space<vmem>>, vector<256x256xbf16>
    %dot_general3A_244 = arith.constant dense<0.000000e+00> : vector<256x256xf32>
    %dot_general3A_245 = tpu.matmul %convert_element_type3A_240, %get3A_243, %dot_general3A_244 {dimension_numbers = #tpu.dot_dimension_numbers<[0], [0], [1], [1], [0, 1, 1, 1], [], []>, transpose_lhs_hint = false} : vector<256x256xbf16>, vector<256x256xbf16>, vector<256x256xf32> -> vector<256x256xf32>
    %swap3A_246 = arith.constant 0 : index
    %swap3A_247 = arith.constant 1024 : index
    %swap3A_248 = arith.constant 0 : index
    %swap3A_249 = vector.load %arg5[%swap3A_246, %swap3A_247, %swap3A_248] : memref<1x4096x256xf32, #tpu.memory_space<vmem>>, vector<1x256x256xf32>
    %swap3A_250 = vector.shape_cast %swap3A_249 : vector<1x256x256xf32> to vector<256x256xf32>
    %swap3A_251 = vector.shape_cast %dot_general3A_245 : vector<256x256xf32> to vector<1x256x256xf32>
    tpu.vector_store %arg5[%swap3A_246, %swap3A_247, %swap3A_248], %swap3A_251 {strides = array<i32>} : memref<1x4096x256xf32, #tpu.memory_space<vmem>>, vector<1x256x256xf32>,
    %mul3A_252 = arith.constant 128 : i32
    %mul3A_253 = arith.muli %get3A_217, %mul3A_252 : i32
    %lt3A_254 = arith.cmpi slt, %mul3A_253, %mul3A_231 : i32
    %mul3A_255 = arith.constant 128 : i32
    %mul3A_256 = arith.muli %get3A_220, %mul3A_255 : i32
    %add3A_257 = arith.constant 256 : i32
    %add3A_258 = arith.addi %mul3A_231, %add3A_257 : i32
    %ge3A_259 = arith.cmpi sge, %mul3A_256, %add3A_258 : i32
    %or3A_260 = arith.ori %lt3A_254, %ge3A_259 : i1
    %convert_element_type3A_261 = arith.extui %or3A_260 : i1 to i32
    %cond3A_262 = arith.constant 0 : i32
    %cond3A_263 = arith.cmpi ne, %convert_element_type3A_261, %cond3A_262 : i32
    scf.if %cond3A_263 {
      %le3A = arith.constant 0 : i32
      %le3A_847 = arith.cmpi sle, %get3A_217, %le3A : i32
      %ge3A_848 = arith.constant 0 : i32
      %ge3A_849 = arith.cmpi sge, %get3A_220, %ge3A_848 : i32
      %and3A = arith.andi %le3A_847, %ge3A_849 : i1
      %gt3A = arith.constant 0 : i32
      %gt3A_850 = arith.cmpi sgt, %mul3A_231, %gt3A : i32
      %add3A_851 = arith.constant 256 : i32
      %add3A_852 = arith.addi %mul3A_231, %add3A_851 : i32
      %le3A_853 = arith.constant 0 : i32
      %le3A_854 = arith.cmpi sle, %add3A_852, %le3A_853 : i32
      %or3A_855 = arith.ori %gt3A_850, %le3A_854 : i1
      %and3A_856 = arith.andi %and3A, %or3A_855 : i1
      %convert_element_type3A_857 = arith.extui %and3A_856 : i1 to i32
      %cond3A_858 = arith.constant 0 : i32
      %cond3A_859 = arith.cmpi ne, %convert_element_type3A_857, %cond3A_858 : i32
      scf.if %cond3A_859 {
        %iota3A_908 = tpu.iota {dimensions = array<i32: 0>} : vector<128x1xi32>
        %add3A_909 = arith.constant 0 : i32
        %add3A_910 = vector.broadcast %add3A_909 : i32 to vector<128x1xi32>
        %add3A_911 = arith.addi %add3A_910, %iota3A_908 : vector<128x1xi32>
        %eq3A_912 = vector.broadcast %add3A_911 : vector<128x1xi32> to vector<128x256xi32>
        %eq3A_913 = vector.broadcast %get3A_225 : vector<1x256xi32> to vector<128x256xi32>
        %eq3A_914 = arith.cmpi eq, %eq3A_912, %eq3A_913 : vector<128x256xi32>
        %convert_element_type3A_915 = arith.extui %eq3A_914 : vector<128x256xi1> to vector<128x256xi32>
        %convert_element_type3A_916 = arith.sitofp %convert_element_type3A_915 : vector<128x256xi32> to vector<128x256xf32>
        %convert_element_type3A_917 = arith.truncf %convert_element_type3A_916 : vector<128x256xf32> to vector<128x256xbf16>
        %get3A_918 = arith.constant 0 : index
        %get3A_919 = arith.constant 0 : index
        %get3A_920 = vector.load %arg6[%get3A_918, %get3A_919] : memref<512x256xbf16, #tpu.memory_space<vmem>>, vector<128x256xbf16>
        %dot_general3A_921 = arith.constant dense<0.000000e+00> : vector<256x256xf32>
        %dot_general3A_922 = tpu.matmul %convert_element_type3A_917, %get3A_920, %dot_general3A_921 {dimension_numbers = #tpu.dot_dimension_numbers<[0], [0], [1], [1], [0, 1, 1, 1], [], []>, transpose_lhs_hint = false} : vector<128x256xbf16>, vector<128x256xbf16>, vector<256x256xf32> -> vector<256x256xf32>
        %get3A_923 = arith.constant 0 : index
        %get3A_924 = arith.constant 1024 : index
        %get3A_925 = arith.constant 0 : index
        %get3A_926 = vector.load %arg5[%get3A_923, %get3A_924, %get3A_925] : memref<1x4096x256xf32, #tpu.memory_space<vmem>>, vector<1x256x256xf32>
        %get3A_927 = vector.shape_cast %get3A_926 : vector<1x256x256xf32> to vector<256x256xf32>
        %add3A_928 = arith.addf %get3A_927, %dot_general3A_922 : vector<256x256xf32>
        %swap3A_929 = arith.constant 0 : index
        %swap3A_930 = arith.constant 1024 : index
        %swap3A_931 = arith.constant 0 : index
        %swap3A_932 = vector.load %arg5[%swap3A_929, %swap3A_930, %swap3A_931] : memref<1x4096x256xf32, #tpu.memory_space<vmem>>, vector<1x256x256xf32>
        %swap3A_933 = vector.shape_cast %swap3A_932 : vector<1x256x256xf32> to vector<256x256xf32>
        %swap3A_934 = vector.shape_cast %add3A_928 : vector<256x256xf32> to vector<1x256x256xf32>
        tpu.vector_store %arg5[%swap3A_929, %swap3A_930, %swap3A_931], %swap3A_934 {strides = array<i32>} : memref<1x4096x256xf32, #tpu.memory_space<vmem>>, vector<1x256x256xf32>,
      } else {
      }
      %le3A_860 = arith.constant 1 : i32
      %le3A_861 = arith.cmpi sle, %get3A_217, %le3A_860 : i32
      %ge3A_862 = arith.constant 1 : i32
      %ge3A_863 = arith.cmpi sge, %get3A_220, %ge3A_862 : i32
      %and3A_864 = arith.andi %le3A_861, %ge3A_863 : i1
      %gt3A_865 = arith.constant 128 : i32
      %gt3A_866 = arith.cmpi sgt, %mul3A_231, %gt3A_865 : i32
      %add3A_867 = arith.constant 256 : i32
      %add3A_868 = arith.addi %mul3A_231, %add3A_867 : i32
      %le3A_869 = arith.constant 128 : i32
      %le3A_870 = arith.cmpi sle, %add3A_868, %le3A_869 : i32
      %or3A_871 = arith.ori %gt3A_866, %le3A_870 : i1
      %and3A_872 = arith.andi %and3A_864, %or3A_871 : i1
      %convert_element_type3A_873 = arith.extui %and3A_872 : i1 to i32
      %cond3A_874 = arith.constant 0 : i32
      %cond3A_875 = arith.cmpi ne, %convert_element_type3A_873, %cond3A_874 : i32
      scf.if %cond3A_875 {
        %iota3A_908 = tpu.iota {dimensions = array<i32: 0>} : vector<128x1xi32>
        %add3A_909 = arith.constant 128 : i32
        %add3A_910 = vector.broadcast %add3A_909 : i32 to vector<128x1xi32>
        %add3A_911 = arith.addi %add3A_910, %iota3A_908 : vector<128x1xi32>
        %eq3A_912 = vector.broadcast %add3A_911 : vector<128x1xi32> to vector<128x256xi32>
        %eq3A_913 = vector.broadcast %get3A_225 : vector<1x256xi32> to vector<128x256xi32>
        %eq3A_914 = arith.cmpi eq, %eq3A_912, %eq3A_913 : vector<128x256xi32>
        %convert_element_type3A_915 = arith.extui %eq3A_914 : vector<128x256xi1> to vector<128x256xi32>
        %convert_element_type3A_916 = arith.sitofp %convert_element_type3A_915 : vector<128x256xi32> to vector<128x256xf32>
        %convert_element_type3A_917 = arith.truncf %convert_element_type3A_916 : vector<128x256xf32> to vector<128x256xbf16>
        %get3A_918 = arith.constant 128 : index
        %get3A_919 = arith.constant 0 : index
        %get3A_920 = vector.load %arg6[%get3A_918, %get3A_919] : memref<512x256xbf16, #tpu.memory_space<vmem>>, vector<128x256xbf16>
        %dot_general3A_921 = arith.constant dense<0.000000e+00> : vector<256x256xf32>
        %dot_general3A_922 = tpu.matmul %convert_element_type3A_917, %get3A_920, %dot_general3A_921 {dimension_numbers = #tpu.dot_dimension_numbers<[0], [0], [1], [1], [0, 1, 1, 1], [], []>, transpose_lhs_hint = false} : vector<128x256xbf16>, vector<128x256xbf16>, vector<256x256xf32> -> vector<256x256xf32>
        %get3A_923 = arith.constant 0 : index
        %get3A_924 = arith.constant 1024 : index
        %get3A_925 = arith.constant 0 : index
        %get3A_926 = vector.load %arg5[%get3A_923, %get3A_924, %get3A_925] : memref<1x4096x256xf32, #tpu.memory_space<vmem>>, vector<1x256x256xf32>
        %get3A_927 = vector.shape_cast %get3A_926 : vector<1x256x256xf32> to vector<256x256xf32>
        %add3A_928 = arith.addf %get3A_927, %dot_general3A_922 : vector<256x256xf32>
        %swap3A_929 = arith.constant 0 : index
        %swap3A_930 = arith.constant 1024 : index
        %swap3A_931 = arith.constant 0 : index
        %swap3A_932 = vector.load %arg5[%swap3A_929, %swap3A_930, %swap3A_931] : memref<1x4096x256xf32, #tpu.memory_space<vmem>>, vector<1x256x256xf32>
        %swap3A_933 = vector.shape_cast %swap3A_932 : vector<1x256x256xf32> to vector<256x256xf32>
        %swap3A_934 = vector.shape_cast %add3A_928 : vector<256x256xf32> to vector<1x256x256xf32>
        tpu.vector_store %arg5[%swap3A_929, %swap3A_930, %swap3A_931], %swap3A_934 {strides = array<i32>} : memref<1x4096x256xf32, #tpu.memory_space<vmem>>, vector<1x256x256xf32>,
      } else {
      }
      %le3A_876 = arith.constant 2 : i32
      %le3A_877 = arith.cmpi sle, %get3A_217, %le3A_876 : i32
      %ge3A_878 = arith.constant 2 : i32
      %ge3A_879 = arith.cmpi sge, %get3A_220, %ge3A_878 : i32
      %and3A_880 = arith.andi %le3A_877, %ge3A_879 : i1
      %gt3A_881 = arith.constant 256 : i32
      %gt3A_882 = arith.cmpi sgt, %mul3A_231, %gt3A_881 : i32
      %add3A_883 = arith.constant 256 : i32
      %add3A_884 = arith.addi %mul3A_231, %add3A_883 : i32
      %le3A_885 = arith.constant 256 : i32
      %le3A_886 = arith.cmpi sle, %add3A_884, %le3A_885 : i32
      %or3A_887 = arith.ori %gt3A_882, %le3A_886 : i1
      %and3A_888 = arith.andi %and3A_880, %or3A_887 : i1
      %convert_element_type3A_889 = arith.extui %and3A_888 : i1 to i32
      %cond3A_890 = arith.constant 0 : i32
      %cond3A_891 = arith.cmpi ne, %convert_element_type3A_889, %cond3A_890 : i32
      scf.if %cond3A_891 {
        %iota3A_908 = tpu.iota {dimensions = array<i32: 0>} : vector<128x1xi32>
        %add3A_909 = arith.constant 256 : i32
        %add3A_910 = vector.broadcast %add3A_909 : i32 to vector<128x1xi32>
        %add3A_911 = arith.addi %add3A_910, %iota3A_908 : vector<128x1xi32>
        %eq3A_912 = vector.broadcast %add3A_911 : vector<128x1xi32> to vector<128x256xi32>
        %eq3A_913 = vector.broadcast %get3A_225 : vector<1x256xi32> to vector<128x256xi32>
        %eq3A_914 = arith.cmpi eq, %eq3A_912, %eq3A_913 : vector<128x256xi32>
        %convert_element_type3A_915 = arith.extui %eq3A_914 : vector<128x256xi1> to vector<128x256xi32>
        %convert_element_type3A_916 = arith.sitofp %convert_element_type3A_915 : vector<128x256xi32> to vector<128x256xf32>
        %convert_element_type3A_917 = arith.truncf %convert_element_type3A_916 : vector<128x256xf32> to vector<128x256xbf16>
        %get3A_918 = arith.constant 256 : index
        %get3A_919 = arith.constant 0 : index
        %get3A_920 = vector.load %arg6[%get3A_918, %get3A_919] : memref<512x256xbf16, #tpu.memory_space<vmem>>, vector<128x256xbf16>
        %dot_general3A_921 = arith.constant dense<0.000000e+00> : vector<256x256xf32>
        %dot_general3A_922 = tpu.matmul %convert_element_type3A_917, %get3A_920, %dot_general3A_921 {dimension_numbers = #tpu.dot_dimension_numbers<[0], [0], [1], [1], [0, 1, 1, 1], [], []>, transpose_lhs_hint = false} : vector<128x256xbf16>, vector<128x256xbf16>, vector<256x256xf32> -> vector<256x256xf32>
        %get3A_923 = arith.constant 0 : index
        %get3A_924 = arith.constant 1024 : index
        %get3A_925 = arith.constant 0 : index
        %get3A_926 = vector.load %arg5[%get3A_923, %get3A_924, %get3A_925] : memref<1x4096x256xf32, #tpu.memory_space<vmem>>, vector<1x256x256xf32>
        %get3A_927 = vector.shape_cast %get3A_926 : vector<1x256x256xf32> to vector<256x256xf32>
        %add3A_928 = arith.addf %get3A_927, %dot_general3A_922 : vector<256x256xf32>
        %swap3A_929 = arith.constant 0 : index
        %swap3A_930 = arith.constant 1024 : index
        %swap3A_931 = arith.constant 0 : index
        %swap3A_932 = vector.load %arg5[%swap3A_929, %swap3A_930, %swap3A_931] : memref<1x4096x256xf32, #tpu.memory_space<vmem>>, vector<1x256x256xf32>
        %swap3A_933 = vector.shape_cast %swap3A_932 : vector<1x256x256xf32> to vector<256x256xf32>
        %swap3A_934 = vector.shape_cast %add3A_928 : vector<256x256xf32> to vector<1x256x256xf32>
        tpu.vector_store %arg5[%swap3A_929, %swap3A_930, %swap3A_931], %swap3A_934 {strides = array<i32>} : memref<1x4096x256xf32, #tpu.memory_space<vmem>>, vector<1x256x256xf32>,
      } else {
      }
      %le3A_892 = arith.constant 3 : i32
      %le3A_893 = arith.cmpi sle, %get3A_217, %le3A_892 : i32
      %ge3A_894 = arith.constant 3 : i32
      %ge3A_895 = arith.cmpi sge, %get3A_220, %ge3A_894 : i32
      %and3A_896 = arith.andi %le3A_893, %ge3A_895 : i1
      %gt3A_897 = arith.constant 384 : i32
      %gt3A_898 = arith.cmpi sgt, %mul3A_231, %gt3A_897 : i32
      %add3A_899 = arith.constant 256 : i32
      %add3A_900 = arith.addi %mul3A_231, %add3A_899 : i32
      %le3A_901 = arith.constant 384 : i32
      %le3A_902 = arith.cmpi sle, %add3A_900, %le3A_901 : i32
      %or3A_903 = arith.ori %gt3A_898, %le3A_902 : i1
      %and3A_904 = arith.andi %and3A_896, %or3A_903 : i1
      %convert_element_type3A_905 = arith.extui %and3A_904 : i1 to i32
      %cond3A_906 = arith.constant 0 : i32
      %cond3A_907 = arith.cmpi ne, %convert_element_type3A_905, %cond3A_906 : i32
      scf.if %cond3A_907 {
        %iota3A_908 = tpu.iota {dimensions = array<i32: 0>} : vector<128x1xi32>
        %add3A_909 = arith.constant 384 : i32
        %add3A_910 = vector.broadcast %add3A_909 : i32 to vector<128x1xi32>
        %add3A_911 = arith.addi %add3A_910, %iota3A_908 : vector<128x1xi32>
        %eq3A_912 = vector.broadcast %add3A_911 : vector<128x1xi32> to vector<128x256xi32>
        %eq3A_913 = vector.broadcast %get3A_225 : vector<1x256xi32> to vector<128x256xi32>
        %eq3A_914 = arith.cmpi eq, %eq3A_912, %eq3A_913 : vector<128x256xi32>
        %convert_element_type3A_915 = arith.extui %eq3A_914 : vector<128x256xi1> to vector<128x256xi32>
        %convert_element_type3A_916 = arith.sitofp %convert_element_type3A_915 : vector<128x256xi32> to vector<128x256xf32>
        %convert_element_type3A_917 = arith.truncf %convert_element_type3A_916 : vector<128x256xf32> to vector<128x256xbf16>
        %get3A_918 = arith.constant 384 : index
        %get3A_919 = arith.constant 0 : index
        %get3A_920 = vector.load %arg6[%get3A_918, %get3A_919] : memref<512x256xbf16, #tpu.memory_space<vmem>>, vector<128x256xbf16>
        %dot_general3A_921 = arith.constant dense<0.000000e+00> : vector<256x256xf32>
        %dot_general3A_922 = tpu.matmul %convert_element_type3A_917, %get3A_920, %dot_general3A_921 {dimension_numbers = #tpu.dot_dimension_numbers<[0], [0], [1], [1], [0, 1, 1, 1], [], []>, transpose_lhs_hint = false} : vector<128x256xbf16>, vector<128x256xbf16>, vector<256x256xf32> -> vector<256x256xf32>
        %get3A_923 = arith.constant 0 : index
        %get3A_924 = arith.constant 1024 : index
        %get3A_925 = arith.constant 0 : index
        %get3A_926 = vector.load %arg5[%get3A_923, %get3A_924, %get3A_925] : memref<1x4096x256xf32, #tpu.memory_space<vmem>>, vector<1x256x256xf32>
        %get3A_927 = vector.shape_cast %get3A_926 : vector<1x256x256xf32> to vector<256x256xf32>
        %add3A_928 = arith.addf %get3A_927, %dot_general3A_922 : vector<256x256xf32>
        %swap3A_929 = arith.constant 0 : index
        %swap3A_930 = arith.constant 1024 : index
        %swap3A_931 = arith.constant 0 : index
        %swap3A_932 = vector.load %arg5[%swap3A_929, %swap3A_930, %swap3A_931] : memref<1x4096x256xf32, #tpu.memory_space<vmem>>, vector<1x256x256xf32>
        %swap3A_933 = vector.shape_cast %swap3A_932 : vector<1x256x256xf32> to vector<256x256xf32>
        %swap3A_934 = vector.shape_cast %add3A_928 : vector<256x256xf32> to vector<1x256x256xf32>
        tpu.vector_store %arg5[%swap3A_929, %swap3A_930, %swap3A_931], %swap3A_934 {strides = array<i32>} : memref<1x4096x256xf32, #tpu.memory_space<vmem>>, vector<1x256x256xf32>,
      } else {
      }
    } else {
    }
    %mul3A_264 = arith.constant 4 : i32
    %mul3A_265 = arith.muli %arg0, %mul3A_264 : i32
    %add3A_266 = arith.constant 1 : i32
    %add3A_267 = arith.addi %mul3A_265, %add3A_266 : i32
    %get3A_268 = arith.index_cast %add3A_267 : i32 to index
    %get3A_269 = arith.constant 1 : index
    %get3A_270 = memref.load %arg1[%get3A_268, %get3A_269] : memref<32x16xi32, #tpu.memory_space<smem>>
    %get3A_271 = arith.index_cast %add3A_267 : i32 to index
    %get3A_272 = arith.constant 5 : index
    %get3A_273 = memref.load %arg1[%get3A_271, %get3A_272] : memref<32x16xi32, #tpu.memory_space<smem>>
    %get3A_274 = arith.constant 1 : index
    %get3A_275 = arith.constant 0 : index
    %get3A_276 = arith.constant 256 : index
    %get3A_277 = vector.load %arg2[%get3A_274, %get3A_275, %get3A_276] : memref<4x1x1024xi32, #tpu.memory_space<vmem>>, vector<1x1x256xi32>
    %get3A_278 = vector.shape_cast %get3A_277 : vector<1x1x256xi32> to vector<1x256xi32>
    %max3A_279 = arith.constant 0 : i32
    %max3A_280 = arith.maxsi %get3A_270, %max3A_279 : i32
    %min3A_281 = arith.constant 2 : i32
    %min3A_282 = arith.minsi %max3A_280, %min3A_281 : i32
    %mul3A_283 = arith.constant 128 : i32
    %mul3A_284 = arith.muli %min3A_282, %mul3A_283 : i32
    %iota3A_285 = tpu.iota {dimensions = array<i32: 0>} : vector<256x1xi32>
    %add3A_286 = vector.broadcast %mul3A_284 : i32 to vector<256x1xi32>
    %add3A_287 = arith.addi %add3A_286, %iota3A_285 : vector<256x1xi32>
    %eq3A_288 = vector.broadcast %add3A_287 : vector<256x1xi32> to vector<256x256xi32>
    %eq3A_289 = vector.broadcast %get3A_278 : vector<1x256xi32> to vector<256x256xi32>
    %eq3A_290 = arith.cmpi eq, %eq3A_288, %eq3A_289 : vector<256x256xi32>
    %convert_element_type3A_291 = arith.extui %eq3A_290 : vector<256x256xi1> to vector<256x256xi32>
    %convert_element_type3A_292 = arith.sitofp %convert_element_type3A_291 : vector<256x256xi32> to vector<256x256xf32>
    %convert_element_type3A_293 = arith.truncf %convert_element_type3A_292 : vector<256x256xf32> to vector<256x256xbf16>
    %get3A_294 = arith.index_cast %mul3A_284 : i32 to index
    %get3A_295 = arith.constant 0 : index
    %get3A_296 = vector.load %arg6[%get3A_294, %get3A_295] : memref<512x256xbf16, #tpu.memory_space<vmem>>, vector<256x256xbf16>
    %dot_general3A_297 = arith.constant dense<0.000000e+00> : vector<256x256xf32>
    %dot_general3A_298 = tpu.matmul %convert_element_type3A_293, %get3A_296, %dot_general3A_297 {dimension_numbers = #tpu.dot_dimension_numbers<[0], [0], [1], [1], [0, 1, 1, 1], [], []>, transpose_lhs_hint = false} : vector<256x256xbf16>, vector<256x256xbf16>, vector<256x256xf32> -> vector<256x256xf32>
    %swap3A_299 = arith.constant 0 : index
    %swap3A_300 = arith.constant 1280 : index
    %swap3A_301 = arith.constant 0 : index
    %swap3A_302 = vector.load %arg5[%swap3A_299, %swap3A_300, %swap3A_301] : memref<1x4096x256xf32, #tpu.memory_space<vmem>>, vector<1x256x256xf32>
    %swap3A_303 = vector.shape_cast %swap3A_302 : vector<1x256x256xf32> to vector<256x256xf32>
    %swap3A_304 = vector.shape_cast %dot_general3A_298 : vector<256x256xf32> to vector<1x256x256xf32>
    tpu.vector_store %arg5[%swap3A_299, %swap3A_300, %swap3A_301], %swap3A_304 {strides = array<i32>} : memref<1x4096x256xf32, #tpu.memory_space<vmem>>, vector<1x256x256xf32>,
    %mul3A_305 = arith.constant 128 : i32
    %mul3A_306 = arith.muli %get3A_270, %mul3A_305 : i32
    %lt3A_307 = arith.cmpi slt, %mul3A_306, %mul3A_284 : i32
    %mul3A_308 = arith.constant 128 : i32
    %mul3A_309 = arith.muli %get3A_273, %mul3A_308 : i32
    %add3A_310 = arith.constant 256 : i32
    %add3A_311 = arith.addi %mul3A_284, %add3A_310 : i32
    %ge3A_312 = arith.cmpi sge, %mul3A_309, %add3A_311 : i32
    %or3A_313 = arith.ori %lt3A_307, %ge3A_312 : i1
    %convert_element_type3A_314 = arith.extui %or3A_313 : i1 to i32
    %cond3A_315 = arith.constant 0 : i32
    %cond3A_316 = arith.cmpi ne, %convert_element_type3A_314, %cond3A_315 : i32
    scf.if %cond3A_316 {
      %le3A = arith.constant 0 : i32
      %le3A_847 = arith.cmpi sle, %get3A_270, %le3A : i32
      %ge3A_848 = arith.constant 0 : i32
      %ge3A_849 = arith.cmpi sge, %get3A_273, %ge3A_848 : i32
      %and3A = arith.andi %le3A_847, %ge3A_849 : i1
      %gt3A = arith.constant 0 : i32
      %gt3A_850 = arith.cmpi sgt, %mul3A_284, %gt3A : i32
      %add3A_851 = arith.constant 256 : i32
      %add3A_852 = arith.addi %mul3A_284, %add3A_851 : i32
      %le3A_853 = arith.constant 0 : i32
      %le3A_854 = arith.cmpi sle, %add3A_852, %le3A_853 : i32
      %or3A_855 = arith.ori %gt3A_850, %le3A_854 : i1
      %and3A_856 = arith.andi %and3A, %or3A_855 : i1
      %convert_element_type3A_857 = arith.extui %and3A_856 : i1 to i32
      %cond3A_858 = arith.constant 0 : i32
      %cond3A_859 = arith.cmpi ne, %convert_element_type3A_857, %cond3A_858 : i32
      scf.if %cond3A_859 {
        %iota3A_908 = tpu.iota {dimensions = array<i32: 0>} : vector<128x1xi32>
        %add3A_909 = arith.constant 0 : i32
        %add3A_910 = vector.broadcast %add3A_909 : i32 to vector<128x1xi32>
        %add3A_911 = arith.addi %add3A_910, %iota3A_908 : vector<128x1xi32>
        %eq3A_912 = vector.broadcast %add3A_911 : vector<128x1xi32> to vector<128x256xi32>
        %eq3A_913 = vector.broadcast %get3A_278 : vector<1x256xi32> to vector<128x256xi32>
        %eq3A_914 = arith.cmpi eq, %eq3A_912, %eq3A_913 : vector<128x256xi32>
        %convert_element_type3A_915 = arith.extui %eq3A_914 : vector<128x256xi1> to vector<128x256xi32>
        %convert_element_type3A_916 = arith.sitofp %convert_element_type3A_915 : vector<128x256xi32> to vector<128x256xf32>
        %convert_element_type3A_917 = arith.truncf %convert_element_type3A_916 : vector<128x256xf32> to vector<128x256xbf16>
        %get3A_918 = arith.constant 0 : index
        %get3A_919 = arith.constant 0 : index
        %get3A_920 = vector.load %arg6[%get3A_918, %get3A_919] : memref<512x256xbf16, #tpu.memory_space<vmem>>, vector<128x256xbf16>
        %dot_general3A_921 = arith.constant dense<0.000000e+00> : vector<256x256xf32>
        %dot_general3A_922 = tpu.matmul %convert_element_type3A_917, %get3A_920, %dot_general3A_921 {dimension_numbers = #tpu.dot_dimension_numbers<[0], [0], [1], [1], [0, 1, 1, 1], [], []>, transpose_lhs_hint = false} : vector<128x256xbf16>, vector<128x256xbf16>, vector<256x256xf32> -> vector<256x256xf32>
        %get3A_923 = arith.constant 0 : index
        %get3A_924 = arith.constant 1280 : index
        %get3A_925 = arith.constant 0 : index
        %get3A_926 = vector.load %arg5[%get3A_923, %get3A_924, %get3A_925] : memref<1x4096x256xf32, #tpu.memory_space<vmem>>, vector<1x256x256xf32>
        %get3A_927 = vector.shape_cast %get3A_926 : vector<1x256x256xf32> to vector<256x256xf32>
        %add3A_928 = arith.addf %get3A_927, %dot_general3A_922 : vector<256x256xf32>
        %swap3A_929 = arith.constant 0 : index
        %swap3A_930 = arith.constant 1280 : index
        %swap3A_931 = arith.constant 0 : index
        %swap3A_932 = vector.load %arg5[%swap3A_929, %swap3A_930, %swap3A_931] : memref<1x4096x256xf32, #tpu.memory_space<vmem>>, vector<1x256x256xf32>
        %swap3A_933 = vector.shape_cast %swap3A_932 : vector<1x256x256xf32> to vector<256x256xf32>
        %swap3A_934 = vector.shape_cast %add3A_928 : vector<256x256xf32> to vector<1x256x256xf32>
        tpu.vector_store %arg5[%swap3A_929, %swap3A_930, %swap3A_931], %swap3A_934 {strides = array<i32>} : memref<1x4096x256xf32, #tpu.memory_space<vmem>>, vector<1x256x256xf32>,
      } else {
      }
      %le3A_860 = arith.constant 1 : i32
      %le3A_861 = arith.cmpi sle, %get3A_270, %le3A_860 : i32
      %ge3A_862 = arith.constant 1 : i32
      %ge3A_863 = arith.cmpi sge, %get3A_273, %ge3A_862 : i32
      %and3A_864 = arith.andi %le3A_861, %ge3A_863 : i1
      %gt3A_865 = arith.constant 128 : i32
      %gt3A_866 = arith.cmpi sgt, %mul3A_284, %gt3A_865 : i32
      %add3A_867 = arith.constant 256 : i32
      %add3A_868 = arith.addi %mul3A_284, %add3A_867 : i32
      %le3A_869 = arith.constant 128 : i32
      %le3A_870 = arith.cmpi sle, %add3A_868, %le3A_869 : i32
      %or3A_871 = arith.ori %gt3A_866, %le3A_870 : i1
      %and3A_872 = arith.andi %and3A_864, %or3A_871 : i1
      %convert_element_type3A_873 = arith.extui %and3A_872 : i1 to i32
      %cond3A_874 = arith.constant 0 : i32
      %cond3A_875 = arith.cmpi ne, %convert_element_type3A_873, %cond3A_874 : i32
      scf.if %cond3A_875 {
        %iota3A_908 = tpu.iota {dimensions = array<i32: 0>} : vector<128x1xi32>
        %add3A_909 = arith.constant 128 : i32
        %add3A_910 = vector.broadcast %add3A_909 : i32 to vector<128x1xi32>
        %add3A_911 = arith.addi %add3A_910, %iota3A_908 : vector<128x1xi32>
        %eq3A_912 = vector.broadcast %add3A_911 : vector<128x1xi32> to vector<128x256xi32>
        %eq3A_913 = vector.broadcast %get3A_278 : vector<1x256xi32> to vector<128x256xi32>
        %eq3A_914 = arith.cmpi eq, %eq3A_912, %eq3A_913 : vector<128x256xi32>
        %convert_element_type3A_915 = arith.extui %eq3A_914 : vector<128x256xi1> to vector<128x256xi32>
        %convert_element_type3A_916 = arith.sitofp %convert_element_type3A_915 : vector<128x256xi32> to vector<128x256xf32>
        %convert_element_type3A_917 = arith.truncf %convert_element_type3A_916 : vector<128x256xf32> to vector<128x256xbf16>
        %get3A_918 = arith.constant 128 : index
        %get3A_919 = arith.constant 0 : index
        %get3A_920 = vector.load %arg6[%get3A_918, %get3A_919] : memref<512x256xbf16, #tpu.memory_space<vmem>>, vector<128x256xbf16>
        %dot_general3A_921 = arith.constant dense<0.000000e+00> : vector<256x256xf32>
        %dot_general3A_922 = tpu.matmul %convert_element_type3A_917, %get3A_920, %dot_general3A_921 {dimension_numbers = #tpu.dot_dimension_numbers<[0], [0], [1], [1], [0, 1, 1, 1], [], []>, transpose_lhs_hint = false} : vector<128x256xbf16>, vector<128x256xbf16>, vector<256x256xf32> -> vector<256x256xf32>
        %get3A_923 = arith.constant 0 : index
        %get3A_924 = arith.constant 1280 : index
        %get3A_925 = arith.constant 0 : index
        %get3A_926 = vector.load %arg5[%get3A_923, %get3A_924, %get3A_925] : memref<1x4096x256xf32, #tpu.memory_space<vmem>>, vector<1x256x256xf32>
        %get3A_927 = vector.shape_cast %get3A_926 : vector<1x256x256xf32> to vector<256x256xf32>
        %add3A_928 = arith.addf %get3A_927, %dot_general3A_922 : vector<256x256xf32>
        %swap3A_929 = arith.constant 0 : index
        %swap3A_930 = arith.constant 1280 : index
        %swap3A_931 = arith.constant 0 : index
        %swap3A_932 = vector.load %arg5[%swap3A_929, %swap3A_930, %swap3A_931] : memref<1x4096x256xf32, #tpu.memory_space<vmem>>, vector<1x256x256xf32>
        %swap3A_933 = vector.shape_cast %swap3A_932 : vector<1x256x256xf32> to vector<256x256xf32>
        %swap3A_934 = vector.shape_cast %add3A_928 : vector<256x256xf32> to vector<1x256x256xf32>
        tpu.vector_store %arg5[%swap3A_929, %swap3A_930, %swap3A_931], %swap3A_934 {strides = array<i32>} : memref<1x4096x256xf32, #tpu.memory_space<vmem>>, vector<1x256x256xf32>,
      } else {
      }
      %le3A_876 = arith.constant 2 : i32
      %le3A_877 = arith.cmpi sle, %get3A_270, %le3A_876 : i32
      %ge3A_878 = arith.constant 2 : i32
      %ge3A_879 = arith.cmpi sge, %get3A_273, %ge3A_878 : i32
      %and3A_880 = arith.andi %le3A_877, %ge3A_879 : i1
      %gt3A_881 = arith.constant 256 : i32
      %gt3A_882 = arith.cmpi sgt, %mul3A_284, %gt3A_881 : i32
      %add3A_883 = arith.constant 256 : i32
      %add3A_884 = arith.addi %mul3A_284, %add3A_883 : i32
      %le3A_885 = arith.constant 256 : i32
      %le3A_886 = arith.cmpi sle, %add3A_884, %le3A_885 : i32
      %or3A_887 = arith.ori %gt3A_882, %le3A_886 : i1
      %and3A_888 = arith.andi %and3A_880, %or3A_887 : i1
      %convert_element_type3A_889 = arith.extui %and3A_888 : i1 to i32
      %cond3A_890 = arith.constant 0 : i32
      %cond3A_891 = arith.cmpi ne, %convert_element_type3A_889, %cond3A_890 : i32
      scf.if %cond3A_891 {
        %iota3A_908 = tpu.iota {dimensions = array<i32: 0>} : vector<128x1xi32>
        %add3A_909 = arith.constant 256 : i32
        %add3A_910 = vector.broadcast %add3A_909 : i32 to vector<128x1xi32>
        %add3A_911 = arith.addi %add3A_910, %iota3A_908 : vector<128x1xi32>
        %eq3A_912 = vector.broadcast %add3A_911 : vector<128x1xi32> to vector<128x256xi32>
        %eq3A_913 = vector.broadcast %get3A_278 : vector<1x256xi32> to vector<128x256xi32>
        %eq3A_914 = arith.cmpi eq, %eq3A_912, %eq3A_913 : vector<128x256xi32>
        %convert_element_type3A_915 = arith.extui %eq3A_914 : vector<128x256xi1> to vector<128x256xi32>
        %convert_element_type3A_916 = arith.sitofp %convert_element_type3A_915 : vector<128x256xi32> to vector<128x256xf32>
        %convert_element_type3A_917 = arith.truncf %convert_element_type3A_916 : vector<128x256xf32> to vector<128x256xbf16>
        %get3A_918 = arith.constant 256 : index
        %get3A_919 = arith.constant 0 : index
        %get3A_920 = vector.load %arg6[%get3A_918, %get3A_919] : memref<512x256xbf16, #tpu.memory_space<vmem>>, vector<128x256xbf16>
        %dot_general3A_921 = arith.constant dense<0.000000e+00> : vector<256x256xf32>
        %dot_general3A_922 = tpu.matmul %convert_element_type3A_917, %get3A_920, %dot_general3A_921 {dimension_numbers = #tpu.dot_dimension_numbers<[0], [0], [1], [1], [0, 1, 1, 1], [], []>, transpose_lhs_hint = false} : vector<128x256xbf16>, vector<128x256xbf16>, vector<256x256xf32> -> vector<256x256xf32>
        %get3A_923 = arith.constant 0 : index
        %get3A_924 = arith.constant 1280 : index
        %get3A_925 = arith.constant 0 : index
        %get3A_926 = vector.load %arg5[%get3A_923, %get3A_924, %get3A_925] : memref<1x4096x256xf32, #tpu.memory_space<vmem>>, vector<1x256x256xf32>
        %get3A_927 = vector.shape_cast %get3A_926 : vector<1x256x256xf32> to vector<256x256xf32>
        %add3A_928 = arith.addf %get3A_927, %dot_general3A_922 : vector<256x256xf32>
        %swap3A_929 = arith.constant 0 : index
        %swap3A_930 = arith.constant 1280 : index
        %swap3A_931 = arith.constant 0 : index
        %swap3A_932 = vector.load %arg5[%swap3A_929, %swap3A_930, %swap3A_931] : memref<1x4096x256xf32, #tpu.memory_space<vmem>>, vector<1x256x256xf32>
        %swap3A_933 = vector.shape_cast %swap3A_932 : vector<1x256x256xf32> to vector<256x256xf32>
        %swap3A_934 = vector.shape_cast %add3A_928 : vector<256x256xf32> to vector<1x256x256xf32>
        tpu.vector_store %arg5[%swap3A_929, %swap3A_930, %swap3A_931], %swap3A_934 {strides = array<i32>} : memref<1x4096x256xf32, #tpu.memory_space<vmem>>, vector<1x256x256xf32>,
      } else {
      }
      %le3A_892 = arith.constant 3 : i32
      %le3A_893 = arith.cmpi sle, %get3A_270, %le3A_892 : i32
      %ge3A_894 = arith.constant 3 : i32
      %ge3A_895 = arith.cmpi sge, %get3A_273, %ge3A_894 : i32
      %and3A_896 = arith.andi %le3A_893, %ge3A_895 : i1
      %gt3A_897 = arith.constant 384 : i32
      %gt3A_898 = arith.cmpi sgt, %mul3A_284, %gt3A_897 : i32
      %add3A_899 = arith.constant 256 : i32
      %add3A_900 = arith.addi %mul3A_284, %add3A_899 : i32
      %le3A_901 = arith.constant 384 : i32
      %le3A_902 = arith.cmpi sle, %add3A_900, %le3A_901 : i32
      %or3A_903 = arith.ori %gt3A_898, %le3A_902 : i1
      %and3A_904 = arith.andi %and3A_896, %or3A_903 : i1
      %convert_element_type3A_905 = arith.extui %and3A_904 : i1 to i32
      %cond3A_906 = arith.constant 0 : i32
      %cond3A_907 = arith.cmpi ne, %convert_element_type3A_905, %cond3A_906 : i32
      scf.if %cond3A_907 {
        %iota3A_908 = tpu.iota {dimensions = array<i32: 0>} : vector<128x1xi32>
        %add3A_909 = arith.constant 384 : i32
        %add3A_910 = vector.broadcast %add3A_909 : i32 to vector<128x1xi32>
        %add3A_911 = arith.addi %add3A_910, %iota3A_908 : vector<128x1xi32>
        %eq3A_912 = vector.broadcast %add3A_911 : vector<128x1xi32> to vector<128x256xi32>
        %eq3A_913 = vector.broadcast %get3A_278 : vector<1x256xi32> to vector<128x256xi32>
        %eq3A_914 = arith.cmpi eq, %eq3A_912, %eq3A_913 : vector<128x256xi32>
        %convert_element_type3A_915 = arith.extui %eq3A_914 : vector<128x256xi1> to vector<128x256xi32>
        %convert_element_type3A_916 = arith.sitofp %convert_element_type3A_915 : vector<128x256xi32> to vector<128x256xf32>
        %convert_element_type3A_917 = arith.truncf %convert_element_type3A_916 : vector<128x256xf32> to vector<128x256xbf16>
        %get3A_918 = arith.constant 384 : index
        %get3A_919 = arith.constant 0 : index
        %get3A_920 = vector.load %arg6[%get3A_918, %get3A_919] : memref<512x256xbf16, #tpu.memory_space<vmem>>, vector<128x256xbf16>
        %dot_general3A_921 = arith.constant dense<0.000000e+00> : vector<256x256xf32>
        %dot_general3A_922 = tpu.matmul %convert_element_type3A_917, %get3A_920, %dot_general3A_921 {dimension_numbers = #tpu.dot_dimension_numbers<[0], [0], [1], [1], [0, 1, 1, 1], [], []>, transpose_lhs_hint = false} : vector<128x256xbf16>, vector<128x256xbf16>, vector<256x256xf32> -> vector<256x256xf32>
        %get3A_923 = arith.constant 0 : index
        %get3A_924 = arith.constant 1280 : index
        %get3A_925 = arith.constant 0 : index
        %get3A_926 = vector.load %arg5[%get3A_923, %get3A_924, %get3A_925] : memref<1x4096x256xf32, #tpu.memory_space<vmem>>, vector<1x256x256xf32>
        %get3A_927 = vector.shape_cast %get3A_926 : vector<1x256x256xf32> to vector<256x256xf32>
        %add3A_928 = arith.addf %get3A_927, %dot_general3A_922 : vector<256x256xf32>
        %swap3A_929 = arith.constant 0 : index
        %swap3A_930 = arith.constant 1280 : index
        %swap3A_931 = arith.constant 0 : index
        %swap3A_932 = vector.load %arg5[%swap3A_929, %swap3A_930, %swap3A_931] : memref<1x4096x256xf32, #tpu.memory_space<vmem>>, vector<1x256x256xf32>
        %swap3A_933 = vector.shape_cast %swap3A_932 : vector<1x256x256xf32> to vector<256x256xf32>
        %swap3A_934 = vector.shape_cast %add3A_928 : vector<256x256xf32> to vector<1x256x256xf32>
        tpu.vector_store %arg5[%swap3A_929, %swap3A_930, %swap3A_931], %swap3A_934 {strides = array<i32>} : memref<1x4096x256xf32, #tpu.memory_space<vmem>>, vector<1x256x256xf32>,
      } else {
      }
    } else {
    }
    %mul3A_317 = arith.constant 4 : i32
    %mul3A_318 = arith.muli %arg0, %mul3A_317 : i32
    %add3A_319 = arith.constant 1 : i32
    %add3A_320 = arith.addi %mul3A_318, %add3A_319 : i32
    %get3A_321 = arith.index_cast %add3A_320 : i32 to index
    %get3A_322 = arith.constant 2 : index
    %get3A_323 = memref.load %arg1[%get3A_321, %get3A_322] : memref<32x16xi32, #tpu.memory_space<smem>>
    %get3A_324 = arith.index_cast %add3A_320 : i32 to index
    %get3A_325 = arith.constant 6 : index
    %get3A_326 = memref.load %arg1[%get3A_324, %get3A_325] : memref<32x16xi32, #tpu.memory_space<smem>>
    %get3A_327 = arith.constant 1 : index
    %get3A_328 = arith.constant 0 : index
    %get3A_329 = arith.constant 512 : index
    %get3A_330 = vector.load %arg2[%get3A_327, %get3A_328, %get3A_329] : memref<4x1x1024xi32, #tpu.memory_space<vmem>>, vector<1x1x256xi32>
    %get3A_331 = vector.shape_cast %get3A_330 : vector<1x1x256xi32> to vector<1x256xi32>
    %max3A_332 = arith.constant 0 : i32
    %max3A_333 = arith.maxsi %get3A_323, %max3A_332 : i32
    %min3A_334 = arith.constant 2 : i32
    %min3A_335 = arith.minsi %max3A_333, %min3A_334 : i32
    %mul3A_336 = arith.constant 128 : i32
    %mul3A_337 = arith.muli %min3A_335, %mul3A_336 : i32
    %iota3A_338 = tpu.iota {dimensions = array<i32: 0>} : vector<256x1xi32>
    %add3A_339 = vector.broadcast %mul3A_337 : i32 to vector<256x1xi32>
    %add3A_340 = arith.addi %add3A_339, %iota3A_338 : vector<256x1xi32>
    %eq3A_341 = vector.broadcast %add3A_340 : vector<256x1xi32> to vector<256x256xi32>
    %eq3A_342 = vector.broadcast %get3A_331 : vector<1x256xi32> to vector<256x256xi32>
    %eq3A_343 = arith.cmpi eq, %eq3A_341, %eq3A_342 : vector<256x256xi32>
    %convert_element_type3A_344 = arith.extui %eq3A_343 : vector<256x256xi1> to vector<256x256xi32>
    %convert_element_type3A_345 = arith.sitofp %convert_element_type3A_344 : vector<256x256xi32> to vector<256x256xf32>
    %convert_element_type3A_346 = arith.truncf %convert_element_type3A_345 : vector<256x256xf32> to vector<256x256xbf16>
    %get3A_347 = arith.index_cast %mul3A_337 : i32 to index
    %get3A_348 = arith.constant 0 : index
    %get3A_349 = vector.load %arg6[%get3A_347, %get3A_348] : memref<512x256xbf16, #tpu.memory_space<vmem>>, vector<256x256xbf16>
    %dot_general3A_350 = arith.constant dense<0.000000e+00> : vector<256x256xf32>
    %dot_general3A_351 = tpu.matmul %convert_element_type3A_346, %get3A_349, %dot_general3A_350 {dimension_numbers = #tpu.dot_dimension_numbers<[0], [0], [1], [1], [0, 1, 1, 1], [], []>, transpose_lhs_hint = false} : vector<256x256xbf16>, vector<256x256xbf16>, vector<256x256xf32> -> vector<256x256xf32>
    %swap3A_352 = arith.constant 0 : index
    %swap3A_353 = arith.constant 1536 : index
    %swap3A_354 = arith.constant 0 : index
    %swap3A_355 = vector.load %arg5[%swap3A_352, %swap3A_353, %swap3A_354] : memref<1x4096x256xf32, #tpu.memory_space<vmem>>, vector<1x256x256xf32>
    %swap3A_356 = vector.shape_cast %swap3A_355 : vector<1x256x256xf32> to vector<256x256xf32>
    %swap3A_357 = vector.shape_cast %dot_general3A_351 : vector<256x256xf32> to vector<1x256x256xf32>
    tpu.vector_store %arg5[%swap3A_352, %swap3A_353, %swap3A_354], %swap3A_357 {strides = array<i32>} : memref<1x4096x256xf32, #tpu.memory_space<vmem>>, vector<1x256x256xf32>,
    %mul3A_358 = arith.constant 128 : i32
    %mul3A_359 = arith.muli %get3A_323, %mul3A_358 : i32
    %lt3A_360 = arith.cmpi slt, %mul3A_359, %mul3A_337 : i32
    %mul3A_361 = arith.constant 128 : i32
    %mul3A_362 = arith.muli %get3A_326, %mul3A_361 : i32
    %add3A_363 = arith.constant 256 : i32
    %add3A_364 = arith.addi %mul3A_337, %add3A_363 : i32
    %ge3A_365 = arith.cmpi sge, %mul3A_362, %add3A_364 : i32
    %or3A_366 = arith.ori %lt3A_360, %ge3A_365 : i1
    %convert_element_type3A_367 = arith.extui %or3A_366 : i1 to i32
    %cond3A_368 = arith.constant 0 : i32
    %cond3A_369 = arith.cmpi ne, %convert_element_type3A_367, %cond3A_368 : i32
    scf.if %cond3A_369 {
      %le3A = arith.constant 0 : i32
      %le3A_847 = arith.cmpi sle, %get3A_323, %le3A : i32
      %ge3A_848 = arith.constant 0 : i32
      %ge3A_849 = arith.cmpi sge, %get3A_326, %ge3A_848 : i32
      %and3A = arith.andi %le3A_847, %ge3A_849 : i1
      %gt3A = arith.constant 0 : i32
      %gt3A_850 = arith.cmpi sgt, %mul3A_337, %gt3A : i32
      %add3A_851 = arith.constant 256 : i32
      %add3A_852 = arith.addi %mul3A_337, %add3A_851 : i32
      %le3A_853 = arith.constant 0 : i32
      %le3A_854 = arith.cmpi sle, %add3A_852, %le3A_853 : i32
      %or3A_855 = arith.ori %gt3A_850, %le3A_854 : i1
      %and3A_856 = arith.andi %and3A, %or3A_855 : i1
      %convert_element_type3A_857 = arith.extui %and3A_856 : i1 to i32
      %cond3A_858 = arith.constant 0 : i32
      %cond3A_859 = arith.cmpi ne, %convert_element_type3A_857, %cond3A_858 : i32
      scf.if %cond3A_859 {
        %iota3A_908 = tpu.iota {dimensions = array<i32: 0>} : vector<128x1xi32>
        %add3A_909 = arith.constant 0 : i32
        %add3A_910 = vector.broadcast %add3A_909 : i32 to vector<128x1xi32>
        %add3A_911 = arith.addi %add3A_910, %iota3A_908 : vector<128x1xi32>
        %eq3A_912 = vector.broadcast %add3A_911 : vector<128x1xi32> to vector<128x256xi32>
        %eq3A_913 = vector.broadcast %get3A_331 : vector<1x256xi32> to vector<128x256xi32>
        %eq3A_914 = arith.cmpi eq, %eq3A_912, %eq3A_913 : vector<128x256xi32>
        %convert_element_type3A_915 = arith.extui %eq3A_914 : vector<128x256xi1> to vector<128x256xi32>
        %convert_element_type3A_916 = arith.sitofp %convert_element_type3A_915 : vector<128x256xi32> to vector<128x256xf32>
        %convert_element_type3A_917 = arith.truncf %convert_element_type3A_916 : vector<128x256xf32> to vector<128x256xbf16>
        %get3A_918 = arith.constant 0 : index
        %get3A_919 = arith.constant 0 : index
        %get3A_920 = vector.load %arg6[%get3A_918, %get3A_919] : memref<512x256xbf16, #tpu.memory_space<vmem>>, vector<128x256xbf16>
        %dot_general3A_921 = arith.constant dense<0.000000e+00> : vector<256x256xf32>
        %dot_general3A_922 = tpu.matmul %convert_element_type3A_917, %get3A_920, %dot_general3A_921 {dimension_numbers = #tpu.dot_dimension_numbers<[0], [0], [1], [1], [0, 1, 1, 1], [], []>, transpose_lhs_hint = false} : vector<128x256xbf16>, vector<128x256xbf16>, vector<256x256xf32> -> vector<256x256xf32>
        %get3A_923 = arith.constant 0 : index
        %get3A_924 = arith.constant 1536 : index
        %get3A_925 = arith.constant 0 : index
        %get3A_926 = vector.load %arg5[%get3A_923, %get3A_924, %get3A_925] : memref<1x4096x256xf32, #tpu.memory_space<vmem>>, vector<1x256x256xf32>
        %get3A_927 = vector.shape_cast %get3A_926 : vector<1x256x256xf32> to vector<256x256xf32>
        %add3A_928 = arith.addf %get3A_927, %dot_general3A_922 : vector<256x256xf32>
        %swap3A_929 = arith.constant 0 : index
        %swap3A_930 = arith.constant 1536 : index
        %swap3A_931 = arith.constant 0 : index
        %swap3A_932 = vector.load %arg5[%swap3A_929, %swap3A_930, %swap3A_931] : memref<1x4096x256xf32, #tpu.memory_space<vmem>>, vector<1x256x256xf32>
        %swap3A_933 = vector.shape_cast %swap3A_932 : vector<1x256x256xf32> to vector<256x256xf32>
        %swap3A_934 = vector.shape_cast %add3A_928 : vector<256x256xf32> to vector<1x256x256xf32>
        tpu.vector_store %arg5[%swap3A_929, %swap3A_930, %swap3A_931], %swap3A_934 {strides = array<i32>} : memref<1x4096x256xf32, #tpu.memory_space<vmem>>, vector<1x256x256xf32>,
      } else {
      }
      %le3A_860 = arith.constant 1 : i32
      %le3A_861 = arith.cmpi sle, %get3A_323, %le3A_860 : i32
      %ge3A_862 = arith.constant 1 : i32
      %ge3A_863 = arith.cmpi sge, %get3A_326, %ge3A_862 : i32
      %and3A_864 = arith.andi %le3A_861, %ge3A_863 : i1
      %gt3A_865 = arith.constant 128 : i32
      %gt3A_866 = arith.cmpi sgt, %mul3A_337, %gt3A_865 : i32
      %add3A_867 = arith.constant 256 : i32
      %add3A_868 = arith.addi %mul3A_337, %add3A_867 : i32
      %le3A_869 = arith.constant 128 : i32
      %le3A_870 = arith.cmpi sle, %add3A_868, %le3A_869 : i32
      %or3A_871 = arith.ori %gt3A_866, %le3A_870 : i1
      %and3A_872 = arith.andi %and3A_864, %or3A_871 : i1
      %convert_element_type3A_873 = arith.extui %and3A_872 : i1 to i32
      %cond3A_874 = arith.constant 0 : i32
      %cond3A_875 = arith.cmpi ne, %convert_element_type3A_873, %cond3A_874 : i32
      scf.if %cond3A_875 {
        %iota3A_908 = tpu.iota {dimensions = array<i32: 0>} : vector<128x1xi32>
        %add3A_909 = arith.constant 128 : i32
        %add3A_910 = vector.broadcast %add3A_909 : i32 to vector<128x1xi32>
        %add3A_911 = arith.addi %add3A_910, %iota3A_908 : vector<128x1xi32>
        %eq3A_912 = vector.broadcast %add3A_911 : vector<128x1xi32> to vector<128x256xi32>
        %eq3A_913 = vector.broadcast %get3A_331 : vector<1x256xi32> to vector<128x256xi32>
        %eq3A_914 = arith.cmpi eq, %eq3A_912, %eq3A_913 : vector<128x256xi32>
        %convert_element_type3A_915 = arith.extui %eq3A_914 : vector<128x256xi1> to vector<128x256xi32>
        %convert_element_type3A_916 = arith.sitofp %convert_element_type3A_915 : vector<128x256xi32> to vector<128x256xf32>
        %convert_element_type3A_917 = arith.truncf %convert_element_type3A_916 : vector<128x256xf32> to vector<128x256xbf16>
        %get3A_918 = arith.constant 128 : index
        %get3A_919 = arith.constant 0 : index
        %get3A_920 = vector.load %arg6[%get3A_918, %get3A_919] : memref<512x256xbf16, #tpu.memory_space<vmem>>, vector<128x256xbf16>
        %dot_general3A_921 = arith.constant dense<0.000000e+00> : vector<256x256xf32>
        %dot_general3A_922 = tpu.matmul %convert_element_type3A_917, %get3A_920, %dot_general3A_921 {dimension_numbers = #tpu.dot_dimension_numbers<[0], [0], [1], [1], [0, 1, 1, 1], [], []>, transpose_lhs_hint = false} : vector<128x256xbf16>, vector<128x256xbf16>, vector<256x256xf32> -> vector<256x256xf32>
        %get3A_923 = arith.constant 0 : index
        %get3A_924 = arith.constant 1536 : index
        %get3A_925 = arith.constant 0 : index
        %get3A_926 = vector.load %arg5[%get3A_923, %get3A_924, %get3A_925] : memref<1x4096x256xf32, #tpu.memory_space<vmem>>, vector<1x256x256xf32>
        %get3A_927 = vector.shape_cast %get3A_926 : vector<1x256x256xf32> to vector<256x256xf32>
        %add3A_928 = arith.addf %get3A_927, %dot_general3A_922 : vector<256x256xf32>
        %swap3A_929 = arith.constant 0 : index
        %swap3A_930 = arith.constant 1536 : index
        %swap3A_931 = arith.constant 0 : index
        %swap3A_932 = vector.load %arg5[%swap3A_929, %swap3A_930, %swap3A_931] : memref<1x4096x256xf32, #tpu.memory_space<vmem>>, vector<1x256x256xf32>
        %swap3A_933 = vector.shape_cast %swap3A_932 : vector<1x256x256xf32> to vector<256x256xf32>
        %swap3A_934 = vector.shape_cast %add3A_928 : vector<256x256xf32> to vector<1x256x256xf32>
        tpu.vector_store %arg5[%swap3A_929, %swap3A_930, %swap3A_931], %swap3A_934 {strides = array<i32>} : memref<1x4096x256xf32, #tpu.memory_space<vmem>>, vector<1x256x256xf32>,
      } else {
      }
      %le3A_876 = arith.constant 2 : i32
      %le3A_877 = arith.cmpi sle, %get3A_323, %le3A_876 : i32
      %ge3A_878 = arith.constant 2 : i32
      %ge3A_879 = arith.cmpi sge, %get3A_326, %ge3A_878 : i32
      %and3A_880 = arith.andi %le3A_877, %ge3A_879 : i1
      %gt3A_881 = arith.constant 256 : i32
      %gt3A_882 = arith.cmpi sgt, %mul3A_337, %gt3A_881 : i32
      %add3A_883 = arith.constant 256 : i32
      %add3A_884 = arith.addi %mul3A_337, %add3A_883 : i32
      %le3A_885 = arith.constant 256 : i32
      %le3A_886 = arith.cmpi sle, %add3A_884, %le3A_885 : i32
      %or3A_887 = arith.ori %gt3A_882, %le3A_886 : i1
      %and3A_888 = arith.andi %and3A_880, %or3A_887 : i1
      %convert_element_type3A_889 = arith.extui %and3A_888 : i1 to i32
      %cond3A_890 = arith.constant 0 : i32
      %cond3A_891 = arith.cmpi ne, %convert_element_type3A_889, %cond3A_890 : i32
      scf.if %cond3A_891 {
        %iota3A_908 = tpu.iota {dimensions = array<i32: 0>} : vector<128x1xi32>
        %add3A_909 = arith.constant 256 : i32
        %add3A_910 = vector.broadcast %add3A_909 : i32 to vector<128x1xi32>
        %add3A_911 = arith.addi %add3A_910, %iota3A_908 : vector<128x1xi32>
        %eq3A_912 = vector.broadcast %add3A_911 : vector<128x1xi32> to vector<128x256xi32>
        %eq3A_913 = vector.broadcast %get3A_331 : vector<1x256xi32> to vector<128x256xi32>
        %eq3A_914 = arith.cmpi eq, %eq3A_912, %eq3A_913 : vector<128x256xi32>
        %convert_element_type3A_915 = arith.extui %eq3A_914 : vector<128x256xi1> to vector<128x256xi32>
        %convert_element_type3A_916 = arith.sitofp %convert_element_type3A_915 : vector<128x256xi32> to vector<128x256xf32>
        %convert_element_type3A_917 = arith.truncf %convert_element_type3A_916 : vector<128x256xf32> to vector<128x256xbf16>
        %get3A_918 = arith.constant 256 : index
        %get3A_919 = arith.constant 0 : index
        %get3A_920 = vector.load %arg6[%get3A_918, %get3A_919] : memref<512x256xbf16, #tpu.memory_space<vmem>>, vector<128x256xbf16>
        %dot_general3A_921 = arith.constant dense<0.000000e+00> : vector<256x256xf32>
        %dot_general3A_922 = tpu.matmul %convert_element_type3A_917, %get3A_920, %dot_general3A_921 {dimension_numbers = #tpu.dot_dimension_numbers<[0], [0], [1], [1], [0, 1, 1, 1], [], []>, transpose_lhs_hint = false} : vector<128x256xbf16>, vector<128x256xbf16>, vector<256x256xf32> -> vector<256x256xf32>
        %get3A_923 = arith.constant 0 : index
        %get3A_924 = arith.constant 1536 : index
        %get3A_925 = arith.constant 0 : index
        %get3A_926 = vector.load %arg5[%get3A_923, %get3A_924, %get3A_925] : memref<1x4096x256xf32, #tpu.memory_space<vmem>>, vector<1x256x256xf32>
        %get3A_927 = vector.shape_cast %get3A_926 : vector<1x256x256xf32> to vector<256x256xf32>
        %add3A_928 = arith.addf %get3A_927, %dot_general3A_922 : vector<256x256xf32>
        %swap3A_929 = arith.constant 0 : index
        %swap3A_930 = arith.constant 1536 : index
        %swap3A_931 = arith.constant 0 : index
        %swap3A_932 = vector.load %arg5[%swap3A_929, %swap3A_930, %swap3A_931] : memref<1x4096x256xf32, #tpu.memory_space<vmem>>, vector<1x256x256xf32>
        %swap3A_933 = vector.shape_cast %swap3A_932 : vector<1x256x256xf32> to vector<256x256xf32>
        %swap3A_934 = vector.shape_cast %add3A_928 : vector<256x256xf32> to vector<1x256x256xf32>
        tpu.vector_store %arg5[%swap3A_929, %swap3A_930, %swap3A_931], %swap3A_934 {strides = array<i32>} : memref<1x4096x256xf32, #tpu.memory_space<vmem>>, vector<1x256x256xf32>,
      } else {
      }
      %le3A_892 = arith.constant 3 : i32
      %le3A_893 = arith.cmpi sle, %get3A_323, %le3A_892 : i32
      %ge3A_894 = arith.constant 3 : i32
      %ge3A_895 = arith.cmpi sge, %get3A_326, %ge3A_894 : i32
      %and3A_896 = arith.andi %le3A_893, %ge3A_895 : i1
      %gt3A_897 = arith.constant 384 : i32
      %gt3A_898 = arith.cmpi sgt, %mul3A_337, %gt3A_897 : i32
      %add3A_899 = arith.constant 256 : i32
      %add3A_900 = arith.addi %mul3A_337, %add3A_899 : i32
      %le3A_901 = arith.constant 384 : i32
      %le3A_902 = arith.cmpi sle, %add3A_900, %le3A_901 : i32
      %or3A_903 = arith.ori %gt3A_898, %le3A_902 : i1
      %and3A_904 = arith.andi %and3A_896, %or3A_903 : i1
      %convert_element_type3A_905 = arith.extui %and3A_904 : i1 to i32
      %cond3A_906 = arith.constant 0 : i32
      %cond3A_907 = arith.cmpi ne, %convert_element_type3A_905, %cond3A_906 : i32
      scf.if %cond3A_907 {
        %iota3A_908 = tpu.iota {dimensions = array<i32: 0>} : vector<128x1xi32>
        %add3A_909 = arith.constant 384 : i32
        %add3A_910 = vector.broadcast %add3A_909 : i32 to vector<128x1xi32>
        %add3A_911 = arith.addi %add3A_910, %iota3A_908 : vector<128x1xi32>
        %eq3A_912 = vector.broadcast %add3A_911 : vector<128x1xi32> to vector<128x256xi32>
        %eq3A_913 = vector.broadcast %get3A_331 : vector<1x256xi32> to vector<128x256xi32>
        %eq3A_914 = arith.cmpi eq, %eq3A_912, %eq3A_913 : vector<128x256xi32>
        %convert_element_type3A_915 = arith.extui %eq3A_914 : vector<128x256xi1> to vector<128x256xi32>
        %convert_element_type3A_916 = arith.sitofp %convert_element_type3A_915 : vector<128x256xi32> to vector<128x256xf32>
        %convert_element_type3A_917 = arith.truncf %convert_element_type3A_916 : vector<128x256xf32> to vector<128x256xbf16>
        %get3A_918 = arith.constant 384 : index
        %get3A_919 = arith.constant 0 : index
        %get3A_920 = vector.load %arg6[%get3A_918, %get3A_919] : memref<512x256xbf16, #tpu.memory_space<vmem>>, vector<128x256xbf16>
        %dot_general3A_921 = arith.constant dense<0.000000e+00> : vector<256x256xf32>
        %dot_general3A_922 = tpu.matmul %convert_element_type3A_917, %get3A_920, %dot_general3A_921 {dimension_numbers = #tpu.dot_dimension_numbers<[0], [0], [1], [1], [0, 1, 1, 1], [], []>, transpose_lhs_hint = false} : vector<128x256xbf16>, vector<128x256xbf16>, vector<256x256xf32> -> vector<256x256xf32>
        %get3A_923 = arith.constant 0 : index
        %get3A_924 = arith.constant 1536 : index
        %get3A_925 = arith.constant 0 : index
        %get3A_926 = vector.load %arg5[%get3A_923, %get3A_924, %get3A_925] : memref<1x4096x256xf32, #tpu.memory_space<vmem>>, vector<1x256x256xf32>
        %get3A_927 = vector.shape_cast %get3A_926 : vector<1x256x256xf32> to vector<256x256xf32>
        %add3A_928 = arith.addf %get3A_927, %dot_general3A_922 : vector<256x256xf32>
        %swap3A_929 = arith.constant 0 : index
        %swap3A_930 = arith.constant 1536 : index
        %swap3A_931 = arith.constant 0 : index
        %swap3A_932 = vector.load %arg5[%swap3A_929, %swap3A_930, %swap3A_931] : memref<1x4096x256xf32, #tpu.memory_space<vmem>>, vector<1x256x256xf32>
        %swap3A_933 = vector.shape_cast %swap3A_932 : vector<1x256x256xf32> to vector<256x256xf32>
        %swap3A_934 = vector.shape_cast %add3A_928 : vector<256x256xf32> to vector<1x256x256xf32>
        tpu.vector_store %arg5[%swap3A_929, %swap3A_930, %swap3A_931], %swap3A_934 {strides = array<i32>} : memref<1x4096x256xf32, #tpu.memory_space<vmem>>, vector<1x256x256xf32>,
      } else {
      }
    } else {
    }
    %mul3A_370 = arith.constant 4 : i32
    %mul3A_371 = arith.muli %arg0, %mul3A_370 : i32
    %add3A_372 = arith.constant 1 : i32
    %add3A_373 = arith.addi %mul3A_371, %add3A_372 : i32
    %get3A_374 = arith.index_cast %add3A_373 : i32 to index
    %get3A_375 = arith.constant 3 : index
    %get3A_376 = memref.load %arg1[%get3A_374, %get3A_375] : memref<32x16xi32, #tpu.memory_space<smem>>
    %get3A_377 = arith.index_cast %add3A_373 : i32 to index
    %get3A_378 = arith.constant 7 : index
    %get3A_379 = memref.load %arg1[%get3A_377, %get3A_378] : memref<32x16xi32, #tpu.memory_space<smem>>
    %get3A_380 = arith.constant 1 : index
    %get3A_381 = arith.constant 0 : index
    %get3A_382 = arith.constant 768 : index
    %get3A_383 = vector.load %arg2[%get3A_380, %get3A_381, %get3A_382] : memref<4x1x1024xi32, #tpu.memory_space<vmem>>, vector<1x1x256xi32>
    %get3A_384 = vector.shape_cast %get3A_383 : vector<1x1x256xi32> to vector<1x256xi32>
    %max3A_385 = arith.constant 0 : i32
    %max3A_386 = arith.maxsi %get3A_376, %max3A_385 : i32
    %min3A_387 = arith.constant 2 : i32
    %min3A_388 = arith.minsi %max3A_386, %min3A_387 : i32
    %mul3A_389 = arith.constant 128 : i32
    %mul3A_390 = arith.muli %min3A_388, %mul3A_389 : i32
    %iota3A_391 = tpu.iota {dimensions = array<i32: 0>} : vector<256x1xi32>
    %add3A_392 = vector.broadcast %mul3A_390 : i32 to vector<256x1xi32>
    %add3A_393 = arith.addi %add3A_392, %iota3A_391 : vector<256x1xi32>
    %eq3A_394 = vector.broadcast %add3A_393 : vector<256x1xi32> to vector<256x256xi32>
    %eq3A_395 = vector.broadcast %get3A_384 : vector<1x256xi32> to vector<256x256xi32>
    %eq3A_396 = arith.cmpi eq, %eq3A_394, %eq3A_395 : vector<256x256xi32>
    %convert_element_type3A_397 = arith.extui %eq3A_396 : vector<256x256xi1> to vector<256x256xi32>
    %convert_element_type3A_398 = arith.sitofp %convert_element_type3A_397 : vector<256x256xi32> to vector<256x256xf32>
    %convert_element_type3A_399 = arith.truncf %convert_element_type3A_398 : vector<256x256xf32> to vector<256x256xbf16>
    %get3A_400 = arith.index_cast %mul3A_390 : i32 to index
    %get3A_401 = arith.constant 0 : index
    %get3A_402 = vector.load %arg6[%get3A_400, %get3A_401] : memref<512x256xbf16, #tpu.memory_space<vmem>>, vector<256x256xbf16>
    %dot_general3A_403 = arith.constant dense<0.000000e+00> : vector<256x256xf32>
    %dot_general3A_404 = tpu.matmul %convert_element_type3A_399, %get3A_402, %dot_general3A_403 {dimension_numbers = #tpu.dot_dimension_numbers<[0], [0], [1], [1], [0, 1, 1, 1], [], []>, transpose_lhs_hint = false} : vector<256x256xbf16>, vector<256x256xbf16>, vector<256x256xf32> -> vector<256x256xf32>
    %swap3A_405 = arith.constant 0 : index
    %swap3A_406 = arith.constant 1792 : index
    %swap3A_407 = arith.constant 0 : index
    %swap3A_408 = vector.load %arg5[%swap3A_405, %swap3A_406, %swap3A_407] : memref<1x4096x256xf32, #tpu.memory_space<vmem>>, vector<1x256x256xf32>
    %swap3A_409 = vector.shape_cast %swap3A_408 : vector<1x256x256xf32> to vector<256x256xf32>
    %swap3A_410 = vector.shape_cast %dot_general3A_404 : vector<256x256xf32> to vector<1x256x256xf32>
    tpu.vector_store %arg5[%swap3A_405, %swap3A_406, %swap3A_407], %swap3A_410 {strides = array<i32>} : memref<1x4096x256xf32, #tpu.memory_space<vmem>>, vector<1x256x256xf32>,
    %mul3A_411 = arith.constant 128 : i32
    %mul3A_412 = arith.muli %get3A_376, %mul3A_411 : i32
    %lt3A_413 = arith.cmpi slt, %mul3A_412, %mul3A_390 : i32
    %mul3A_414 = arith.constant 128 : i32
    %mul3A_415 = arith.muli %get3A_379, %mul3A_414 : i32
    %add3A_416 = arith.constant 256 : i32
    %add3A_417 = arith.addi %mul3A_390, %add3A_416 : i32
    %ge3A_418 = arith.cmpi sge, %mul3A_415, %add3A_417 : i32
    %or3A_419 = arith.ori %lt3A_413, %ge3A_418 : i1
    %convert_element_type3A_420 = arith.extui %or3A_419 : i1 to i32
    %cond3A_421 = arith.constant 0 : i32
    %cond3A_422 = arith.cmpi ne, %convert_element_type3A_420, %cond3A_421 : i32
    scf.if %cond3A_422 {
      %le3A = arith.constant 0 : i32
      %le3A_847 = arith.cmpi sle, %get3A_376, %le3A : i32
      %ge3A_848 = arith.constant 0 : i32
      %ge3A_849 = arith.cmpi sge, %get3A_379, %ge3A_848 : i32
      %and3A = arith.andi %le3A_847, %ge3A_849 : i1
      %gt3A = arith.constant 0 : i32
      %gt3A_850 = arith.cmpi sgt, %mul3A_390, %gt3A : i32
      %add3A_851 = arith.constant 256 : i32
      %add3A_852 = arith.addi %mul3A_390, %add3A_851 : i32
      %le3A_853 = arith.constant 0 : i32
      %le3A_854 = arith.cmpi sle, %add3A_852, %le3A_853 : i32
      %or3A_855 = arith.ori %gt3A_850, %le3A_854 : i1
      %and3A_856 = arith.andi %and3A, %or3A_855 : i1
      %convert_element_type3A_857 = arith.extui %and3A_856 : i1 to i32
      %cond3A_858 = arith.constant 0 : i32
      %cond3A_859 = arith.cmpi ne, %convert_element_type3A_857, %cond3A_858 : i32
      scf.if %cond3A_859 {
        %iota3A_908 = tpu.iota {dimensions = array<i32: 0>} : vector<128x1xi32>
        %add3A_909 = arith.constant 0 : i32
        %add3A_910 = vector.broadcast %add3A_909 : i32 to vector<128x1xi32>
        %add3A_911 = arith.addi %add3A_910, %iota3A_908 : vector<128x1xi32>
        %eq3A_912 = vector.broadcast %add3A_911 : vector<128x1xi32> to vector<128x256xi32>
        %eq3A_913 = vector.broadcast %get3A_384 : vector<1x256xi32> to vector<128x256xi32>
        %eq3A_914 = arith.cmpi eq, %eq3A_912, %eq3A_913 : vector<128x256xi32>
        %convert_element_type3A_915 = arith.extui %eq3A_914 : vector<128x256xi1> to vector<128x256xi32>
        %convert_element_type3A_916 = arith.sitofp %convert_element_type3A_915 : vector<128x256xi32> to vector<128x256xf32>
        %convert_element_type3A_917 = arith.truncf %convert_element_type3A_916 : vector<128x256xf32> to vector<128x256xbf16>
        %get3A_918 = arith.constant 0 : index
        %get3A_919 = arith.constant 0 : index
        %get3A_920 = vector.load %arg6[%get3A_918, %get3A_919] : memref<512x256xbf16, #tpu.memory_space<vmem>>, vector<128x256xbf16>
        %dot_general3A_921 = arith.constant dense<0.000000e+00> : vector<256x256xf32>
        %dot_general3A_922 = tpu.matmul %convert_element_type3A_917, %get3A_920, %dot_general3A_921 {dimension_numbers = #tpu.dot_dimension_numbers<[0], [0], [1], [1], [0, 1, 1, 1], [], []>, transpose_lhs_hint = false} : vector<128x256xbf16>, vector<128x256xbf16>, vector<256x256xf32> -> vector<256x256xf32>
        %get3A_923 = arith.constant 0 : index
        %get3A_924 = arith.constant 1792 : index
        %get3A_925 = arith.constant 0 : index
        %get3A_926 = vector.load %arg5[%get3A_923, %get3A_924, %get3A_925] : memref<1x4096x256xf32, #tpu.memory_space<vmem>>, vector<1x256x256xf32>
        %get3A_927 = vector.shape_cast %get3A_926 : vector<1x256x256xf32> to vector<256x256xf32>
        %add3A_928 = arith.addf %get3A_927, %dot_general3A_922 : vector<256x256xf32>
        %swap3A_929 = arith.constant 0 : index
        %swap3A_930 = arith.constant 1792 : index
        %swap3A_931 = arith.constant 0 : index
        %swap3A_932 = vector.load %arg5[%swap3A_929, %swap3A_930, %swap3A_931] : memref<1x4096x256xf32, #tpu.memory_space<vmem>>, vector<1x256x256xf32>
        %swap3A_933 = vector.shape_cast %swap3A_932 : vector<1x256x256xf32> to vector<256x256xf32>
        %swap3A_934 = vector.shape_cast %add3A_928 : vector<256x256xf32> to vector<1x256x256xf32>
        tpu.vector_store %arg5[%swap3A_929, %swap3A_930, %swap3A_931], %swap3A_934 {strides = array<i32>} : memref<1x4096x256xf32, #tpu.memory_space<vmem>>, vector<1x256x256xf32>,
      } else {
      }
      %le3A_860 = arith.constant 1 : i32
      %le3A_861 = arith.cmpi sle, %get3A_376, %le3A_860 : i32
      %ge3A_862 = arith.constant 1 : i32
      %ge3A_863 = arith.cmpi sge, %get3A_379, %ge3A_862 : i32
      %and3A_864 = arith.andi %le3A_861, %ge3A_863 : i1
      %gt3A_865 = arith.constant 128 : i32
      %gt3A_866 = arith.cmpi sgt, %mul3A_390, %gt3A_865 : i32
      %add3A_867 = arith.constant 256 : i32
      %add3A_868 = arith.addi %mul3A_390, %add3A_867 : i32
      %le3A_869 = arith.constant 128 : i32
      %le3A_870 = arith.cmpi sle, %add3A_868, %le3A_869 : i32
      %or3A_871 = arith.ori %gt3A_866, %le3A_870 : i1
      %and3A_872 = arith.andi %and3A_864, %or3A_871 : i1
      %convert_element_type3A_873 = arith.extui %and3A_872 : i1 to i32
      %cond3A_874 = arith.constant 0 : i32
      %cond3A_875 = arith.cmpi ne, %convert_element_type3A_873, %cond3A_874 : i32
      scf.if %cond3A_875 {
        %iota3A_908 = tpu.iota {dimensions = array<i32: 0>} : vector<128x1xi32>
        %add3A_909 = arith.constant 128 : i32
        %add3A_910 = vector.broadcast %add3A_909 : i32 to vector<128x1xi32>
        %add3A_911 = arith.addi %add3A_910, %iota3A_908 : vector<128x1xi32>
        %eq3A_912 = vector.broadcast %add3A_911 : vector<128x1xi32> to vector<128x256xi32>
        %eq3A_913 = vector.broadcast %get3A_384 : vector<1x256xi32> to vector<128x256xi32>
        %eq3A_914 = arith.cmpi eq, %eq3A_912, %eq3A_913 : vector<128x256xi32>
        %convert_element_type3A_915 = arith.extui %eq3A_914 : vector<128x256xi1> to vector<128x256xi32>
        %convert_element_type3A_916 = arith.sitofp %convert_element_type3A_915 : vector<128x256xi32> to vector<128x256xf32>
        %convert_element_type3A_917 = arith.truncf %convert_element_type3A_916 : vector<128x256xf32> to vector<128x256xbf16>
        %get3A_918 = arith.constant 128 : index
        %get3A_919 = arith.constant 0 : index
        %get3A_920 = vector.load %arg6[%get3A_918, %get3A_919] : memref<512x256xbf16, #tpu.memory_space<vmem>>, vector<128x256xbf16>
        %dot_general3A_921 = arith.constant dense<0.000000e+00> : vector<256x256xf32>
        %dot_general3A_922 = tpu.matmul %convert_element_type3A_917, %get3A_920, %dot_general3A_921 {dimension_numbers = #tpu.dot_dimension_numbers<[0], [0], [1], [1], [0, 1, 1, 1], [], []>, transpose_lhs_hint = false} : vector<128x256xbf16>, vector<128x256xbf16>, vector<256x256xf32> -> vector<256x256xf32>
        %get3A_923 = arith.constant 0 : index
        %get3A_924 = arith.constant 1792 : index
        %get3A_925 = arith.constant 0 : index
        %get3A_926 = vector.load %arg5[%get3A_923, %get3A_924, %get3A_925] : memref<1x4096x256xf32, #tpu.memory_space<vmem>>, vector<1x256x256xf32>
        %get3A_927 = vector.shape_cast %get3A_926 : vector<1x256x256xf32> to vector<256x256xf32>
        %add3A_928 = arith.addf %get3A_927, %dot_general3A_922 : vector<256x256xf32>
        %swap3A_929 = arith.constant 0 : index
        %swap3A_930 = arith.constant 1792 : index
        %swap3A_931 = arith.constant 0 : index
        %swap3A_932 = vector.load %arg5[%swap3A_929, %swap3A_930, %swap3A_931] : memref<1x4096x256xf32, #tpu.memory_space<vmem>>, vector<1x256x256xf32>
        %swap3A_933 = vector.shape_cast %swap3A_932 : vector<1x256x256xf32> to vector<256x256xf32>
        %swap3A_934 = vector.shape_cast %add3A_928 : vector<256x256xf32> to vector<1x256x256xf32>
        tpu.vector_store %arg5[%swap3A_929, %swap3A_930, %swap3A_931], %swap3A_934 {strides = array<i32>} : memref<1x4096x256xf32, #tpu.memory_space<vmem>>, vector<1x256x256xf32>,
      } else {
      }
      %le3A_876 = arith.constant 2 : i32
      %le3A_877 = arith.cmpi sle, %get3A_376, %le3A_876 : i32
      %ge3A_878 = arith.constant 2 : i32
      %ge3A_879 = arith.cmpi sge, %get3A_379, %ge3A_878 : i32
      %and3A_880 = arith.andi %le3A_877, %ge3A_879 : i1
      %gt3A_881 = arith.constant 256 : i32
      %gt3A_882 = arith.cmpi sgt, %mul3A_390, %gt3A_881 : i32
      %add3A_883 = arith.constant 256 : i32
      %add3A_884 = arith.addi %mul3A_390, %add3A_883 : i32
      %le3A_885 = arith.constant 256 : i32
      %le3A_886 = arith.cmpi sle, %add3A_884, %le3A_885 : i32
      %or3A_887 = arith.ori %gt3A_882, %le3A_886 : i1
      %and3A_888 = arith.andi %and3A_880, %or3A_887 : i1
      %convert_element_type3A_889 = arith.extui %and3A_888 : i1 to i32
      %cond3A_890 = arith.constant 0 : i32
      %cond3A_891 = arith.cmpi ne, %convert_element_type3A_889, %cond3A_890 : i32
      scf.if %cond3A_891 {
        %iota3A_908 = tpu.iota {dimensions = array<i32: 0>} : vector<128x1xi32>
        %add3A_909 = arith.constant 256 : i32
        %add3A_910 = vector.broadcast %add3A_909 : i32 to vector<128x1xi32>
        %add3A_911 = arith.addi %add3A_910, %iota3A_908 : vector<128x1xi32>
        %eq3A_912 = vector.broadcast %add3A_911 : vector<128x1xi32> to vector<128x256xi32>
        %eq3A_913 = vector.broadcast %get3A_384 : vector<1x256xi32> to vector<128x256xi32>
        %eq3A_914 = arith.cmpi eq, %eq3A_912, %eq3A_913 : vector<128x256xi32>
        %convert_element_type3A_915 = arith.extui %eq3A_914 : vector<128x256xi1> to vector<128x256xi32>
        %convert_element_type3A_916 = arith.sitofp %convert_element_type3A_915 : vector<128x256xi32> to vector<128x256xf32>
        %convert_element_type3A_917 = arith.truncf %convert_element_type3A_916 : vector<128x256xf32> to vector<128x256xbf16>
        %get3A_918 = arith.constant 256 : index
        %get3A_919 = arith.constant 0 : index
        %get3A_920 = vector.load %arg6[%get3A_918, %get3A_919] : memref<512x256xbf16, #tpu.memory_space<vmem>>, vector<128x256xbf16>
        %dot_general3A_921 = arith.constant dense<0.000000e+00> : vector<256x256xf32>
        %dot_general3A_922 = tpu.matmul %convert_element_type3A_917, %get3A_920, %dot_general3A_921 {dimension_numbers = #tpu.dot_dimension_numbers<[0], [0], [1], [1], [0, 1, 1, 1], [], []>, transpose_lhs_hint = false} : vector<128x256xbf16>, vector<128x256xbf16>, vector<256x256xf32> -> vector<256x256xf32>
        %get3A_923 = arith.constant 0 : index
        %get3A_924 = arith.constant 1792 : index
        %get3A_925 = arith.constant 0 : index
        %get3A_926 = vector.load %arg5[%get3A_923, %get3A_924, %get3A_925] : memref<1x4096x256xf32, #tpu.memory_space<vmem>>, vector<1x256x256xf32>
        %get3A_927 = vector.shape_cast %get3A_926 : vector<1x256x256xf32> to vector<256x256xf32>
        %add3A_928 = arith.addf %get3A_927, %dot_general3A_922 : vector<256x256xf32>
        %swap3A_929 = arith.constant 0 : index
        %swap3A_930 = arith.constant 1792 : index
        %swap3A_931 = arith.constant 0 : index
        %swap3A_932 = vector.load %arg5[%swap3A_929, %swap3A_930, %swap3A_931] : memref<1x4096x256xf32, #tpu.memory_space<vmem>>, vector<1x256x256xf32>
        %swap3A_933 = vector.shape_cast %swap3A_932 : vector<1x256x256xf32> to vector<256x256xf32>
        %swap3A_934 = vector.shape_cast %add3A_928 : vector<256x256xf32> to vector<1x256x256xf32>
        tpu.vector_store %arg5[%swap3A_929, %swap3A_930, %swap3A_931], %swap3A_934 {strides = array<i32>} : memref<1x4096x256xf32, #tpu.memory_space<vmem>>, vector<1x256x256xf32>,
      } else {
      }
      %le3A_892 = arith.constant 3 : i32
      %le3A_893 = arith.cmpi sle, %get3A_376, %le3A_892 : i32
      %ge3A_894 = arith.constant 3 : i32
      %ge3A_895 = arith.cmpi sge, %get3A_379, %ge3A_894 : i32
      %and3A_896 = arith.andi %le3A_893, %ge3A_895 : i1
      %gt3A_897 = arith.constant 384 : i32
      %gt3A_898 = arith.cmpi sgt, %mul3A_390, %gt3A_897 : i32
      %add3A_899 = arith.constant 256 : i32
      %add3A_900 = arith.addi %mul3A_390, %add3A_899 : i32
      %le3A_901 = arith.constant 384 : i32
      %le3A_902 = arith.cmpi sle, %add3A_900, %le3A_901 : i32
      %or3A_903 = arith.ori %gt3A_898, %le3A_902 : i1
      %and3A_904 = arith.andi %and3A_896, %or3A_903 : i1
      %convert_element_type3A_905 = arith.extui %and3A_904 : i1 to i32
      %cond3A_906 = arith.constant 0 : i32
      %cond3A_907 = arith.cmpi ne, %convert_element_type3A_905, %cond3A_906 : i32
      scf.if %cond3A_907 {
        %iota3A_908 = tpu.iota {dimensions = array<i32: 0>} : vector<128x1xi32>
        %add3A_909 = arith.constant 384 : i32
        %add3A_910 = vector.broadcast %add3A_909 : i32 to vector<128x1xi32>
        %add3A_911 = arith.addi %add3A_910, %iota3A_908 : vector<128x1xi32>
        %eq3A_912 = vector.broadcast %add3A_911 : vector<128x1xi32> to vector<128x256xi32>
        %eq3A_913 = vector.broadcast %get3A_384 : vector<1x256xi32> to vector<128x256xi32>
        %eq3A_914 = arith.cmpi eq, %eq3A_912, %eq3A_913 : vector<128x256xi32>
        %convert_element_type3A_915 = arith.extui %eq3A_914 : vector<128x256xi1> to vector<128x256xi32>
        %convert_element_type3A_916 = arith.sitofp %convert_element_type3A_915 : vector<128x256xi32> to vector<128x256xf32>
        %convert_element_type3A_917 = arith.truncf %convert_element_type3A_916 : vector<128x256xf32> to vector<128x256xbf16>
        %get3A_918 = arith.constant 384 : index
        %get3A_919 = arith.constant 0 : index
        %get3A_920 = vector.load %arg6[%get3A_918, %get3A_919] : memref<512x256xbf16, #tpu.memory_space<vmem>>, vector<128x256xbf16>
        %dot_general3A_921 = arith.constant dense<0.000000e+00> : vector<256x256xf32>
        %dot_general3A_922 = tpu.matmul %convert_element_type3A_917, %get3A_920, %dot_general3A_921 {dimension_numbers = #tpu.dot_dimension_numbers<[0], [0], [1], [1], [0, 1, 1, 1], [], []>, transpose_lhs_hint = false} : vector<128x256xbf16>, vector<128x256xbf16>, vector<256x256xf32> -> vector<256x256xf32>
        %get3A_923 = arith.constant 0 : index
        %get3A_924 = arith.constant 1792 : index
        %get3A_925 = arith.constant 0 : index
        %get3A_926 = vector.load %arg5[%get3A_923, %get3A_924, %get3A_925] : memref<1x4096x256xf32, #tpu.memory_space<vmem>>, vector<1x256x256xf32>
        %get3A_927 = vector.shape_cast %get3A_926 : vector<1x256x256xf32> to vector<256x256xf32>
        %add3A_928 = arith.addf %get3A_927, %dot_general3A_922 : vector<256x256xf32>
        %swap3A_929 = arith.constant 0 : index
        %swap3A_930 = arith.constant 1792 : index
        %swap3A_931 = arith.constant 0 : index
        %swap3A_932 = vector.load %arg5[%swap3A_929, %swap3A_930, %swap3A_931] : memref<1x4096x256xf32, #tpu.memory_space<vmem>>, vector<1x256x256xf32>
        %swap3A_933 = vector.shape_cast %swap3A_932 : vector<1x256x256xf32> to vector<256x256xf32>
        %swap3A_934 = vector.shape_cast %add3A_928 : vector<256x256xf32> to vector<1x256x256xf32>
        tpu.vector_store %arg5[%swap3A_929, %swap3A_930, %swap3A_931], %swap3A_934 {strides = array<i32>} : memref<1x4096x256xf32, #tpu.memory_space<vmem>>, vector<1x256x256xf32>,
      } else {
      }
    } else {
    }
    %mul3A_423 = arith.constant 4 : i32
    %mul3A_424 = arith.muli %arg0, %mul3A_423 : i32
    %add3A_425 = arith.constant 2 : i32
    %add3A_426 = arith.addi %mul3A_424, %add3A_425 : i32
    %get3A_427 = arith.index_cast %add3A_426 : i32 to index
    %get3A_428 = arith.constant 0 : index
    %get3A_429 = memref.load %arg1[%get3A_427, %get3A_428] : memref<32x16xi32, #tpu.memory_space<smem>>
    %get3A_430 = arith.index_cast %add3A_426 : i32 to index
    %get3A_431 = arith.constant 4 : index
    %get3A_432 = memref.load %arg1[%get3A_430, %get3A_431] : memref<32x16xi32, #tpu.memory_space<smem>>
    %get3A_433 = arith.constant 2 : index
    %get3A_434 = arith.constant 0 : index
    %get3A_435 = arith.constant 0 : index
    %get3A_436 = vector.load %arg2[%get3A_433, %get3A_434, %get3A_435] : memref<4x1x1024xi32, #tpu.memory_space<vmem>>, vector<1x1x256xi32>
    %get3A_437 = vector.shape_cast %get3A_436 : vector<1x1x256xi32> to vector<1x256xi32>
    %max3A_438 = arith.constant 0 : i32
    %max3A_439 = arith.maxsi %get3A_429, %max3A_438 : i32
    %min3A_440 = arith.constant 2 : i32
    %min3A_441 = arith.minsi %max3A_439, %min3A_440 : i32
    %mul3A_442 = arith.constant 128 : i32
    %mul3A_443 = arith.muli %min3A_441, %mul3A_442 : i32
    %iota3A_444 = tpu.iota {dimensions = array<i32: 0>} : vector<256x1xi32>
    %add3A_445 = vector.broadcast %mul3A_443 : i32 to vector<256x1xi32>
    %add3A_446 = arith.addi %add3A_445, %iota3A_444 : vector<256x1xi32>
    %eq3A_447 = vector.broadcast %add3A_446 : vector<256x1xi32> to vector<256x256xi32>
    %eq3A_448 = vector.broadcast %get3A_437 : vector<1x256xi32> to vector<256x256xi32>
    %eq3A_449 = arith.cmpi eq, %eq3A_447, %eq3A_448 : vector<256x256xi32>
    %convert_element_type3A_450 = arith.extui %eq3A_449 : vector<256x256xi1> to vector<256x256xi32>
    %convert_element_type3A_451 = arith.sitofp %convert_element_type3A_450 : vector<256x256xi32> to vector<256x256xf32>
    %convert_element_type3A_452 = arith.truncf %convert_element_type3A_451 : vector<256x256xf32> to vector<256x256xbf16>
    %get3A_453 = arith.index_cast %mul3A_443 : i32 to index
    %get3A_454 = arith.constant 0 : index
    %get3A_455 = vector.load %arg6[%get3A_453, %get3A_454] : memref<512x256xbf16, #tpu.memory_space<vmem>>, vector<256x256xbf16>
    %dot_general3A_456 = arith.constant dense<0.000000e+00> : vector<256x256xf32>
    %dot_general3A_457 = tpu.matmul %convert_element_type3A_452, %get3A_455, %dot_general3A_456 {dimension_numbers = #tpu.dot_dimension_numbers<[0], [0], [1], [1], [0, 1, 1, 1], [], []>, transpose_lhs_hint = false} : vector<256x256xbf16>, vector<256x256xbf16>, vector<256x256xf32> -> vector<256x256xf32>
    %swap3A_458 = arith.constant 0 : index
    %swap3A_459 = arith.constant 2048 : index
    %swap3A_460 = arith.constant 0 : index
    %swap3A_461 = vector.load %arg5[%swap3A_458, %swap3A_459, %swap3A_460] : memref<1x4096x256xf32, #tpu.memory_space<vmem>>, vector<1x256x256xf32>
    %swap3A_462 = vector.shape_cast %swap3A_461 : vector<1x256x256xf32> to vector<256x256xf32>
    %swap3A_463 = vector.shape_cast %dot_general3A_457 : vector<256x256xf32> to vector<1x256x256xf32>
    tpu.vector_store %arg5[%swap3A_458, %swap3A_459, %swap3A_460], %swap3A_463 {strides = array<i32>} : memref<1x4096x256xf32, #tpu.memory_space<vmem>>, vector<1x256x256xf32>,
    %mul3A_464 = arith.constant 128 : i32
    %mul3A_465 = arith.muli %get3A_429, %mul3A_464 : i32
    %lt3A_466 = arith.cmpi slt, %mul3A_465, %mul3A_443 : i32
    %mul3A_467 = arith.constant 128 : i32
    %mul3A_468 = arith.muli %get3A_432, %mul3A_467 : i32
    %add3A_469 = arith.constant 256 : i32
    %add3A_470 = arith.addi %mul3A_443, %add3A_469 : i32
    %ge3A_471 = arith.cmpi sge, %mul3A_468, %add3A_470 : i32
    %or3A_472 = arith.ori %lt3A_466, %ge3A_471 : i1
    %convert_element_type3A_473 = arith.extui %or3A_472 : i1 to i32
    %cond3A_474 = arith.constant 0 : i32
    %cond3A_475 = arith.cmpi ne, %convert_element_type3A_473, %cond3A_474 : i32
    scf.if %cond3A_475 {
      %le3A = arith.constant 0 : i32
      %le3A_847 = arith.cmpi sle, %get3A_429, %le3A : i32
      %ge3A_848 = arith.constant 0 : i32
      %ge3A_849 = arith.cmpi sge, %get3A_432, %ge3A_848 : i32
      %and3A = arith.andi %le3A_847, %ge3A_849 : i1
      %gt3A = arith.constant 0 : i32
      %gt3A_850 = arith.cmpi sgt, %mul3A_443, %gt3A : i32
      %add3A_851 = arith.constant 256 : i32
      %add3A_852 = arith.addi %mul3A_443, %add3A_851 : i32
      %le3A_853 = arith.constant 0 : i32
      %le3A_854 = arith.cmpi sle, %add3A_852, %le3A_853 : i32
      %or3A_855 = arith.ori %gt3A_850, %le3A_854 : i1
      %and3A_856 = arith.andi %and3A, %or3A_855 : i1
      %convert_element_type3A_857 = arith.extui %and3A_856 : i1 to i32
      %cond3A_858 = arith.constant 0 : i32
      %cond3A_859 = arith.cmpi ne, %convert_element_type3A_857, %cond3A_858 : i32
      scf.if %cond3A_859 {
        %iota3A_908 = tpu.iota {dimensions = array<i32: 0>} : vector<128x1xi32>
        %add3A_909 = arith.constant 0 : i32
        %add3A_910 = vector.broadcast %add3A_909 : i32 to vector<128x1xi32>
        %add3A_911 = arith.addi %add3A_910, %iota3A_908 : vector<128x1xi32>
        %eq3A_912 = vector.broadcast %add3A_911 : vector<128x1xi32> to vector<128x256xi32>
        %eq3A_913 = vector.broadcast %get3A_437 : vector<1x256xi32> to vector<128x256xi32>
        %eq3A_914 = arith.cmpi eq, %eq3A_912, %eq3A_913 : vector<128x256xi32>
        %convert_element_type3A_915 = arith.extui %eq3A_914 : vector<128x256xi1> to vector<128x256xi32>
        %convert_element_type3A_916 = arith.sitofp %convert_element_type3A_915 : vector<128x256xi32> to vector<128x256xf32>
        %convert_element_type3A_917 = arith.truncf %convert_element_type3A_916 : vector<128x256xf32> to vector<128x256xbf16>
        %get3A_918 = arith.constant 0 : index
        %get3A_919 = arith.constant 0 : index
        %get3A_920 = vector.load %arg6[%get3A_918, %get3A_919] : memref<512x256xbf16, #tpu.memory_space<vmem>>, vector<128x256xbf16>
        %dot_general3A_921 = arith.constant dense<0.000000e+00> : vector<256x256xf32>
        %dot_general3A_922 = tpu.matmul %convert_element_type3A_917, %get3A_920, %dot_general3A_921 {dimension_numbers = #tpu.dot_dimension_numbers<[0], [0], [1], [1], [0, 1, 1, 1], [], []>, transpose_lhs_hint = false} : vector<128x256xbf16>, vector<128x256xbf16>, vector<256x256xf32> -> vector<256x256xf32>
        %get3A_923 = arith.constant 0 : index
        %get3A_924 = arith.constant 2048 : index
        %get3A_925 = arith.constant 0 : index
        %get3A_926 = vector.load %arg5[%get3A_923, %get3A_924, %get3A_925] : memref<1x4096x256xf32, #tpu.memory_space<vmem>>, vector<1x256x256xf32>
        %get3A_927 = vector.shape_cast %get3A_926 : vector<1x256x256xf32> to vector<256x256xf32>
        %add3A_928 = arith.addf %get3A_927, %dot_general3A_922 : vector<256x256xf32>
        %swap3A_929 = arith.constant 0 : index
        %swap3A_930 = arith.constant 2048 : index
        %swap3A_931 = arith.constant 0 : index
        %swap3A_932 = vector.load %arg5[%swap3A_929, %swap3A_930, %swap3A_931] : memref<1x4096x256xf32, #tpu.memory_space<vmem>>, vector<1x256x256xf32>
        %swap3A_933 = vector.shape_cast %swap3A_932 : vector<1x256x256xf32> to vector<256x256xf32>
        %swap3A_934 = vector.shape_cast %add3A_928 : vector<256x256xf32> to vector<1x256x256xf32>
        tpu.vector_store %arg5[%swap3A_929, %swap3A_930, %swap3A_931], %swap3A_934 {strides = array<i32>} : memref<1x4096x256xf32, #tpu.memory_space<vmem>>, vector<1x256x256xf32>,
      } else {
      }
      %le3A_860 = arith.constant 1 : i32
      %le3A_861 = arith.cmpi sle, %get3A_429, %le3A_860 : i32
      %ge3A_862 = arith.constant 1 : i32
      %ge3A_863 = arith.cmpi sge, %get3A_432, %ge3A_862 : i32
      %and3A_864 = arith.andi %le3A_861, %ge3A_863 : i1
      %gt3A_865 = arith.constant 128 : i32
      %gt3A_866 = arith.cmpi sgt, %mul3A_443, %gt3A_865 : i32
      %add3A_867 = arith.constant 256 : i32
      %add3A_868 = arith.addi %mul3A_443, %add3A_867 : i32
      %le3A_869 = arith.constant 128 : i32
      %le3A_870 = arith.cmpi sle, %add3A_868, %le3A_869 : i32
      %or3A_871 = arith.ori %gt3A_866, %le3A_870 : i1
      %and3A_872 = arith.andi %and3A_864, %or3A_871 : i1
      %convert_element_type3A_873 = arith.extui %and3A_872 : i1 to i32
      %cond3A_874 = arith.constant 0 : i32
      %cond3A_875 = arith.cmpi ne, %convert_element_type3A_873, %cond3A_874 : i32
      scf.if %cond3A_875 {
        %iota3A_908 = tpu.iota {dimensions = array<i32: 0>} : vector<128x1xi32>
        %add3A_909 = arith.constant 128 : i32
        %add3A_910 = vector.broadcast %add3A_909 : i32 to vector<128x1xi32>
        %add3A_911 = arith.addi %add3A_910, %iota3A_908 : vector<128x1xi32>
        %eq3A_912 = vector.broadcast %add3A_911 : vector<128x1xi32> to vector<128x256xi32>
        %eq3A_913 = vector.broadcast %get3A_437 : vector<1x256xi32> to vector<128x256xi32>
        %eq3A_914 = arith.cmpi eq, %eq3A_912, %eq3A_913 : vector<128x256xi32>
        %convert_element_type3A_915 = arith.extui %eq3A_914 : vector<128x256xi1> to vector<128x256xi32>
        %convert_element_type3A_916 = arith.sitofp %convert_element_type3A_915 : vector<128x256xi32> to vector<128x256xf32>
        %convert_element_type3A_917 = arith.truncf %convert_element_type3A_916 : vector<128x256xf32> to vector<128x256xbf16>
        %get3A_918 = arith.constant 128 : index
        %get3A_919 = arith.constant 0 : index
        %get3A_920 = vector.load %arg6[%get3A_918, %get3A_919] : memref<512x256xbf16, #tpu.memory_space<vmem>>, vector<128x256xbf16>
        %dot_general3A_921 = arith.constant dense<0.000000e+00> : vector<256x256xf32>
        %dot_general3A_922 = tpu.matmul %convert_element_type3A_917, %get3A_920, %dot_general3A_921 {dimension_numbers = #tpu.dot_dimension_numbers<[0], [0], [1], [1], [0, 1, 1, 1], [], []>, transpose_lhs_hint = false} : vector<128x256xbf16>, vector<128x256xbf16>, vector<256x256xf32> -> vector<256x256xf32>
        %get3A_923 = arith.constant 0 : index
        %get3A_924 = arith.constant 2048 : index
        %get3A_925 = arith.constant 0 : index
        %get3A_926 = vector.load %arg5[%get3A_923, %get3A_924, %get3A_925] : memref<1x4096x256xf32, #tpu.memory_space<vmem>>, vector<1x256x256xf32>
        %get3A_927 = vector.shape_cast %get3A_926 : vector<1x256x256xf32> to vector<256x256xf32>
        %add3A_928 = arith.addf %get3A_927, %dot_general3A_922 : vector<256x256xf32>
        %swap3A_929 = arith.constant 0 : index
        %swap3A_930 = arith.constant 2048 : index
        %swap3A_931 = arith.constant 0 : index
        %swap3A_932 = vector.load %arg5[%swap3A_929, %swap3A_930, %swap3A_931] : memref<1x4096x256xf32, #tpu.memory_space<vmem>>, vector<1x256x256xf32>
        %swap3A_933 = vector.shape_cast %swap3A_932 : vector<1x256x256xf32> to vector<256x256xf32>
        %swap3A_934 = vector.shape_cast %add3A_928 : vector<256x256xf32> to vector<1x256x256xf32>
        tpu.vector_store %arg5[%swap3A_929, %swap3A_930, %swap3A_931], %swap3A_934 {strides = array<i32>} : memref<1x4096x256xf32, #tpu.memory_space<vmem>>, vector<1x256x256xf32>,
      } else {
      }
      %le3A_876 = arith.constant 2 : i32
      %le3A_877 = arith.cmpi sle, %get3A_429, %le3A_876 : i32
      %ge3A_878 = arith.constant 2 : i32
      %ge3A_879 = arith.cmpi sge, %get3A_432, %ge3A_878 : i32
      %and3A_880 = arith.andi %le3A_877, %ge3A_879 : i1
      %gt3A_881 = arith.constant 256 : i32
      %gt3A_882 = arith.cmpi sgt, %mul3A_443, %gt3A_881 : i32
      %add3A_883 = arith.constant 256 : i32
      %add3A_884 = arith.addi %mul3A_443, %add3A_883 : i32
      %le3A_885 = arith.constant 256 : i32
      %le3A_886 = arith.cmpi sle, %add3A_884, %le3A_885 : i32
      %or3A_887 = arith.ori %gt3A_882, %le3A_886 : i1
      %and3A_888 = arith.andi %and3A_880, %or3A_887 : i1
      %convert_element_type3A_889 = arith.extui %and3A_888 : i1 to i32
      %cond3A_890 = arith.constant 0 : i32
      %cond3A_891 = arith.cmpi ne, %convert_element_type3A_889, %cond3A_890 : i32
      scf.if %cond3A_891 {
        %iota3A_908 = tpu.iota {dimensions = array<i32: 0>} : vector<128x1xi32>
        %add3A_909 = arith.constant 256 : i32
        %add3A_910 = vector.broadcast %add3A_909 : i32 to vector<128x1xi32>
        %add3A_911 = arith.addi %add3A_910, %iota3A_908 : vector<128x1xi32>
        %eq3A_912 = vector.broadcast %add3A_911 : vector<128x1xi32> to vector<128x256xi32>
        %eq3A_913 = vector.broadcast %get3A_437 : vector<1x256xi32> to vector<128x256xi32>
        %eq3A_914 = arith.cmpi eq, %eq3A_912, %eq3A_913 : vector<128x256xi32>
        %convert_element_type3A_915 = arith.extui %eq3A_914 : vector<128x256xi1> to vector<128x256xi32>
        %convert_element_type3A_916 = arith.sitofp %convert_element_type3A_915 : vector<128x256xi32> to vector<128x256xf32>
        %convert_element_type3A_917 = arith.truncf %convert_element_type3A_916 : vector<128x256xf32> to vector<128x256xbf16>
        %get3A_918 = arith.constant 256 : index
        %get3A_919 = arith.constant 0 : index
        %get3A_920 = vector.load %arg6[%get3A_918, %get3A_919] : memref<512x256xbf16, #tpu.memory_space<vmem>>, vector<128x256xbf16>
        %dot_general3A_921 = arith.constant dense<0.000000e+00> : vector<256x256xf32>
        %dot_general3A_922 = tpu.matmul %convert_element_type3A_917, %get3A_920, %dot_general3A_921 {dimension_numbers = #tpu.dot_dimension_numbers<[0], [0], [1], [1], [0, 1, 1, 1], [], []>, transpose_lhs_hint = false} : vector<128x256xbf16>, vector<128x256xbf16>, vector<256x256xf32> -> vector<256x256xf32>
        %get3A_923 = arith.constant 0 : index
        %get3A_924 = arith.constant 2048 : index
        %get3A_925 = arith.constant 0 : index
        %get3A_926 = vector.load %arg5[%get3A_923, %get3A_924, %get3A_925] : memref<1x4096x256xf32, #tpu.memory_space<vmem>>, vector<1x256x256xf32>
        %get3A_927 = vector.shape_cast %get3A_926 : vector<1x256x256xf32> to vector<256x256xf32>
        %add3A_928 = arith.addf %get3A_927, %dot_general3A_922 : vector<256x256xf32>
        %swap3A_929 = arith.constant 0 : index
        %swap3A_930 = arith.constant 2048 : index
        %swap3A_931 = arith.constant 0 : index
        %swap3A_932 = vector.load %arg5[%swap3A_929, %swap3A_930, %swap3A_931] : memref<1x4096x256xf32, #tpu.memory_space<vmem>>, vector<1x256x256xf32>
        %swap3A_933 = vector.shape_cast %swap3A_932 : vector<1x256x256xf32> to vector<256x256xf32>
        %swap3A_934 = vector.shape_cast %add3A_928 : vector<256x256xf32> to vector<1x256x256xf32>
        tpu.vector_store %arg5[%swap3A_929, %swap3A_930, %swap3A_931], %swap3A_934 {strides = array<i32>} : memref<1x4096x256xf32, #tpu.memory_space<vmem>>, vector<1x256x256xf32>,
      } else {
      }
      %le3A_892 = arith.constant 3 : i32
      %le3A_893 = arith.cmpi sle, %get3A_429, %le3A_892 : i32
      %ge3A_894 = arith.constant 3 : i32
      %ge3A_895 = arith.cmpi sge, %get3A_432, %ge3A_894 : i32
      %and3A_896 = arith.andi %le3A_893, %ge3A_895 : i1
      %gt3A_897 = arith.constant 384 : i32
      %gt3A_898 = arith.cmpi sgt, %mul3A_443, %gt3A_897 : i32
      %add3A_899 = arith.constant 256 : i32
      %add3A_900 = arith.addi %mul3A_443, %add3A_899 : i32
      %le3A_901 = arith.constant 384 : i32
      %le3A_902 = arith.cmpi sle, %add3A_900, %le3A_901 : i32
      %or3A_903 = arith.ori %gt3A_898, %le3A_902 : i1
      %and3A_904 = arith.andi %and3A_896, %or3A_903 : i1
      %convert_element_type3A_905 = arith.extui %and3A_904 : i1 to i32
      %cond3A_906 = arith.constant 0 : i32
      %cond3A_907 = arith.cmpi ne, %convert_element_type3A_905, %cond3A_906 : i32
      scf.if %cond3A_907 {
        %iota3A_908 = tpu.iota {dimensions = array<i32: 0>} : vector<128x1xi32>
        %add3A_909 = arith.constant 384 : i32
        %add3A_910 = vector.broadcast %add3A_909 : i32 to vector<128x1xi32>
        %add3A_911 = arith.addi %add3A_910, %iota3A_908 : vector<128x1xi32>
        %eq3A_912 = vector.broadcast %add3A_911 : vector<128x1xi32> to vector<128x256xi32>
        %eq3A_913 = vector.broadcast %get3A_437 : vector<1x256xi32> to vector<128x256xi32>
        %eq3A_914 = arith.cmpi eq, %eq3A_912, %eq3A_913 : vector<128x256xi32>
        %convert_element_type3A_915 = arith.extui %eq3A_914 : vector<128x256xi1> to vector<128x256xi32>
        %convert_element_type3A_916 = arith.sitofp %convert_element_type3A_915 : vector<128x256xi32> to vector<128x256xf32>
        %convert_element_type3A_917 = arith.truncf %convert_element_type3A_916 : vector<128x256xf32> to vector<128x256xbf16>
        %get3A_918 = arith.constant 384 : index
        %get3A_919 = arith.constant 0 : index
        %get3A_920 = vector.load %arg6[%get3A_918, %get3A_919] : memref<512x256xbf16, #tpu.memory_space<vmem>>, vector<128x256xbf16>
        %dot_general3A_921 = arith.constant dense<0.000000e+00> : vector<256x256xf32>
        %dot_general3A_922 = tpu.matmul %convert_element_type3A_917, %get3A_920, %dot_general3A_921 {dimension_numbers = #tpu.dot_dimension_numbers<[0], [0], [1], [1], [0, 1, 1, 1], [], []>, transpose_lhs_hint = false} : vector<128x256xbf16>, vector<128x256xbf16>, vector<256x256xf32> -> vector<256x256xf32>
        %get3A_923 = arith.constant 0 : index
        %get3A_924 = arith.constant 2048 : index
        %get3A_925 = arith.constant 0 : index
        %get3A_926 = vector.load %arg5[%get3A_923, %get3A_924, %get3A_925] : memref<1x4096x256xf32, #tpu.memory_space<vmem>>, vector<1x256x256xf32>
        %get3A_927 = vector.shape_cast %get3A_926 : vector<1x256x256xf32> to vector<256x256xf32>
        %add3A_928 = arith.addf %get3A_927, %dot_general3A_922 : vector<256x256xf32>
        %swap3A_929 = arith.constant 0 : index
        %swap3A_930 = arith.constant 2048 : index
        %swap3A_931 = arith.constant 0 : index
        %swap3A_932 = vector.load %arg5[%swap3A_929, %swap3A_930, %swap3A_931] : memref<1x4096x256xf32, #tpu.memory_space<vmem>>, vector<1x256x256xf32>
        %swap3A_933 = vector.shape_cast %swap3A_932 : vector<1x256x256xf32> to vector<256x256xf32>
        %swap3A_934 = vector.shape_cast %add3A_928 : vector<256x256xf32> to vector<1x256x256xf32>
        tpu.vector_store %arg5[%swap3A_929, %swap3A_930, %swap3A_931], %swap3A_934 {strides = array<i32>} : memref<1x4096x256xf32, #tpu.memory_space<vmem>>, vector<1x256x256xf32>,
      } else {
      }
    } else {
    }
    %mul3A_476 = arith.constant 4 : i32
    %mul3A_477 = arith.muli %arg0, %mul3A_476 : i32
    %add3A_478 = arith.constant 2 : i32
    %add3A_479 = arith.addi %mul3A_477, %add3A_478 : i32
    %get3A_480 = arith.index_cast %add3A_479 : i32 to index
    %get3A_481 = arith.constant 1 : index
    %get3A_482 = memref.load %arg1[%get3A_480, %get3A_481] : memref<32x16xi32, #tpu.memory_space<smem>>
    %get3A_483 = arith.index_cast %add3A_479 : i32 to index
    %get3A_484 = arith.constant 5 : index
    %get3A_485 = memref.load %arg1[%get3A_483, %get3A_484] : memref<32x16xi32, #tpu.memory_space<smem>>
    %get3A_486 = arith.constant 2 : index
    %get3A_487 = arith.constant 0 : index
    %get3A_488 = arith.constant 256 : index
    %get3A_489 = vector.load %arg2[%get3A_486, %get3A_487, %get3A_488] : memref<4x1x1024xi32, #tpu.memory_space<vmem>>, vector<1x1x256xi32>
    %get3A_490 = vector.shape_cast %get3A_489 : vector<1x1x256xi32> to vector<1x256xi32>
    %max3A_491 = arith.constant 0 : i32
    %max3A_492 = arith.maxsi %get3A_482, %max3A_491 : i32
    %min3A_493 = arith.constant 2 : i32
    %min3A_494 = arith.minsi %max3A_492, %min3A_493 : i32
    %mul3A_495 = arith.constant 128 : i32
    %mul3A_496 = arith.muli %min3A_494, %mul3A_495 : i32
    %iota3A_497 = tpu.iota {dimensions = array<i32: 0>} : vector<256x1xi32>
    %add3A_498 = vector.broadcast %mul3A_496 : i32 to vector<256x1xi32>
    %add3A_499 = arith.addi %add3A_498, %iota3A_497 : vector<256x1xi32>
    %eq3A_500 = vector.broadcast %add3A_499 : vector<256x1xi32> to vector<256x256xi32>
    %eq3A_501 = vector.broadcast %get3A_490 : vector<1x256xi32> to vector<256x256xi32>
    %eq3A_502 = arith.cmpi eq, %eq3A_500, %eq3A_501 : vector<256x256xi32>
    %convert_element_type3A_503 = arith.extui %eq3A_502 : vector<256x256xi1> to vector<256x256xi32>
    %convert_element_type3A_504 = arith.sitofp %convert_element_type3A_503 : vector<256x256xi32> to vector<256x256xf32>
    %convert_element_type3A_505 = arith.truncf %convert_element_type3A_504 : vector<256x256xf32> to vector<256x256xbf16>
    %get3A_506 = arith.index_cast %mul3A_496 : i32 to index
    %get3A_507 = arith.constant 0 : index
    %get3A_508 = vector.load %arg6[%get3A_506, %get3A_507] : memref<512x256xbf16, #tpu.memory_space<vmem>>, vector<256x256xbf16>
    %dot_general3A_509 = arith.constant dense<0.000000e+00> : vector<256x256xf32>
    %dot_general3A_510 = tpu.matmul %convert_element_type3A_505, %get3A_508, %dot_general3A_509 {dimension_numbers = #tpu.dot_dimension_numbers<[0], [0], [1], [1], [0, 1, 1, 1], [], []>, transpose_lhs_hint = false} : vector<256x256xbf16>, vector<256x256xbf16>, vector<256x256xf32> -> vector<256x256xf32>
    %swap3A_511 = arith.constant 0 : index
    %swap3A_512 = arith.constant 2304 : index
    %swap3A_513 = arith.constant 0 : index
    %swap3A_514 = vector.load %arg5[%swap3A_511, %swap3A_512, %swap3A_513] : memref<1x4096x256xf32, #tpu.memory_space<vmem>>, vector<1x256x256xf32>
    %swap3A_515 = vector.shape_cast %swap3A_514 : vector<1x256x256xf32> to vector<256x256xf32>
    %swap3A_516 = vector.shape_cast %dot_general3A_510 : vector<256x256xf32> to vector<1x256x256xf32>
    tpu.vector_store %arg5[%swap3A_511, %swap3A_512, %swap3A_513], %swap3A_516 {strides = array<i32>} : memref<1x4096x256xf32, #tpu.memory_space<vmem>>, vector<1x256x256xf32>,
    %mul3A_517 = arith.constant 128 : i32
    %mul3A_518 = arith.muli %get3A_482, %mul3A_517 : i32
    %lt3A_519 = arith.cmpi slt, %mul3A_518, %mul3A_496 : i32
    %mul3A_520 = arith.constant 128 : i32
    %mul3A_521 = arith.muli %get3A_485, %mul3A_520 : i32
    %add3A_522 = arith.constant 256 : i32
    %add3A_523 = arith.addi %mul3A_496, %add3A_522 : i32
    %ge3A_524 = arith.cmpi sge, %mul3A_521, %add3A_523 : i32
    %or3A_525 = arith.ori %lt3A_519, %ge3A_524 : i1
    %convert_element_type3A_526 = arith.extui %or3A_525 : i1 to i32
    %cond3A_527 = arith.constant 0 : i32
    %cond3A_528 = arith.cmpi ne, %convert_element_type3A_526, %cond3A_527 : i32
    scf.if %cond3A_528 {
      %le3A = arith.constant 0 : i32
      %le3A_847 = arith.cmpi sle, %get3A_482, %le3A : i32
      %ge3A_848 = arith.constant 0 : i32
      %ge3A_849 = arith.cmpi sge, %get3A_485, %ge3A_848 : i32
      %and3A = arith.andi %le3A_847, %ge3A_849 : i1
      %gt3A = arith.constant 0 : i32
      %gt3A_850 = arith.cmpi sgt, %mul3A_496, %gt3A : i32
      %add3A_851 = arith.constant 256 : i32
      %add3A_852 = arith.addi %mul3A_496, %add3A_851 : i32
      %le3A_853 = arith.constant 0 : i32
      %le3A_854 = arith.cmpi sle, %add3A_852, %le3A_853 : i32
      %or3A_855 = arith.ori %gt3A_850, %le3A_854 : i1
      %and3A_856 = arith.andi %and3A, %or3A_855 : i1
      %convert_element_type3A_857 = arith.extui %and3A_856 : i1 to i32
      %cond3A_858 = arith.constant 0 : i32
      %cond3A_859 = arith.cmpi ne, %convert_element_type3A_857, %cond3A_858 : i32
      scf.if %cond3A_859 {
        %iota3A_908 = tpu.iota {dimensions = array<i32: 0>} : vector<128x1xi32>
        %add3A_909 = arith.constant 0 : i32
        %add3A_910 = vector.broadcast %add3A_909 : i32 to vector<128x1xi32>
        %add3A_911 = arith.addi %add3A_910, %iota3A_908 : vector<128x1xi32>
        %eq3A_912 = vector.broadcast %add3A_911 : vector<128x1xi32> to vector<128x256xi32>
        %eq3A_913 = vector.broadcast %get3A_490 : vector<1x256xi32> to vector<128x256xi32>
        %eq3A_914 = arith.cmpi eq, %eq3A_912, %eq3A_913 : vector<128x256xi32>
        %convert_element_type3A_915 = arith.extui %eq3A_914 : vector<128x256xi1> to vector<128x256xi32>
        %convert_element_type3A_916 = arith.sitofp %convert_element_type3A_915 : vector<128x256xi32> to vector<128x256xf32>
        %convert_element_type3A_917 = arith.truncf %convert_element_type3A_916 : vector<128x256xf32> to vector<128x256xbf16>
        %get3A_918 = arith.constant 0 : index
        %get3A_919 = arith.constant 0 : index
        %get3A_920 = vector.load %arg6[%get3A_918, %get3A_919] : memref<512x256xbf16, #tpu.memory_space<vmem>>, vector<128x256xbf16>
        %dot_general3A_921 = arith.constant dense<0.000000e+00> : vector<256x256xf32>
        %dot_general3A_922 = tpu.matmul %convert_element_type3A_917, %get3A_920, %dot_general3A_921 {dimension_numbers = #tpu.dot_dimension_numbers<[0], [0], [1], [1], [0, 1, 1, 1], [], []>, transpose_lhs_hint = false} : vector<128x256xbf16>, vector<128x256xbf16>, vector<256x256xf32> -> vector<256x256xf32>
        %get3A_923 = arith.constant 0 : index
        %get3A_924 = arith.constant 2304 : index
        %get3A_925 = arith.constant 0 : index
        %get3A_926 = vector.load %arg5[%get3A_923, %get3A_924, %get3A_925] : memref<1x4096x256xf32, #tpu.memory_space<vmem>>, vector<1x256x256xf32>
        %get3A_927 = vector.shape_cast %get3A_926 : vector<1x256x256xf32> to vector<256x256xf32>
        %add3A_928 = arith.addf %get3A_927, %dot_general3A_922 : vector<256x256xf32>
        %swap3A_929 = arith.constant 0 : index
        %swap3A_930 = arith.constant 2304 : index
        %swap3A_931 = arith.constant 0 : index
        %swap3A_932 = vector.load %arg5[%swap3A_929, %swap3A_930, %swap3A_931] : memref<1x4096x256xf32, #tpu.memory_space<vmem>>, vector<1x256x256xf32>
        %swap3A_933 = vector.shape_cast %swap3A_932 : vector<1x256x256xf32> to vector<256x256xf32>
        %swap3A_934 = vector.shape_cast %add3A_928 : vector<256x256xf32> to vector<1x256x256xf32>
        tpu.vector_store %arg5[%swap3A_929, %swap3A_930, %swap3A_931], %swap3A_934 {strides = array<i32>} : memref<1x4096x256xf32, #tpu.memory_space<vmem>>, vector<1x256x256xf32>,
      } else {
      }
      %le3A_860 = arith.constant 1 : i32
      %le3A_861 = arith.cmpi sle, %get3A_482, %le3A_860 : i32
      %ge3A_862 = arith.constant 1 : i32
      %ge3A_863 = arith.cmpi sge, %get3A_485, %ge3A_862 : i32
      %and3A_864 = arith.andi %le3A_861, %ge3A_863 : i1
      %gt3A_865 = arith.constant 128 : i32
      %gt3A_866 = arith.cmpi sgt, %mul3A_496, %gt3A_865 : i32
      %add3A_867 = arith.constant 256 : i32
      %add3A_868 = arith.addi %mul3A_496, %add3A_867 : i32
      %le3A_869 = arith.constant 128 : i32
      %le3A_870 = arith.cmpi sle, %add3A_868, %le3A_869 : i32
      %or3A_871 = arith.ori %gt3A_866, %le3A_870 : i1
      %and3A_872 = arith.andi %and3A_864, %or3A_871 : i1
      %convert_element_type3A_873 = arith.extui %and3A_872 : i1 to i32
      %cond3A_874 = arith.constant 0 : i32
      %cond3A_875 = arith.cmpi ne, %convert_element_type3A_873, %cond3A_874 : i32
      scf.if %cond3A_875 {
        %iota3A_908 = tpu.iota {dimensions = array<i32: 0>} : vector<128x1xi32>
        %add3A_909 = arith.constant 128 : i32
        %add3A_910 = vector.broadcast %add3A_909 : i32 to vector<128x1xi32>
        %add3A_911 = arith.addi %add3A_910, %iota3A_908 : vector<128x1xi32>
        %eq3A_912 = vector.broadcast %add3A_911 : vector<128x1xi32> to vector<128x256xi32>
        %eq3A_913 = vector.broadcast %get3A_490 : vector<1x256xi32> to vector<128x256xi32>
        %eq3A_914 = arith.cmpi eq, %eq3A_912, %eq3A_913 : vector<128x256xi32>
        %convert_element_type3A_915 = arith.extui %eq3A_914 : vector<128x256xi1> to vector<128x256xi32>
        %convert_element_type3A_916 = arith.sitofp %convert_element_type3A_915 : vector<128x256xi32> to vector<128x256xf32>
        %convert_element_type3A_917 = arith.truncf %convert_element_type3A_916 : vector<128x256xf32> to vector<128x256xbf16>
        %get3A_918 = arith.constant 128 : index
        %get3A_919 = arith.constant 0 : index
        %get3A_920 = vector.load %arg6[%get3A_918, %get3A_919] : memref<512x256xbf16, #tpu.memory_space<vmem>>, vector<128x256xbf16>
        %dot_general3A_921 = arith.constant dense<0.000000e+00> : vector<256x256xf32>
        %dot_general3A_922 = tpu.matmul %convert_element_type3A_917, %get3A_920, %dot_general3A_921 {dimension_numbers = #tpu.dot_dimension_numbers<[0], [0], [1], [1], [0, 1, 1, 1], [], []>, transpose_lhs_hint = false} : vector<128x256xbf16>, vector<128x256xbf16>, vector<256x256xf32> -> vector<256x256xf32>
        %get3A_923 = arith.constant 0 : index
        %get3A_924 = arith.constant 2304 : index
        %get3A_925 = arith.constant 0 : index
        %get3A_926 = vector.load %arg5[%get3A_923, %get3A_924, %get3A_925] : memref<1x4096x256xf32, #tpu.memory_space<vmem>>, vector<1x256x256xf32>
        %get3A_927 = vector.shape_cast %get3A_926 : vector<1x256x256xf32> to vector<256x256xf32>
        %add3A_928 = arith.addf %get3A_927, %dot_general3A_922 : vector<256x256xf32>
        %swap3A_929 = arith.constant 0 : index
        %swap3A_930 = arith.constant 2304 : index
        %swap3A_931 = arith.constant 0 : index
        %swap3A_932 = vector.load %arg5[%swap3A_929, %swap3A_930, %swap3A_931] : memref<1x4096x256xf32, #tpu.memory_space<vmem>>, vector<1x256x256xf32>
        %swap3A_933 = vector.shape_cast %swap3A_932 : vector<1x256x256xf32> to vector<256x256xf32>
        %swap3A_934 = vector.shape_cast %add3A_928 : vector<256x256xf32> to vector<1x256x256xf32>
        tpu.vector_store %arg5[%swap3A_929, %swap3A_930, %swap3A_931], %swap3A_934 {strides = array<i32>} : memref<1x4096x256xf32, #tpu.memory_space<vmem>>, vector<1x256x256xf32>,
      } else {
      }
      %le3A_876 = arith.constant 2 : i32
      %le3A_877 = arith.cmpi sle, %get3A_482, %le3A_876 : i32
      %ge3A_878 = arith.constant 2 : i32
      %ge3A_879 = arith.cmpi sge, %get3A_485, %ge3A_878 : i32
      %and3A_880 = arith.andi %le3A_877, %ge3A_879 : i1
      %gt3A_881 = arith.constant 256 : i32
      %gt3A_882 = arith.cmpi sgt, %mul3A_496, %gt3A_881 : i32
      %add3A_883 = arith.constant 256 : i32
      %add3A_884 = arith.addi %mul3A_496, %add3A_883 : i32
      %le3A_885 = arith.constant 256 : i32
      %le3A_886 = arith.cmpi sle, %add3A_884, %le3A_885 : i32
      %or3A_887 = arith.ori %gt3A_882, %le3A_886 : i1
      %and3A_888 = arith.andi %and3A_880, %or3A_887 : i1
      %convert_element_type3A_889 = arith.extui %and3A_888 : i1 to i32
      %cond3A_890 = arith.constant 0 : i32
      %cond3A_891 = arith.cmpi ne, %convert_element_type3A_889, %cond3A_890 : i32
      scf.if %cond3A_891 {
        %iota3A_908 = tpu.iota {dimensions = array<i32: 0>} : vector<128x1xi32>
        %add3A_909 = arith.constant 256 : i32
        %add3A_910 = vector.broadcast %add3A_909 : i32 to vector<128x1xi32>
        %add3A_911 = arith.addi %add3A_910, %iota3A_908 : vector<128x1xi32>
        %eq3A_912 = vector.broadcast %add3A_911 : vector<128x1xi32> to vector<128x256xi32>
        %eq3A_913 = vector.broadcast %get3A_490 : vector<1x256xi32> to vector<128x256xi32>
        %eq3A_914 = arith.cmpi eq, %eq3A_912, %eq3A_913 : vector<128x256xi32>
        %convert_element_type3A_915 = arith.extui %eq3A_914 : vector<128x256xi1> to vector<128x256xi32>
        %convert_element_type3A_916 = arith.sitofp %convert_element_type3A_915 : vector<128x256xi32> to vector<128x256xf32>
        %convert_element_type3A_917 = arith.truncf %convert_element_type3A_916 : vector<128x256xf32> to vector<128x256xbf16>
        %get3A_918 = arith.constant 256 : index
        %get3A_919 = arith.constant 0 : index
        %get3A_920 = vector.load %arg6[%get3A_918, %get3A_919] : memref<512x256xbf16, #tpu.memory_space<vmem>>, vector<128x256xbf16>
        %dot_general3A_921 = arith.constant dense<0.000000e+00> : vector<256x256xf32>
        %dot_general3A_922 = tpu.matmul %convert_element_type3A_917, %get3A_920, %dot_general3A_921 {dimension_numbers = #tpu.dot_dimension_numbers<[0], [0], [1], [1], [0, 1, 1, 1], [], []>, transpose_lhs_hint = false} : vector<128x256xbf16>, vector<128x256xbf16>, vector<256x256xf32> -> vector<256x256xf32>
        %get3A_923 = arith.constant 0 : index
        %get3A_924 = arith.constant 2304 : index
        %get3A_925 = arith.constant 0 : index
        %get3A_926 = vector.load %arg5[%get3A_923, %get3A_924, %get3A_925] : memref<1x4096x256xf32, #tpu.memory_space<vmem>>, vector<1x256x256xf32>
        %get3A_927 = vector.shape_cast %get3A_926 : vector<1x256x256xf32> to vector<256x256xf32>
        %add3A_928 = arith.addf %get3A_927, %dot_general3A_922 : vector<256x256xf32>
        %swap3A_929 = arith.constant 0 : index
        %swap3A_930 = arith.constant 2304 : index
        %swap3A_931 = arith.constant 0 : index
        %swap3A_932 = vector.load %arg5[%swap3A_929, %swap3A_930, %swap3A_931] : memref<1x4096x256xf32, #tpu.memory_space<vmem>>, vector<1x256x256xf32>
        %swap3A_933 = vector.shape_cast %swap3A_932 : vector<1x256x256xf32> to vector<256x256xf32>
        %swap3A_934 = vector.shape_cast %add3A_928 : vector<256x256xf32> to vector<1x256x256xf32>
        tpu.vector_store %arg5[%swap3A_929, %swap3A_930, %swap3A_931], %swap3A_934 {strides = array<i32>} : memref<1x4096x256xf32, #tpu.memory_space<vmem>>, vector<1x256x256xf32>,
      } else {
      }
      %le3A_892 = arith.constant 3 : i32
      %le3A_893 = arith.cmpi sle, %get3A_482, %le3A_892 : i32
      %ge3A_894 = arith.constant 3 : i32
      %ge3A_895 = arith.cmpi sge, %get3A_485, %ge3A_894 : i32
      %and3A_896 = arith.andi %le3A_893, %ge3A_895 : i1
      %gt3A_897 = arith.constant 384 : i32
      %gt3A_898 = arith.cmpi sgt, %mul3A_496, %gt3A_897 : i32
      %add3A_899 = arith.constant 256 : i32
      %add3A_900 = arith.addi %mul3A_496, %add3A_899 : i32
      %le3A_901 = arith.constant 384 : i32
      %le3A_902 = arith.cmpi sle, %add3A_900, %le3A_901 : i32
      %or3A_903 = arith.ori %gt3A_898, %le3A_902 : i1
      %and3A_904 = arith.andi %and3A_896, %or3A_903 : i1
      %convert_element_type3A_905 = arith.extui %and3A_904 : i1 to i32
      %cond3A_906 = arith.constant 0 : i32
      %cond3A_907 = arith.cmpi ne, %convert_element_type3A_905, %cond3A_906 : i32
      scf.if %cond3A_907 {
        %iota3A_908 = tpu.iota {dimensions = array<i32: 0>} : vector<128x1xi32>
        %add3A_909 = arith.constant 384 : i32
        %add3A_910 = vector.broadcast %add3A_909 : i32 to vector<128x1xi32>
        %add3A_911 = arith.addi %add3A_910, %iota3A_908 : vector<128x1xi32>
        %eq3A_912 = vector.broadcast %add3A_911 : vector<128x1xi32> to vector<128x256xi32>
        %eq3A_913 = vector.broadcast %get3A_490 : vector<1x256xi32> to vector<128x256xi32>
        %eq3A_914 = arith.cmpi eq, %eq3A_912, %eq3A_913 : vector<128x256xi32>
        %convert_element_type3A_915 = arith.extui %eq3A_914 : vector<128x256xi1> to vector<128x256xi32>
        %convert_element_type3A_916 = arith.sitofp %convert_element_type3A_915 : vector<128x256xi32> to vector<128x256xf32>
        %convert_element_type3A_917 = arith.truncf %convert_element_type3A_916 : vector<128x256xf32> to vector<128x256xbf16>
        %get3A_918 = arith.constant 384 : index
        %get3A_919 = arith.constant 0 : index
        %get3A_920 = vector.load %arg6[%get3A_918, %get3A_919] : memref<512x256xbf16, #tpu.memory_space<vmem>>, vector<128x256xbf16>
        %dot_general3A_921 = arith.constant dense<0.000000e+00> : vector<256x256xf32>
        %dot_general3A_922 = tpu.matmul %convert_element_type3A_917, %get3A_920, %dot_general3A_921 {dimension_numbers = #tpu.dot_dimension_numbers<[0], [0], [1], [1], [0, 1, 1, 1], [], []>, transpose_lhs_hint = false} : vector<128x256xbf16>, vector<128x256xbf16>, vector<256x256xf32> -> vector<256x256xf32>
        %get3A_923 = arith.constant 0 : index
        %get3A_924 = arith.constant 2304 : index
        %get3A_925 = arith.constant 0 : index
        %get3A_926 = vector.load %arg5[%get3A_923, %get3A_924, %get3A_925] : memref<1x4096x256xf32, #tpu.memory_space<vmem>>, vector<1x256x256xf32>
        %get3A_927 = vector.shape_cast %get3A_926 : vector<1x256x256xf32> to vector<256x256xf32>
        %add3A_928 = arith.addf %get3A_927, %dot_general3A_922 : vector<256x256xf32>
        %swap3A_929 = arith.constant 0 : index
        %swap3A_930 = arith.constant 2304 : index
        %swap3A_931 = arith.constant 0 : index
        %swap3A_932 = vector.load %arg5[%swap3A_929, %swap3A_930, %swap3A_931] : memref<1x4096x256xf32, #tpu.memory_space<vmem>>, vector<1x256x256xf32>
        %swap3A_933 = vector.shape_cast %swap3A_932 : vector<1x256x256xf32> to vector<256x256xf32>
        %swap3A_934 = vector.shape_cast %add3A_928 : vector<256x256xf32> to vector<1x256x256xf32>
        tpu.vector_store %arg5[%swap3A_929, %swap3A_930, %swap3A_931], %swap3A_934 {strides = array<i32>} : memref<1x4096x256xf32, #tpu.memory_space<vmem>>, vector<1x256x256xf32>,
      } else {
      }
    } else {
    }
    %mul3A_529 = arith.constant 4 : i32
    %mul3A_530 = arith.muli %arg0, %mul3A_529 : i32
    %add3A_531 = arith.constant 2 : i32
    %add3A_532 = arith.addi %mul3A_530, %add3A_531 : i32
    %get3A_533 = arith.index_cast %add3A_532 : i32 to index
    %get3A_534 = arith.constant 2 : index
    %get3A_535 = memref.load %arg1[%get3A_533, %get3A_534] : memref<32x16xi32, #tpu.memory_space<smem>>
    %get3A_536 = arith.index_cast %add3A_532 : i32 to index
    %get3A_537 = arith.constant 6 : index
    %get3A_538 = memref.load %arg1[%get3A_536, %get3A_537] : memref<32x16xi32, #tpu.memory_space<smem>>
    %get3A_539 = arith.constant 2 : index
    %get3A_540 = arith.constant 0 : index
    %get3A_541 = arith.constant 512 : index
    %get3A_542 = vector.load %arg2[%get3A_539, %get3A_540, %get3A_541] : memref<4x1x1024xi32, #tpu.memory_space<vmem>>, vector<1x1x256xi32>
    %get3A_543 = vector.shape_cast %get3A_542 : vector<1x1x256xi32> to vector<1x256xi32>
    %max3A_544 = arith.constant 0 : i32
    %max3A_545 = arith.maxsi %get3A_535, %max3A_544 : i32
    %min3A_546 = arith.constant 2 : i32
    %min3A_547 = arith.minsi %max3A_545, %min3A_546 : i32
    %mul3A_548 = arith.constant 128 : i32
    %mul3A_549 = arith.muli %min3A_547, %mul3A_548 : i32
    %iota3A_550 = tpu.iota {dimensions = array<i32: 0>} : vector<256x1xi32>
    %add3A_551 = vector.broadcast %mul3A_549 : i32 to vector<256x1xi32>
    %add3A_552 = arith.addi %add3A_551, %iota3A_550 : vector<256x1xi32>
    %eq3A_553 = vector.broadcast %add3A_552 : vector<256x1xi32> to vector<256x256xi32>
    %eq3A_554 = vector.broadcast %get3A_543 : vector<1x256xi32> to vector<256x256xi32>
    %eq3A_555 = arith.cmpi eq, %eq3A_553, %eq3A_554 : vector<256x256xi32>
    %convert_element_type3A_556 = arith.extui %eq3A_555 : vector<256x256xi1> to vector<256x256xi32>
    %convert_element_type3A_557 = arith.sitofp %convert_element_type3A_556 : vector<256x256xi32> to vector<256x256xf32>
    %convert_element_type3A_558 = arith.truncf %convert_element_type3A_557 : vector<256x256xf32> to vector<256x256xbf16>
    %get3A_559 = arith.index_cast %mul3A_549 : i32 to index
    %get3A_560 = arith.constant 0 : index
    %get3A_561 = vector.load %arg6[%get3A_559, %get3A_560] : memref<512x256xbf16, #tpu.memory_space<vmem>>, vector<256x256xbf16>
    %dot_general3A_562 = arith.constant dense<0.000000e+00> : vector<256x256xf32>
    %dot_general3A_563 = tpu.matmul %convert_element_type3A_558, %get3A_561, %dot_general3A_562 {dimension_numbers = #tpu.dot_dimension_numbers<[0], [0], [1], [1], [0, 1, 1, 1], [], []>, transpose_lhs_hint = false} : vector<256x256xbf16>, vector<256x256xbf16>, vector<256x256xf32> -> vector<256x256xf32>
    %swap3A_564 = arith.constant 0 : index
    %swap3A_565 = arith.constant 2560 : index
    %swap3A_566 = arith.constant 0 : index
    %swap3A_567 = vector.load %arg5[%swap3A_564, %swap3A_565, %swap3A_566] : memref<1x4096x256xf32, #tpu.memory_space<vmem>>, vector<1x256x256xf32>
    %swap3A_568 = vector.shape_cast %swap3A_567 : vector<1x256x256xf32> to vector<256x256xf32>
    %swap3A_569 = vector.shape_cast %dot_general3A_563 : vector<256x256xf32> to vector<1x256x256xf32>
    tpu.vector_store %arg5[%swap3A_564, %swap3A_565, %swap3A_566], %swap3A_569 {strides = array<i32>} : memref<1x4096x256xf32, #tpu.memory_space<vmem>>, vector<1x256x256xf32>,
    %mul3A_570 = arith.constant 128 : i32
    %mul3A_571 = arith.muli %get3A_535, %mul3A_570 : i32
    %lt3A_572 = arith.cmpi slt, %mul3A_571, %mul3A_549 : i32
    %mul3A_573 = arith.constant 128 : i32
    %mul3A_574 = arith.muli %get3A_538, %mul3A_573 : i32
    %add3A_575 = arith.constant 256 : i32
    %add3A_576 = arith.addi %mul3A_549, %add3A_575 : i32
    %ge3A_577 = arith.cmpi sge, %mul3A_574, %add3A_576 : i32
    %or3A_578 = arith.ori %lt3A_572, %ge3A_577 : i1
    %convert_element_type3A_579 = arith.extui %or3A_578 : i1 to i32
    %cond3A_580 = arith.constant 0 : i32
    %cond3A_581 = arith.cmpi ne, %convert_element_type3A_579, %cond3A_580 : i32
    scf.if %cond3A_581 {
      %le3A = arith.constant 0 : i32
      %le3A_847 = arith.cmpi sle, %get3A_535, %le3A : i32
      %ge3A_848 = arith.constant 0 : i32
      %ge3A_849 = arith.cmpi sge, %get3A_538, %ge3A_848 : i32
      %and3A = arith.andi %le3A_847, %ge3A_849 : i1
      %gt3A = arith.constant 0 : i32
      %gt3A_850 = arith.cmpi sgt, %mul3A_549, %gt3A : i32
      %add3A_851 = arith.constant 256 : i32
      %add3A_852 = arith.addi %mul3A_549, %add3A_851 : i32
      %le3A_853 = arith.constant 0 : i32
      %le3A_854 = arith.cmpi sle, %add3A_852, %le3A_853 : i32
      %or3A_855 = arith.ori %gt3A_850, %le3A_854 : i1
      %and3A_856 = arith.andi %and3A, %or3A_855 : i1
      %convert_element_type3A_857 = arith.extui %and3A_856 : i1 to i32
      %cond3A_858 = arith.constant 0 : i32
      %cond3A_859 = arith.cmpi ne, %convert_element_type3A_857, %cond3A_858 : i32
      scf.if %cond3A_859 {
        %iota3A_908 = tpu.iota {dimensions = array<i32: 0>} : vector<128x1xi32>
        %add3A_909 = arith.constant 0 : i32
        %add3A_910 = vector.broadcast %add3A_909 : i32 to vector<128x1xi32>
        %add3A_911 = arith.addi %add3A_910, %iota3A_908 : vector<128x1xi32>
        %eq3A_912 = vector.broadcast %add3A_911 : vector<128x1xi32> to vector<128x256xi32>
        %eq3A_913 = vector.broadcast %get3A_543 : vector<1x256xi32> to vector<128x256xi32>
        %eq3A_914 = arith.cmpi eq, %eq3A_912, %eq3A_913 : vector<128x256xi32>
        %convert_element_type3A_915 = arith.extui %eq3A_914 : vector<128x256xi1> to vector<128x256xi32>
        %convert_element_type3A_916 = arith.sitofp %convert_element_type3A_915 : vector<128x256xi32> to vector<128x256xf32>
        %convert_element_type3A_917 = arith.truncf %convert_element_type3A_916 : vector<128x256xf32> to vector<128x256xbf16>
        %get3A_918 = arith.constant 0 : index
        %get3A_919 = arith.constant 0 : index
        %get3A_920 = vector.load %arg6[%get3A_918, %get3A_919] : memref<512x256xbf16, #tpu.memory_space<vmem>>, vector<128x256xbf16>
        %dot_general3A_921 = arith.constant dense<0.000000e+00> : vector<256x256xf32>
        %dot_general3A_922 = tpu.matmul %convert_element_type3A_917, %get3A_920, %dot_general3A_921 {dimension_numbers = #tpu.dot_dimension_numbers<[0], [0], [1], [1], [0, 1, 1, 1], [], []>, transpose_lhs_hint = false} : vector<128x256xbf16>, vector<128x256xbf16>, vector<256x256xf32> -> vector<256x256xf32>
        %get3A_923 = arith.constant 0 : index
        %get3A_924 = arith.constant 2560 : index
        %get3A_925 = arith.constant 0 : index
        %get3A_926 = vector.load %arg5[%get3A_923, %get3A_924, %get3A_925] : memref<1x4096x256xf32, #tpu.memory_space<vmem>>, vector<1x256x256xf32>
        %get3A_927 = vector.shape_cast %get3A_926 : vector<1x256x256xf32> to vector<256x256xf32>
        %add3A_928 = arith.addf %get3A_927, %dot_general3A_922 : vector<256x256xf32>
        %swap3A_929 = arith.constant 0 : index
        %swap3A_930 = arith.constant 2560 : index
        %swap3A_931 = arith.constant 0 : index
        %swap3A_932 = vector.load %arg5[%swap3A_929, %swap3A_930, %swap3A_931] : memref<1x4096x256xf32, #tpu.memory_space<vmem>>, vector<1x256x256xf32>
        %swap3A_933 = vector.shape_cast %swap3A_932 : vector<1x256x256xf32> to vector<256x256xf32>
        %swap3A_934 = vector.shape_cast %add3A_928 : vector<256x256xf32> to vector<1x256x256xf32>
        tpu.vector_store %arg5[%swap3A_929, %swap3A_930, %swap3A_931], %swap3A_934 {strides = array<i32>} : memref<1x4096x256xf32, #tpu.memory_space<vmem>>, vector<1x256x256xf32>,
      } else {
      }
      %le3A_860 = arith.constant 1 : i32
      %le3A_861 = arith.cmpi sle, %get3A_535, %le3A_860 : i32
      %ge3A_862 = arith.constant 1 : i32
      %ge3A_863 = arith.cmpi sge, %get3A_538, %ge3A_862 : i32
      %and3A_864 = arith.andi %le3A_861, %ge3A_863 : i1
      %gt3A_865 = arith.constant 128 : i32
      %gt3A_866 = arith.cmpi sgt, %mul3A_549, %gt3A_865 : i32
      %add3A_867 = arith.constant 256 : i32
      %add3A_868 = arith.addi %mul3A_549, %add3A_867 : i32
      %le3A_869 = arith.constant 128 : i32
      %le3A_870 = arith.cmpi sle, %add3A_868, %le3A_869 : i32
      %or3A_871 = arith.ori %gt3A_866, %le3A_870 : i1
      %and3A_872 = arith.andi %and3A_864, %or3A_871 : i1
      %convert_element_type3A_873 = arith.extui %and3A_872 : i1 to i32
      %cond3A_874 = arith.constant 0 : i32
      %cond3A_875 = arith.cmpi ne, %convert_element_type3A_873, %cond3A_874 : i32
      scf.if %cond3A_875 {
        %iota3A_908 = tpu.iota {dimensions = array<i32: 0>} : vector<128x1xi32>
        %add3A_909 = arith.constant 128 : i32
        %add3A_910 = vector.broadcast %add3A_909 : i32 to vector<128x1xi32>
        %add3A_911 = arith.addi %add3A_910, %iota3A_908 : vector<128x1xi32>
        %eq3A_912 = vector.broadcast %add3A_911 : vector<128x1xi32> to vector<128x256xi32>
        %eq3A_913 = vector.broadcast %get3A_543 : vector<1x256xi32> to vector<128x256xi32>
        %eq3A_914 = arith.cmpi eq, %eq3A_912, %eq3A_913 : vector<128x256xi32>
        %convert_element_type3A_915 = arith.extui %eq3A_914 : vector<128x256xi1> to vector<128x256xi32>
        %convert_element_type3A_916 = arith.sitofp %convert_element_type3A_915 : vector<128x256xi32> to vector<128x256xf32>
        %convert_element_type3A_917 = arith.truncf %convert_element_type3A_916 : vector<128x256xf32> to vector<128x256xbf16>
        %get3A_918 = arith.constant 128 : index
        %get3A_919 = arith.constant 0 : index
        %get3A_920 = vector.load %arg6[%get3A_918, %get3A_919] : memref<512x256xbf16, #tpu.memory_space<vmem>>, vector<128x256xbf16>
        %dot_general3A_921 = arith.constant dense<0.000000e+00> : vector<256x256xf32>
        %dot_general3A_922 = tpu.matmul %convert_element_type3A_917, %get3A_920, %dot_general3A_921 {dimension_numbers = #tpu.dot_dimension_numbers<[0], [0], [1], [1], [0, 1, 1, 1], [], []>, transpose_lhs_hint = false} : vector<128x256xbf16>, vector<128x256xbf16>, vector<256x256xf32> -> vector<256x256xf32>
        %get3A_923 = arith.constant 0 : index
        %get3A_924 = arith.constant 2560 : index
        %get3A_925 = arith.constant 0 : index
        %get3A_926 = vector.load %arg5[%get3A_923, %get3A_924, %get3A_925] : memref<1x4096x256xf32, #tpu.memory_space<vmem>>, vector<1x256x256xf32>
        %get3A_927 = vector.shape_cast %get3A_926 : vector<1x256x256xf32> to vector<256x256xf32>
        %add3A_928 = arith.addf %get3A_927, %dot_general3A_922 : vector<256x256xf32>
        %swap3A_929 = arith.constant 0 : index
        %swap3A_930 = arith.constant 2560 : index
        %swap3A_931 = arith.constant 0 : index
        %swap3A_932 = vector.load %arg5[%swap3A_929, %swap3A_930, %swap3A_931] : memref<1x4096x256xf32, #tpu.memory_space<vmem>>, vector<1x256x256xf32>
        %swap3A_933 = vector.shape_cast %swap3A_932 : vector<1x256x256xf32> to vector<256x256xf32>
        %swap3A_934 = vector.shape_cast %add3A_928 : vector<256x256xf32> to vector<1x256x256xf32>
        tpu.vector_store %arg5[%swap3A_929, %swap3A_930, %swap3A_931], %swap3A_934 {strides = array<i32>} : memref<1x4096x256xf32, #tpu.memory_space<vmem>>, vector<1x256x256xf32>,
      } else {
      }
      %le3A_876 = arith.constant 2 : i32
      %le3A_877 = arith.cmpi sle, %get3A_535, %le3A_876 : i32
      %ge3A_878 = arith.constant 2 : i32
      %ge3A_879 = arith.cmpi sge, %get3A_538, %ge3A_878 : i32
      %and3A_880 = arith.andi %le3A_877, %ge3A_879 : i1
      %gt3A_881 = arith.constant 256 : i32
      %gt3A_882 = arith.cmpi sgt, %mul3A_549, %gt3A_881 : i32
      %add3A_883 = arith.constant 256 : i32
      %add3A_884 = arith.addi %mul3A_549, %add3A_883 : i32
      %le3A_885 = arith.constant 256 : i32
      %le3A_886 = arith.cmpi sle, %add3A_884, %le3A_885 : i32
      %or3A_887 = arith.ori %gt3A_882, %le3A_886 : i1
      %and3A_888 = arith.andi %and3A_880, %or3A_887 : i1
      %convert_element_type3A_889 = arith.extui %and3A_888 : i1 to i32
      %cond3A_890 = arith.constant 0 : i32
      %cond3A_891 = arith.cmpi ne, %convert_element_type3A_889, %cond3A_890 : i32
      scf.if %cond3A_891 {
        %iota3A_908 = tpu.iota {dimensions = array<i32: 0>} : vector<128x1xi32>
        %add3A_909 = arith.constant 256 : i32
        %add3A_910 = vector.broadcast %add3A_909 : i32 to vector<128x1xi32>
        %add3A_911 = arith.addi %add3A_910, %iota3A_908 : vector<128x1xi32>
        %eq3A_912 = vector.broadcast %add3A_911 : vector<128x1xi32> to vector<128x256xi32>
        %eq3A_913 = vector.broadcast %get3A_543 : vector<1x256xi32> to vector<128x256xi32>
        %eq3A_914 = arith.cmpi eq, %eq3A_912, %eq3A_913 : vector<128x256xi32>
        %convert_element_type3A_915 = arith.extui %eq3A_914 : vector<128x256xi1> to vector<128x256xi32>
        %convert_element_type3A_916 = arith.sitofp %convert_element_type3A_915 : vector<128x256xi32> to vector<128x256xf32>
        %convert_element_type3A_917 = arith.truncf %convert_element_type3A_916 : vector<128x256xf32> to vector<128x256xbf16>
        %get3A_918 = arith.constant 256 : index
        %get3A_919 = arith.constant 0 : index
        %get3A_920 = vector.load %arg6[%get3A_918, %get3A_919] : memref<512x256xbf16, #tpu.memory_space<vmem>>, vector<128x256xbf16>
        %dot_general3A_921 = arith.constant dense<0.000000e+00> : vector<256x256xf32>
        %dot_general3A_922 = tpu.matmul %convert_element_type3A_917, %get3A_920, %dot_general3A_921 {dimension_numbers = #tpu.dot_dimension_numbers<[0], [0], [1], [1], [0, 1, 1, 1], [], []>, transpose_lhs_hint = false} : vector<128x256xbf16>, vector<128x256xbf16>, vector<256x256xf32> -> vector<256x256xf32>
        %get3A_923 = arith.constant 0 : index
        %get3A_924 = arith.constant 2560 : index
        %get3A_925 = arith.constant 0 : index
        %get3A_926 = vector.load %arg5[%get3A_923, %get3A_924, %get3A_925] : memref<1x4096x256xf32, #tpu.memory_space<vmem>>, vector<1x256x256xf32>
        %get3A_927 = vector.shape_cast %get3A_926 : vector<1x256x256xf32> to vector<256x256xf32>
        %add3A_928 = arith.addf %get3A_927, %dot_general3A_922 : vector<256x256xf32>
        %swap3A_929 = arith.constant 0 : index
        %swap3A_930 = arith.constant 2560 : index
        %swap3A_931 = arith.constant 0 : index
        %swap3A_932 = vector.load %arg5[%swap3A_929, %swap3A_930, %swap3A_931] : memref<1x4096x256xf32, #tpu.memory_space<vmem>>, vector<1x256x256xf32>
        %swap3A_933 = vector.shape_cast %swap3A_932 : vector<1x256x256xf32> to vector<256x256xf32>
        %swap3A_934 = vector.shape_cast %add3A_928 : vector<256x256xf32> to vector<1x256x256xf32>
        tpu.vector_store %arg5[%swap3A_929, %swap3A_930, %swap3A_931], %swap3A_934 {strides = array<i32>} : memref<1x4096x256xf32, #tpu.memory_space<vmem>>, vector<1x256x256xf32>,
      } else {
      }
      %le3A_892 = arith.constant 3 : i32
      %le3A_893 = arith.cmpi sle, %get3A_535, %le3A_892 : i32
      %ge3A_894 = arith.constant 3 : i32
      %ge3A_895 = arith.cmpi sge, %get3A_538, %ge3A_894 : i32
      %and3A_896 = arith.andi %le3A_893, %ge3A_895 : i1
      %gt3A_897 = arith.constant 384 : i32
      %gt3A_898 = arith.cmpi sgt, %mul3A_549, %gt3A_897 : i32
      %add3A_899 = arith.constant 256 : i32
      %add3A_900 = arith.addi %mul3A_549, %add3A_899 : i32
      %le3A_901 = arith.constant 384 : i32
      %le3A_902 = arith.cmpi sle, %add3A_900, %le3A_901 : i32
      %or3A_903 = arith.ori %gt3A_898, %le3A_902 : i1
      %and3A_904 = arith.andi %and3A_896, %or3A_903 : i1
      %convert_element_type3A_905 = arith.extui %and3A_904 : i1 to i32
      %cond3A_906 = arith.constant 0 : i32
      %cond3A_907 = arith.cmpi ne, %convert_element_type3A_905, %cond3A_906 : i32
      scf.if %cond3A_907 {
        %iota3A_908 = tpu.iota {dimensions = array<i32: 0>} : vector<128x1xi32>
        %add3A_909 = arith.constant 384 : i32
        %add3A_910 = vector.broadcast %add3A_909 : i32 to vector<128x1xi32>
        %add3A_911 = arith.addi %add3A_910, %iota3A_908 : vector<128x1xi32>
        %eq3A_912 = vector.broadcast %add3A_911 : vector<128x1xi32> to vector<128x256xi32>
        %eq3A_913 = vector.broadcast %get3A_543 : vector<1x256xi32> to vector<128x256xi32>
        %eq3A_914 = arith.cmpi eq, %eq3A_912, %eq3A_913 : vector<128x256xi32>
        %convert_element_type3A_915 = arith.extui %eq3A_914 : vector<128x256xi1> to vector<128x256xi32>
        %convert_element_type3A_916 = arith.sitofp %convert_element_type3A_915 : vector<128x256xi32> to vector<128x256xf32>
        %convert_element_type3A_917 = arith.truncf %convert_element_type3A_916 : vector<128x256xf32> to vector<128x256xbf16>
        %get3A_918 = arith.constant 384 : index
        %get3A_919 = arith.constant 0 : index
        %get3A_920 = vector.load %arg6[%get3A_918, %get3A_919] : memref<512x256xbf16, #tpu.memory_space<vmem>>, vector<128x256xbf16>
        %dot_general3A_921 = arith.constant dense<0.000000e+00> : vector<256x256xf32>
        %dot_general3A_922 = tpu.matmul %convert_element_type3A_917, %get3A_920, %dot_general3A_921 {dimension_numbers = #tpu.dot_dimension_numbers<[0], [0], [1], [1], [0, 1, 1, 1], [], []>, transpose_lhs_hint = false} : vector<128x256xbf16>, vector<128x256xbf16>, vector<256x256xf32> -> vector<256x256xf32>
        %get3A_923 = arith.constant 0 : index
        %get3A_924 = arith.constant 2560 : index
        %get3A_925 = arith.constant 0 : index
        %get3A_926 = vector.load %arg5[%get3A_923, %get3A_924, %get3A_925] : memref<1x4096x256xf32, #tpu.memory_space<vmem>>, vector<1x256x256xf32>
        %get3A_927 = vector.shape_cast %get3A_926 : vector<1x256x256xf32> to vector<256x256xf32>
        %add3A_928 = arith.addf %get3A_927, %dot_general3A_922 : vector<256x256xf32>
        %swap3A_929 = arith.constant 0 : index
        %swap3A_930 = arith.constant 2560 : index
        %swap3A_931 = arith.constant 0 : index
        %swap3A_932 = vector.load %arg5[%swap3A_929, %swap3A_930, %swap3A_931] : memref<1x4096x256xf32, #tpu.memory_space<vmem>>, vector<1x256x256xf32>
        %swap3A_933 = vector.shape_cast %swap3A_932 : vector<1x256x256xf32> to vector<256x256xf32>
        %swap3A_934 = vector.shape_cast %add3A_928 : vector<256x256xf32> to vector<1x256x256xf32>
        tpu.vector_store %arg5[%swap3A_929, %swap3A_930, %swap3A_931], %swap3A_934 {strides = array<i32>} : memref<1x4096x256xf32, #tpu.memory_space<vmem>>, vector<1x256x256xf32>,
      } else {
      }
    } else {
    }
    %mul3A_582 = arith.constant 4 : i32
    %mul3A_583 = arith.muli %arg0, %mul3A_582 : i32
    %add3A_584 = arith.constant 2 : i32
    %add3A_585 = arith.addi %mul3A_583, %add3A_584 : i32
    %get3A_586 = arith.index_cast %add3A_585 : i32 to index
    %get3A_587 = arith.constant 3 : index
    %get3A_588 = memref.load %arg1[%get3A_586, %get3A_587] : memref<32x16xi32, #tpu.memory_space<smem>>
    %get3A_589 = arith.index_cast %add3A_585 : i32 to index
    %get3A_590 = arith.constant 7 : index
    %get3A_591 = memref.load %arg1[%get3A_589, %get3A_590] : memref<32x16xi32, #tpu.memory_space<smem>>
    %get3A_592 = arith.constant 2 : index
    %get3A_593 = arith.constant 0 : index
    %get3A_594 = arith.constant 768 : index
    %get3A_595 = vector.load %arg2[%get3A_592, %get3A_593, %get3A_594] : memref<4x1x1024xi32, #tpu.memory_space<vmem>>, vector<1x1x256xi32>
    %get3A_596 = vector.shape_cast %get3A_595 : vector<1x1x256xi32> to vector<1x256xi32>
    %max3A_597 = arith.constant 0 : i32
    %max3A_598 = arith.maxsi %get3A_588, %max3A_597 : i32
    %min3A_599 = arith.constant 2 : i32
    %min3A_600 = arith.minsi %max3A_598, %min3A_599 : i32
    %mul3A_601 = arith.constant 128 : i32
    %mul3A_602 = arith.muli %min3A_600, %mul3A_601 : i32
    %iota3A_603 = tpu.iota {dimensions = array<i32: 0>} : vector<256x1xi32>
    %add3A_604 = vector.broadcast %mul3A_602 : i32 to vector<256x1xi32>
    %add3A_605 = arith.addi %add3A_604, %iota3A_603 : vector<256x1xi32>
    %eq3A_606 = vector.broadcast %add3A_605 : vector<256x1xi32> to vector<256x256xi32>
    %eq3A_607 = vector.broadcast %get3A_596 : vector<1x256xi32> to vector<256x256xi32>
    %eq3A_608 = arith.cmpi eq, %eq3A_606, %eq3A_607 : vector<256x256xi32>
    %convert_element_type3A_609 = arith.extui %eq3A_608 : vector<256x256xi1> to vector<256x256xi32>
    %convert_element_type3A_610 = arith.sitofp %convert_element_type3A_609 : vector<256x256xi32> to vector<256x256xf32>
    %convert_element_type3A_611 = arith.truncf %convert_element_type3A_610 : vector<256x256xf32> to vector<256x256xbf16>
    %get3A_612 = arith.index_cast %mul3A_602 : i32 to index
    %get3A_613 = arith.constant 0 : index
    %get3A_614 = vector.load %arg6[%get3A_612, %get3A_613] : memref<512x256xbf16, #tpu.memory_space<vmem>>, vector<256x256xbf16>
    %dot_general3A_615 = arith.constant dense<0.000000e+00> : vector<256x256xf32>
    %dot_general3A_616 = tpu.matmul %convert_element_type3A_611, %get3A_614, %dot_general3A_615 {dimension_numbers = #tpu.dot_dimension_numbers<[0], [0], [1], [1], [0, 1, 1, 1], [], []>, transpose_lhs_hint = false} : vector<256x256xbf16>, vector<256x256xbf16>, vector<256x256xf32> -> vector<256x256xf32>
    %swap3A_617 = arith.constant 0 : index
    %swap3A_618 = arith.constant 2816 : index
    %swap3A_619 = arith.constant 0 : index
    %swap3A_620 = vector.load %arg5[%swap3A_617, %swap3A_618, %swap3A_619] : memref<1x4096x256xf32, #tpu.memory_space<vmem>>, vector<1x256x256xf32>
    %swap3A_621 = vector.shape_cast %swap3A_620 : vector<1x256x256xf32> to vector<256x256xf32>
    %swap3A_622 = vector.shape_cast %dot_general3A_616 : vector<256x256xf32> to vector<1x256x256xf32>
    tpu.vector_store %arg5[%swap3A_617, %swap3A_618, %swap3A_619], %swap3A_622 {strides = array<i32>} : memref<1x4096x256xf32, #tpu.memory_space<vmem>>, vector<1x256x256xf32>,
    %mul3A_623 = arith.constant 128 : i32
    %mul3A_624 = arith.muli %get3A_588, %mul3A_623 : i32
    %lt3A_625 = arith.cmpi slt, %mul3A_624, %mul3A_602 : i32
    %mul3A_626 = arith.constant 128 : i32
    %mul3A_627 = arith.muli %get3A_591, %mul3A_626 : i32
    %add3A_628 = arith.constant 256 : i32
    %add3A_629 = arith.addi %mul3A_602, %add3A_628 : i32
    %ge3A_630 = arith.cmpi sge, %mul3A_627, %add3A_629 : i32
    %or3A_631 = arith.ori %lt3A_625, %ge3A_630 : i1
    %convert_element_type3A_632 = arith.extui %or3A_631 : i1 to i32
    %cond3A_633 = arith.constant 0 : i32
    %cond3A_634 = arith.cmpi ne, %convert_element_type3A_632, %cond3A_633 : i32
    scf.if %cond3A_634 {
      %le3A = arith.constant 0 : i32
      %le3A_847 = arith.cmpi sle, %get3A_588, %le3A : i32
      %ge3A_848 = arith.constant 0 : i32
      %ge3A_849 = arith.cmpi sge, %get3A_591, %ge3A_848 : i32
      %and3A = arith.andi %le3A_847, %ge3A_849 : i1
      %gt3A = arith.constant 0 : i32
      %gt3A_850 = arith.cmpi sgt, %mul3A_602, %gt3A : i32
      %add3A_851 = arith.constant 256 : i32
      %add3A_852 = arith.addi %mul3A_602, %add3A_851 : i32
      %le3A_853 = arith.constant 0 : i32
      %le3A_854 = arith.cmpi sle, %add3A_852, %le3A_853 : i32
      %or3A_855 = arith.ori %gt3A_850, %le3A_854 : i1
      %and3A_856 = arith.andi %and3A, %or3A_855 : i1
      %convert_element_type3A_857 = arith.extui %and3A_856 : i1 to i32
      %cond3A_858 = arith.constant 0 : i32
      %cond3A_859 = arith.cmpi ne, %convert_element_type3A_857, %cond3A_858 : i32
      scf.if %cond3A_859 {
        %iota3A_908 = tpu.iota {dimensions = array<i32: 0>} : vector<128x1xi32>
        %add3A_909 = arith.constant 0 : i32
        %add3A_910 = vector.broadcast %add3A_909 : i32 to vector<128x1xi32>
        %add3A_911 = arith.addi %add3A_910, %iota3A_908 : vector<128x1xi32>
        %eq3A_912 = vector.broadcast %add3A_911 : vector<128x1xi32> to vector<128x256xi32>
        %eq3A_913 = vector.broadcast %get3A_596 : vector<1x256xi32> to vector<128x256xi32>
        %eq3A_914 = arith.cmpi eq, %eq3A_912, %eq3A_913 : vector<128x256xi32>
        %convert_element_type3A_915 = arith.extui %eq3A_914 : vector<128x256xi1> to vector<128x256xi32>
        %convert_element_type3A_916 = arith.sitofp %convert_element_type3A_915 : vector<128x256xi32> to vector<128x256xf32>
        %convert_element_type3A_917 = arith.truncf %convert_element_type3A_916 : vector<128x256xf32> to vector<128x256xbf16>
        %get3A_918 = arith.constant 0 : index
        %get3A_919 = arith.constant 0 : index
        %get3A_920 = vector.load %arg6[%get3A_918, %get3A_919] : memref<512x256xbf16, #tpu.memory_space<vmem>>, vector<128x256xbf16>
        %dot_general3A_921 = arith.constant dense<0.000000e+00> : vector<256x256xf32>
        %dot_general3A_922 = tpu.matmul %convert_element_type3A_917, %get3A_920, %dot_general3A_921 {dimension_numbers = #tpu.dot_dimension_numbers<[0], [0], [1], [1], [0, 1, 1, 1], [], []>, transpose_lhs_hint = false} : vector<128x256xbf16>, vector<128x256xbf16>, vector<256x256xf32> -> vector<256x256xf32>
        %get3A_923 = arith.constant 0 : index
        %get3A_924 = arith.constant 2816 : index
        %get3A_925 = arith.constant 0 : index
        %get3A_926 = vector.load %arg5[%get3A_923, %get3A_924, %get3A_925] : memref<1x4096x256xf32, #tpu.memory_space<vmem>>, vector<1x256x256xf32>
        %get3A_927 = vector.shape_cast %get3A_926 : vector<1x256x256xf32> to vector<256x256xf32>
        %add3A_928 = arith.addf %get3A_927, %dot_general3A_922 : vector<256x256xf32>
        %swap3A_929 = arith.constant 0 : index
        %swap3A_930 = arith.constant 2816 : index
        %swap3A_931 = arith.constant 0 : index
        %swap3A_932 = vector.load %arg5[%swap3A_929, %swap3A_930, %swap3A_931] : memref<1x4096x256xf32, #tpu.memory_space<vmem>>, vector<1x256x256xf32>
        %swap3A_933 = vector.shape_cast %swap3A_932 : vector<1x256x256xf32> to vector<256x256xf32>
        %swap3A_934 = vector.shape_cast %add3A_928 : vector<256x256xf32> to vector<1x256x256xf32>
        tpu.vector_store %arg5[%swap3A_929, %swap3A_930, %swap3A_931], %swap3A_934 {strides = array<i32>} : memref<1x4096x256xf32, #tpu.memory_space<vmem>>, vector<1x256x256xf32>,
      } else {
      }
      %le3A_860 = arith.constant 1 : i32
      %le3A_861 = arith.cmpi sle, %get3A_588, %le3A_860 : i32
      %ge3A_862 = arith.constant 1 : i32
      %ge3A_863 = arith.cmpi sge, %get3A_591, %ge3A_862 : i32
      %and3A_864 = arith.andi %le3A_861, %ge3A_863 : i1
      %gt3A_865 = arith.constant 128 : i32
      %gt3A_866 = arith.cmpi sgt, %mul3A_602, %gt3A_865 : i32
      %add3A_867 = arith.constant 256 : i32
      %add3A_868 = arith.addi %mul3A_602, %add3A_867 : i32
      %le3A_869 = arith.constant 128 : i32
      %le3A_870 = arith.cmpi sle, %add3A_868, %le3A_869 : i32
      %or3A_871 = arith.ori %gt3A_866, %le3A_870 : i1
      %and3A_872 = arith.andi %and3A_864, %or3A_871 : i1
      %convert_element_type3A_873 = arith.extui %and3A_872 : i1 to i32
      %cond3A_874 = arith.constant 0 : i32
      %cond3A_875 = arith.cmpi ne, %convert_element_type3A_873, %cond3A_874 : i32
      scf.if %cond3A_875 {
        %iota3A_908 = tpu.iota {dimensions = array<i32: 0>} : vector<128x1xi32>
        %add3A_909 = arith.constant 128 : i32
        %add3A_910 = vector.broadcast %add3A_909 : i32 to vector<128x1xi32>
        %add3A_911 = arith.addi %add3A_910, %iota3A_908 : vector<128x1xi32>
        %eq3A_912 = vector.broadcast %add3A_911 : vector<128x1xi32> to vector<128x256xi32>
        %eq3A_913 = vector.broadcast %get3A_596 : vector<1x256xi32> to vector<128x256xi32>
        %eq3A_914 = arith.cmpi eq, %eq3A_912, %eq3A_913 : vector<128x256xi32>
        %convert_element_type3A_915 = arith.extui %eq3A_914 : vector<128x256xi1> to vector<128x256xi32>
        %convert_element_type3A_916 = arith.sitofp %convert_element_type3A_915 : vector<128x256xi32> to vector<128x256xf32>
        %convert_element_type3A_917 = arith.truncf %convert_element_type3A_916 : vector<128x256xf32> to vector<128x256xbf16>
        %get3A_918 = arith.constant 128 : index
        %get3A_919 = arith.constant 0 : index
        %get3A_920 = vector.load %arg6[%get3A_918, %get3A_919] : memref<512x256xbf16, #tpu.memory_space<vmem>>, vector<128x256xbf16>
        %dot_general3A_921 = arith.constant dense<0.000000e+00> : vector<256x256xf32>
        %dot_general3A_922 = tpu.matmul %convert_element_type3A_917, %get3A_920, %dot_general3A_921 {dimension_numbers = #tpu.dot_dimension_numbers<[0], [0], [1], [1], [0, 1, 1, 1], [], []>, transpose_lhs_hint = false} : vector<128x256xbf16>, vector<128x256xbf16>, vector<256x256xf32> -> vector<256x256xf32>
        %get3A_923 = arith.constant 0 : index
        %get3A_924 = arith.constant 2816 : index
        %get3A_925 = arith.constant 0 : index
        %get3A_926 = vector.load %arg5[%get3A_923, %get3A_924, %get3A_925] : memref<1x4096x256xf32, #tpu.memory_space<vmem>>, vector<1x256x256xf32>
        %get3A_927 = vector.shape_cast %get3A_926 : vector<1x256x256xf32> to vector<256x256xf32>
        %add3A_928 = arith.addf %get3A_927, %dot_general3A_922 : vector<256x256xf32>
        %swap3A_929 = arith.constant 0 : index
        %swap3A_930 = arith.constant 2816 : index
        %swap3A_931 = arith.constant 0 : index
        %swap3A_932 = vector.load %arg5[%swap3A_929, %swap3A_930, %swap3A_931] : memref<1x4096x256xf32, #tpu.memory_space<vmem>>, vector<1x256x256xf32>
        %swap3A_933 = vector.shape_cast %swap3A_932 : vector<1x256x256xf32> to vector<256x256xf32>
        %swap3A_934 = vector.shape_cast %add3A_928 : vector<256x256xf32> to vector<1x256x256xf32>
        tpu.vector_store %arg5[%swap3A_929, %swap3A_930, %swap3A_931], %swap3A_934 {strides = array<i32>} : memref<1x4096x256xf32, #tpu.memory_space<vmem>>, vector<1x256x256xf32>,
      } else {
      }
      %le3A_876 = arith.constant 2 : i32
      %le3A_877 = arith.cmpi sle, %get3A_588, %le3A_876 : i32
      %ge3A_878 = arith.constant 2 : i32
      %ge3A_879 = arith.cmpi sge, %get3A_591, %ge3A_878 : i32
      %and3A_880 = arith.andi %le3A_877, %ge3A_879 : i1
      %gt3A_881 = arith.constant 256 : i32
      %gt3A_882 = arith.cmpi sgt, %mul3A_602, %gt3A_881 : i32
      %add3A_883 = arith.constant 256 : i32
      %add3A_884 = arith.addi %mul3A_602, %add3A_883 : i32
      %le3A_885 = arith.constant 256 : i32
      %le3A_886 = arith.cmpi sle, %add3A_884, %le3A_885 : i32
      %or3A_887 = arith.ori %gt3A_882, %le3A_886 : i1
      %and3A_888 = arith.andi %and3A_880, %or3A_887 : i1
      %convert_element_type3A_889 = arith.extui %and3A_888 : i1 to i32
      %cond3A_890 = arith.constant 0 : i32
      %cond3A_891 = arith.cmpi ne, %convert_element_type3A_889, %cond3A_890 : i32
      scf.if %cond3A_891 {
        %iota3A_908 = tpu.iota {dimensions = array<i32: 0>} : vector<128x1xi32>
        %add3A_909 = arith.constant 256 : i32
        %add3A_910 = vector.broadcast %add3A_909 : i32 to vector<128x1xi32>
        %add3A_911 = arith.addi %add3A_910, %iota3A_908 : vector<128x1xi32>
        %eq3A_912 = vector.broadcast %add3A_911 : vector<128x1xi32> to vector<128x256xi32>
        %eq3A_913 = vector.broadcast %get3A_596 : vector<1x256xi32> to vector<128x256xi32>
        %eq3A_914 = arith.cmpi eq, %eq3A_912, %eq3A_913 : vector<128x256xi32>
        %convert_element_type3A_915 = arith.extui %eq3A_914 : vector<128x256xi1> to vector<128x256xi32>
        %convert_element_type3A_916 = arith.sitofp %convert_element_type3A_915 : vector<128x256xi32> to vector<128x256xf32>
        %convert_element_type3A_917 = arith.truncf %convert_element_type3A_916 : vector<128x256xf32> to vector<128x256xbf16>
        %get3A_918 = arith.constant 256 : index
        %get3A_919 = arith.constant 0 : index
        %get3A_920 = vector.load %arg6[%get3A_918, %get3A_919] : memref<512x256xbf16, #tpu.memory_space<vmem>>, vector<128x256xbf16>
        %dot_general3A_921 = arith.constant dense<0.000000e+00> : vector<256x256xf32>
        %dot_general3A_922 = tpu.matmul %convert_element_type3A_917, %get3A_920, %dot_general3A_921 {dimension_numbers = #tpu.dot_dimension_numbers<[0], [0], [1], [1], [0, 1, 1, 1], [], []>, transpose_lhs_hint = false} : vector<128x256xbf16>, vector<128x256xbf16>, vector<256x256xf32> -> vector<256x256xf32>
        %get3A_923 = arith.constant 0 : index
        %get3A_924 = arith.constant 2816 : index
        %get3A_925 = arith.constant 0 : index
        %get3A_926 = vector.load %arg5[%get3A_923, %get3A_924, %get3A_925] : memref<1x4096x256xf32, #tpu.memory_space<vmem>>, vector<1x256x256xf32>
        %get3A_927 = vector.shape_cast %get3A_926 : vector<1x256x256xf32> to vector<256x256xf32>
        %add3A_928 = arith.addf %get3A_927, %dot_general3A_922 : vector<256x256xf32>
        %swap3A_929 = arith.constant 0 : index
        %swap3A_930 = arith.constant 2816 : index
        %swap3A_931 = arith.constant 0 : index
        %swap3A_932 = vector.load %arg5[%swap3A_929, %swap3A_930, %swap3A_931] : memref<1x4096x256xf32, #tpu.memory_space<vmem>>, vector<1x256x256xf32>
        %swap3A_933 = vector.shape_cast %swap3A_932 : vector<1x256x256xf32> to vector<256x256xf32>
        %swap3A_934 = vector.shape_cast %add3A_928 : vector<256x256xf32> to vector<1x256x256xf32>
        tpu.vector_store %arg5[%swap3A_929, %swap3A_930, %swap3A_931], %swap3A_934 {strides = array<i32>} : memref<1x4096x256xf32, #tpu.memory_space<vmem>>, vector<1x256x256xf32>,
      } else {
      }
      %le3A_892 = arith.constant 3 : i32
      %le3A_893 = arith.cmpi sle, %get3A_588, %le3A_892 : i32
      %ge3A_894 = arith.constant 3 : i32
      %ge3A_895 = arith.cmpi sge, %get3A_591, %ge3A_894 : i32
      %and3A_896 = arith.andi %le3A_893, %ge3A_895 : i1
      %gt3A_897 = arith.constant 384 : i32
      %gt3A_898 = arith.cmpi sgt, %mul3A_602, %gt3A_897 : i32
      %add3A_899 = arith.constant 256 : i32
      %add3A_900 = arith.addi %mul3A_602, %add3A_899 : i32
      %le3A_901 = arith.constant 384 : i32
      %le3A_902 = arith.cmpi sle, %add3A_900, %le3A_901 : i32
      %or3A_903 = arith.ori %gt3A_898, %le3A_902 : i1
      %and3A_904 = arith.andi %and3A_896, %or3A_903 : i1
      %convert_element_type3A_905 = arith.extui %and3A_904 : i1 to i32
      %cond3A_906 = arith.constant 0 : i32
      %cond3A_907 = arith.cmpi ne, %convert_element_type3A_905, %cond3A_906 : i32
      scf.if %cond3A_907 {
        %iota3A_908 = tpu.iota {dimensions = array<i32: 0>} : vector<128x1xi32>
        %add3A_909 = arith.constant 384 : i32
        %add3A_910 = vector.broadcast %add3A_909 : i32 to vector<128x1xi32>
        %add3A_911 = arith.addi %add3A_910, %iota3A_908 : vector<128x1xi32>
        %eq3A_912 = vector.broadcast %add3A_911 : vector<128x1xi32> to vector<128x256xi32>
        %eq3A_913 = vector.broadcast %get3A_596 : vector<1x256xi32> to vector<128x256xi32>
        %eq3A_914 = arith.cmpi eq, %eq3A_912, %eq3A_913 : vector<128x256xi32>
        %convert_element_type3A_915 = arith.extui %eq3A_914 : vector<128x256xi1> to vector<128x256xi32>
        %convert_element_type3A_916 = arith.sitofp %convert_element_type3A_915 : vector<128x256xi32> to vector<128x256xf32>
        %convert_element_type3A_917 = arith.truncf %convert_element_type3A_916 : vector<128x256xf32> to vector<128x256xbf16>
        %get3A_918 = arith.constant 384 : index
        %get3A_919 = arith.constant 0 : index
        %get3A_920 = vector.load %arg6[%get3A_918, %get3A_919] : memref<512x256xbf16, #tpu.memory_space<vmem>>, vector<128x256xbf16>
        %dot_general3A_921 = arith.constant dense<0.000000e+00> : vector<256x256xf32>
        %dot_general3A_922 = tpu.matmul %convert_element_type3A_917, %get3A_920, %dot_general3A_921 {dimension_numbers = #tpu.dot_dimension_numbers<[0], [0], [1], [1], [0, 1, 1, 1], [], []>, transpose_lhs_hint = false} : vector<128x256xbf16>, vector<128x256xbf16>, vector<256x256xf32> -> vector<256x256xf32>
        %get3A_923 = arith.constant 0 : index
        %get3A_924 = arith.constant 2816 : index
        %get3A_925 = arith.constant 0 : index
        %get3A_926 = vector.load %arg5[%get3A_923, %get3A_924, %get3A_925] : memref<1x4096x256xf32, #tpu.memory_space<vmem>>, vector<1x256x256xf32>
        %get3A_927 = vector.shape_cast %get3A_926 : vector<1x256x256xf32> to vector<256x256xf32>
        %add3A_928 = arith.addf %get3A_927, %dot_general3A_922 : vector<256x256xf32>
        %swap3A_929 = arith.constant 0 : index
        %swap3A_930 = arith.constant 2816 : index
        %swap3A_931 = arith.constant 0 : index
        %swap3A_932 = vector.load %arg5[%swap3A_929, %swap3A_930, %swap3A_931] : memref<1x4096x256xf32, #tpu.memory_space<vmem>>, vector<1x256x256xf32>
        %swap3A_933 = vector.shape_cast %swap3A_932 : vector<1x256x256xf32> to vector<256x256xf32>
        %swap3A_934 = vector.shape_cast %add3A_928 : vector<256x256xf32> to vector<1x256x256xf32>
        tpu.vector_store %arg5[%swap3A_929, %swap3A_930, %swap3A_931], %swap3A_934 {strides = array<i32>} : memref<1x4096x256xf32, #tpu.memory_space<vmem>>, vector<1x256x256xf32>,
      } else {
      }
    } else {
    }
    %mul3A_635 = arith.constant 4 : i32
    %mul3A_636 = arith.muli %arg0, %mul3A_635 : i32
    %add3A_637 = arith.constant 3 : i32
    %add3A_638 = arith.addi %mul3A_636, %add3A_637 : i32
    %get3A_639 = arith.index_cast %add3A_638 : i32 to index
    %get3A_640 = arith.constant 0 : index
    %get3A_641 = memref.load %arg1[%get3A_639, %get3A_640] : memref<32x16xi32, #tpu.memory_space<smem>>
    %get3A_642 = arith.index_cast %add3A_638 : i32 to index
    %get3A_643 = arith.constant 4 : index
    %get3A_644 = memref.load %arg1[%get3A_642, %get3A_643] : memref<32x16xi32, #tpu.memory_space<smem>>
    %get3A_645 = arith.constant 3 : index
    %get3A_646 = arith.constant 0 : index
    %get3A_647 = arith.constant 0 : index
    %get3A_648 = vector.load %arg2[%get3A_645, %get3A_646, %get3A_647] : memref<4x1x1024xi32, #tpu.memory_space<vmem>>, vector<1x1x256xi32>
    %get3A_649 = vector.shape_cast %get3A_648 : vector<1x1x256xi32> to vector<1x256xi32>
    %max3A_650 = arith.constant 0 : i32
    %max3A_651 = arith.maxsi %get3A_641, %max3A_650 : i32
    %min3A_652 = arith.constant 2 : i32
    %min3A_653 = arith.minsi %max3A_651, %min3A_652 : i32
    %mul3A_654 = arith.constant 128 : i32
    %mul3A_655 = arith.muli %min3A_653, %mul3A_654 : i32
    %iota3A_656 = tpu.iota {dimensions = array<i32: 0>} : vector<256x1xi32>
    %add3A_657 = vector.broadcast %mul3A_655 : i32 to vector<256x1xi32>
    %add3A_658 = arith.addi %add3A_657, %iota3A_656 : vector<256x1xi32>
    %eq3A_659 = vector.broadcast %add3A_658 : vector<256x1xi32> to vector<256x256xi32>
    %eq3A_660 = vector.broadcast %get3A_649 : vector<1x256xi32> to vector<256x256xi32>
    %eq3A_661 = arith.cmpi eq, %eq3A_659, %eq3A_660 : vector<256x256xi32>
    %convert_element_type3A_662 = arith.extui %eq3A_661 : vector<256x256xi1> to vector<256x256xi32>
    %convert_element_type3A_663 = arith.sitofp %convert_element_type3A_662 : vector<256x256xi32> to vector<256x256xf32>
    %convert_element_type3A_664 = arith.truncf %convert_element_type3A_663 : vector<256x256xf32> to vector<256x256xbf16>
    %get3A_665 = arith.index_cast %mul3A_655 : i32 to index
    %get3A_666 = arith.constant 0 : index
    %get3A_667 = vector.load %arg6[%get3A_665, %get3A_666] : memref<512x256xbf16, #tpu.memory_space<vmem>>, vector<256x256xbf16>
    %dot_general3A_668 = arith.constant dense<0.000000e+00> : vector<256x256xf32>
    %dot_general3A_669 = tpu.matmul %convert_element_type3A_664, %get3A_667, %dot_general3A_668 {dimension_numbers = #tpu.dot_dimension_numbers<[0], [0], [1], [1], [0, 1, 1, 1], [], []>, transpose_lhs_hint = false} : vector<256x256xbf16>, vector<256x256xbf16>, vector<256x256xf32> -> vector<256x256xf32>
    %swap3A_670 = arith.constant 0 : index
    %swap3A_671 = arith.constant 3072 : index
    %swap3A_672 = arith.constant 0 : index
    %swap3A_673 = vector.load %arg5[%swap3A_670, %swap3A_671, %swap3A_672] : memref<1x4096x256xf32, #tpu.memory_space<vmem>>, vector<1x256x256xf32>
    %swap3A_674 = vector.shape_cast %swap3A_673 : vector<1x256x256xf32> to vector<256x256xf32>
    %swap3A_675 = vector.shape_cast %dot_general3A_669 : vector<256x256xf32> to vector<1x256x256xf32>
    tpu.vector_store %arg5[%swap3A_670, %swap3A_671, %swap3A_672], %swap3A_675 {strides = array<i32>} : memref<1x4096x256xf32, #tpu.memory_space<vmem>>, vector<1x256x256xf32>,
    %mul3A_676 = arith.constant 128 : i32
    %mul3A_677 = arith.muli %get3A_641, %mul3A_676 : i32
    %lt3A_678 = arith.cmpi slt, %mul3A_677, %mul3A_655 : i32
    %mul3A_679 = arith.constant 128 : i32
    %mul3A_680 = arith.muli %get3A_644, %mul3A_679 : i32
    %add3A_681 = arith.constant 256 : i32
    %add3A_682 = arith.addi %mul3A_655, %add3A_681 : i32
    %ge3A_683 = arith.cmpi sge, %mul3A_680, %add3A_682 : i32
    %or3A_684 = arith.ori %lt3A_678, %ge3A_683 : i1
    %convert_element_type3A_685 = arith.extui %or3A_684 : i1 to i32
    %cond3A_686 = arith.constant 0 : i32
    %cond3A_687 = arith.cmpi ne, %convert_element_type3A_685, %cond3A_686 : i32
    scf.if %cond3A_687 {
      %le3A = arith.constant 0 : i32
      %le3A_847 = arith.cmpi sle, %get3A_641, %le3A : i32
      %ge3A_848 = arith.constant 0 : i32
      %ge3A_849 = arith.cmpi sge, %get3A_644, %ge3A_848 : i32
      %and3A = arith.andi %le3A_847, %ge3A_849 : i1
      %gt3A = arith.constant 0 : i32
      %gt3A_850 = arith.cmpi sgt, %mul3A_655, %gt3A : i32
      %add3A_851 = arith.constant 256 : i32
      %add3A_852 = arith.addi %mul3A_655, %add3A_851 : i32
      %le3A_853 = arith.constant 0 : i32
      %le3A_854 = arith.cmpi sle, %add3A_852, %le3A_853 : i32
      %or3A_855 = arith.ori %gt3A_850, %le3A_854 : i1
      %and3A_856 = arith.andi %and3A, %or3A_855 : i1
      %convert_element_type3A_857 = arith.extui %and3A_856 : i1 to i32
      %cond3A_858 = arith.constant 0 : i32
      %cond3A_859 = arith.cmpi ne, %convert_element_type3A_857, %cond3A_858 : i32
      scf.if %cond3A_859 {
        %iota3A_908 = tpu.iota {dimensions = array<i32: 0>} : vector<128x1xi32>
        %add3A_909 = arith.constant 0 : i32
        %add3A_910 = vector.broadcast %add3A_909 : i32 to vector<128x1xi32>
        %add3A_911 = arith.addi %add3A_910, %iota3A_908 : vector<128x1xi32>
        %eq3A_912 = vector.broadcast %add3A_911 : vector<128x1xi32> to vector<128x256xi32>
        %eq3A_913 = vector.broadcast %get3A_649 : vector<1x256xi32> to vector<128x256xi32>
        %eq3A_914 = arith.cmpi eq, %eq3A_912, %eq3A_913 : vector<128x256xi32>
        %convert_element_type3A_915 = arith.extui %eq3A_914 : vector<128x256xi1> to vector<128x256xi32>
        %convert_element_type3A_916 = arith.sitofp %convert_element_type3A_915 : vector<128x256xi32> to vector<128x256xf32>
        %convert_element_type3A_917 = arith.truncf %convert_element_type3A_916 : vector<128x256xf32> to vector<128x256xbf16>
        %get3A_918 = arith.constant 0 : index
        %get3A_919 = arith.constant 0 : index
        %get3A_920 = vector.load %arg6[%get3A_918, %get3A_919] : memref<512x256xbf16, #tpu.memory_space<vmem>>, vector<128x256xbf16>
        %dot_general3A_921 = arith.constant dense<0.000000e+00> : vector<256x256xf32>
        %dot_general3A_922 = tpu.matmul %convert_element_type3A_917, %get3A_920, %dot_general3A_921 {dimension_numbers = #tpu.dot_dimension_numbers<[0], [0], [1], [1], [0, 1, 1, 1], [], []>, transpose_lhs_hint = false} : vector<128x256xbf16>, vector<128x256xbf16>, vector<256x256xf32> -> vector<256x256xf32>
        %get3A_923 = arith.constant 0 : index
        %get3A_924 = arith.constant 3072 : index
        %get3A_925 = arith.constant 0 : index
        %get3A_926 = vector.load %arg5[%get3A_923, %get3A_924, %get3A_925] : memref<1x4096x256xf32, #tpu.memory_space<vmem>>, vector<1x256x256xf32>
        %get3A_927 = vector.shape_cast %get3A_926 : vector<1x256x256xf32> to vector<256x256xf32>
        %add3A_928 = arith.addf %get3A_927, %dot_general3A_922 : vector<256x256xf32>
        %swap3A_929 = arith.constant 0 : index
        %swap3A_930 = arith.constant 3072 : index
        %swap3A_931 = arith.constant 0 : index
        %swap3A_932 = vector.load %arg5[%swap3A_929, %swap3A_930, %swap3A_931] : memref<1x4096x256xf32, #tpu.memory_space<vmem>>, vector<1x256x256xf32>
        %swap3A_933 = vector.shape_cast %swap3A_932 : vector<1x256x256xf32> to vector<256x256xf32>
        %swap3A_934 = vector.shape_cast %add3A_928 : vector<256x256xf32> to vector<1x256x256xf32>
        tpu.vector_store %arg5[%swap3A_929, %swap3A_930, %swap3A_931], %swap3A_934 {strides = array<i32>} : memref<1x4096x256xf32, #tpu.memory_space<vmem>>, vector<1x256x256xf32>,
      } else {
      }
      %le3A_860 = arith.constant 1 : i32
      %le3A_861 = arith.cmpi sle, %get3A_641, %le3A_860 : i32
      %ge3A_862 = arith.constant 1 : i32
      %ge3A_863 = arith.cmpi sge, %get3A_644, %ge3A_862 : i32
      %and3A_864 = arith.andi %le3A_861, %ge3A_863 : i1
      %gt3A_865 = arith.constant 128 : i32
      %gt3A_866 = arith.cmpi sgt, %mul3A_655, %gt3A_865 : i32
      %add3A_867 = arith.constant 256 : i32
      %add3A_868 = arith.addi %mul3A_655, %add3A_867 : i32
      %le3A_869 = arith.constant 128 : i32
      %le3A_870 = arith.cmpi sle, %add3A_868, %le3A_869 : i32
      %or3A_871 = arith.ori %gt3A_866, %le3A_870 : i1
      %and3A_872 = arith.andi %and3A_864, %or3A_871 : i1
      %convert_element_type3A_873 = arith.extui %and3A_872 : i1 to i32
      %cond3A_874 = arith.constant 0 : i32
      %cond3A_875 = arith.cmpi ne, %convert_element_type3A_873, %cond3A_874 : i32
      scf.if %cond3A_875 {
        %iota3A_908 = tpu.iota {dimensions = array<i32: 0>} : vector<128x1xi32>
        %add3A_909 = arith.constant 128 : i32
        %add3A_910 = vector.broadcast %add3A_909 : i32 to vector<128x1xi32>
        %add3A_911 = arith.addi %add3A_910, %iota3A_908 : vector<128x1xi32>
        %eq3A_912 = vector.broadcast %add3A_911 : vector<128x1xi32> to vector<128x256xi32>
        %eq3A_913 = vector.broadcast %get3A_649 : vector<1x256xi32> to vector<128x256xi32>
        %eq3A_914 = arith.cmpi eq, %eq3A_912, %eq3A_913 : vector<128x256xi32>
        %convert_element_type3A_915 = arith.extui %eq3A_914 : vector<128x256xi1> to vector<128x256xi32>
        %convert_element_type3A_916 = arith.sitofp %convert_element_type3A_915 : vector<128x256xi32> to vector<128x256xf32>
        %convert_element_type3A_917 = arith.truncf %convert_element_type3A_916 : vector<128x256xf32> to vector<128x256xbf16>
        %get3A_918 = arith.constant 128 : index
        %get3A_919 = arith.constant 0 : index
        %get3A_920 = vector.load %arg6[%get3A_918, %get3A_919] : memref<512x256xbf16, #tpu.memory_space<vmem>>, vector<128x256xbf16>
        %dot_general3A_921 = arith.constant dense<0.000000e+00> : vector<256x256xf32>
        %dot_general3A_922 = tpu.matmul %convert_element_type3A_917, %get3A_920, %dot_general3A_921 {dimension_numbers = #tpu.dot_dimension_numbers<[0], [0], [1], [1], [0, 1, 1, 1], [], []>, transpose_lhs_hint = false} : vector<128x256xbf16>, vector<128x256xbf16>, vector<256x256xf32> -> vector<256x256xf32>
        %get3A_923 = arith.constant 0 : index
        %get3A_924 = arith.constant 3072 : index
        %get3A_925 = arith.constant 0 : index
        %get3A_926 = vector.load %arg5[%get3A_923, %get3A_924, %get3A_925] : memref<1x4096x256xf32, #tpu.memory_space<vmem>>, vector<1x256x256xf32>
        %get3A_927 = vector.shape_cast %get3A_926 : vector<1x256x256xf32> to vector<256x256xf32>
        %add3A_928 = arith.addf %get3A_927, %dot_general3A_922 : vector<256x256xf32>
        %swap3A_929 = arith.constant 0 : index
        %swap3A_930 = arith.constant 3072 : index
        %swap3A_931 = arith.constant 0 : index
        %swap3A_932 = vector.load %arg5[%swap3A_929, %swap3A_930, %swap3A_931] : memref<1x4096x256xf32, #tpu.memory_space<vmem>>, vector<1x256x256xf32>
        %swap3A_933 = vector.shape_cast %swap3A_932 : vector<1x256x256xf32> to vector<256x256xf32>
        %swap3A_934 = vector.shape_cast %add3A_928 : vector<256x256xf32> to vector<1x256x256xf32>
        tpu.vector_store %arg5[%swap3A_929, %swap3A_930, %swap3A_931], %swap3A_934 {strides = array<i32>} : memref<1x4096x256xf32, #tpu.memory_space<vmem>>, vector<1x256x256xf32>,
      } else {
      }
      %le3A_876 = arith.constant 2 : i32
      %le3A_877 = arith.cmpi sle, %get3A_641, %le3A_876 : i32
      %ge3A_878 = arith.constant 2 : i32
      %ge3A_879 = arith.cmpi sge, %get3A_644, %ge3A_878 : i32
      %and3A_880 = arith.andi %le3A_877, %ge3A_879 : i1
      %gt3A_881 = arith.constant 256 : i32
      %gt3A_882 = arith.cmpi sgt, %mul3A_655, %gt3A_881 : i32
      %add3A_883 = arith.constant 256 : i32
      %add3A_884 = arith.addi %mul3A_655, %add3A_883 : i32
      %le3A_885 = arith.constant 256 : i32
      %le3A_886 = arith.cmpi sle, %add3A_884, %le3A_885 : i32
      %or3A_887 = arith.ori %gt3A_882, %le3A_886 : i1
      %and3A_888 = arith.andi %and3A_880, %or3A_887 : i1
      %convert_element_type3A_889 = arith.extui %and3A_888 : i1 to i32
      %cond3A_890 = arith.constant 0 : i32
      %cond3A_891 = arith.cmpi ne, %convert_element_type3A_889, %cond3A_890 : i32
      scf.if %cond3A_891 {
        %iota3A_908 = tpu.iota {dimensions = array<i32: 0>} : vector<128x1xi32>
        %add3A_909 = arith.constant 256 : i32
        %add3A_910 = vector.broadcast %add3A_909 : i32 to vector<128x1xi32>
        %add3A_911 = arith.addi %add3A_910, %iota3A_908 : vector<128x1xi32>
        %eq3A_912 = vector.broadcast %add3A_911 : vector<128x1xi32> to vector<128x256xi32>
        %eq3A_913 = vector.broadcast %get3A_649 : vector<1x256xi32> to vector<128x256xi32>
        %eq3A_914 = arith.cmpi eq, %eq3A_912, %eq3A_913 : vector<128x256xi32>
        %convert_element_type3A_915 = arith.extui %eq3A_914 : vector<128x256xi1> to vector<128x256xi32>
        %convert_element_type3A_916 = arith.sitofp %convert_element_type3A_915 : vector<128x256xi32> to vector<128x256xf32>
        %convert_element_type3A_917 = arith.truncf %convert_element_type3A_916 : vector<128x256xf32> to vector<128x256xbf16>
        %get3A_918 = arith.constant 256 : index
        %get3A_919 = arith.constant 0 : index
        %get3A_920 = vector.load %arg6[%get3A_918, %get3A_919] : memref<512x256xbf16, #tpu.memory_space<vmem>>, vector<128x256xbf16>
        %dot_general3A_921 = arith.constant dense<0.000000e+00> : vector<256x256xf32>
        %dot_general3A_922 = tpu.matmul %convert_element_type3A_917, %get3A_920, %dot_general3A_921 {dimension_numbers = #tpu.dot_dimension_numbers<[0], [0], [1], [1], [0, 1, 1, 1], [], []>, transpose_lhs_hint = false} : vector<128x256xbf16>, vector<128x256xbf16>, vector<256x256xf32> -> vector<256x256xf32>
        %get3A_923 = arith.constant 0 : index
        %get3A_924 = arith.constant 3072 : index
        %get3A_925 = arith.constant 0 : index
        %get3A_926 = vector.load %arg5[%get3A_923, %get3A_924, %get3A_925] : memref<1x4096x256xf32, #tpu.memory_space<vmem>>, vector<1x256x256xf32>
        %get3A_927 = vector.shape_cast %get3A_926 : vector<1x256x256xf32> to vector<256x256xf32>
        %add3A_928 = arith.addf %get3A_927, %dot_general3A_922 : vector<256x256xf32>
        %swap3A_929 = arith.constant 0 : index
        %swap3A_930 = arith.constant 3072 : index
        %swap3A_931 = arith.constant 0 : index
        %swap3A_932 = vector.load %arg5[%swap3A_929, %swap3A_930, %swap3A_931] : memref<1x4096x256xf32, #tpu.memory_space<vmem>>, vector<1x256x256xf32>
        %swap3A_933 = vector.shape_cast %swap3A_932 : vector<1x256x256xf32> to vector<256x256xf32>
        %swap3A_934 = vector.shape_cast %add3A_928 : vector<256x256xf32> to vector<1x256x256xf32>
        tpu.vector_store %arg5[%swap3A_929, %swap3A_930, %swap3A_931], %swap3A_934 {strides = array<i32>} : memref<1x4096x256xf32, #tpu.memory_space<vmem>>, vector<1x256x256xf32>,
      } else {
      }
      %le3A_892 = arith.constant 3 : i32
      %le3A_893 = arith.cmpi sle, %get3A_641, %le3A_892 : i32
      %ge3A_894 = arith.constant 3 : i32
      %ge3A_895 = arith.cmpi sge, %get3A_644, %ge3A_894 : i32
      %and3A_896 = arith.andi %le3A_893, %ge3A_895 : i1
      %gt3A_897 = arith.constant 384 : i32
      %gt3A_898 = arith.cmpi sgt, %mul3A_655, %gt3A_897 : i32
      %add3A_899 = arith.constant 256 : i32
      %add3A_900 = arith.addi %mul3A_655, %add3A_899 : i32
      %le3A_901 = arith.constant 384 : i32
      %le3A_902 = arith.cmpi sle, %add3A_900, %le3A_901 : i32
      %or3A_903 = arith.ori %gt3A_898, %le3A_902 : i1
      %and3A_904 = arith.andi %and3A_896, %or3A_903 : i1
      %convert_element_type3A_905 = arith.extui %and3A_904 : i1 to i32
      %cond3A_906 = arith.constant 0 : i32
      %cond3A_907 = arith.cmpi ne, %convert_element_type3A_905, %cond3A_906 : i32
      scf.if %cond3A_907 {
        %iota3A_908 = tpu.iota {dimensions = array<i32: 0>} : vector<128x1xi32>
        %add3A_909 = arith.constant 384 : i32
        %add3A_910 = vector.broadcast %add3A_909 : i32 to vector<128x1xi32>
        %add3A_911 = arith.addi %add3A_910, %iota3A_908 : vector<128x1xi32>
        %eq3A_912 = vector.broadcast %add3A_911 : vector<128x1xi32> to vector<128x256xi32>
        %eq3A_913 = vector.broadcast %get3A_649 : vector<1x256xi32> to vector<128x256xi32>
        %eq3A_914 = arith.cmpi eq, %eq3A_912, %eq3A_913 : vector<128x256xi32>
        %convert_element_type3A_915 = arith.extui %eq3A_914 : vector<128x256xi1> to vector<128x256xi32>
        %convert_element_type3A_916 = arith.sitofp %convert_element_type3A_915 : vector<128x256xi32> to vector<128x256xf32>
        %convert_element_type3A_917 = arith.truncf %convert_element_type3A_916 : vector<128x256xf32> to vector<128x256xbf16>
        %get3A_918 = arith.constant 384 : index
        %get3A_919 = arith.constant 0 : index
        %get3A_920 = vector.load %arg6[%get3A_918, %get3A_919] : memref<512x256xbf16, #tpu.memory_space<vmem>>, vector<128x256xbf16>
        %dot_general3A_921 = arith.constant dense<0.000000e+00> : vector<256x256xf32>
        %dot_general3A_922 = tpu.matmul %convert_element_type3A_917, %get3A_920, %dot_general3A_921 {dimension_numbers = #tpu.dot_dimension_numbers<[0], [0], [1], [1], [0, 1, 1, 1], [], []>, transpose_lhs_hint = false} : vector<128x256xbf16>, vector<128x256xbf16>, vector<256x256xf32> -> vector<256x256xf32>
        %get3A_923 = arith.constant 0 : index
        %get3A_924 = arith.constant 3072 : index
        %get3A_925 = arith.constant 0 : index
        %get3A_926 = vector.load %arg5[%get3A_923, %get3A_924, %get3A_925] : memref<1x4096x256xf32, #tpu.memory_space<vmem>>, vector<1x256x256xf32>
        %get3A_927 = vector.shape_cast %get3A_926 : vector<1x256x256xf32> to vector<256x256xf32>
        %add3A_928 = arith.addf %get3A_927, %dot_general3A_922 : vector<256x256xf32>
        %swap3A_929 = arith.constant 0 : index
        %swap3A_930 = arith.constant 3072 : index
        %swap3A_931 = arith.constant 0 : index
        %swap3A_932 = vector.load %arg5[%swap3A_929, %swap3A_930, %swap3A_931] : memref<1x4096x256xf32, #tpu.memory_space<vmem>>, vector<1x256x256xf32>
        %swap3A_933 = vector.shape_cast %swap3A_932 : vector<1x256x256xf32> to vector<256x256xf32>
        %swap3A_934 = vector.shape_cast %add3A_928 : vector<256x256xf32> to vector<1x256x256xf32>
        tpu.vector_store %arg5[%swap3A_929, %swap3A_930, %swap3A_931], %swap3A_934 {strides = array<i32>} : memref<1x4096x256xf32, #tpu.memory_space<vmem>>, vector<1x256x256xf32>,
      } else {
      }
    } else {
    }
    %mul3A_688 = arith.constant 4 : i32
    %mul3A_689 = arith.muli %arg0, %mul3A_688 : i32
    %add3A_690 = arith.constant 3 : i32
    %add3A_691 = arith.addi %mul3A_689, %add3A_690 : i32
    %get3A_692 = arith.index_cast %add3A_691 : i32 to index
    %get3A_693 = arith.constant 1 : index
    %get3A_694 = memref.load %arg1[%get3A_692, %get3A_693] : memref<32x16xi32, #tpu.memory_space<smem>>
    %get3A_695 = arith.index_cast %add3A_691 : i32 to index
    %get3A_696 = arith.constant 5 : index
    %get3A_697 = memref.load %arg1[%get3A_695, %get3A_696] : memref<32x16xi32, #tpu.memory_space<smem>>
    %get3A_698 = arith.constant 3 : index
    %get3A_699 = arith.constant 0 : index
    %get3A_700 = arith.constant 256 : index
    %get3A_701 = vector.load %arg2[%get3A_698, %get3A_699, %get3A_700] : memref<4x1x1024xi32, #tpu.memory_space<vmem>>, vector<1x1x256xi32>
    %get3A_702 = vector.shape_cast %get3A_701 : vector<1x1x256xi32> to vector<1x256xi32>
    %max3A_703 = arith.constant 0 : i32
    %max3A_704 = arith.maxsi %get3A_694, %max3A_703 : i32
    %min3A_705 = arith.constant 2 : i32
    %min3A_706 = arith.minsi %max3A_704, %min3A_705 : i32
    %mul3A_707 = arith.constant 128 : i32
    %mul3A_708 = arith.muli %min3A_706, %mul3A_707 : i32
    %iota3A_709 = tpu.iota {dimensions = array<i32: 0>} : vector<256x1xi32>
    %add3A_710 = vector.broadcast %mul3A_708 : i32 to vector<256x1xi32>
    %add3A_711 = arith.addi %add3A_710, %iota3A_709 : vector<256x1xi32>
    %eq3A_712 = vector.broadcast %add3A_711 : vector<256x1xi32> to vector<256x256xi32>
    %eq3A_713 = vector.broadcast %get3A_702 : vector<1x256xi32> to vector<256x256xi32>
    %eq3A_714 = arith.cmpi eq, %eq3A_712, %eq3A_713 : vector<256x256xi32>
    %convert_element_type3A_715 = arith.extui %eq3A_714 : vector<256x256xi1> to vector<256x256xi32>
    %convert_element_type3A_716 = arith.sitofp %convert_element_type3A_715 : vector<256x256xi32> to vector<256x256xf32>
    %convert_element_type3A_717 = arith.truncf %convert_element_type3A_716 : vector<256x256xf32> to vector<256x256xbf16>
    %get3A_718 = arith.index_cast %mul3A_708 : i32 to index
    %get3A_719 = arith.constant 0 : index
    %get3A_720 = vector.load %arg6[%get3A_718, %get3A_719] : memref<512x256xbf16, #tpu.memory_space<vmem>>, vector<256x256xbf16>
    %dot_general3A_721 = arith.constant dense<0.000000e+00> : vector<256x256xf32>
    %dot_general3A_722 = tpu.matmul %convert_element_type3A_717, %get3A_720, %dot_general3A_721 {dimension_numbers = #tpu.dot_dimension_numbers<[0], [0], [1], [1], [0, 1, 1, 1], [], []>, transpose_lhs_hint = false} : vector<256x256xbf16>, vector<256x256xbf16>, vector<256x256xf32> -> vector<256x256xf32>
    %swap3A_723 = arith.constant 0 : index
    %swap3A_724 = arith.constant 3328 : index
    %swap3A_725 = arith.constant 0 : index
    %swap3A_726 = vector.load %arg5[%swap3A_723, %swap3A_724, %swap3A_725] : memref<1x4096x256xf32, #tpu.memory_space<vmem>>, vector<1x256x256xf32>
    %swap3A_727 = vector.shape_cast %swap3A_726 : vector<1x256x256xf32> to vector<256x256xf32>
    %swap3A_728 = vector.shape_cast %dot_general3A_722 : vector<256x256xf32> to vector<1x256x256xf32>
    tpu.vector_store %arg5[%swap3A_723, %swap3A_724, %swap3A_725], %swap3A_728 {strides = array<i32>} : memref<1x4096x256xf32, #tpu.memory_space<vmem>>, vector<1x256x256xf32>,
    %mul3A_729 = arith.constant 128 : i32
    %mul3A_730 = arith.muli %get3A_694, %mul3A_729 : i32
    %lt3A_731 = arith.cmpi slt, %mul3A_730, %mul3A_708 : i32
    %mul3A_732 = arith.constant 128 : i32
    %mul3A_733 = arith.muli %get3A_697, %mul3A_732 : i32
    %add3A_734 = arith.constant 256 : i32
    %add3A_735 = arith.addi %mul3A_708, %add3A_734 : i32
    %ge3A_736 = arith.cmpi sge, %mul3A_733, %add3A_735 : i32
    %or3A_737 = arith.ori %lt3A_731, %ge3A_736 : i1
    %convert_element_type3A_738 = arith.extui %or3A_737 : i1 to i32
    %cond3A_739 = arith.constant 0 : i32
    %cond3A_740 = arith.cmpi ne, %convert_element_type3A_738, %cond3A_739 : i32
    scf.if %cond3A_740 {
      %le3A = arith.constant 0 : i32
      %le3A_847 = arith.cmpi sle, %get3A_694, %le3A : i32
      %ge3A_848 = arith.constant 0 : i32
      %ge3A_849 = arith.cmpi sge, %get3A_697, %ge3A_848 : i32
      %and3A = arith.andi %le3A_847, %ge3A_849 : i1
      %gt3A = arith.constant 0 : i32
      %gt3A_850 = arith.cmpi sgt, %mul3A_708, %gt3A : i32
      %add3A_851 = arith.constant 256 : i32
      %add3A_852 = arith.addi %mul3A_708, %add3A_851 : i32
      %le3A_853 = arith.constant 0 : i32
      %le3A_854 = arith.cmpi sle, %add3A_852, %le3A_853 : i32
      %or3A_855 = arith.ori %gt3A_850, %le3A_854 : i1
      %and3A_856 = arith.andi %and3A, %or3A_855 : i1
      %convert_element_type3A_857 = arith.extui %and3A_856 : i1 to i32
      %cond3A_858 = arith.constant 0 : i32
      %cond3A_859 = arith.cmpi ne, %convert_element_type3A_857, %cond3A_858 : i32
      scf.if %cond3A_859 {
        %iota3A_908 = tpu.iota {dimensions = array<i32: 0>} : vector<128x1xi32>
        %add3A_909 = arith.constant 0 : i32
        %add3A_910 = vector.broadcast %add3A_909 : i32 to vector<128x1xi32>
        %add3A_911 = arith.addi %add3A_910, %iota3A_908 : vector<128x1xi32>
        %eq3A_912 = vector.broadcast %add3A_911 : vector<128x1xi32> to vector<128x256xi32>
        %eq3A_913 = vector.broadcast %get3A_702 : vector<1x256xi32> to vector<128x256xi32>
        %eq3A_914 = arith.cmpi eq, %eq3A_912, %eq3A_913 : vector<128x256xi32>
        %convert_element_type3A_915 = arith.extui %eq3A_914 : vector<128x256xi1> to vector<128x256xi32>
        %convert_element_type3A_916 = arith.sitofp %convert_element_type3A_915 : vector<128x256xi32> to vector<128x256xf32>
        %convert_element_type3A_917 = arith.truncf %convert_element_type3A_916 : vector<128x256xf32> to vector<128x256xbf16>
        %get3A_918 = arith.constant 0 : index
        %get3A_919 = arith.constant 0 : index
        %get3A_920 = vector.load %arg6[%get3A_918, %get3A_919] : memref<512x256xbf16, #tpu.memory_space<vmem>>, vector<128x256xbf16>
        %dot_general3A_921 = arith.constant dense<0.000000e+00> : vector<256x256xf32>
        %dot_general3A_922 = tpu.matmul %convert_element_type3A_917, %get3A_920, %dot_general3A_921 {dimension_numbers = #tpu.dot_dimension_numbers<[0], [0], [1], [1], [0, 1, 1, 1], [], []>, transpose_lhs_hint = false} : vector<128x256xbf16>, vector<128x256xbf16>, vector<256x256xf32> -> vector<256x256xf32>
        %get3A_923 = arith.constant 0 : index
        %get3A_924 = arith.constant 3328 : index
        %get3A_925 = arith.constant 0 : index
        %get3A_926 = vector.load %arg5[%get3A_923, %get3A_924, %get3A_925] : memref<1x4096x256xf32, #tpu.memory_space<vmem>>, vector<1x256x256xf32>
        %get3A_927 = vector.shape_cast %get3A_926 : vector<1x256x256xf32> to vector<256x256xf32>
        %add3A_928 = arith.addf %get3A_927, %dot_general3A_922 : vector<256x256xf32>
        %swap3A_929 = arith.constant 0 : index
        %swap3A_930 = arith.constant 3328 : index
        %swap3A_931 = arith.constant 0 : index
        %swap3A_932 = vector.load %arg5[%swap3A_929, %swap3A_930, %swap3A_931] : memref<1x4096x256xf32, #tpu.memory_space<vmem>>, vector<1x256x256xf32>
        %swap3A_933 = vector.shape_cast %swap3A_932 : vector<1x256x256xf32> to vector<256x256xf32>
        %swap3A_934 = vector.shape_cast %add3A_928 : vector<256x256xf32> to vector<1x256x256xf32>
        tpu.vector_store %arg5[%swap3A_929, %swap3A_930, %swap3A_931], %swap3A_934 {strides = array<i32>} : memref<1x4096x256xf32, #tpu.memory_space<vmem>>, vector<1x256x256xf32>,
      } else {
      }
      %le3A_860 = arith.constant 1 : i32
      %le3A_861 = arith.cmpi sle, %get3A_694, %le3A_860 : i32
      %ge3A_862 = arith.constant 1 : i32
      %ge3A_863 = arith.cmpi sge, %get3A_697, %ge3A_862 : i32
      %and3A_864 = arith.andi %le3A_861, %ge3A_863 : i1
      %gt3A_865 = arith.constant 128 : i32
      %gt3A_866 = arith.cmpi sgt, %mul3A_708, %gt3A_865 : i32
      %add3A_867 = arith.constant 256 : i32
      %add3A_868 = arith.addi %mul3A_708, %add3A_867 : i32
      %le3A_869 = arith.constant 128 : i32
      %le3A_870 = arith.cmpi sle, %add3A_868, %le3A_869 : i32
      %or3A_871 = arith.ori %gt3A_866, %le3A_870 : i1
      %and3A_872 = arith.andi %and3A_864, %or3A_871 : i1
      %convert_element_type3A_873 = arith.extui %and3A_872 : i1 to i32
      %cond3A_874 = arith.constant 0 : i32
      %cond3A_875 = arith.cmpi ne, %convert_element_type3A_873, %cond3A_874 : i32
      scf.if %cond3A_875 {
        %iota3A_908 = tpu.iota {dimensions = array<i32: 0>} : vector<128x1xi32>
        %add3A_909 = arith.constant 128 : i32
        %add3A_910 = vector.broadcast %add3A_909 : i32 to vector<128x1xi32>
        %add3A_911 = arith.addi %add3A_910, %iota3A_908 : vector<128x1xi32>
        %eq3A_912 = vector.broadcast %add3A_911 : vector<128x1xi32> to vector<128x256xi32>
        %eq3A_913 = vector.broadcast %get3A_702 : vector<1x256xi32> to vector<128x256xi32>
        %eq3A_914 = arith.cmpi eq, %eq3A_912, %eq3A_913 : vector<128x256xi32>
        %convert_element_type3A_915 = arith.extui %eq3A_914 : vector<128x256xi1> to vector<128x256xi32>
        %convert_element_type3A_916 = arith.sitofp %convert_element_type3A_915 : vector<128x256xi32> to vector<128x256xf32>
        %convert_element_type3A_917 = arith.truncf %convert_element_type3A_916 : vector<128x256xf32> to vector<128x256xbf16>
        %get3A_918 = arith.constant 128 : index
        %get3A_919 = arith.constant 0 : index
        %get3A_920 = vector.load %arg6[%get3A_918, %get3A_919] : memref<512x256xbf16, #tpu.memory_space<vmem>>, vector<128x256xbf16>
        %dot_general3A_921 = arith.constant dense<0.000000e+00> : vector<256x256xf32>
        %dot_general3A_922 = tpu.matmul %convert_element_type3A_917, %get3A_920, %dot_general3A_921 {dimension_numbers = #tpu.dot_dimension_numbers<[0], [0], [1], [1], [0, 1, 1, 1], [], []>, transpose_lhs_hint = false} : vector<128x256xbf16>, vector<128x256xbf16>, vector<256x256xf32> -> vector<256x256xf32>
        %get3A_923 = arith.constant 0 : index
        %get3A_924 = arith.constant 3328 : index
        %get3A_925 = arith.constant 0 : index
        %get3A_926 = vector.load %arg5[%get3A_923, %get3A_924, %get3A_925] : memref<1x4096x256xf32, #tpu.memory_space<vmem>>, vector<1x256x256xf32>
        %get3A_927 = vector.shape_cast %get3A_926 : vector<1x256x256xf32> to vector<256x256xf32>
        %add3A_928 = arith.addf %get3A_927, %dot_general3A_922 : vector<256x256xf32>
        %swap3A_929 = arith.constant 0 : index
        %swap3A_930 = arith.constant 3328 : index
        %swap3A_931 = arith.constant 0 : index
        %swap3A_932 = vector.load %arg5[%swap3A_929, %swap3A_930, %swap3A_931] : memref<1x4096x256xf32, #tpu.memory_space<vmem>>, vector<1x256x256xf32>
        %swap3A_933 = vector.shape_cast %swap3A_932 : vector<1x256x256xf32> to vector<256x256xf32>
        %swap3A_934 = vector.shape_cast %add3A_928 : vector<256x256xf32> to vector<1x256x256xf32>
        tpu.vector_store %arg5[%swap3A_929, %swap3A_930, %swap3A_931], %swap3A_934 {strides = array<i32>} : memref<1x4096x256xf32, #tpu.memory_space<vmem>>, vector<1x256x256xf32>,
      } else {
      }
      %le3A_876 = arith.constant 2 : i32
      %le3A_877 = arith.cmpi sle, %get3A_694, %le3A_876 : i32
      %ge3A_878 = arith.constant 2 : i32
      %ge3A_879 = arith.cmpi sge, %get3A_697, %ge3A_878 : i32
      %and3A_880 = arith.andi %le3A_877, %ge3A_879 : i1
      %gt3A_881 = arith.constant 256 : i32
      %gt3A_882 = arith.cmpi sgt, %mul3A_708, %gt3A_881 : i32
      %add3A_883 = arith.constant 256 : i32
      %add3A_884 = arith.addi %mul3A_708, %add3A_883 : i32
      %le3A_885 = arith.constant 256 : i32
      %le3A_886 = arith.cmpi sle, %add3A_884, %le3A_885 : i32
      %or3A_887 = arith.ori %gt3A_882, %le3A_886 : i1
      %and3A_888 = arith.andi %and3A_880, %or3A_887 : i1
      %convert_element_type3A_889 = arith.extui %and3A_888 : i1 to i32
      %cond3A_890 = arith.constant 0 : i32
      %cond3A_891 = arith.cmpi ne, %convert_element_type3A_889, %cond3A_890 : i32
      scf.if %cond3A_891 {
        %iota3A_908 = tpu.iota {dimensions = array<i32: 0>} : vector<128x1xi32>
        %add3A_909 = arith.constant 256 : i32
        %add3A_910 = vector.broadcast %add3A_909 : i32 to vector<128x1xi32>
        %add3A_911 = arith.addi %add3A_910, %iota3A_908 : vector<128x1xi32>
        %eq3A_912 = vector.broadcast %add3A_911 : vector<128x1xi32> to vector<128x256xi32>
        %eq3A_913 = vector.broadcast %get3A_702 : vector<1x256xi32> to vector<128x256xi32>
        %eq3A_914 = arith.cmpi eq, %eq3A_912, %eq3A_913 : vector<128x256xi32>
        %convert_element_type3A_915 = arith.extui %eq3A_914 : vector<128x256xi1> to vector<128x256xi32>
        %convert_element_type3A_916 = arith.sitofp %convert_element_type3A_915 : vector<128x256xi32> to vector<128x256xf32>
        %convert_element_type3A_917 = arith.truncf %convert_element_type3A_916 : vector<128x256xf32> to vector<128x256xbf16>
        %get3A_918 = arith.constant 256 : index
        %get3A_919 = arith.constant 0 : index
        %get3A_920 = vector.load %arg6[%get3A_918, %get3A_919] : memref<512x256xbf16, #tpu.memory_space<vmem>>, vector<128x256xbf16>
        %dot_general3A_921 = arith.constant dense<0.000000e+00> : vector<256x256xf32>
        %dot_general3A_922 = tpu.matmul %convert_element_type3A_917, %get3A_920, %dot_general3A_921 {dimension_numbers = #tpu.dot_dimension_numbers<[0], [0], [1], [1], [0, 1, 1, 1], [], []>, transpose_lhs_hint = false} : vector<128x256xbf16>, vector<128x256xbf16>, vector<256x256xf32> -> vector<256x256xf32>
        %get3A_923 = arith.constant 0 : index
        %get3A_924 = arith.constant 3328 : index
        %get3A_925 = arith.constant 0 : index
        %get3A_926 = vector.load %arg5[%get3A_923, %get3A_924, %get3A_925] : memref<1x4096x256xf32, #tpu.memory_space<vmem>>, vector<1x256x256xf32>
        %get3A_927 = vector.shape_cast %get3A_926 : vector<1x256x256xf32> to vector<256x256xf32>
        %add3A_928 = arith.addf %get3A_927, %dot_general3A_922 : vector<256x256xf32>
        %swap3A_929 = arith.constant 0 : index
        %swap3A_930 = arith.constant 3328 : index
        %swap3A_931 = arith.constant 0 : index
        %swap3A_932 = vector.load %arg5[%swap3A_929, %swap3A_930, %swap3A_931] : memref<1x4096x256xf32, #tpu.memory_space<vmem>>, vector<1x256x256xf32>
        %swap3A_933 = vector.shape_cast %swap3A_932 : vector<1x256x256xf32> to vector<256x256xf32>
        %swap3A_934 = vector.shape_cast %add3A_928 : vector<256x256xf32> to vector<1x256x256xf32>
        tpu.vector_store %arg5[%swap3A_929, %swap3A_930, %swap3A_931], %swap3A_934 {strides = array<i32>} : memref<1x4096x256xf32, #tpu.memory_space<vmem>>, vector<1x256x256xf32>,
      } else {
      }
      %le3A_892 = arith.constant 3 : i32
      %le3A_893 = arith.cmpi sle, %get3A_694, %le3A_892 : i32
      %ge3A_894 = arith.constant 3 : i32
      %ge3A_895 = arith.cmpi sge, %get3A_697, %ge3A_894 : i32
      %and3A_896 = arith.andi %le3A_893, %ge3A_895 : i1
      %gt3A_897 = arith.constant 384 : i32
      %gt3A_898 = arith.cmpi sgt, %mul3A_708, %gt3A_897 : i32
      %add3A_899 = arith.constant 256 : i32
      %add3A_900 = arith.addi %mul3A_708, %add3A_899 : i32
      %le3A_901 = arith.constant 384 : i32
      %le3A_902 = arith.cmpi sle, %add3A_900, %le3A_901 : i32
      %or3A_903 = arith.ori %gt3A_898, %le3A_902 : i1
      %and3A_904 = arith.andi %and3A_896, %or3A_903 : i1
      %convert_element_type3A_905 = arith.extui %and3A_904 : i1 to i32
      %cond3A_906 = arith.constant 0 : i32
      %cond3A_907 = arith.cmpi ne, %convert_element_type3A_905, %cond3A_906 : i32
      scf.if %cond3A_907 {
        %iota3A_908 = tpu.iota {dimensions = array<i32: 0>} : vector<128x1xi32>
        %add3A_909 = arith.constant 384 : i32
        %add3A_910 = vector.broadcast %add3A_909 : i32 to vector<128x1xi32>
        %add3A_911 = arith.addi %add3A_910, %iota3A_908 : vector<128x1xi32>
        %eq3A_912 = vector.broadcast %add3A_911 : vector<128x1xi32> to vector<128x256xi32>
        %eq3A_913 = vector.broadcast %get3A_702 : vector<1x256xi32> to vector<128x256xi32>
        %eq3A_914 = arith.cmpi eq, %eq3A_912, %eq3A_913 : vector<128x256xi32>
        %convert_element_type3A_915 = arith.extui %eq3A_914 : vector<128x256xi1> to vector<128x256xi32>
        %convert_element_type3A_916 = arith.sitofp %convert_element_type3A_915 : vector<128x256xi32> to vector<128x256xf32>
        %convert_element_type3A_917 = arith.truncf %convert_element_type3A_916 : vector<128x256xf32> to vector<128x256xbf16>
        %get3A_918 = arith.constant 384 : index
        %get3A_919 = arith.constant 0 : index
        %get3A_920 = vector.load %arg6[%get3A_918, %get3A_919] : memref<512x256xbf16, #tpu.memory_space<vmem>>, vector<128x256xbf16>
        %dot_general3A_921 = arith.constant dense<0.000000e+00> : vector<256x256xf32>
        %dot_general3A_922 = tpu.matmul %convert_element_type3A_917, %get3A_920, %dot_general3A_921 {dimension_numbers = #tpu.dot_dimension_numbers<[0], [0], [1], [1], [0, 1, 1, 1], [], []>, transpose_lhs_hint = false} : vector<128x256xbf16>, vector<128x256xbf16>, vector<256x256xf32> -> vector<256x256xf32>
        %get3A_923 = arith.constant 0 : index
        %get3A_924 = arith.constant 3328 : index
        %get3A_925 = arith.constant 0 : index
        %get3A_926 = vector.load %arg5[%get3A_923, %get3A_924, %get3A_925] : memref<1x4096x256xf32, #tpu.memory_space<vmem>>, vector<1x256x256xf32>
        %get3A_927 = vector.shape_cast %get3A_926 : vector<1x256x256xf32> to vector<256x256xf32>
        %add3A_928 = arith.addf %get3A_927, %dot_general3A_922 : vector<256x256xf32>
        %swap3A_929 = arith.constant 0 : index
        %swap3A_930 = arith.constant 3328 : index
        %swap3A_931 = arith.constant 0 : index
        %swap3A_932 = vector.load %arg5[%swap3A_929, %swap3A_930, %swap3A_931] : memref<1x4096x256xf32, #tpu.memory_space<vmem>>, vector<1x256x256xf32>
        %swap3A_933 = vector.shape_cast %swap3A_932 : vector<1x256x256xf32> to vector<256x256xf32>
        %swap3A_934 = vector.shape_cast %add3A_928 : vector<256x256xf32> to vector<1x256x256xf32>
        tpu.vector_store %arg5[%swap3A_929, %swap3A_930, %swap3A_931], %swap3A_934 {strides = array<i32>} : memref<1x4096x256xf32, #tpu.memory_space<vmem>>, vector<1x256x256xf32>,
      } else {
      }
    } else {
    }
    %mul3A_741 = arith.constant 4 : i32
    %mul3A_742 = arith.muli %arg0, %mul3A_741 : i32
    %add3A_743 = arith.constant 3 : i32
    %add3A_744 = arith.addi %mul3A_742, %add3A_743 : i32
    %get3A_745 = arith.index_cast %add3A_744 : i32 to index
    %get3A_746 = arith.constant 2 : index
    %get3A_747 = memref.load %arg1[%get3A_745, %get3A_746] : memref<32x16xi32, #tpu.memory_space<smem>>
    %get3A_748 = arith.index_cast %add3A_744 : i32 to index
    %get3A_749 = arith.constant 6 : index
    %get3A_750 = memref.load %arg1[%get3A_748, %get3A_749] : memref<32x16xi32, #tpu.memory_space<smem>>
    %get3A_751 = arith.constant 3 : index
    %get3A_752 = arith.constant 0 : index
    %get3A_753 = arith.constant 512 : index
    %get3A_754 = vector.load %arg2[%get3A_751, %get3A_752, %get3A_753] : memref<4x1x1024xi32, #tpu.memory_space<vmem>>, vector<1x1x256xi32>
    %get3A_755 = vector.shape_cast %get3A_754 : vector<1x1x256xi32> to vector<1x256xi32>
    %max3A_756 = arith.constant 0 : i32
    %max3A_757 = arith.maxsi %get3A_747, %max3A_756 : i32
    %min3A_758 = arith.constant 2 : i32
    %min3A_759 = arith.minsi %max3A_757, %min3A_758 : i32
    %mul3A_760 = arith.constant 128 : i32
    %mul3A_761 = arith.muli %min3A_759, %mul3A_760 : i32
    %iota3A_762 = tpu.iota {dimensions = array<i32: 0>} : vector<256x1xi32>
    %add3A_763 = vector.broadcast %mul3A_761 : i32 to vector<256x1xi32>
    %add3A_764 = arith.addi %add3A_763, %iota3A_762 : vector<256x1xi32>
    %eq3A_765 = vector.broadcast %add3A_764 : vector<256x1xi32> to vector<256x256xi32>
    %eq3A_766 = vector.broadcast %get3A_755 : vector<1x256xi32> to vector<256x256xi32>
    %eq3A_767 = arith.cmpi eq, %eq3A_765, %eq3A_766 : vector<256x256xi32>
    %convert_element_type3A_768 = arith.extui %eq3A_767 : vector<256x256xi1> to vector<256x256xi32>
    %convert_element_type3A_769 = arith.sitofp %convert_element_type3A_768 : vector<256x256xi32> to vector<256x256xf32>
    %convert_element_type3A_770 = arith.truncf %convert_element_type3A_769 : vector<256x256xf32> to vector<256x256xbf16>
    %get3A_771 = arith.index_cast %mul3A_761 : i32 to index
    %get3A_772 = arith.constant 0 : index
    %get3A_773 = vector.load %arg6[%get3A_771, %get3A_772] : memref<512x256xbf16, #tpu.memory_space<vmem>>, vector<256x256xbf16>
    %dot_general3A_774 = arith.constant dense<0.000000e+00> : vector<256x256xf32>
    %dot_general3A_775 = tpu.matmul %convert_element_type3A_770, %get3A_773, %dot_general3A_774 {dimension_numbers = #tpu.dot_dimension_numbers<[0], [0], [1], [1], [0, 1, 1, 1], [], []>, transpose_lhs_hint = false} : vector<256x256xbf16>, vector<256x256xbf16>, vector<256x256xf32> -> vector<256x256xf32>
    %swap3A_776 = arith.constant 0 : index
    %swap3A_777 = arith.constant 3584 : index
    %swap3A_778 = arith.constant 0 : index
    %swap3A_779 = vector.load %arg5[%swap3A_776, %swap3A_777, %swap3A_778] : memref<1x4096x256xf32, #tpu.memory_space<vmem>>, vector<1x256x256xf32>
    %swap3A_780 = vector.shape_cast %swap3A_779 : vector<1x256x256xf32> to vector<256x256xf32>
    %swap3A_781 = vector.shape_cast %dot_general3A_775 : vector<256x256xf32> to vector<1x256x256xf32>
    tpu.vector_store %arg5[%swap3A_776, %swap3A_777, %swap3A_778], %swap3A_781 {strides = array<i32>} : memref<1x4096x256xf32, #tpu.memory_space<vmem>>, vector<1x256x256xf32>,
    %mul3A_782 = arith.constant 128 : i32
    %mul3A_783 = arith.muli %get3A_747, %mul3A_782 : i32
    %lt3A_784 = arith.cmpi slt, %mul3A_783, %mul3A_761 : i32
    %mul3A_785 = arith.constant 128 : i32
    %mul3A_786 = arith.muli %get3A_750, %mul3A_785 : i32
    %add3A_787 = arith.constant 256 : i32
    %add3A_788 = arith.addi %mul3A_761, %add3A_787 : i32
    %ge3A_789 = arith.cmpi sge, %mul3A_786, %add3A_788 : i32
    %or3A_790 = arith.ori %lt3A_784, %ge3A_789 : i1
    %convert_element_type3A_791 = arith.extui %or3A_790 : i1 to i32
    %cond3A_792 = arith.constant 0 : i32
    %cond3A_793 = arith.cmpi ne, %convert_element_type3A_791, %cond3A_792 : i32
    scf.if %cond3A_793 {
      %le3A = arith.constant 0 : i32
      %le3A_847 = arith.cmpi sle, %get3A_747, %le3A : i32
      %ge3A_848 = arith.constant 0 : i32
      %ge3A_849 = arith.cmpi sge, %get3A_750, %ge3A_848 : i32
      %and3A = arith.andi %le3A_847, %ge3A_849 : i1
      %gt3A = arith.constant 0 : i32
      %gt3A_850 = arith.cmpi sgt, %mul3A_761, %gt3A : i32
      %add3A_851 = arith.constant 256 : i32
      %add3A_852 = arith.addi %mul3A_761, %add3A_851 : i32
      %le3A_853 = arith.constant 0 : i32
      %le3A_854 = arith.cmpi sle, %add3A_852, %le3A_853 : i32
      %or3A_855 = arith.ori %gt3A_850, %le3A_854 : i1
      %and3A_856 = arith.andi %and3A, %or3A_855 : i1
      %convert_element_type3A_857 = arith.extui %and3A_856 : i1 to i32
      %cond3A_858 = arith.constant 0 : i32
      %cond3A_859 = arith.cmpi ne, %convert_element_type3A_857, %cond3A_858 : i32
      scf.if %cond3A_859 {
        %iota3A_908 = tpu.iota {dimensions = array<i32: 0>} : vector<128x1xi32>
        %add3A_909 = arith.constant 0 : i32
        %add3A_910 = vector.broadcast %add3A_909 : i32 to vector<128x1xi32>
        %add3A_911 = arith.addi %add3A_910, %iota3A_908 : vector<128x1xi32>
        %eq3A_912 = vector.broadcast %add3A_911 : vector<128x1xi32> to vector<128x256xi32>
        %eq3A_913 = vector.broadcast %get3A_755 : vector<1x256xi32> to vector<128x256xi32>
        %eq3A_914 = arith.cmpi eq, %eq3A_912, %eq3A_913 : vector<128x256xi32>
        %convert_element_type3A_915 = arith.extui %eq3A_914 : vector<128x256xi1> to vector<128x256xi32>
        %convert_element_type3A_916 = arith.sitofp %convert_element_type3A_915 : vector<128x256xi32> to vector<128x256xf32>
        %convert_element_type3A_917 = arith.truncf %convert_element_type3A_916 : vector<128x256xf32> to vector<128x256xbf16>
        %get3A_918 = arith.constant 0 : index
        %get3A_919 = arith.constant 0 : index
        %get3A_920 = vector.load %arg6[%get3A_918, %get3A_919] : memref<512x256xbf16, #tpu.memory_space<vmem>>, vector<128x256xbf16>
        %dot_general3A_921 = arith.constant dense<0.000000e+00> : vector<256x256xf32>
        %dot_general3A_922 = tpu.matmul %convert_element_type3A_917, %get3A_920, %dot_general3A_921 {dimension_numbers = #tpu.dot_dimension_numbers<[0], [0], [1], [1], [0, 1, 1, 1], [], []>, transpose_lhs_hint = false} : vector<128x256xbf16>, vector<128x256xbf16>, vector<256x256xf32> -> vector<256x256xf32>
        %get3A_923 = arith.constant 0 : index
        %get3A_924 = arith.constant 3584 : index
        %get3A_925 = arith.constant 0 : index
        %get3A_926 = vector.load %arg5[%get3A_923, %get3A_924, %get3A_925] : memref<1x4096x256xf32, #tpu.memory_space<vmem>>, vector<1x256x256xf32>
        %get3A_927 = vector.shape_cast %get3A_926 : vector<1x256x256xf32> to vector<256x256xf32>
        %add3A_928 = arith.addf %get3A_927, %dot_general3A_922 : vector<256x256xf32>
        %swap3A_929 = arith.constant 0 : index
        %swap3A_930 = arith.constant 3584 : index
        %swap3A_931 = arith.constant 0 : index
        %swap3A_932 = vector.load %arg5[%swap3A_929, %swap3A_930, %swap3A_931] : memref<1x4096x256xf32, #tpu.memory_space<vmem>>, vector<1x256x256xf32>
        %swap3A_933 = vector.shape_cast %swap3A_932 : vector<1x256x256xf32> to vector<256x256xf32>
        %swap3A_934 = vector.shape_cast %add3A_928 : vector<256x256xf32> to vector<1x256x256xf32>
        tpu.vector_store %arg5[%swap3A_929, %swap3A_930, %swap3A_931], %swap3A_934 {strides = array<i32>} : memref<1x4096x256xf32, #tpu.memory_space<vmem>>, vector<1x256x256xf32>,
      } else {
      }
      %le3A_860 = arith.constant 1 : i32
      %le3A_861 = arith.cmpi sle, %get3A_747, %le3A_860 : i32
      %ge3A_862 = arith.constant 1 : i32
      %ge3A_863 = arith.cmpi sge, %get3A_750, %ge3A_862 : i32
      %and3A_864 = arith.andi %le3A_861, %ge3A_863 : i1
      %gt3A_865 = arith.constant 128 : i32
      %gt3A_866 = arith.cmpi sgt, %mul3A_761, %gt3A_865 : i32
      %add3A_867 = arith.constant 256 : i32
      %add3A_868 = arith.addi %mul3A_761, %add3A_867 : i32
      %le3A_869 = arith.constant 128 : i32
      %le3A_870 = arith.cmpi sle, %add3A_868, %le3A_869 : i32
      %or3A_871 = arith.ori %gt3A_866, %le3A_870 : i1
      %and3A_872 = arith.andi %and3A_864, %or3A_871 : i1
      %convert_element_type3A_873 = arith.extui %and3A_872 : i1 to i32
      %cond3A_874 = arith.constant 0 : i32
      %cond3A_875 = arith.cmpi ne, %convert_element_type3A_873, %cond3A_874 : i32
      scf.if %cond3A_875 {
        %iota3A_908 = tpu.iota {dimensions = array<i32: 0>} : vector<128x1xi32>
        %add3A_909 = arith.constant 128 : i32
        %add3A_910 = vector.broadcast %add3A_909 : i32 to vector<128x1xi32>
        %add3A_911 = arith.addi %add3A_910, %iota3A_908 : vector<128x1xi32>
        %eq3A_912 = vector.broadcast %add3A_911 : vector<128x1xi32> to vector<128x256xi32>
        %eq3A_913 = vector.broadcast %get3A_755 : vector<1x256xi32> to vector<128x256xi32>
        %eq3A_914 = arith.cmpi eq, %eq3A_912, %eq3A_913 : vector<128x256xi32>
        %convert_element_type3A_915 = arith.extui %eq3A_914 : vector<128x256xi1> to vector<128x256xi32>
        %convert_element_type3A_916 = arith.sitofp %convert_element_type3A_915 : vector<128x256xi32> to vector<128x256xf32>
        %convert_element_type3A_917 = arith.truncf %convert_element_type3A_916 : vector<128x256xf32> to vector<128x256xbf16>
        %get3A_918 = arith.constant 128 : index
        %get3A_919 = arith.constant 0 : index
        %get3A_920 = vector.load %arg6[%get3A_918, %get3A_919] : memref<512x256xbf16, #tpu.memory_space<vmem>>, vector<128x256xbf16>
        %dot_general3A_921 = arith.constant dense<0.000000e+00> : vector<256x256xf32>
        %dot_general3A_922 = tpu.matmul %convert_element_type3A_917, %get3A_920, %dot_general3A_921 {dimension_numbers = #tpu.dot_dimension_numbers<[0], [0], [1], [1], [0, 1, 1, 1], [], []>, transpose_lhs_hint = false} : vector<128x256xbf16>, vector<128x256xbf16>, vector<256x256xf32> -> vector<256x256xf32>
        %get3A_923 = arith.constant 0 : index
        %get3A_924 = arith.constant 3584 : index
        %get3A_925 = arith.constant 0 : index
        %get3A_926 = vector.load %arg5[%get3A_923, %get3A_924, %get3A_925] : memref<1x4096x256xf32, #tpu.memory_space<vmem>>, vector<1x256x256xf32>
        %get3A_927 = vector.shape_cast %get3A_926 : vector<1x256x256xf32> to vector<256x256xf32>
        %add3A_928 = arith.addf %get3A_927, %dot_general3A_922 : vector<256x256xf32>
        %swap3A_929 = arith.constant 0 : index
        %swap3A_930 = arith.constant 3584 : index
        %swap3A_931 = arith.constant 0 : index
        %swap3A_932 = vector.load %arg5[%swap3A_929, %swap3A_930, %swap3A_931] : memref<1x4096x256xf32, #tpu.memory_space<vmem>>, vector<1x256x256xf32>
        %swap3A_933 = vector.shape_cast %swap3A_932 : vector<1x256x256xf32> to vector<256x256xf32>
        %swap3A_934 = vector.shape_cast %add3A_928 : vector<256x256xf32> to vector<1x256x256xf32>
        tpu.vector_store %arg5[%swap3A_929, %swap3A_930, %swap3A_931], %swap3A_934 {strides = array<i32>} : memref<1x4096x256xf32, #tpu.memory_space<vmem>>, vector<1x256x256xf32>,
      } else {
      }
      %le3A_876 = arith.constant 2 : i32
      %le3A_877 = arith.cmpi sle, %get3A_747, %le3A_876 : i32
      %ge3A_878 = arith.constant 2 : i32
      %ge3A_879 = arith.cmpi sge, %get3A_750, %ge3A_878 : i32
      %and3A_880 = arith.andi %le3A_877, %ge3A_879 : i1
      %gt3A_881 = arith.constant 256 : i32
      %gt3A_882 = arith.cmpi sgt, %mul3A_761, %gt3A_881 : i32
      %add3A_883 = arith.constant 256 : i32
      %add3A_884 = arith.addi %mul3A_761, %add3A_883 : i32
      %le3A_885 = arith.constant 256 : i32
      %le3A_886 = arith.cmpi sle, %add3A_884, %le3A_885 : i32
      %or3A_887 = arith.ori %gt3A_882, %le3A_886 : i1
      %and3A_888 = arith.andi %and3A_880, %or3A_887 : i1
      %convert_element_type3A_889 = arith.extui %and3A_888 : i1 to i32
      %cond3A_890 = arith.constant 0 : i32
      %cond3A_891 = arith.cmpi ne, %convert_element_type3A_889, %cond3A_890 : i32
      scf.if %cond3A_891 {
        %iota3A_908 = tpu.iota {dimensions = array<i32: 0>} : vector<128x1xi32>
        %add3A_909 = arith.constant 256 : i32
        %add3A_910 = vector.broadcast %add3A_909 : i32 to vector<128x1xi32>
        %add3A_911 = arith.addi %add3A_910, %iota3A_908 : vector<128x1xi32>
        %eq3A_912 = vector.broadcast %add3A_911 : vector<128x1xi32> to vector<128x256xi32>
        %eq3A_913 = vector.broadcast %get3A_755 : vector<1x256xi32> to vector<128x256xi32>
        %eq3A_914 = arith.cmpi eq, %eq3A_912, %eq3A_913 : vector<128x256xi32>
        %convert_element_type3A_915 = arith.extui %eq3A_914 : vector<128x256xi1> to vector<128x256xi32>
        %convert_element_type3A_916 = arith.sitofp %convert_element_type3A_915 : vector<128x256xi32> to vector<128x256xf32>
        %convert_element_type3A_917 = arith.truncf %convert_element_type3A_916 : vector<128x256xf32> to vector<128x256xbf16>
        %get3A_918 = arith.constant 256 : index
        %get3A_919 = arith.constant 0 : index
        %get3A_920 = vector.load %arg6[%get3A_918, %get3A_919] : memref<512x256xbf16, #tpu.memory_space<vmem>>, vector<128x256xbf16>
        %dot_general3A_921 = arith.constant dense<0.000000e+00> : vector<256x256xf32>
        %dot_general3A_922 = tpu.matmul %convert_element_type3A_917, %get3A_920, %dot_general3A_921 {dimension_numbers = #tpu.dot_dimension_numbers<[0], [0], [1], [1], [0, 1, 1, 1], [], []>, transpose_lhs_hint = false} : vector<128x256xbf16>, vector<128x256xbf16>, vector<256x256xf32> -> vector<256x256xf32>
        %get3A_923 = arith.constant 0 : index
        %get3A_924 = arith.constant 3584 : index
        %get3A_925 = arith.constant 0 : index
        %get3A_926 = vector.load %arg5[%get3A_923, %get3A_924, %get3A_925] : memref<1x4096x256xf32, #tpu.memory_space<vmem>>, vector<1x256x256xf32>
        %get3A_927 = vector.shape_cast %get3A_926 : vector<1x256x256xf32> to vector<256x256xf32>
        %add3A_928 = arith.addf %get3A_927, %dot_general3A_922 : vector<256x256xf32>
        %swap3A_929 = arith.constant 0 : index
        %swap3A_930 = arith.constant 3584 : index
        %swap3A_931 = arith.constant 0 : index
        %swap3A_932 = vector.load %arg5[%swap3A_929, %swap3A_930, %swap3A_931] : memref<1x4096x256xf32, #tpu.memory_space<vmem>>, vector<1x256x256xf32>
        %swap3A_933 = vector.shape_cast %swap3A_932 : vector<1x256x256xf32> to vector<256x256xf32>
        %swap3A_934 = vector.shape_cast %add3A_928 : vector<256x256xf32> to vector<1x256x256xf32>
        tpu.vector_store %arg5[%swap3A_929, %swap3A_930, %swap3A_931], %swap3A_934 {strides = array<i32>} : memref<1x4096x256xf32, #tpu.memory_space<vmem>>, vector<1x256x256xf32>,
      } else {
      }
      %le3A_892 = arith.constant 3 : i32
      %le3A_893 = arith.cmpi sle, %get3A_747, %le3A_892 : i32
      %ge3A_894 = arith.constant 3 : i32
      %ge3A_895 = arith.cmpi sge, %get3A_750, %ge3A_894 : i32
      %and3A_896 = arith.andi %le3A_893, %ge3A_895 : i1
      %gt3A_897 = arith.constant 384 : i32
      %gt3A_898 = arith.cmpi sgt, %mul3A_761, %gt3A_897 : i32
      %add3A_899 = arith.constant 256 : i32
      %add3A_900 = arith.addi %mul3A_761, %add3A_899 : i32
      %le3A_901 = arith.constant 384 : i32
      %le3A_902 = arith.cmpi sle, %add3A_900, %le3A_901 : i32
      %or3A_903 = arith.ori %gt3A_898, %le3A_902 : i1
      %and3A_904 = arith.andi %and3A_896, %or3A_903 : i1
      %convert_element_type3A_905 = arith.extui %and3A_904 : i1 to i32
      %cond3A_906 = arith.constant 0 : i32
      %cond3A_907 = arith.cmpi ne, %convert_element_type3A_905, %cond3A_906 : i32
      scf.if %cond3A_907 {
        %iota3A_908 = tpu.iota {dimensions = array<i32: 0>} : vector<128x1xi32>
        %add3A_909 = arith.constant 384 : i32
        %add3A_910 = vector.broadcast %add3A_909 : i32 to vector<128x1xi32>
        %add3A_911 = arith.addi %add3A_910, %iota3A_908 : vector<128x1xi32>
        %eq3A_912 = vector.broadcast %add3A_911 : vector<128x1xi32> to vector<128x256xi32>
        %eq3A_913 = vector.broadcast %get3A_755 : vector<1x256xi32> to vector<128x256xi32>
        %eq3A_914 = arith.cmpi eq, %eq3A_912, %eq3A_913 : vector<128x256xi32>
        %convert_element_type3A_915 = arith.extui %eq3A_914 : vector<128x256xi1> to vector<128x256xi32>
        %convert_element_type3A_916 = arith.sitofp %convert_element_type3A_915 : vector<128x256xi32> to vector<128x256xf32>
        %convert_element_type3A_917 = arith.truncf %convert_element_type3A_916 : vector<128x256xf32> to vector<128x256xbf16>
        %get3A_918 = arith.constant 384 : index
        %get3A_919 = arith.constant 0 : index
        %get3A_920 = vector.load %arg6[%get3A_918, %get3A_919] : memref<512x256xbf16, #tpu.memory_space<vmem>>, vector<128x256xbf16>
        %dot_general3A_921 = arith.constant dense<0.000000e+00> : vector<256x256xf32>
        %dot_general3A_922 = tpu.matmul %convert_element_type3A_917, %get3A_920, %dot_general3A_921 {dimension_numbers = #tpu.dot_dimension_numbers<[0], [0], [1], [1], [0, 1, 1, 1], [], []>, transpose_lhs_hint = false} : vector<128x256xbf16>, vector<128x256xbf16>, vector<256x256xf32> -> vector<256x256xf32>
        %get3A_923 = arith.constant 0 : index
        %get3A_924 = arith.constant 3584 : index
        %get3A_925 = arith.constant 0 : index
        %get3A_926 = vector.load %arg5[%get3A_923, %get3A_924, %get3A_925] : memref<1x4096x256xf32, #tpu.memory_space<vmem>>, vector<1x256x256xf32>
        %get3A_927 = vector.shape_cast %get3A_926 : vector<1x256x256xf32> to vector<256x256xf32>
        %add3A_928 = arith.addf %get3A_927, %dot_general3A_922 : vector<256x256xf32>
        %swap3A_929 = arith.constant 0 : index
        %swap3A_930 = arith.constant 3584 : index
        %swap3A_931 = arith.constant 0 : index
        %swap3A_932 = vector.load %arg5[%swap3A_929, %swap3A_930, %swap3A_931] : memref<1x4096x256xf32, #tpu.memory_space<vmem>>, vector<1x256x256xf32>
        %swap3A_933 = vector.shape_cast %swap3A_932 : vector<1x256x256xf32> to vector<256x256xf32>
        %swap3A_934 = vector.shape_cast %add3A_928 : vector<256x256xf32> to vector<1x256x256xf32>
        tpu.vector_store %arg5[%swap3A_929, %swap3A_930, %swap3A_931], %swap3A_934 {strides = array<i32>} : memref<1x4096x256xf32, #tpu.memory_space<vmem>>, vector<1x256x256xf32>,
      } else {
      }
    } else {
    }
    %mul3A_794 = arith.constant 4 : i32
    %mul3A_795 = arith.muli %arg0, %mul3A_794 : i32
    %add3A_796 = arith.constant 3 : i32
    %add3A_797 = arith.addi %mul3A_795, %add3A_796 : i32
    %get3A_798 = arith.index_cast %add3A_797 : i32 to index
    %get3A_799 = arith.constant 3 : index
    %get3A_800 = memref.load %arg1[%get3A_798, %get3A_799] : memref<32x16xi32, #tpu.memory_space<smem>>
    %get3A_801 = arith.index_cast %add3A_797 : i32 to index
    %get3A_802 = arith.constant 7 : index
    %get3A_803 = memref.load %arg1[%get3A_801, %get3A_802] : memref<32x16xi32, #tpu.memory_space<smem>>
    %get3A_804 = arith.constant 3 : index
    %get3A_805 = arith.constant 0 : index
    %get3A_806 = arith.constant 768 : index
    %get3A_807 = vector.load %arg2[%get3A_804, %get3A_805, %get3A_806] : memref<4x1x1024xi32, #tpu.memory_space<vmem>>, vector<1x1x256xi32>
    %get3A_808 = vector.shape_cast %get3A_807 : vector<1x1x256xi32> to vector<1x256xi32>
    %max3A_809 = arith.constant 0 : i32
    %max3A_810 = arith.maxsi %get3A_800, %max3A_809 : i32
    %min3A_811 = arith.constant 2 : i32
    %min3A_812 = arith.minsi %max3A_810, %min3A_811 : i32
    %mul3A_813 = arith.constant 128 : i32
    %mul3A_814 = arith.muli %min3A_812, %mul3A_813 : i32
    %iota3A_815 = tpu.iota {dimensions = array<i32: 0>} : vector<256x1xi32>
    %add3A_816 = vector.broadcast %mul3A_814 : i32 to vector<256x1xi32>
    %add3A_817 = arith.addi %add3A_816, %iota3A_815 : vector<256x1xi32>
    %eq3A_818 = vector.broadcast %add3A_817 : vector<256x1xi32> to vector<256x256xi32>
    %eq3A_819 = vector.broadcast %get3A_808 : vector<1x256xi32> to vector<256x256xi32>
    %eq3A_820 = arith.cmpi eq, %eq3A_818, %eq3A_819 : vector<256x256xi32>
    %convert_element_type3A_821 = arith.extui %eq3A_820 : vector<256x256xi1> to vector<256x256xi32>
    %convert_element_type3A_822 = arith.sitofp %convert_element_type3A_821 : vector<256x256xi32> to vector<256x256xf32>
    %convert_element_type3A_823 = arith.truncf %convert_element_type3A_822 : vector<256x256xf32> to vector<256x256xbf16>
    %get3A_824 = arith.index_cast %mul3A_814 : i32 to index
    %get3A_825 = arith.constant 0 : index
    %get3A_826 = vector.load %arg6[%get3A_824, %get3A_825] : memref<512x256xbf16, #tpu.memory_space<vmem>>, vector<256x256xbf16>
    %dot_general3A_827 = arith.constant dense<0.000000e+00> : vector<256x256xf32>
    %dot_general3A_828 = tpu.matmul %convert_element_type3A_823, %get3A_826, %dot_general3A_827 {dimension_numbers = #tpu.dot_dimension_numbers<[0], [0], [1], [1], [0, 1, 1, 1], [], []>, transpose_lhs_hint = false} : vector<256x256xbf16>, vector<256x256xbf16>, vector<256x256xf32> -> vector<256x256xf32>
    %swap3A_829 = arith.constant 0 : index
    %swap3A_830 = arith.constant 3840 : index
    %swap3A_831 = arith.constant 0 : index
    %swap3A_832 = vector.load %arg5[%swap3A_829, %swap3A_830, %swap3A_831] : memref<1x4096x256xf32, #tpu.memory_space<vmem>>, vector<1x256x256xf32>
    %swap3A_833 = vector.shape_cast %swap3A_832 : vector<1x256x256xf32> to vector<256x256xf32>
    %swap3A_834 = vector.shape_cast %dot_general3A_828 : vector<256x256xf32> to vector<1x256x256xf32>
    tpu.vector_store %arg5[%swap3A_829, %swap3A_830, %swap3A_831], %swap3A_834 {strides = array<i32>} : memref<1x4096x256xf32, #tpu.memory_space<vmem>>, vector<1x256x256xf32>,
    %mul3A_835 = arith.constant 128 : i32
    %mul3A_836 = arith.muli %get3A_800, %mul3A_835 : i32
    %lt3A_837 = arith.cmpi slt, %mul3A_836, %mul3A_814 : i32
    %mul3A_838 = arith.constant 128 : i32
    %mul3A_839 = arith.muli %get3A_803, %mul3A_838 : i32
    %add3A_840 = arith.constant 256 : i32
    %add3A_841 = arith.addi %mul3A_814, %add3A_840 : i32
    %ge3A_842 = arith.cmpi sge, %mul3A_839, %add3A_841 : i32
    %or3A_843 = arith.ori %lt3A_837, %ge3A_842 : i1
    %convert_element_type3A_844 = arith.extui %or3A_843 : i1 to i32
    %cond3A_845 = arith.constant 0 : i32
    %cond3A_846 = arith.cmpi ne, %convert_element_type3A_844, %cond3A_845 : i32
    scf.if %cond3A_846 {
      %le3A = arith.constant 0 : i32
      %le3A_847 = arith.cmpi sle, %get3A_800, %le3A : i32
      %ge3A_848 = arith.constant 0 : i32
      %ge3A_849 = arith.cmpi sge, %get3A_803, %ge3A_848 : i32
      %and3A = arith.andi %le3A_847, %ge3A_849 : i1
      %gt3A = arith.constant 0 : i32
      %gt3A_850 = arith.cmpi sgt, %mul3A_814, %gt3A : i32
      %add3A_851 = arith.constant 256 : i32
      %add3A_852 = arith.addi %mul3A_814, %add3A_851 : i32
      %le3A_853 = arith.constant 0 : i32
      %le3A_854 = arith.cmpi sle, %add3A_852, %le3A_853 : i32
      %or3A_855 = arith.ori %gt3A_850, %le3A_854 : i1
      %and3A_856 = arith.andi %and3A, %or3A_855 : i1
      %convert_element_type3A_857 = arith.extui %and3A_856 : i1 to i32
      %cond3A_858 = arith.constant 0 : i32
      %cond3A_859 = arith.cmpi ne, %convert_element_type3A_857, %cond3A_858 : i32
      scf.if %cond3A_859 {
        %iota3A_908 = tpu.iota {dimensions = array<i32: 0>} : vector<128x1xi32>
        %add3A_909 = arith.constant 0 : i32
        %add3A_910 = vector.broadcast %add3A_909 : i32 to vector<128x1xi32>
        %add3A_911 = arith.addi %add3A_910, %iota3A_908 : vector<128x1xi32>
        %eq3A_912 = vector.broadcast %add3A_911 : vector<128x1xi32> to vector<128x256xi32>
        %eq3A_913 = vector.broadcast %get3A_808 : vector<1x256xi32> to vector<128x256xi32>
        %eq3A_914 = arith.cmpi eq, %eq3A_912, %eq3A_913 : vector<128x256xi32>
        %convert_element_type3A_915 = arith.extui %eq3A_914 : vector<128x256xi1> to vector<128x256xi32>
        %convert_element_type3A_916 = arith.sitofp %convert_element_type3A_915 : vector<128x256xi32> to vector<128x256xf32>
        %convert_element_type3A_917 = arith.truncf %convert_element_type3A_916 : vector<128x256xf32> to vector<128x256xbf16>
        %get3A_918 = arith.constant 0 : index
        %get3A_919 = arith.constant 0 : index
        %get3A_920 = vector.load %arg6[%get3A_918, %get3A_919] : memref<512x256xbf16, #tpu.memory_space<vmem>>, vector<128x256xbf16>
        %dot_general3A_921 = arith.constant dense<0.000000e+00> : vector<256x256xf32>
        %dot_general3A_922 = tpu.matmul %convert_element_type3A_917, %get3A_920, %dot_general3A_921 {dimension_numbers = #tpu.dot_dimension_numbers<[0], [0], [1], [1], [0, 1, 1, 1], [], []>, transpose_lhs_hint = false} : vector<128x256xbf16>, vector<128x256xbf16>, vector<256x256xf32> -> vector<256x256xf32>
        %get3A_923 = arith.constant 0 : index
        %get3A_924 = arith.constant 3840 : index
        %get3A_925 = arith.constant 0 : index
        %get3A_926 = vector.load %arg5[%get3A_923, %get3A_924, %get3A_925] : memref<1x4096x256xf32, #tpu.memory_space<vmem>>, vector<1x256x256xf32>
        %get3A_927 = vector.shape_cast %get3A_926 : vector<1x256x256xf32> to vector<256x256xf32>
        %add3A_928 = arith.addf %get3A_927, %dot_general3A_922 : vector<256x256xf32>
        %swap3A_929 = arith.constant 0 : index
        %swap3A_930 = arith.constant 3840 : index
        %swap3A_931 = arith.constant 0 : index
        %swap3A_932 = vector.load %arg5[%swap3A_929, %swap3A_930, %swap3A_931] : memref<1x4096x256xf32, #tpu.memory_space<vmem>>, vector<1x256x256xf32>
        %swap3A_933 = vector.shape_cast %swap3A_932 : vector<1x256x256xf32> to vector<256x256xf32>
        %swap3A_934 = vector.shape_cast %add3A_928 : vector<256x256xf32> to vector<1x256x256xf32>
        tpu.vector_store %arg5[%swap3A_929, %swap3A_930, %swap3A_931], %swap3A_934 {strides = array<i32>} : memref<1x4096x256xf32, #tpu.memory_space<vmem>>, vector<1x256x256xf32>,
      } else {
      }
      %le3A_860 = arith.constant 1 : i32
      %le3A_861 = arith.cmpi sle, %get3A_800, %le3A_860 : i32
      %ge3A_862 = arith.constant 1 : i32
      %ge3A_863 = arith.cmpi sge, %get3A_803, %ge3A_862 : i32
      %and3A_864 = arith.andi %le3A_861, %ge3A_863 : i1
      %gt3A_865 = arith.constant 128 : i32
      %gt3A_866 = arith.cmpi sgt, %mul3A_814, %gt3A_865 : i32
      %add3A_867 = arith.constant 256 : i32
      %add3A_868 = arith.addi %mul3A_814, %add3A_867 : i32
      %le3A_869 = arith.constant 128 : i32
      %le3A_870 = arith.cmpi sle, %add3A_868, %le3A_869 : i32
      %or3A_871 = arith.ori %gt3A_866, %le3A_870 : i1
      %and3A_872 = arith.andi %and3A_864, %or3A_871 : i1
      %convert_element_type3A_873 = arith.extui %and3A_872 : i1 to i32
      %cond3A_874 = arith.constant 0 : i32
      %cond3A_875 = arith.cmpi ne, %convert_element_type3A_873, %cond3A_874 : i32
      scf.if %cond3A_875 {
        %iota3A_908 = tpu.iota {dimensions = array<i32: 0>} : vector<128x1xi32>
        %add3A_909 = arith.constant 128 : i32
        %add3A_910 = vector.broadcast %add3A_909 : i32 to vector<128x1xi32>
        %add3A_911 = arith.addi %add3A_910, %iota3A_908 : vector<128x1xi32>
        %eq3A_912 = vector.broadcast %add3A_911 : vector<128x1xi32> to vector<128x256xi32>
        %eq3A_913 = vector.broadcast %get3A_808 : vector<1x256xi32> to vector<128x256xi32>
        %eq3A_914 = arith.cmpi eq, %eq3A_912, %eq3A_913 : vector<128x256xi32>
        %convert_element_type3A_915 = arith.extui %eq3A_914 : vector<128x256xi1> to vector<128x256xi32>
        %convert_element_type3A_916 = arith.sitofp %convert_element_type3A_915 : vector<128x256xi32> to vector<128x256xf32>
        %convert_element_type3A_917 = arith.truncf %convert_element_type3A_916 : vector<128x256xf32> to vector<128x256xbf16>
        %get3A_918 = arith.constant 128 : index
        %get3A_919 = arith.constant 0 : index
        %get3A_920 = vector.load %arg6[%get3A_918, %get3A_919] : memref<512x256xbf16, #tpu.memory_space<vmem>>, vector<128x256xbf16>
        %dot_general3A_921 = arith.constant dense<0.000000e+00> : vector<256x256xf32>
        %dot_general3A_922 = tpu.matmul %convert_element_type3A_917, %get3A_920, %dot_general3A_921 {dimension_numbers = #tpu.dot_dimension_numbers<[0], [0], [1], [1], [0, 1, 1, 1], [], []>, transpose_lhs_hint = false} : vector<128x256xbf16>, vector<128x256xbf16>, vector<256x256xf32> -> vector<256x256xf32>
        %get3A_923 = arith.constant 0 : index
        %get3A_924 = arith.constant 3840 : index
        %get3A_925 = arith.constant 0 : index
        %get3A_926 = vector.load %arg5[%get3A_923, %get3A_924, %get3A_925] : memref<1x4096x256xf32, #tpu.memory_space<vmem>>, vector<1x256x256xf32>
        %get3A_927 = vector.shape_cast %get3A_926 : vector<1x256x256xf32> to vector<256x256xf32>
        %add3A_928 = arith.addf %get3A_927, %dot_general3A_922 : vector<256x256xf32>
        %swap3A_929 = arith.constant 0 : index
        %swap3A_930 = arith.constant 3840 : index
        %swap3A_931 = arith.constant 0 : index
        %swap3A_932 = vector.load %arg5[%swap3A_929, %swap3A_930, %swap3A_931] : memref<1x4096x256xf32, #tpu.memory_space<vmem>>, vector<1x256x256xf32>
        %swap3A_933 = vector.shape_cast %swap3A_932 : vector<1x256x256xf32> to vector<256x256xf32>
        %swap3A_934 = vector.shape_cast %add3A_928 : vector<256x256xf32> to vector<1x256x256xf32>
        tpu.vector_store %arg5[%swap3A_929, %swap3A_930, %swap3A_931], %swap3A_934 {strides = array<i32>} : memref<1x4096x256xf32, #tpu.memory_space<vmem>>, vector<1x256x256xf32>,
      } else {
      }
      %le3A_876 = arith.constant 2 : i32
      %le3A_877 = arith.cmpi sle, %get3A_800, %le3A_876 : i32
      %ge3A_878 = arith.constant 2 : i32
      %ge3A_879 = arith.cmpi sge, %get3A_803, %ge3A_878 : i32
      %and3A_880 = arith.andi %le3A_877, %ge3A_879 : i1
      %gt3A_881 = arith.constant 256 : i32
      %gt3A_882 = arith.cmpi sgt, %mul3A_814, %gt3A_881 : i32
      %add3A_883 = arith.constant 256 : i32
      %add3A_884 = arith.addi %mul3A_814, %add3A_883 : i32
      %le3A_885 = arith.constant 256 : i32
      %le3A_886 = arith.cmpi sle, %add3A_884, %le3A_885 : i32
      %or3A_887 = arith.ori %gt3A_882, %le3A_886 : i1
      %and3A_888 = arith.andi %and3A_880, %or3A_887 : i1
      %convert_element_type3A_889 = arith.extui %and3A_888 : i1 to i32
      %cond3A_890 = arith.constant 0 : i32
      %cond3A_891 = arith.cmpi ne, %convert_element_type3A_889, %cond3A_890 : i32
      scf.if %cond3A_891 {
        %iota3A_908 = tpu.iota {dimensions = array<i32: 0>} : vector<128x1xi32>
        %add3A_909 = arith.constant 256 : i32
        %add3A_910 = vector.broadcast %add3A_909 : i32 to vector<128x1xi32>
        %add3A_911 = arith.addi %add3A_910, %iota3A_908 : vector<128x1xi32>
        %eq3A_912 = vector.broadcast %add3A_911 : vector<128x1xi32> to vector<128x256xi32>
        %eq3A_913 = vector.broadcast %get3A_808 : vector<1x256xi32> to vector<128x256xi32>
        %eq3A_914 = arith.cmpi eq, %eq3A_912, %eq3A_913 : vector<128x256xi32>
        %convert_element_type3A_915 = arith.extui %eq3A_914 : vector<128x256xi1> to vector<128x256xi32>
        %convert_element_type3A_916 = arith.sitofp %convert_element_type3A_915 : vector<128x256xi32> to vector<128x256xf32>
        %convert_element_type3A_917 = arith.truncf %convert_element_type3A_916 : vector<128x256xf32> to vector<128x256xbf16>
        %get3A_918 = arith.constant 256 : index
        %get3A_919 = arith.constant 0 : index
        %get3A_920 = vector.load %arg6[%get3A_918, %get3A_919] : memref<512x256xbf16, #tpu.memory_space<vmem>>, vector<128x256xbf16>
        %dot_general3A_921 = arith.constant dense<0.000000e+00> : vector<256x256xf32>
        %dot_general3A_922 = tpu.matmul %convert_element_type3A_917, %get3A_920, %dot_general3A_921 {dimension_numbers = #tpu.dot_dimension_numbers<[0], [0], [1], [1], [0, 1, 1, 1], [], []>, transpose_lhs_hint = false} : vector<128x256xbf16>, vector<128x256xbf16>, vector<256x256xf32> -> vector<256x256xf32>
        %get3A_923 = arith.constant 0 : index
        %get3A_924 = arith.constant 3840 : index
        %get3A_925 = arith.constant 0 : index
        %get3A_926 = vector.load %arg5[%get3A_923, %get3A_924, %get3A_925] : memref<1x4096x256xf32, #tpu.memory_space<vmem>>, vector<1x256x256xf32>
        %get3A_927 = vector.shape_cast %get3A_926 : vector<1x256x256xf32> to vector<256x256xf32>
        %add3A_928 = arith.addf %get3A_927, %dot_general3A_922 : vector<256x256xf32>
        %swap3A_929 = arith.constant 0 : index
        %swap3A_930 = arith.constant 3840 : index
        %swap3A_931 = arith.constant 0 : index
        %swap3A_932 = vector.load %arg5[%swap3A_929, %swap3A_930, %swap3A_931] : memref<1x4096x256xf32, #tpu.memory_space<vmem>>, vector<1x256x256xf32>
        %swap3A_933 = vector.shape_cast %swap3A_932 : vector<1x256x256xf32> to vector<256x256xf32>
        %swap3A_934 = vector.shape_cast %add3A_928 : vector<256x256xf32> to vector<1x256x256xf32>
        tpu.vector_store %arg5[%swap3A_929, %swap3A_930, %swap3A_931], %swap3A_934 {strides = array<i32>} : memref<1x4096x256xf32, #tpu.memory_space<vmem>>, vector<1x256x256xf32>,
      } else {
      }
      %le3A_892 = arith.constant 3 : i32
      %le3A_893 = arith.cmpi sle, %get3A_800, %le3A_892 : i32
      %ge3A_894 = arith.constant 3 : i32
      %ge3A_895 = arith.cmpi sge, %get3A_803, %ge3A_894 : i32
      %and3A_896 = arith.andi %le3A_893, %ge3A_895 : i1
      %gt3A_897 = arith.constant 384 : i32
      %gt3A_898 = arith.cmpi sgt, %mul3A_814, %gt3A_897 : i32
      %add3A_899 = arith.constant 256 : i32
      %add3A_900 = arith.addi %mul3A_814, %add3A_899 : i32
      %le3A_901 = arith.constant 384 : i32
      %le3A_902 = arith.cmpi sle, %add3A_900, %le3A_901 : i32
      %or3A_903 = arith.ori %gt3A_898, %le3A_902 : i1
      %and3A_904 = arith.andi %and3A_896, %or3A_903 : i1
      %convert_element_type3A_905 = arith.extui %and3A_904 : i1 to i32
      %cond3A_906 = arith.constant 0 : i32
      %cond3A_907 = arith.cmpi ne, %convert_element_type3A_905, %cond3A_906 : i32
      scf.if %cond3A_907 {
        %iota3A_908 = tpu.iota {dimensions = array<i32: 0>} : vector<128x1xi32>
        %add3A_909 = arith.constant 384 : i32
        %add3A_910 = vector.broadcast %add3A_909 : i32 to vector<128x1xi32>
        %add3A_911 = arith.addi %add3A_910, %iota3A_908 : vector<128x1xi32>
        %eq3A_912 = vector.broadcast %add3A_911 : vector<128x1xi32> to vector<128x256xi32>
        %eq3A_913 = vector.broadcast %get3A_808 : vector<1x256xi32> to vector<128x256xi32>
        %eq3A_914 = arith.cmpi eq, %eq3A_912, %eq3A_913 : vector<128x256xi32>
        %convert_element_type3A_915 = arith.extui %eq3A_914 : vector<128x256xi1> to vector<128x256xi32>
        %convert_element_type3A_916 = arith.sitofp %convert_element_type3A_915 : vector<128x256xi32> to vector<128x256xf32>
        %convert_element_type3A_917 = arith.truncf %convert_element_type3A_916 : vector<128x256xf32> to vector<128x256xbf16>
        %get3A_918 = arith.constant 384 : index
        %get3A_919 = arith.constant 0 : index
        %get3A_920 = vector.load %arg6[%get3A_918, %get3A_919] : memref<512x256xbf16, #tpu.memory_space<vmem>>, vector<128x256xbf16>
        %dot_general3A_921 = arith.constant dense<0.000000e+00> : vector<256x256xf32>
        %dot_general3A_922 = tpu.matmul %convert_element_type3A_917, %get3A_920, %dot_general3A_921 {dimension_numbers = #tpu.dot_dimension_numbers<[0], [0], [1], [1], [0, 1, 1, 1], [], []>, transpose_lhs_hint = false} : vector<128x256xbf16>, vector<128x256xbf16>, vector<256x256xf32> -> vector<256x256xf32>
        %get3A_923 = arith.constant 0 : index
        %get3A_924 = arith.constant 3840 : index
        %get3A_925 = arith.constant 0 : index
        %get3A_926 = vector.load %arg5[%get3A_923, %get3A_924, %get3A_925] : memref<1x4096x256xf32, #tpu.memory_space<vmem>>, vector<1x256x256xf32>
        %get3A_927 = vector.shape_cast %get3A_926 : vector<1x256x256xf32> to vector<256x256xf32>
        %add3A_928 = arith.addf %get3A_927, %dot_general3A_922 : vector<256x256xf32>
        %swap3A_929 = arith.constant 0 : index
        %swap3A_930 = arith.constant 3840 : index
        %swap3A_931 = arith.constant 0 : index
        %swap3A_932 = vector.load %arg5[%swap3A_929, %swap3A_930, %swap3A_931] : memref<1x4096x256xf32, #tpu.memory_space<vmem>>, vector<1x256x256xf32>
        %swap3A_933 = vector.shape_cast %swap3A_932 : vector<1x256x256xf32> to vector<256x256xf32>
        %swap3A_934 = vector.shape_cast %add3A_928 : vector<256x256xf32> to vector<1x256x256xf32>
        tpu.vector_store %arg5[%swap3A_929, %swap3A_930, %swap3A_931], %swap3A_934 {strides = array<i32>} : memref<1x4096x256xf32, #tpu.memory_space<vmem>>, vector<1x256x256xf32>,
      } else {
      }
    } else {
    }
    return
  }
  func.func @transform_0(%arg0: i32, %arg1: memref<32x16xi32, #tpu.memory_space<smem>>) -> (i32, i32, i32) {
    %c0_i32 = arith.constant 0 : i32
    %c0_i32_0 = arith.constant 0 : i32
    %c0_i32_1 = arith.constant 0 : i32
    return %arg0, %c0_i32, %c0_i32_0 : i32, i32, i32
  }
  func.func @transform_1(%arg0: i32, %arg1: memref<32x16xi32, #tpu.memory_space<smem>>) -> (i32, i32, i32) {
    %c0_i32 = arith.constant 0 : i32
    %c0_i32_0 = arith.constant 0 : i32
    %c0_i32_1 = arith.constant 0 : i32
    return %arg0, %c0_i32, %c0_i32_0 : i32, i32, i32
  }
  func.func @transform_2(%arg0: i32, %arg1: memref<32x16xi32, #tpu.memory_space<smem>>) -> i32 {
    %c0_i32 = arith.constant 0 : i32
    %c0_i32_0 = arith.constant 0 : i32
    return %c0_i32 : i32
  }
  func.func @transform_3(%arg0: i32, %arg1: memref<32x16xi32, #tpu.memory_space<smem>>) -> (i32, i32, i32) {
    %c0_i32 = arith.constant 0 : i32
    %c0_i32_0 = arith.constant 0 : i32
    %c0_i32_1 = arith.constant 0 : i32
    return %arg0, %c0_i32, %c0_i32_0 : i32, i32, i32
  }
}

</mosaic_0001>

<sc_bundles>
// kernel: kernel.4.cloned.1.call-start
scs
__scs_entry_jumppad:
0x0: {  	(pc) =	sbr.rel $0x88, $3  }
0x1: {  	(tag) =	ssettag $0x0;
	lr =	simm.s32 $0x1  }
0x2: {  	[smem:$0x3F9D] =	sst lr;
	_ =	strace $0xD0000000  }
0x3: {  	_ = 	snop  }
0x4: {  	_ = 	snop  }
0x5: {  	_ = 	snop  }
0x6: {  	_ = 	snop  }
0x7: {  	_ = 	snop  }
__scs_overlays_trampoline_lowered:
0x8: {  	[smem:$0x3FAC] =	sst s0  }
0x9: {  	[smem:$0x3FAD] =	sst s1  }
0xa: {  	[smem:$0x3FAE] =	sst s2  }
0xb: {  	[smem:$0x3FAF] =	sst s3  }
0xc: {  	[smem:$0x3FB0] =	sst s4  }
0xd: {  	[smem:$0x3FB1] =	sst s5  }
0xe: {  	[smem:$0x3FB2] =	sst s6  }
0xf: {  	[smem:$0x3FB3] =	sst s7  }
0x10: {  	[smem:$0x3FB4] =	sst s8  }
0x11: {  	[smem:$0x3FB5] =	sst s9;
	s0 =	simm.s32 @!p0 $0x0  }
0x12: {  	s1 =	sld [smem:$0x3F9B];
	s0 =	simm.s32 @p0 $0x1  }
0x13: {  	[smem:$0x3FB6] =	sst s0;
	s0 =	simm.s32 @!p1 $0x0  }
0x14: {  	s2 =	sld [smem:$0x3F9A];
	s0 =	simm.s32 @p1 $0x1  }
0x15: {  	[smem:$0x3FB7] =	sst s0;
	s0 =	simm.s32 @!p2 $0x0  }
0x16: {  	s3 =	sld [smem:$0x3FDB];
	s0 =	simm.s32 @p2 $0x1  }
0x17: {  	s4 =	simm.s32 $0x1BF5;
	[smem:$0x3FB9] =	sst s0  }
0x18: {  	s0 =	sld [smem:$0x3F9C];
	_ =	swait.ge [sflag:s4], $0x0  }
0x19: {  	s7 =	sld [smem:$0x3F9D]  }
0x1a: {  	s8 =	sadd.s32 $0xFFFFE003, lr  }
0x1b: {  	s9 =	sadd.s32 $0xFFFFFEF7, lr;
	s5 =	simm.s32 $0xFFFFFFFF;
	p2 =	slt.u32 s8, $0xFFFFF086  }
0x1c: {  	p1 =	slt.u32 s9, $0xF7A;
	s5 =	simm.s32 @!p2 $0x0  }
0x1d: {  	s5 =	simm.s32 @p1 $0x1;
	p0 =	seq.s32 s7, s2  }
0x1e: {  	s7 =	smul.u32 @!p0 $0xF7A, s2;
	p2 =	seq.s32 @!p0 s5, $0x0  }
0x1f: {  	s9 =	smul.u32 $0xF7A, s1;
	s8 =	simm.s32 @!p0 $0x1BF5;
	p2 =	por !p2, p0  }
0x20: {  	[sflag:s8] =	ssyncset.s32 @!p0 $0xFFFFF086;
	s6 =	sadd.s32 @!p0 s3, s7;
	s7 =	simm.s32 @!p0 $0x108  }
0x21: {  	s3 =	sadd.s32 s3, s9;
	s6 =	sadd.s32 @!p0 $0x88, s6;
	s7 =	simm.s32 @p2 $0x1082  }
0x22: {  	[simem:s7], [sflag:s8] =	dma.local @!p0 [hbm:s6], $0xF7A  }
0x23: {  	s9 =	sor.u32 $0xD0000000, s2;
	s6 =	simm.s32 $0x108;
	_ =	swait.ge @!p0 [sflag:s8], $0x0  }
0x24: {  	s3 =	sadd.s32 $0x88, s3;
	s6 =	simm.s32 @!p1 $0x1082;
	[sflag:s4] =	ssyncset.s32 $0xFFFFF086  }
0x25: {  	[simem:s6], [sflag:s4] =	dma.local [hbm:s3], $0xF7A  }
0x26: {  	[smem:$0x3F9D] =	sst s1;
	(tag) =	ssettag s2;
	_ =	strace s9  }
0x27: {  	s1 =	sld [smem:$0x3FAD]  }
0x28: {  	s2 =	sld [smem:$0x3FAE]  }
0x29: {  	s4 =	sld [smem:$0x3FB0]  }
0x2a: {  	p0 =	seq.s32 s5, $0x0;
	s5 =	sld [smem:$0x3FB1]  }
0x2b: {  	s6 =	sld [smem:$0x3FB2]  }
0x2c: {  	s7 =	sld [smem:$0x3FB3]  }
0x2d: {  	s3 =	simm.s32 $0x108;
	s8 =	sld [smem:$0x3FB4]  }
0x2e: {  	s3 =	simm.s32 @!p0 $0x1082;
	s9 =	sld [smem:$0x3FB5]  }
0x2f: {  	lr =	sadd.s32 s0, s3;
	s0 =	sld [smem:$0x3FAC]  }
0x30: {  	s3 =	sld [smem:$0x3FAF]  }
0x31: {  	[smem:$0x3FB8] =	sst s10  }
0x32: {  	s10 =	sld [smem:$0x3FB6];
	_ =	sdelay $0x3  }
0x33: {  	p0 =	seq.s32 s10, $0x1;
	s10 =	sld [smem:$0x3FB8];
	_ =	sdelay $0x3  }
0x34: {  	[smem:$0x3FB8] =	sst s10  }
0x35: {  	s10 =	sld [smem:$0x3FB7];
	_ =	sdelay $0x3  }
0x36: {  	p1 =	seq.s32 s10, $0x1;
	s10 =	sld [smem:$0x3FB8];
	_ =	sdelay $0x3  }
0x37: {  	[smem:$0x3FB8] =	sst s10  }
0x38: {  	s10 =	sld [smem:$0x3FB9]  }
0x39: {  	_ = 	snop;
	(pc) =	sbr.ind lr, $3  }
0x3a: {  	_ = 	snop  }
0x3b: {  	_ = 	snop  }
0x3c: {  	p2 =	seq.s32 s10, $0x1;
	s10 =	sld [smem:$0x3FB8]  }
0x3d: {  	_ =	shalt  }
0x3e: {  	_ =	shalt  }
0x3f: {  	_ =	shalt  }
0x40: {  	_ =	shalt  }
0x41: {  	_ =	shalt  }
0x42: {  	_ =	shalt  }
0x43: {  	_ =	shalt  }
0x44: {  	_ =	shalt  }
0x45: {  	_ =	shalt  }
0x46: {  	_ =	shalt  }
0x47: {  	_ =	shalt  }
0x48: {  	_ =	shalt  }
0x49: {  	_ =	shalt  }
0x4a: {  	_ =	shalt  }
0x4b: {  	_ =	shalt  }
0x4c: {  	_ =	shalt  }
0x4d: {  	_ =	shalt  }
0x4e: {  	_ =	shalt  }
0x4f: {  	_ =	shalt  }
0x50: {  	_ =	shalt  }
0x51: {  	_ =	shalt  }
0x52: {  	_ =	shalt  }
0x53: {  	_ =	shalt  }
0x54: {  	_ =	shalt  }
0x55: {  	_ =	shalt  }
0x56: {  	_ =	shalt  }
0x57: {  	_ =	shalt  }
0x58: {  	_ =	shalt  }
0x59: {  	_ =	shalt  }
0x5a: {  	_ =	shalt  }
0x5b: {  	_ =	shalt  }
0x5c: {  	_ =	shalt  }
0x5d: {  	_ =	shalt  }
0x5e: {  	_ =	shalt  }
0x5f: {  	_ =	shalt  }
0x60: {  	_ =	shalt  }
0x61: {  	_ =	shalt  }
0x62: {  	_ =	shalt  }
0x63: {  	_ =	shalt  }
0x64: {  	_ =	shalt  }
0x65: {  	_ =	shalt  }
0x66: {  	_ =	shalt  }
0x67: {  	_ =	shalt  }
0x68: {  	_ =	shalt  }
0x69: {  	_ =	shalt  }
0x6a: {  	_ =	shalt  }
0x6b: {  	_ =	shalt  }
0x6c: {  	_ =	shalt  }
0x6d: {  	_ =	shalt  }
0x6e: {  	_ =	shalt  }
0x6f: {  	_ =	shalt  }
0x70: {  	_ =	shalt  }
0x71: {  	_ =	shalt  }
0x72: {  	_ =	shalt  }
0x73: {  	_ =	shalt  }
0x74: {  	_ =	shalt  }
0x75: {  	_ =	shalt  }
0x76: {  	_ =	shalt  }
0x77: {  	_ =	shalt  }
0x78: {  	_ =	shalt  }
0x79: {  	_ =	shalt  }
0x7a: {  	_ =	shalt  }
0x7b: {  	_ =	shalt  }
0x7c: {  	_ =	shalt  }
0x7d: {  	_ =	shalt  }
0x7e: {  	_ =	shalt  }
0x7f: {  	_ =	shalt  }
0x80: {  	_ =	shalt  }
0x81: {  	_ =	shalt  }
0x82: {  	_ =	shalt  }
0x83: {  	_ =	shalt  }
0x84: {  	_ =	shalt  }
0x85: {  	_ =	shalt  }
0x86: {  	_ =	shalt  }
0x87: {  	_ =	shalt  }
.Lfunc_end0:
.L_simem_size_0:
called_computation_lowered:
.L_overlay_start_0:
0x88: {  	s2 =	sld [smem:$0x3FD9]  }
0x89: {  	s3 =	sld [smem:$0x3FFE];
	_ =	sdelay $0x1  }
0x8a: {  	s1 =	srdreg.scid  }
0x8b: {  	s0 =	sand.u32 $0x1, s1  }
0x8c: {  	s14 =	sshll.u32 s0, $0xA;
	s2 =	sadd.s32 s3, s2  }
0x8d: {  	s2 =	sadd.s32 s2, s14  }
0x8e: {  	[smem:$0x3FC4] =	sst s2  }
0x8f: {  	_ = 	snop  }
0x90: {  	s2 =	sld [smem:$0x3FD0];
	_ =	sdelay $0x2  }
0x91: {  	s4 =	simm.s32 $0xA;
	s5 =	simm.s32 $0x10;
	s15 =	sld [smem:$0x3FC8]  }
0x92: {  	[smem:s5], [sflag:s4] =	dma.local [hbm:s2], $0x1  }
0x93: {  	_ =	swait.eq [sflag:s4], $0x1  }
0x94: {  	[sflag:s4] =	ssyncset.done $0x0  }
0x95: {  	s16 =	sld [smem:$0x10];
	[sflag:s4] =	ssyncadd.s32 $0xFFFFFFFF  }
0x96: {  	s17 =	sld [smem:$0x11];
	(tm) =	ssettm $0x1  }
0x97: {  	s18 =	sld [smem:$0x3FFB];
	_ =	sdelay $0x3  }
0x98: {  	_ =	strace s18  }
0x99: {  	s5 =	sld [smem:$0x3FFC];
	_ =	sdelay $0x3  }
0x9a: {  	_ =	strace s5  }
0x9b: {  	s5 =	sld [smem:$0x3FFD];
	_ =	sdelay $0x3  }
0x9c: {  	_ =	strace s5  }
0x9d: {  	_ =	strace $0x8FFFFFFF  }
0x9e: {  	s19 =	sld [smem:$0x3FDB];
	_ =	sdelay $0x1  }
0x9f: {  	s6 =	simm.s32 $_scs_section_size  }
0xa0: {  	s7 =	simm.s32 $_size__tile_overlayer_lowered;
	s8 =	simm.s32 $_tile_overlayer_lowered  }
0xa1: {  	s22 =	simm.s32 $0x1BFF;
	s21 =	sshll.u32 s8, $0x1;
	s5 =	sadd.s32 s6, s19  }
0xa2: {  	s9 =	simm.s32 $0x0;
	s20 =	sshll.u32 s7, $0x1;
	s7 =	sadd.s32 s21, s5  }
0xa3: {  	[timem:s9], [sflag:s22] =	dma.local [hbm:s7], s20  }
0xa4: {  	_ =	swait.ge [sflag:s22], s20  }
0xa5: {  	s6 =	ssub.s32 $0x0, s20;
	[sflag:s22] =	ssyncset.done $0x0  }
0xa6: {  	[sflag:s22] =	ssyncadd.s32 s6;
	_ =	sdelay $0x1  }
0xa7: {  	s23 =	simm.s32 $0x1B8B  }
0xa8: {  	_ =	swait.ge [sflag:s23], $0x1  }
0xa9: {  	[sflag:s23] =	ssyncset.done $0x0  }
0xaa: {  	s25 =	simm.s32 $0x1B8E;
	s24 =	sld [smem:$0x3FFE];
	[sflag:s23] =	ssyncadd.s32 $0xFFFFFFFF  }
0xab: {  	s26 =	simm.s32 $execute0_lowered;
	[smem:$0x3FD2] =	sst s25  }
0xac: {  	s7 =	sshll.u32 s26, $0x1;
	_ =	strace $0x80000046;
	[dreg:$0x1] =	wrdreg $0xFFFFFFFF  }
0xad: {  	s28 =	simm.s32 $_size_execute0_lowered;
	s5 =	sadd.s32 s5, s7;
	[dreg:$0x0] =	wrdreg $0x0  }
0xae: {  	s7 =	sshll.u32 s28, $0x1;
	[dreg:$0x2] =	wrdreg s5  }
0xaf: {  	[dreg:$0x3] =	wrdreg s7  }
0xb0: {  	[dreg:$0x4] =	wrdreg $0xC0  }
0xb1: {  	_ =	task [dreg:s9], $0x5FFFF  }
0xb2: {  	[dreg:$0x1] =	wrdreg $0xFFFFFFFF  }
0xb3: {  	[dreg:$0x0] =	wrdreg $0x60  }
0xb4: {  	[dreg:$0x2] =	wrdreg s15  }
0xb5: {  	[dreg:$0x3] =	wrdreg s17  }
0xb6: {  	[dreg:$0x4] =	wrdreg s16  }
0xb7: {  	[dreg:$0x5] =	wrdreg s24  }
0xb8: {  	[dreg:$0x6] =	wrdreg $0x9  }
0xb9: {  	_ =	task.clear_ibuf [dreg:s9], $0x7FFFF;
	_ =	strace $0x90000046  }
0xba: {  	s29 =	simm.s32 $0x9;
	_ =	strace $0x80000048  }
0xbb: {  	_ =	swait.ge [sflag:s29], $0x1  }
0xbc: {  	[sflag:s29] =	ssyncadd.s32 $0xFFFFFFFF  }
0xbd: {  	_ =	strace $0x90000048  }
0xbe: {  	_ =	sfence  }
0xbf: {  	s30 =	sld [smem:$0x0];
	_ =	sdelay $0x2  }
0xc0: {  	s31 =	sshll.u32 s1, $0xD;
	s1 =	sshrl.u32 s1, $0x2  }
0xc1: {  	s3 =	sand.u32 $0x4000, s31;
	s1 =	sadd.s32 s1, s30  }
0xc2: {  	s0 =	sor.u32 s3, s0;
	s1 =	sshll.u32 s1, $0x11  }
0xc3: {  	s0 =	sor.u32 s1, s0  }
0xc4: {  	s0 =	sadd.s32 $0x8F2B, s0  }
0xc5: {  	[sflag:s0] =	ssyncadd.remote.s32 $0x1  }
0xc6: {  	_ =	sfence.sel $0xFFFF  }
0xc7: {  	[dreg:$0x0] =	wrdreg $0xFFFFFFFF;
	(pc) =	sbr.abs _section_cstart, $3  }
0xc8: {  	[dreg:$0x1] =	wrdreg $0xFFFFFFFF  }
0xc9: {  	_ =	task.clear_ibuf [dreg:s9], $0x2FFFF;
	_ =	strace $0x9FFFFFFF  }
0xca: {  	(tm) =	ssettm $0x7FFFFFFF  }
0xcb: {  	_ =	shalt  }
tec
execute0_lowered:
.L_overlay_start_1:
0x0: {  	(tag) =	ssettag $0x1  }
0x1: {  	s0 =	rddreg [dreg:$0x0]  }
0x2: {  	s2 =	rddreg [dreg:$0x2]  }
0x3: {  	s4 =	rddreg [dreg:$0x3]  }
0x4: {  	s3 =	srdreg.scid;
	s1 =	stileid.u32  }
0x5: {  	s11 =	simm.s32 $0x1;
	s16 =	simm.s32 $0x600;
	s17 =	simm.s32 $0xA00  }
0x6: {  	s18 =	simm.s32 $0xE80;
	s19 =	simm.s32 $0x0;
	s5 =	sand.u32 $0x1, s3  }
0x7: {  	s3 =	simm.s32 $0x0;
	s7 =	sand.u32 $0x3, s1;
	s6 =	sshll.u32 s5, $0x4  }
0x8: {  	s10 =	sshll.u32 s1, $0x7;
	[smem:$0x7FF] =	sst s3;
	s6 =	sor.u32 s1, s6  }
0x9: {  	p1 =	sne.s32 s7, $0x0;
	s10 =	sand.u32 $0x380, s10;
	p0 =	seq.s32 s6, $0x0  }
0xa: {  	s5 =	ssub.s32 $0x2, s5;
	s8 =	sshll.u32 s6, $0x7;
	p0 =	por !p1, !p0  }
0xb: {  	_ =	strace $0x80000047;
	s9 =	sand.u32 $0xC00, s8;
	p0 =	por !p0, !p0  }
0xc: {  	s6 =	sshrl.u32 s6, $0x2;
	s9 =	sor.u32 s10, s9;
	s11 =	simm.s32 @!p0 $0x0  }
0xd: {  	s30 =	sshrl.u32 s5, $0x1;
	s9 =	sshrl.u32 s9, $0x3;
	s6 =	ssub.s32 s6, s11  }
0xe: {  	s9 =	sadd.s32 s9, s4;
	s11 =	ssub.s32 s5, s30;
	s4 =	sshll.u32 s7, $0xA  }
0xf: {  	s5 =	simm.s32 $0x1;
	s29 =	sshll.u32 s6, $0x9;
	s6 =	sshll.u32 s6, $0x7  }
0x10: {  	s7 =	sadd.s32 s2, s8;
	s10 =	sand.u32 $0xFFFFF000, s29;
	s6 =	sand.u32 $0x380, s6  }
0x11: {  	s31 =	sadd.s32 $0x400, s4;
	s8 =	sadd.s32 $0xA00, s9;
	s6 =	sor.u32 s6, s10  }
0x12: {  	v2 =	vimm.s32 $0x0;
	v3 =	vlaneseq.u32;
	s9 =	smax.u32 s11, $0x1;
	s11 =	sor.u32 $0x200, s4;
	s6 =	sshrl.u32 s6, $0x3  }
0x13: {  	vm0 =	vcmask $0x3F24;
	s12 =	sor.u32 $0x300, s4;
	v0 =	vmov s4;
	v1 =	vmov s31;
	s10 =	sor.u32 $0x100, s4;
	s6 =	sadd.s32 s0, s6  }
.LBB2_1:
0x14: {  	s0 =	simm.s32 $0x80;
	s1 =	simm.s32 $0x400  }
0x15: {  	[tilespmem:s3], [sflag:$0x1] =	stream.strided.gather [hbm4b:s6+s0], $0x200, s1, s0, $0x38;
	[tilespmem:$0xF00] =	vst v63  }
0x16: {  	_ =	swait.ge [sflag:s5], $0x200  }
0x17: {  	[sflag:s5] =	ssyncset.done $0x0  }
0x18: {  	[sflag:s5] =	ssyncadd.s32 $0xFFFFFE00  }
0x19: {  	s30 =	simm.s32 $0xE00;
	s29 =	rddreg [dreg:$0x1]  }
0x1a: {  	[tilespmem:s30], [sflag:$0x1] =	stream.linear.gather [hbm4b:s29+s3], $0x80, $0x38;
	[tilespmem:$0xF00] =	vst v63  }
0x1b: {  	_ =	swait.ge [sflag:s5], $0x80  }
0x1c: {  	[sflag:s5] =	ssyncset.done $0x0  }
0x1d: {  	s31 =	simm.s32 $0x0;
	[sflag:s5] =	ssyncadd.s32 $0xFFFFFF80  }
0x1e: {  	v5 =	vld [tilespmem:s31+$0x0];
	_ =	sdelay $0x4  }
0x1f: {  	(xrf0) =	vadd.scan.msk.s32 $0xffff, v5;
	_ =	sdelay $0x5  }
0x20: {  	v4, _, _ =	vpop (xrf0)  }
0x21: {  	v6 =	vadd.s32 s3, v4  }
0x22: {  	v4 =	vxor.u32 $0x80000000, v6  }
0x23: {  	(xrf0) =	vmax.scan.msk.u32 $0xffff, v4;
	_ =	sdelay $0x5  }
0x24: {  	v5 =	vsub.s32 v6, v5;
	v4 =	vld [tilespmem:$0xE00];
	[tilespmem:s31+$0x200] =	vst v6;
	v6, _, _ =	vpop (xrf0)  }
0x25: {  	(v2sf) =	vpush v6, $0xF;
	_ =	sdelay $0x3  }
0x26: {  	s2 =	simm.s32 $0x80;
	s0 =	simm.s32 $0x10;
	[tilespmem:s31+$0x400] =	vst v5  }
.LBB2_2:
0x27: {  	p0 =	sne.s32 s2, $0x7C0;
	v5 =	vld [tilespmem:s0+$0x0];
	_ =	sdelay $0x4  }
0x28: {  	(xrf0) =	vadd.scan.msk.s32 $0xffff, v5;
	_ =	sdelay $0x4  }
0x29: {  	s20 =	spop (v2sf)  }
0x2a: {  	v6, _, _ =	vpop (xrf0);
	s20 =	sxor.u32 $0x80000000, s20  }
0x2b: {  	v6 =	vadd.s32 s20, v6  }
0x2c: {  	[tilespmem:s0+$0x200] =	vst v6;
	v5 =	vsub.s32 v6, v5;
	v6 =	vxor.u32 $0x80000000, v6  }
0x2d: {  	[tilespmem:s0+$0x400] =	vst v5;
	(xrf0) =	vmax.scan.msk.u32 $0xffff, v6;
	_ =	sdelay $0x5  }
0x2e: {  	v5, _, _ =	vpop (xrf0)  }
.Ltmp0:
0x2f: {  	(v2sf) =	vpush v5, $0xF;
	(pc) =	sbr.rel @p0 .LBB2_2-.Ltmp0, $2  }
0x30: {  	_ =	sdelay $0x2  }
0x31: {  	s0 =	sshra.s32 s2, $0x2;
	s2 =	sadd.s32 $0x40, s2  }
0x32: {  	v5 =	vld [tilespmem:s0+$0x0];
	_ =	sdelay $0x4  }
0x33: {  	(xrf0) =	vadd.scan.msk.s32 $0xffff, v5;
	_ =	sdelay $0x4  }
0x34: {  	s2 =	spop (v2sf)  }
0x35: {  	v6, _, _ =	vpop (xrf0);
	s2 =	sxor.u32 $0x80000000, s2  }
0x36: {  	v6 =	vadd.s32 s2, v6  }
0x37: {  	v7 =	vxor.u32 $0x80000000, v6  }
0x38: {  	(xrf0) =	vmax.scan.msk.u32 $0xffff, v7;
	_ =	sdelay $0x5  }
0x39: {  	v7, _, _ =	vpop (xrf0)  }
0x3a: {  	(v2sf) =	vpush v7, $0xF;
	_ =	sdelay $0xe  }
0x3b: {  	[tilespmem:s0+$0x200] =	vst v6;
	v5 =	vsub.s32 v6, v5;
	s31 =	spop (v2sf)  }
0x3c: {  	s20 =	simm.s32 $0x0;
	s2 =	simm.s32 $0x0;
	[tilespmem:s0+$0x400] =	vst v5;
	s0 =	sxor.u32 $0x80000000, s31  }
.LBB2_4:
0x3d: {  	p0 =	sne.s32 s20, $0xFC0  }
.Ltmp1:
0x3e: {  	_ = 	snop;
	(pc) =	sbr.rel @p0 .LBB2_4-.Ltmp1, $3  }
0x3f: {  	_ =	sdelay $0x1  }
0x40: {  	s21 =	sshra.s32 s20, $0x2  }
0x41: {  	s20 =	sadd.s32 $0x40, s20;
	[tilespmem:s21+$0x600] =	vst v2  }
0x42: {  	s20 =	simm.s32 $0x200  }
0x43: {  	s21 =	simm.s32 $0x400;
	v6 =	vld [tilespmem:s20+$0x0]  }
0x44: {  	s22 =	simm.s32 $0x10;
	v5 =	vld [tilespmem:s21+$0x0]  }
.LBB2_6:
0x45: {  	p0 =	sne.s32 s22, $0x1F0;
	_ =	sdelay $0x3  }
0x46: {  	vm1 =	vgt.s32 v6, v0;
	vm2 =	vgt.s32 v6, v5  }
0x47: {  	vm3 =	vlt.s32 v5, v1;
	v5 =	vsub.s32 v5, v0;
	vm1 =	vmand vm1, vm2  }
0x48: {  	vm2 =	vgt.s32 v5, $0x0;
	vm1 =	vmand vm1, vm3  }
0x49: {  	v5 =	vnsel vm2, $0x0, v5;
	_ =	sdelay $0x2  }
.Ltmp2:
0x4a: {  	(pc) =	sbr.rel @p0 .LBB2_6-.Ltmp2, $4  }
0x4b: {  	v6 =	vor.u32 s2, v3;
	s2 =	smov.u32 s22  }
0x4c: {  	s20 =	sadd.s32 $0x10, s20;
	[tilespmem:v5+s16+$0x0] =	vst.idx.msk vm1, v6  }
0x4d: {  	s21 =	sadd.s32 $0x10, s21;
	v6 =	vld [tilespmem:s20+$0x0]  }
0x4e: {  	s22 =	sadd.s32 $0x10, s22;
	v5 =	vld [tilespmem:s21+$0x0]  }
0x4f: {  	_ =	sdelay $0x3  }
0x50: {  	vm1 =	vgt.s32 v6, v0;
	vm2 =	vgt.s32 v6, v5  }
0x51: {  	vm3 =	vlt.s32 v5, v1;
	v5 =	vsub.s32 v5, v0;
	vm1 =	vmand vm1, vm2  }
0x52: {  	vm2 =	vgt.s32 v5, $0x0;
	vm1 =	vmand vm1, vm3  }
0x53: {  	v5 =	vnsel vm2, $0x0, v5;
	_ =	sdelay $0x3  }
0x54: {  	v6 =	vor.u32 s2, v3  }
0x55: {  	s25 =	simm.s32 $0x0;
	[tilespmem:v5+s16+$0x0] =	vst.idx.msk vm1, v6  }
0x56: {  	v5 =	vld [tilespmem:s25+$0x600];
	_ =	sdelay $0x4  }
0x57: {  	v5 =	vxor.u32 $0x80000000, v5  }
0x58: {  	(xrf0) =	vmax.scan.msk.u32 $0xffff, v5;
	_ =	sdelay $0x5  }
0x59: {  	v5, _, _ =	vpop (xrf0)  }
0x5a: {  	s31 =	simm.s32 $0x0;
	v5 =	vxor.u32 $0x80000000, v5  }
0x5b: {  	vm1 =	vgt.s32 v5, s31  }
0x5c: {  	v8 =	vor.u32 s4, v3;
	v6 =	vnsel vm1, s31, v5;
	v5 =	vmov s0  }
0x5d: {  	vm2 =	vlt.s32 v8, v4;
	v7 =	vxor.u32 $0x80000000, v6;
	vm1 =	vlt.s32 v8, v5  }
0x5e: {  	(xrf0) =	vmax.scan.msk.u32 $0xffff, v7;
	vm1 =	vmand vm1, vm2  }
0x5f: {  	v6 =	vnsel vm1, $0x200, v6;
	v7 =	vnsel vm1, $0x7FFFFFFF, v7  }
0x60: {  	v8 =	vxor.u32 $0x80000000, v6;
	(xrf0) =	vmax.scan.msk.u32 $0xffff, v7  }
0x61: {  	(xrf0) =	vmin.scan.msk.u32 $0xffff, v8  }
0x62: {  	s23 =	simm.s32 $0x200;
	s22 =	simm.s32 $0xFFFFFFFF  }
0x63: {  	s24 =	simm.s32 $0x40;
	s28 =	simm.s32 $0x80;
	s20 =	smov.u32 s4  }
0x64: {  	s21 =	simm.s32 $0xFFFFFFFF;
	s26 =	simm.s32 $0x200;
	s0 =	simm.s32 $0x40;
	[tilespmem:s25+$0xA00] =	vst v6;
	v6, _, _ =	vpop (xrf0)  }
.LBB2_8:
0x65: {  	s2 =	smov.u32 s26;
	s29 =	smov.u32 s21  }
0x66: {  	p0 =	sne.s32 s28, $0x3C0;
	v7, _, _ =	vpop (xrf0);
	(v2sf) =	vpush v6, $0xF  }
0x67: {  	v6, _, _ =	vpop (xrf0);
	(v2sf) =	vpush v7, $0xF  }
0x68: {  	s30 =	sshra.s32 s0, $0x2;
	s0 =	smov.u32 s28;
	(v2sf) =	vpush v6, $0xF  }
0x69: {  	v6 =	vld [tilespmem:s30+$0x600];
	_ =	sdelay $0x4  }
0x6a: {  	v6 =	vxor.u32 $0x80000000, v6  }
0x6b: {  	(xrf0) =	vmax.scan.msk.u32 $0xffff, v6;
	_ =	sdelay $0x5  }
0x6c: {  	s20 =	sadd.s32 $0x10, s20;
	v6, _, _ =	vpop (xrf0);
	s21 =	spop (v2sf)  }
0x6d: {  	v7 =	vor.u32 s20, v3;
	v6 =	vxor.u32 $0x80000000, v6;
	s26 =	sxor.u32 $0x80000000, s21;
	s21 =	spop (v2sf)  }
0x6e: {  	vm2 =	vlt.s32 v7, v5;
	vm3 =	vlt.s32 v7, v4;
	vm1 =	vgt.s32 v6, s26;
	s21 =	sxor.u32 $0x80000000, s21;
	s31 =	spop (v2sf)  }
0x6f: {  	v6 =	vnsel vm1, s26, v6;
	vm1 =	vmand vm2, vm3;
	s26 =	sxor.u32 $0x80000000, s31;
	p1 =	sgt.s32 s29, s21  }
0x70: {  	v7 =	vnsel vm1, $0x200, v6;
	v6 =	vxor.u32 $0x80000000, v6;
	p2 =	slt.s32 s2, s26;
	s21 =	smov.u32 @p1 s29  }
0x71: {  	[tilespmem:s30+$0xA00] =	vst v7;
	v7 =	vxor.u32 $0x80000000, v7;
	v8 =	vnsel vm1, $0x7FFFFFFF, v6;
	(xrf0) =	vmax.scan.msk.u32 $0xffff, v6;
	s26 =	smov.u32 @p2 s2  }
0x72: {  	(xrf0) =	vmax.scan.msk.u32 $0xffff, v8  }
.Ltmp3:
0x73: {  	(xrf0) =	vmin.scan.msk.u32 $0xffff, v7;
	(pc) =	sbr.rel @p0 .LBB2_8-.Ltmp3, $2  }
0x74: {  	_ =	sdelay $0x2  }
0x75: {  	s28 =	sadd.s32 $0x40, s28;
	v6, _, _ =	vpop (xrf0)  }
0x76: {  	(v2sf) =	vpush v6, $0xF;
	_ =	sdelay $0x1  }
0x77: {  	s0 =	sshra.s32 s0, $0x2  }
0x78: {  	v6 =	vld [tilespmem:s0+$0x600];
	_ =	sdelay $0x4  }
0x79: {  	v6 =	vxor.u32 $0x80000000, v6  }
0x7a: {  	(xrf0) =	vmax.scan.msk.u32 $0xffff, v6;
	_ =	sdelay $0x3  }
0x7b: {  	v6, _, _ =	vpop (xrf0)  }
0x7c: {  	v7, _, _ =	vpop (xrf0)  }
0x7d: {  	v8, _, _ =	vpop (xrf0);
	s2 =	spop (v2sf)  }
0x7e: {  	v8 =	vxor.u32 $0x80000000, v8;
	s2 =	sxor.u32 $0x80000000, s2  }
0x7f: {  	vm1 =	vgt.s32 v8, s2  }
0x80: {  	v8 =	vnsel vm1, s2, v8  }
0x81: {  	v9 =	vxor.u32 $0x80000000, v8  }
0x82: {  	(xrf0) =	vmax.scan.msk.u32 $0xffff, v9;
	_ =	sdelay $0x1  }
0x83: {  	s14 =	sadd.s32 $0x10, s20  }
0x84: {  	v10 =	vor.u32 s14, v3  }
0x85: {  	vm2 =	vlt.s32 v10, v4;
	vm1 =	vlt.s32 v10, v5  }
0x86: {  	(v2sf) =	vpush v6, $0xF;
	vm1 =	vmand vm1, vm2  }
0x87: {  	(v2sf) =	vpush v7, $0xF;
	v6 =	vnsel vm1, $0x200, v8;
	v7 =	vnsel vm1, $0x7FFFFFFF, v9;
	v8, _, _ =	vpop (xrf0)  }
0x88: {  	(xrf0) =	vmax.scan.msk.u32 $0xffff, v7;
	v7 =	vxor.u32 $0x80000000, v6;
	(v2sf) =	vpush v8, $0xF  }
0x89: {  	(xrf0) =	vmin.scan.msk.u32 $0xffff, v7  }
0x8a: {  	[tilespmem:s0+$0xA00] =	vst v6  }
0x8b: {  	v6 =	vld [tilespmem:s25+$0x700];
	_ =	sdelay $0x2  }
0x8c: {  	v7, _, _ =	vpop (xrf0)  }
0x8d: {  	(v2sf) =	vpush v7, $0xF;
	v8, _, _ =	vpop (xrf0)  }
0x8e: {  	v6 =	vxor.u32 $0x80000000, v6;
	(v2sf) =	vpush v8, $0xF  }
0x8f: {  	(xrf0) =	vmax.scan.msk.u32 $0xffff, v6;
	_ =	sdelay $0x3  }
0x90: {  	s15 =	spop (v2sf)  }
0x91: {  	s28 =	spop (v2sf)  }
0x92: {  	v6, _, _ =	vpop (xrf0);
	s29 =	spop (v2sf)  }
0x93: {  	v6 =	vxor.u32 $0x80000000, v6;
	s20 =	sxor.u32 $0x80000000, s29  }
0x94: {  	vm1 =	vgt.s32 v6, s20  }
0x95: {  	v8 =	vor.u32 s10, v3;
	v6 =	vnsel vm1, s20, v6  }
0x96: {  	vm2 =	vlt.s32 v8, v4;
	vm1 =	vlt.s32 v8, v5;
	v7 =	vxor.u32 $0x80000000, v6  }
0x97: {  	vm1 =	vmand vm1, vm2;
	(xrf0) =	vmax.scan.msk.u32 $0xffff, v7  }
0x98: {  	s0 =	sxor.u32 $0x80000000, s15;
	s2 =	sxor.u32 $0x80000000, s28;
	v6 =	vnsel vm1, $0x200, v6;
	v7 =	vnsel vm1, $0x7FFFFFFF, v7  }
0x99: {  	p0 =	sgt.s32 s21, s0;
	p1 =	slt.s32 s26, s2;
	s30 =	spop (v2sf);
	v8 =	vxor.u32 $0x80000000, v6;
	(xrf0) =	vmax.scan.msk.u32 $0xffff, v7  }
0x9a: {  	s0 =	smov.u32 @p0 s21;
	s20 =	sxor.u32 $0x80000000, s30;
	s31 =	spop (v2sf);
	(xrf0) =	vmin.scan.msk.u32 $0xffff, v8  }
0x9b: {  	s2 =	smov.u32 @p1 s26;
	p0 =	sgt.s32 s0, s20;
	s21 =	sxor.u32 $0x80000000, s31  }
0x9c: {  	s20 =	smov.u32 @p0 s0;
	p1 =	slt.s32 s2, s21  }
0x9d: {  	s0 =	simm.s32 $0x80;
	[tilespmem:s25+$0xB00] =	vst v6;
	s25 =	smov.u32 s10;
	s21 =	smov.u32 @p1 s2;
	v6, _, _ =	vpop (xrf0)  }
.LBB2_10:
0x9e: {  	s2 =	smov.u32 s23;
	s26 =	smov.u32 s22  }
0x9f: {  	p0 =	sne.s32 s0, $0x3C0;
	v7, _, _ =	vpop (xrf0);
	(v2sf) =	vpush v6, $0xF  }
0xa0: {  	v6, _, _ =	vpop (xrf0);
	(v2sf) =	vpush v7, $0xF  }
0xa1: {  	s28 =	sshra.s32 s24, $0x2;
	s24 =	smov.u32 s0;
	(v2sf) =	vpush v6, $0xF  }
0xa2: {  	v6 =	vld [tilespmem:s28+$0x700];
	_ =	sdelay $0x4  }
0xa3: {  	v6 =	vxor.u32 $0x80000000, v6  }
0xa4: {  	(xrf0) =	vmax.scan.msk.u32 $0xffff, v6;
	_ =	sdelay $0x5  }
0xa5: {  	s25 =	sadd.s32 $0x10, s25;
	v6, _, _ =	vpop (xrf0);
	s22 =	spop (v2sf)  }
0xa6: {  	v7 =	vor.u32 s25, v3;
	v6 =	vxor.u32 $0x80000000, v6;
	s23 =	sxor.u32 $0x80000000, s22;
	s22 =	spop (v2sf)  }
0xa7: {  	vm2 =	vlt.s32 v7, v5;
	vm3 =	vlt.s32 v7, v4;
	vm1 =	vgt.s32 v6, s23;
	s22 =	sxor.u32 $0x80000000, s22;
	s29 =	spop (v2sf)  }
0xa8: {  	v6 =	vnsel vm1, s23, v6;
	vm1 =	vmand vm2, vm3;
	s23 =	sxor.u32 $0x80000000, s29;
	p1 =	sgt.s32 s26, s22  }
0xa9: {  	v7 =	vnsel vm1, $0x200, v6;
	v6 =	vxor.u32 $0x80000000, v6;
	p2 =	slt.s32 s2, s23;
	s22 =	smov.u32 @p1 s26  }
0xaa: {  	[tilespmem:s28+$0xB00] =	vst v7;
	v7 =	vxor.u32 $0x80000000, v7;
	v8 =	vnsel vm1, $0x7FFFFFFF, v6;
	(xrf0) =	vmax.scan.msk.u32 $0xffff, v6;
	s23 =	smov.u32 @p2 s2  }
0xab: {  	(xrf0) =	vmax.scan.msk.u32 $0xffff, v8  }
.Ltmp4:
0xac: {  	(xrf0) =	vmin.scan.msk.u32 $0xffff, v7;
	(pc) =	sbr.rel @p0 .LBB2_10-.Ltmp4, $2  }
0xad: {  	_ =	sdelay $0x2  }
0xae: {  	s0 =	sadd.s32 $0x40, s0;
	v6, _, _ =	vpop (xrf0)  }
0xaf: {  	(v2sf) =	vpush v6, $0xF;
	_ =	sdelay $0x1  }
0xb0: {  	s0 =	sshra.s32 s24, $0x2  }
0xb1: {  	v6 =	vld [tilespmem:s0+$0x700];
	_ =	sdelay $0x4  }
0xb2: {  	v6 =	vxor.u32 $0x80000000, v6  }
0xb3: {  	(xrf0) =	vmax.scan.msk.u32 $0xffff, v6;
	_ =	sdelay $0x3  }
0xb4: {  	v6, _, _ =	vpop (xrf0)  }
0xb5: {  	v7, _, _ =	vpop (xrf0)  }
0xb6: {  	v8, _, _ =	vpop (xrf0);
	s2 =	spop (v2sf)  }
0xb7: {  	v8 =	vxor.u32 $0x80000000, v8;
	s2 =	sxor.u32 $0x80000000, s2  }
0xb8: {  	vm1 =	vgt.s32 v8, s2  }
0xb9: {  	v8 =	vnsel vm1, s2, v8  }
0xba: {  	s1 =	sadd.s32 $0x10, s25;
	v9 =	vxor.u32 $0x80000000, v8  }
0xbb: {  	v10 =	vor.u32 s1, v3;
	(xrf0) =	vmax.scan.msk.u32 $0xffff, v9  }
0xbc: {  	vm2 =	vlt.s32 v10, v4;
	vm1 =	vlt.s32 v10, v5  }
0xbd: {  	vm1 =	vmand vm1, vm2  }
0xbe: {  	(v2sf) =	vpush v6, $0xF;
	v6 =	vnsel vm1, $0x200, v8;
	v8 =	vnsel vm1, $0x7FFFFFFF, v9;
	_ =	sdelay $0x2  }
0xbf: {  	(v2sf) =	vpush v7, $0xF;
	(xrf0) =	vmax.scan.msk.u32 $0xffff, v8;
	v8, _, _ =	vpop (xrf0)  }
0xc0: {  	v7 =	vxor.u32 $0x80000000, v6;
	(v2sf) =	vpush v8, $0xF  }
0xc1: {  	(xrf0) =	vmin.scan.msk.u32 $0xffff, v7  }
0xc2: {  	s28 =	simm.s32 $0x0;
	[tilespmem:s0+$0xB00] =	vst v6  }
0xc3: {  	v6 =	vld [tilespmem:s28+$0x800];
	_ =	sdelay $0x2  }
0xc4: {  	v7, _, _ =	vpop (xrf0)  }
0xc5: {  	(v2sf) =	vpush v7, $0xF;
	v8, _, _ =	vpop (xrf0)  }
0xc6: {  	v6 =	vxor.u32 $0x80000000, v6;
	(v2sf) =	vpush v8, $0xF  }
0xc7: {  	(xrf0) =	vmax.scan.msk.u32 $0xffff, v6;
	_ =	sdelay $0x3  }
0xc8: {  	s13 =	spop (v2sf)  }
0xc9: {  	s14 =	spop (v2sf)  }
0xca: {  	v6, _, _ =	vpop (xrf0);
	s15 =	spop (v2sf)  }
0xcb: {  	v6 =	vxor.u32 $0x80000000, v6;
	s24 =	sxor.u32 $0x80000000, s15  }
0xcc: {  	vm1 =	vgt.s32 v6, s24  }
0xcd: {  	v8 =	vor.u32 s11, v3;
	v6 =	vnsel vm1, s24, v6  }
0xce: {  	s29 =	smov.u32 s11;
	vm2 =	vlt.s32 v8, v4;
	vm1 =	vlt.s32 v8, v5;
	v7 =	vxor.u32 $0x80000000, v6  }
0xcf: {  	s30 =	simm.s32 $0xFFFFFFFF;
	s0 =	sxor.u32 $0x80000000, s13;
	s2 =	sxor.u32 $0x80000000, s14;
	vm1 =	vmand vm1, vm2;
	(xrf0) =	vmax.scan.msk.u32 $0xffff, v7  }
0xd0: {  	s31 =	simm.s32 $0x200;
	p0 =	sgt.s32 s22, s0;
	p1 =	slt.s32 s23, s2;
	v6 =	vnsel vm1, $0x200, v6;
	v7 =	vnsel vm1, $0x7FFFFFFF, v7  }
0xd1: {  	s0 =	smov.u32 @p0 s22;
	s2 =	smov.u32 @p1 s23;
	s25 =	spop (v2sf);
	v8 =	vxor.u32 $0x80000000, v6;
	(xrf0) =	vmax.scan.msk.u32 $0xffff, v7  }
0xd2: {  	s22 =	sxor.u32 $0x80000000, s25;
	s25 =	simm.s32 $0x200;
	s26 =	spop (v2sf);
	(xrf0) =	vmin.scan.msk.u32 $0xffff, v8  }
0xd3: {  	s24 =	simm.s32 $0xFFFFFFFF;
	p0 =	sgt.s32 s0, s22;
	s23 =	sxor.u32 $0x80000000, s26  }
0xd4: {  	s22 =	smov.u32 @p0 s0;
	s0 =	simm.s32 $0x80;
	p1 =	slt.s32 s2, s23  }
0xd5: {  	[tilespmem:s28+$0xC00] =	vst v6;
	s26 =	simm.s32 $0x40;
	s23 =	smov.u32 @p1 s2;
	s2 =	simm.s32 $0x40;
	v6, _, _ =	vpop (xrf0)  }
.LBB2_12:
0xd6: {  	s1 =	smov.u32 s31;
	s13 =	smov.u32 s30  }
0xd7: {  	p0 =	sne.s32 s0, $0x3C0;
	v7, _, _ =	vpop (xrf0);
	(v2sf) =	vpush v6, $0xF  }
0xd8: {  	v6, _, _ =	vpop (xrf0);
	(v2sf) =	vpush v7, $0xF  }
0xd9: {  	s14 =	sshra.s32 s2, $0x2;
	s2 =	smov.u32 s0;
	(v2sf) =	vpush v6, $0xF  }
0xda: {  	v6 =	vld [tilespmem:s14+$0x800];
	_ =	sdelay $0x4  }
0xdb: {  	v6 =	vxor.u32 $0x80000000, v6  }
0xdc: {  	(xrf0) =	vmax.scan.msk.u32 $0xffff, v6;
	_ =	sdelay $0x5  }
0xdd: {  	s29 =	sadd.s32 $0x10, s29;
	v6, _, _ =	vpop (xrf0);
	s30 =	spop (v2sf)  }
0xde: {  	v7 =	vor.u32 s29, v3;
	v6 =	vxor.u32 $0x80000000, v6;
	s31 =	sxor.u32 $0x80000000, s30;
	s30 =	spop (v2sf)  }
0xdf: {  	vm2 =	vlt.s32 v7, v5;
	vm3 =	vlt.s32 v7, v4;
	vm1 =	vgt.s32 v6, s31;
	s30 =	sxor.u32 $0x80000000, s30;
	s15 =	spop (v2sf)  }
0xe0: {  	v6 =	vnsel vm1, s31, v6;
	vm1 =	vmand vm2, vm3;
	s31 =	sxor.u32 $0x80000000, s15;
	p1 =	sgt.s32 s13, s30  }
0xe1: {  	v7 =	vnsel vm1, $0x200, v6;
	v6 =	vxor.u32 $0x80000000, v6;
	p2 =	slt.s32 s1, s31;
	s30 =	smov.u32 @p1 s13  }
0xe2: {  	[tilespmem:s14+$0xC00] =	vst v7;
	v7 =	vxor.u32 $0x80000000, v7;
	v8 =	vnsel vm1, $0x7FFFFFFF, v6;
	(xrf0) =	vmax.scan.msk.u32 $0xffff, v6;
	s31 =	smov.u32 @p2 s1  }
0xe3: {  	(xrf0) =	vmax.scan.msk.u32 $0xffff, v8  }
.Ltmp5:
0xe4: {  	(xrf0) =	vmin.scan.msk.u32 $0xffff, v7;
	(pc) =	sbr.rel @p0 .LBB2_12-.Ltmp5, $2  }
0xe5: {  	_ =	sdelay $0x2  }
0xe6: {  	s0 =	sadd.s32 $0x40, s0;
	v6, _, _ =	vpop (xrf0)  }
0xe7: {  	(v2sf) =	vpush v6, $0xF;
	_ =	sdelay $0x1  }
0xe8: {  	s0 =	sshra.s32 s2, $0x2  }
0xe9: {  	v6 =	vld [tilespmem:s0+$0x800];
	_ =	sdelay $0x4  }
0xea: {  	v6 =	vxor.u32 $0x80000000, v6  }
0xeb: {  	(xrf0) =	vmax.scan.msk.u32 $0xffff, v6;
	_ =	sdelay $0x3  }
0xec: {  	v6, _, _ =	vpop (xrf0)  }
0xed: {  	v7, _, _ =	vpop (xrf0)  }
0xee: {  	v8, _, _ =	vpop (xrf0);
	s1 =	spop (v2sf)  }
0xef: {  	v8 =	vxor.u32 $0x80000000, v8;
	s1 =	sxor.u32 $0x80000000, s1  }
0xf0: {  	vm1 =	vgt.s32 v8, s1  }
0xf1: {  	v8 =	vnsel vm1, s1, v8  }
0xf2: {  	v9 =	vxor.u32 $0x80000000, v8  }
0xf3: {  	(xrf0) =	vmax.scan.msk.u32 $0xffff, v9;
	_ =	sdelay $0x1  }
0xf4: {  	s15 =	sadd.s32 $0x10, s29  }
0xf5: {  	v10 =	vor.u32 s15, v3  }
0xf6: {  	vm2 =	vlt.s32 v10, v4;
	vm1 =	vlt.s32 v10, v5  }
0xf7: {  	(v2sf) =	vpush v6, $0xF;
	vm1 =	vmand vm1, vm2  }
0xf8: {  	(v2sf) =	vpush v7, $0xF;
	v6 =	vnsel vm1, $0x200, v8;
	v7 =	vnsel vm1, $0x7FFFFFFF, v9;
	v8, _, _ =	vpop (xrf0)  }
0xf9: {  	(xrf0) =	vmax.scan.msk.u32 $0xffff, v7;
	v7 =	vxor.u32 $0x80000000, v6;
	(v2sf) =	vpush v8, $0xF  }
0xfa: {  	(xrf0) =	vmin.scan.msk.u32 $0xffff, v7  }
0xfb: {  	[tilespmem:s0+$0xC00] =	vst v6  }
0xfc: {  	v6 =	vld [tilespmem:s28+$0x900];
	_ =	sdelay $0x2  }
0xfd: {  	v7, _, _ =	vpop (xrf0)  }
0xfe: {  	(v2sf) =	vpush v7, $0xF;
	v8, _, _ =	vpop (xrf0)  }
0xff: {  	v6 =	vxor.u32 $0x80000000, v6;
	(v2sf) =	vpush v8, $0xF  }
0x100: {  	(xrf0) =	vmax.scan.msk.u32 $0xffff, v6;
	_ =	sdelay $0x3  }
0x101: {  	s1 =	spop (v2sf)  }
0x102: {  	s13 =	spop (v2sf)  }
0x103: {  	v6, _, _ =	vpop (xrf0);
	s14 =	spop (v2sf)  }
0x104: {  	v6 =	vxor.u32 $0x80000000, v6;
	s2 =	sxor.u32 $0x80000000, s14  }
0x105: {  	vm1 =	vgt.s32 v6, s2  }
0x106: {  	v8 =	vor.u32 s12, v3;
	v6 =	vnsel vm1, s2, v6  }
0x107: {  	vm2 =	vlt.s32 v8, v4;
	vm1 =	vlt.s32 v8, v5;
	v7 =	vxor.u32 $0x80000000, v6  }
0x108: {  	vm1 =	vmand vm1, vm2;
	(xrf0) =	vmax.scan.msk.u32 $0xffff, v7  }
0x109: {  	s0 =	sxor.u32 $0x80000000, s1;
	s1 =	sxor.u32 $0x80000000, s13;
	v6 =	vnsel vm1, $0x200, v6;
	v7 =	vnsel vm1, $0x7FFFFFFF, v7  }
0x10a: {  	p0 =	sgt.s32 s30, s0;
	p1 =	slt.s32 s31, s1;
	s15 =	spop (v2sf);
	v8 =	vxor.u32 $0x80000000, v6;
	(xrf0) =	vmax.scan.msk.u32 $0xffff, v7  }
0x10b: {  	s0 =	smov.u32 @p0 s30;
	s29 =	sxor.u32 $0x80000000, s15;
	s13 =	spop (v2sf);
	(xrf0) =	vmin.scan.msk.u32 $0xffff, v8  }
0x10c: {  	s1 =	smov.u32 @p1 s31;
	p0 =	sgt.s32 s0, s29;
	s30 =	sxor.u32 $0x80000000, s13  }
0x10d: {  	s29 =	smov.u32 @p0 s0;
	p1 =	slt.s32 s1, s30  }
0x10e: {  	s0 =	simm.s32 $0x80;
	[tilespmem:s28+$0xD00] =	vst v6;
	s28 =	smov.u32 s12;
	s30 =	smov.u32 @p1 s1;
	v6, _, _ =	vpop (xrf0)  }
.LBB2_14:
0x10f: {  	s1 =	smov.u32 s25;
	s2 =	smov.u32 s24  }
0x110: {  	p0 =	sne.s32 s0, $0x3C0;
	v7, _, _ =	vpop (xrf0);
	(v2sf) =	vpush v6, $0xF  }
0x111: {  	v6, _, _ =	vpop (xrf0);
	(v2sf) =	vpush v7, $0xF  }
0x112: {  	s13 =	sshra.s32 s26, $0x2;
	s26 =	smov.u32 s0;
	(v2sf) =	vpush v6, $0xF  }
0x113: {  	v6 =	vld [tilespmem:s13+$0x900];
	_ =	sdelay $0x4  }
0x114: {  	v6 =	vxor.u32 $0x80000000, v6  }
0x115: {  	(xrf0) =	vmax.scan.msk.u32 $0xffff, v6;
	_ =	sdelay $0x5  }
0x116: {  	s28 =	sadd.s32 $0x10, s28;
	v6, _, _ =	vpop (xrf0);
	s14 =	spop (v2sf)  }
0x117: {  	v7 =	vor.u32 s28, v3;
	v6 =	vxor.u32 $0x80000000, v6;
	s14 =	sxor.u32 $0x80000000, s14;
	s15 =	spop (v2sf)  }
0x118: {  	vm2 =	vlt.s32 v7, v5;
	vm3 =	vlt.s32 v7, v4;
	vm1 =	vgt.s32 v6, s14;
	s24 =	sxor.u32 $0x80000000, s15;
	s15 =	spop (v2sf)  }
0x119: {  	v6 =	vnsel vm1, s14, v6;
	vm1 =	vmand vm2, vm3;
	s25 =	sxor.u32 $0x80000000, s15;
	p1 =	sgt.s32 s2, s24  }
0x11a: {  	v7 =	vnsel vm1, $0x200, v6;
	v6 =	vxor.u32 $0x80000000, v6;
	p2 =	slt.s32 s1, s25;
	s24 =	smov.u32 @p1 s2  }
0x11b: {  	[tilespmem:s13+$0xD00] =	vst v7;
	v7 =	vxor.u32 $0x80000000, v7;
	v8 =	vnsel vm1, $0x7FFFFFFF, v6;
	(xrf0) =	vmax.scan.msk.u32 $0xffff, v6;
	s25 =	smov.u32 @p2 s1  }
0x11c: {  	(xrf0) =	vmax.scan.msk.u32 $0xffff, v8  }
.Ltmp6:
0x11d: {  	(xrf0) =	vmin.scan.msk.u32 $0xffff, v7;
	(pc) =	sbr.rel @p0 .LBB2_14-.Ltmp6, $2  }
0x11e: {  	_ =	sdelay $0x2  }
0x11f: {  	s0 =	sadd.s32 $0x40, s0;
	v6, _, _ =	vpop (xrf0)  }
0x120: {  	(v2sf) =	vpush v6, $0xF;
	_ =	sdelay $0x1  }
0x121: {  	s0 =	sshra.s32 s26, $0x2  }
0x122: {  	v58 =	vld [tilespmem:s0+$0x900];
	_ =	sdelay $0x4  }
0x123: {  	v6 =	vxor.u32 $0x80000000, v58  }
0x124: {  	(xrf0) =	vmax.scan.msk.u32 $0xffff, v6;
	_ =	sdelay $0x3  }
0x125: {  	v59, _, _ =	vpop (xrf0)  }
0x126: {  	v7, _, _ =	vpop (xrf0)  }
0x127: {  	v8, _, _ =	vpop (xrf0);
	s1 =	spop (v2sf)  }
0x128: {  	s2 =	sadd.s32 $0x10, s28;
	v8 =	vxor.u32 $0x80000000, v8;
	s1 =	sxor.u32 $0x80000000, s1  }
0x129: {  	v9 =	vor.u32 s2, v3;
	vm1 =	vgt.s32 v8, s1  }
0x12a: {  	vm2 =	vlt.s32 v9, v4;
	v4 =	vnsel vm1, s1, v8;
	vm1 =	vlt.s32 v9, v5  }
0x12b: {  	vm1 =	vmand vm1, vm2;
	v8 =	vxor.u32 $0x80000000, v4  }
0x12c: {  	v4 =	vnsel vm1, $0x200, v4;
	(xrf0) =	vmax.scan.msk.u32 $0xffff, v8;
	v8 =	vnsel vm1, $0x7FFFFFFF, v8  }
0x12d: {  	(xrf0) =	vmax.scan.msk.u32 $0xffff, v8;
	v60 =	vxor.u32 $0x80000000, v4  }
0x12e: {  	(xrf0) =	vmin.scan.msk.u32 $0xffff, v60;
	_ =	sdelay $0x2  }
0x12f: {  	(v2sf) =	vpush v59, $0xF  }
0x130: {  	(v2sf) =	vpush v7, $0xF;
	v61, _, _ =	vpop (xrf0)  }
0x131: {  	v62, _, _ =	vpop (xrf0);
	(v2sf) =	vpush v61, $0xF  }
0x132: {  	v63, _, _ =	vpop (xrf0);
	(v2sf) =	vpush v62, $0xF  }
0x133: {  	(v2sf) =	vpush v63, $0xF;
	_ =	sdelay $0xa  }
0x134: {  	s31 =	spop (v2sf)  }
0x135: {  	s15 =	spop (v2sf)  }
0x136: {  	s13 =	spop (v2sf)  }
0x137: {  	s2 =	sxor.u32 $0x80000000, s15;
	s13 =	spop (v2sf)  }
0x138: {  	p0 =	slt.s32 s25, s2;
	s14 =	spop (v2sf)  }
0x139: {  	v5 =	vsel vm0, $0x0, v5;
	vm1 =	veq.s32 v3, $0x0;
	s15 =	sshra.s32 s21, $0x7;
	s2 =	smov.u32 @p0 s25;
	s14 =	sxor.u32 $0x80000000, s14  }
0x13a: {  	s21 =	sshra.s32 s23, $0x7;
	v5 =	vsel vm1, s15, v5;
	vm1 =	veq.s32 v3, $0x1;
	p0 =	slt.s32 s2, s14  }
0x13b: {  	s1 =	sxor.u32 $0x80000000, s31;
	s23 =	sshra.s32 s30, $0x7;
	v5 =	vsel vm1, s21, v5;
	vm1 =	veq.s32 v3, $0x2;
	s14 =	smov.u32 @p0 s2  }
0x13c: {  	v5 =	vsel vm1, s23, v5;
	vm1 =	veq.s32 v3, $0x3;
	p0 =	sgt.s32 s24, s1;
	s25 =	sshra.s32 s14, $0x7  }
0x13d: {  	s26 =	sshra.s32 s20, $0x7;
	s13 =	sxor.u32 $0x80000000, s13;
	s1 =	smov.u32 @p0 s24;
	v5 =	vsel vm1, s25, v5;
	vm1 =	veq.s32 v3, $0x4  }
0x13e: {  	s28 =	sshra.s32 s22, $0x7;
	p0 =	sgt.s32 s1, s13;
	v5 =	vsel vm1, s26, v5;
	vm1 =	veq.s32 v3, $0x5  }
0x13f: {  	s30 =	sshra.s32 s29, $0x7;
	s13 =	smov.u32 @p0 s1;
	v5 =	vsel vm1, s28, v5;
	vm1 =	veq.s32 v3, $0x6  }
0x140: {  	s31 =	sshra.s32 s13, $0x7;
	v5 =	vsel vm1, s30, v5;
	vm1 =	veq.s32 v3, $0x7  }
0x141: {  	[tilespmem:s0+$0xD00] =	vst v4;
	v4 =	vsel vm1, s31, v5  }
0x142: {  	[tilespmem:$0xE80] =	vst v4  }
0x143: {  	[hbm4b:s7+s3] =	stream.linear.scatter [tilespmem:s17], [sflag:$0x1], $0x400, $0x38;
	[tilespmem:$0xF00] =	vst v63  }
0x144: {  	s19 =	sadd.s32 $0x1, s19;
	_ =	swait.ge [sflag:s5], $0x400  }
0x145: {  	p0 =	sne.s32 s19, s9;
	[sflag:s5] =	ssyncset.done $0x0  }
.Ltmp7:
0x146: {  	[sflag:s5] =	ssyncadd.s32 $0xFFFFFC00;
	(pc) =	sbr.rel @p0 .LBB2_1-.Ltmp7, $4  }
0x147: {  	[hbm4b:s8+s3] =	stream.linear.scatter [tilespmem:s18], [sflag:$0x1], $0x80, $0x38;
	[tilespmem:$0xF00] =	vst v63  }
0x148: {  	_ =	swait.ge [sflag:s5], $0x80  }
0x149: {  	[sflag:s5] =	ssyncset.done $0x0  }
0x14a: {  	[sflag:s5] =	ssyncadd.s32 $0xFFFFFF80  }
0x14b: {  	_ =	sfence.sel $0x180000  }
0x14c: {  	[bflag:$0x0] =	sbarrier.arrive $0xFFFF  }
0x14d: {  	_ =	strace $0x90000047  }
0x14e: {  	s0 =	stileid.u32;
	[bflag:$0x2] =	sbarrier.arrive $0xFFFF  }
0x14f: {  	p0 =	sne.s32 s0, $0x0;
	s0 =	rddreg [dreg:$0x4]  }
0x150: {  	s0 =	sadd.s32 @!p0 $0x100000, s0  }
0x151: {  	[sflag:s0] =	ssyncadd.tile.s32 @!p0 $0x1;
	_ =	shalt  }
.Lfunc_end2:
_tile_overlayer_lowered:
.L_overlay_start_2:
0x152: {  	(tag) =	ssettag $0x2  }
0x153: {  	s0 =	rddreg [dreg:$0x0];
	s2 =	stileid.u32  }
0x154: {  	s1 =	rddreg [dreg:$0x1];
	p0 =	sne.s32 s2, $0x0  }
0x155: {  	s3 =	rddreg [dreg:$0x2];
	[bflag:$0x3] =	sbarrier.arrive $0xFFFF;
	s2 =	simm.s32 @!p0 $0x1C01  }
0x156: {  	[timem:s3], [sflag:s2] =	dma.local @!p0 [hbm:s0], s1  }
0x157: {  	s0 =	simm.s32 @!p0 $0x1  }
0x158: {  	_ =	swait.ge @!p0 [sflag:s0], s1  }
0x159: {  	s1 =	ssub.s32 @!p0 $0x0, s1;
	[sflag:s0] =	ssyncset.done @!p0 $0x0  }
0x15a: {  	[sflag:s0] =	ssyncadd.s32 @!p0 s1  }
0x15b: {  	[bflag:$0x3] =	sbarrier.arrive $0xFFFF  }
0x15c: {  	_ =	shalt  }

</sc_bundles>
